<compile_context>
chip_gen: v7x
topology: tpu7x:2x2x1
jax: 0.10.2.dev20260603
libtpu: 0.0.44.dev20260713+nightly
codegen_flags: <defaults>
</compile_context>

<pallas_src>
import functools

import jax
import jax.numpy as jnp
from jax import lax
from jax.experimental import pallas as pl
from jax.experimental.pallas import tpu as pltpu
from jax.experimental.pallas import tpu_sc as plsc

B, F, L, V, D = 4096, 26, 20, 100000, 64

NC, NS, LANES = 2, 16, 16
NW = NC * NS
BAGS = B * F
BAGS_W = BAGS // NW
CH_BAGS = 32
N_CH = BAGS_W // CH_BAGS
ROWS = CH_BAGS * L
N_VREG = ROWS // LANES
GRP_PER_STEP = 5
BAG_PER_STEP = 2
N_STEP = CH_BAGS // BAG_PER_STEP


def _emb_body(tbl, idxf, dummy, out, idx0, idx1, gidx0, gidx1,
              rows0, rows1, outv0, outv1,
              gsem0, gsem1, osem0, osem1, isem0, isem1):
    idx_vs = (idx0, idx1)
    gidx_vs = (gidx0, gidx1)
    rows_vs = (rows0, rows1)
    out_vs = (outv0, outv1)
    gsems = (gsem0, gsem1)
    osems = (osem0, osem1)
    isems = (isem0, isem1)
    wid = lax.axis_index("s") * NC + lax.axis_index("c")
    wbase = wid * BAGS_W

    def idx_fire(c, p):
        base_bag = wbase + c * CH_BAGS
        pltpu.async_copy(
            idxf.at[pl.ds(base_bag * L, ROWS)], idx_vs[p], isems[p])

    def idx_wait(p):
        pltpu.make_async_copy(
            idxf.at[pl.ds(0, ROWS)], idx_vs[p], isems[p]).wait()

    def gidx(c, p):
        bvar_vec = lax.broadcast_in_dim(
            lax.rem(c * CH_BAGS, F), (LANES,), ())

        def vstep(i, carry):
            pos = lax.iota(jnp.int32, LANES) + lax.broadcast_in_dim(
                i * LANES, (LANES,), ())
            f = lax.rem(bvar_vec + lax.div(pos, L), F)
            gidx_vs[p][pl.ds(i * LANES, LANES)] = (
                idx_vs[p][pl.ds(i * LANES, LANES)] + f * V)
            return carry

        lax.fori_loop(0, N_VREG, vstep, 0)

    def enq_group(t, p1):
        gvec = gidx_vs[p1][pl.ds(t * LANES, LANES)]
        for k in range(LANES):
            pltpu.async_copy(
                tbl.at[gvec[k]],
                rows_vs[p1].at[t * (LANES // 2) + (k // 2),
                          pl.ds((k % 2) * D, D)],
                gsems[p1])

    def drain_rows(p):
        pltpu.make_async_copy(dummy, rows_vs[p], gsems[p]).wait()

    def acc_chunk(g, p, enq_p1):
        base_bag = wbase + g * CH_BAGS

        def mstep(m, carry):
            if enq_p1 is not None:
                for q in range(GRP_PER_STEP):
                    enq_group(m * GRP_PER_STEP + q, enq_p1)
            for jj in range(BAG_PER_STEP):
                j = m * BAG_PER_STEP + jj
                row0 = j * (L // 2)
                for col in range(D // LANES):
                    s = rows_vs[p][row0, pl.ds(col * LANES, LANES)]
                    for l in range(1, L):
                        s = s + rows_vs[p][row0 + l // 2,
                                       pl.ds((l % 2) * D + col * LANES,
                                             LANES)]
                    out_vs[p][j, pl.ds(col * LANES, LANES)] = s
            return carry

        lax.fori_loop(0, N_STEP, mstep, 0)
        pltpu.async_copy(out_vs[p], out.at[pl.ds(base_bag, CH_BAGS)],
                         osems[p])

    idx_fire(0, 0)
    idx_wait(0)
    gidx(0, 0)
    idx_fire(1, 1)

    def prol_enq(t, carry):
        enq_group(t, 0)
        return carry

    lax.fori_loop(0, N_VREG, prol_enq, 0)

    def pair(gg, carry):
        for sub in (0, 1):
            g = gg * 2 + sub
            p = sub

            @pl.when(g <= N_CH - 2)
            def _():
                idx_wait(1 - p)
                gidx(g + 1, 1 - p)

            @pl.when(g <= N_CH - 3)
            def _():
                idx_fire(g + 2, p)

            drain_rows(p)

            @pl.when(g >= 2)
            def _():
                pltpu.make_async_copy(
                    out_vs[p], out.at[pl.ds(0, CH_BAGS)], osems[p]).wait()

            def _enq(t, carry):
                enq_group(t, 1 - p)
                return carry

            lax.fori_loop(0, N_VREG, _enq, 0)
            acc_chunk(g, p, None)
        return carry

    lax.fori_loop(0, N_CH // 2, pair, 0)
    drain_rows(0)
    pltpu.make_async_copy(
        out_vs[0], out.at[pl.ds(0, CH_BAGS)], osems[0]).wait()
    pltpu.make_async_copy(
        out_vs[1], out.at[pl.ds(0, CH_BAGS)], osems[1]).wait()


@functools.partial(jax.jit, static_argnums=())
def _emb(tbl, idxf, dummy):
    mesh = plsc.VectorSubcoreMesh(core_axis_name="c", subcore_axis_name="s")
    run = pl.kernel(
        _emb_body,
        mesh=mesh,
        out_type=jax.ShapeDtypeStruct((BAGS, D), jnp.float32),
        scratch_types=[
            pltpu.VMEM((ROWS,), jnp.int32),
            pltpu.VMEM((ROWS,), jnp.int32),
            pltpu.VMEM((ROWS,), jnp.int32),
            pltpu.VMEM((ROWS,), jnp.int32),
            pltpu.VMEM((ROWS // 2, 2 * D), jnp.float32),
            pltpu.VMEM((ROWS // 2, 2 * D), jnp.float32),
            pltpu.VMEM((CH_BAGS, D), jnp.float32),
            pltpu.VMEM((CH_BAGS, D), jnp.float32),
            pltpu.SemaphoreType.DMA,
            pltpu.SemaphoreType.DMA,
            pltpu.SemaphoreType.DMA,
            pltpu.SemaphoreType.DMA,
            pltpu.SemaphoreType.DMA,
            pltpu.SemaphoreType.DMA,
        ],
    )
    return run(tbl, idxf, dummy)


def kernel(indices, tables):
    tbl = tables.reshape(F * V, D)
    idxf = indices.reshape(B * F * L)
    dummy = jnp.zeros((ROWS // 2, 2 * D), jnp.float32)
    out = _emb(tbl, idxf, dummy)
    return out.reshape(B, F * D)

# --- scband reference (transcript-rebuilt; emitter-appended) ---
"""Pipeline reference for scband-sparse-arch-38543036514388 (READ-ONLY COPY).

The authoritative reference and input builder live on the scoring server;
editing this copy changes nothing except your own understanding.
"""

import jax, jax.numpy as jnp
import numpy as np

B, F, L, V, D = 4096, 26, 20, 100000, 64


def setup_inputs(seed: int = 0) -> dict:
    key = jax.random.key(seed)
    k1, k2 = jax.random.split(key)
    # KeyedJaggedTensor modeled as fixed-bag multi-hot indices: [B, F, L]
    indices = jax.random.randint(k1, (B, F, L), 0, V, dtype=jnp.int32)
    # Learned parameters: F embedding tables, each [V, D], stacked -> [F, V, D]
    tables = jax.random.normal(k2, (F, V, D), dtype=jnp.float32) * 0.01
    return {"indices": indices, "tables": tables}


def reference(indices, tables):
    # EmbeddingBagCollection with sum pooling, one bag of L ids per (batch, feature).
    F_ = tables.shape[0]
    feat_idx = jnp.arange(F_, dtype=indices.dtype)[None, :, None]  # [1, F, 1]
    gathered = tables[feat_idx, indices]          # [B, F, L, D] gather (SparseCore-style)
    pooled = jnp.sum(gathered, axis=2)            # sum pooling per bag -> [B, F, D]
    # torch.cat(sparse_values, dim=1) over F features of dim D == reshape to [B, F*D]
    return pooled.reshape(pooled.shape[0], -1)

if __name__ == "__main__":
    import jax
    _d = setup_inputs()
    print(jax.jit(kernel)(*tuple(_d.values())))

</pallas_src>

<mosaic_0001>
#map = affine_map<(d0, d1) -> (0, 0)>
#map1 = affine_map<(d0, d1) -> (0)>
module attributes {stable_mosaic.version = 14 : i64} {
  func.func @_emb_body(%arg0: i32, %arg1: i32, %arg2: memref<2600000x64xf32, #tpu.memory_space<hbm>>, %arg3: memref<2129920xi32, #tpu.memory_space<hbm>>, %arg4: memref<320x128xf32, #tpu.memory_space<hbm>>, %arg5: memref<106496x64xf32, #tpu.memory_space<hbm>>, %arg6: memref<640xi32, #tpu.memory_space<vmem>>, %arg7: memref<640xi32, #tpu.memory_space<vmem>>, %arg8: memref<640xi32, #tpu.memory_space<vmem>>, %arg9: memref<640xi32, #tpu.memory_space<vmem>>, %arg10: memref<320x128xf32, #tpu.memory_space<vmem>>, %arg11: memref<320x128xf32, #tpu.memory_space<vmem>>, %arg12: memref<32x64xf32, #tpu.memory_space<vmem>>, %arg13: memref<32x64xf32, #tpu.memory_space<vmem>>, %arg14: memref<!tpu.dma_semaphore, #tpu.memory_space<semaphore_mem>>, %arg15: memref<!tpu.dma_semaphore, #tpu.memory_space<semaphore_mem>>, %arg16: memref<!tpu.dma_semaphore, #tpu.memory_space<semaphore_mem>>, %arg17: memref<!tpu.dma_semaphore, #tpu.memory_space<semaphore_mem>>, %arg18: memref<!tpu.dma_semaphore, #tpu.memory_space<semaphore_mem>>, %arg19: memref<!tpu.dma_semaphore, #tpu.memory_space<semaphore_mem>>) attributes {dimension_semantics = [#tpu.dimension_semantics<core_parallel>, #tpu.dimension_semantics<subcore_parallel>], iteration_bounds = array<i64: 2, 16>, scalar_prefetch = 0 : i64, scratch_operands = 14 : i64, tpu.core_type = #tpu.core_type<sc_vector_subcore>, window_params = [{transform_indices = #map}, {transform_indices = #map1}, {transform_indices = #map}, {transform_indices = #map}]} {
    %mul3A = arith.constant 2 : i32
    %mul3A_0 = arith.muli %arg1, %mul3A : i32
    %add3A = arith.addi %mul3A_0, %arg0 : i32
    %mul3A_1 = arith.constant 3328 : i32
    %mul3A_2 = arith.muli %add3A, %mul3A_1 : i32
    %add3A_3 = arith.constant 0 : i32
    %add3A_4 = arith.addi %mul3A_2, %add3A_3 : i32
    %mul3A_5 = arith.constant 20 : i32
    %mul3A_6 = arith.muli %add3A_4, %mul3A_5 : i32
    %dma_start3A = tpu.memref_slice %arg3[%mul3A_6] : memref<2129920xi32, #tpu.memory_space<hbm>> -> memref<640xi32, #tpu.memory_space<hbm>>
    %dma_start3A_7 = tpu.memref_slice %arg3[%mul3A_6] : memref<2129920xi32, #tpu.memory_space<hbm>> -> memref<640xi32, #tpu.memory_space<hbm>>
    tpu.enqueue_dma source(%dma_start3A_7 : memref<640xi32, #tpu.memory_space<hbm>>) target(%arg6 : memref<640xi32, #tpu.memory_space<vmem>>) target_semaphore(%arg18 : memref<!tpu.dma_semaphore, #tpu.memory_space<semaphore_mem>>)
    %dma_wait3A = arith.constant 0 : i32
    %dma_wait3A_8 = tpu.memref_slice %arg3[%dma_wait3A] : memref<2129920xi32, #tpu.memory_space<hbm>> -> memref<640xi32, #tpu.memory_space<hbm>>
    %dma_wait3A_9 = arith.constant 0 : i32
    %dma_wait3A_10 = tpu.memref_slice %arg3[%dma_wait3A_9] : memref<2129920xi32, #tpu.memory_space<hbm>> -> memref<640xi32, #tpu.memory_space<hbm>>
    tpu.wait_dma2 semaphore(%arg18 : memref<!tpu.dma_semaphore, #tpu.memory_space<semaphore_mem>>) src(%dma_wait3A_10 : memref<640xi32, #tpu.memory_space<hbm>>) dst(%arg6 : memref<640xi32, #tpu.memory_space<vmem>>)
    %rem3A = arith.constant 0 : i32
    %rem3A_11 = arith.constant 26 : i32
    %rem3A_12 = arith.remsi %rem3A, %rem3A_11 : i32
    %broadcast_in_dim3A = vector.broadcast %rem3A_12 : i32 to vector<16xi32>
    %scan3A = arith.constant 0 : i32
    %scan3A_13 = arith.constant 0 : i32
    %scan3A_14 = arith.constant 40 : i32
    %scan3A_15 = arith.addi %scan3A_13, %scan3A_14 : i32
    %scan3A_16 = arith.constant 1 : i32
    scf.for %scan3A_48 = %scan3A_13 to %scan3A_15 step %scan3A_16  : i32 {
      %iota3A = tpu.iota {dimensions = array<i32: 0>} : vector<16xi32>
      %mul3A_49 = arith.constant 16 : i32
      %mul3A_50 = arith.muli %scan3A_48, %mul3A_49 : i32
      %broadcast_in_dim3A_51 = vector.broadcast %mul3A_50 : i32 to vector<16xi32>
      %add3A_52 = arith.addi %iota3A, %broadcast_in_dim3A_51 : vector<16xi32>
      %div3A = arith.constant 20 : i32
      %div3A_53 = vector.broadcast %div3A : i32 to vector<16xi32>
      %div3A_54 = arith.divsi %add3A_52, %div3A_53 : vector<16xi32>
      %add3A_55 = arith.addi %broadcast_in_dim3A, %div3A_54 : vector<16xi32>
      %rem3A_56 = arith.constant 26 : i32
      %rem3A_57 = vector.broadcast %rem3A_56 : i32 to vector<16xi32>
      %rem3A_58 = arith.remsi %add3A_55, %rem3A_57 : vector<16xi32>
      %mul3A_59 = arith.constant 16 : i32
      %mul3A_60 = arith.muli %scan3A_48, %mul3A_59 : i32
      %get3A = arith.index_cast %mul3A_60 : i32 to index
      %get3A_61 = tpu.vector_load %arg6[%get3A] {strides = array<i32>} : memref<640xi32, #tpu.memory_space<vmem>>, vector<16xi32>,
      %get3A_62 = vector.shape_cast %get3A_61 : vector<16xi32> to vector<16xi32>
      %mul3A_63 = arith.constant 100000 : i32
      %mul3A_64 = vector.broadcast %mul3A_63 : i32 to vector<16xi32>
      %mul3A_65 = arith.muli %rem3A_58, %mul3A_64 : vector<16xi32>
      %add3A_66 = arith.addi %get3A_62, %mul3A_65 : vector<16xi32>
      %mul3A_67 = arith.constant 16 : i32
      %mul3A_68 = arith.muli %scan3A_48, %mul3A_67 : i32
      %swap3A = arith.index_cast %mul3A_68 : i32 to index
      %swap3A_69 = tpu.vector_load %arg8[%swap3A] {strides = array<i32>} : memref<640xi32, #tpu.memory_space<vmem>>, vector<16xi32>,
      %swap3A_70 = vector.shape_cast %swap3A_69 : vector<16xi32> to vector<16xi32>
      %swap3A_71 = vector.shape_cast %add3A_66 : vector<16xi32> to vector<16xi32>
      tpu.vector_store %arg8[%swap3A], %swap3A_71 {strides = array<i32>} : memref<640xi32, #tpu.memory_space<vmem>>, vector<16xi32>,
    }
    %scan3A_17 = arith.constant 40 : i32
    %add3A_18 = arith.constant 32 : i32
    %add3A_19 = arith.addi %mul3A_2, %add3A_18 : i32
    %mul3A_20 = arith.constant 20 : i32
    %mul3A_21 = arith.muli %add3A_19, %mul3A_20 : i32
    %dma_start3A_22 = tpu.memref_slice %arg3[%mul3A_21] : memref<2129920xi32, #tpu.memory_space<hbm>> -> memref<640xi32, #tpu.memory_space<hbm>>
    %dma_start3A_23 = tpu.memref_slice %arg3[%mul3A_21] : memref<2129920xi32, #tpu.memory_space<hbm>> -> memref<640xi32, #tpu.memory_space<hbm>>
    tpu.enqueue_dma source(%dma_start3A_23 : memref<640xi32, #tpu.memory_space<hbm>>) target(%arg7 : memref<640xi32, #tpu.memory_space<vmem>>) target_semaphore(%arg19 : memref<!tpu.dma_semaphore, #tpu.memory_space<semaphore_mem>>)
    %scan3A_24 = arith.constant 0 : i32
    %scan3A_25 = arith.constant 0 : i32
    %scan3A_26 = arith.constant 40 : i32
    %scan3A_27 = arith.addi %scan3A_25, %scan3A_26 : i32
    %scan3A_28 = arith.constant 1 : i32
    scf.for %scan3A_48 = %scan3A_25 to %scan3A_27 step %scan3A_28  : i32 {
      %mul3A_49 = arith.constant 16 : i32
      %mul3A_50 = arith.muli %scan3A_48, %mul3A_49 : i32
      %get3A = arith.index_cast %mul3A_50 : i32 to index
      %get3A_51 = tpu.vector_load %arg8[%get3A] {strides = array<i32>} : memref<640xi32, #tpu.memory_space<vmem>>, vector<16xi32>,
      %get3A_52 = vector.shape_cast %get3A_51 : vector<16xi32> to vector<16xi32>
      %slice3A = vector.extract_strided_slice %get3A_52 {offsets = [0], sizes = [1], strides = [1]} : vector<16xi32> to vector<1xi32>
      %squeeze3A = vector.extract %slice3A[0] : i32 from vector<1xi32>
      %mul3A_53 = arith.constant 8 : i32
      %mul3A_54 = arith.muli %scan3A_48, %mul3A_53 : i32
      %add3A_55 = arith.constant 0 : i32
      %add3A_56 = arith.addi %mul3A_54, %add3A_55 : i32
      %dma_start3A_57 = arith.constant 0 : i32
      %dma_start3A_58 = tpu.memref_slice %arg10[%add3A_56, %dma_start3A_57] : memref<320x128xf32, #tpu.memory_space<vmem>> -> memref<1x64xf32, #tpu.memory_space<vmem>>
      %dma_start3A_59 = tpu.memref_squeeze %dma_start3A_58 : memref<1x64xf32, #tpu.memory_space<vmem>> -> memref<64xf32, #tpu.memory_space<vmem>>
      %dma_start3A_60 = arith.constant 0 : i32
      %dma_start3A_61 = tpu.memref_slice %arg2[%squeeze3A, %dma_start3A_60] : memref<2600000x64xf32, #tpu.memory_space<hbm>> -> memref<1x64xf32, #tpu.memory_space<hbm>>
      %dma_start3A_62 = tpu.memref_squeeze %dma_start3A_61 : memref<1x64xf32, #tpu.memory_space<hbm>> -> memref<64xf32, #tpu.memory_space<hbm>>
      %dma_start3A_63 = arith.constant 0 : i32
      %dma_start3A_64 = tpu.memref_slice %arg10[%add3A_56, %dma_start3A_63] : memref<320x128xf32, #tpu.memory_space<vmem>> -> memref<1x64xf32, #tpu.memory_space<vmem>>
      %dma_start3A_65 = tpu.memref_squeeze %dma_start3A_64 : memref<1x64xf32, #tpu.memory_space<vmem>> -> memref<64xf32, #tpu.memory_space<vmem>>
      %dma_start3A_66 = arith.constant 0 : i32
      %dma_start3A_67 = tpu.memref_slice %arg2[%squeeze3A, %dma_start3A_66] : memref<2600000x64xf32, #tpu.memory_space<hbm>> -> memref<1x64xf32, #tpu.memory_space<hbm>>
      %dma_start3A_68 = tpu.memref_squeeze %dma_start3A_67 : memref<1x64xf32, #tpu.memory_space<hbm>> -> memref<64xf32, #tpu.memory_space<hbm>>
      tpu.enqueue_dma source(%dma_start3A_68 : memref<64xf32, #tpu.memory_space<hbm>>) target(%dma_start3A_65 : memref<64xf32, #tpu.memory_space<vmem>>) target_semaphore(%arg14 : memref<!tpu.dma_semaphore, #tpu.memory_space<semaphore_mem>>)
      %slice3A_69 = vector.extract_strided_slice %get3A_52 {offsets = [1], sizes = [1], strides = [1]} : vector<16xi32> to vector<1xi32>
      %squeeze3A_70 = vector.extract %slice3A_69[0] : i32 from vector<1xi32>
      %mul3A_71 = arith.constant 8 : i32
      %mul3A_72 = arith.muli %scan3A_48, %mul3A_71 : i32
      %add3A_73 = arith.constant 0 : i32
      %add3A_74 = arith.addi %mul3A_72, %add3A_73 : i32
      %dma_start3A_75 = arith.constant 64 : i32
      %dma_start3A_76 = tpu.memref_slice %arg10[%add3A_74, %dma_start3A_75] : memref<320x128xf32, #tpu.memory_space<vmem>> -> memref<1x64xf32, #tpu.memory_space<vmem>>
      %dma_start3A_77 = tpu.memref_squeeze %dma_start3A_76 : memref<1x64xf32, #tpu.memory_space<vmem>> -> memref<64xf32, #tpu.memory_space<vmem>>
      %dma_start3A_78 = arith.constant 0 : i32
      %dma_start3A_79 = tpu.memref_slice %arg2[%squeeze3A_70, %dma_start3A_78] : memref<2600000x64xf32, #tpu.memory_space<hbm>> -> memref<1x64xf32, #tpu.memory_space<hbm>>
      %dma_start3A_80 = tpu.memref_squeeze %dma_start3A_79 : memref<1x64xf32, #tpu.memory_space<hbm>> -> memref<64xf32, #tpu.memory_space<hbm>>
      %dma_start3A_81 = arith.constant 64 : i32
      %dma_start3A_82 = tpu.memref_slice %arg10[%add3A_74, %dma_start3A_81] : memref<320x128xf32, #tpu.memory_space<vmem>> -> memref<1x64xf32, #tpu.memory_space<vmem>>
      %dma_start3A_83 = tpu.memref_squeeze %dma_start3A_82 : memref<1x64xf32, #tpu.memory_space<vmem>> -> memref<64xf32, #tpu.memory_space<vmem>>
      %dma_start3A_84 = arith.constant 0 : i32
      %dma_start3A_85 = tpu.memref_slice %arg2[%squeeze3A_70, %dma_start3A_84] : memref<2600000x64xf32, #tpu.memory_space<hbm>> -> memref<1x64xf32, #tpu.memory_space<hbm>>
      %dma_start3A_86 = tpu.memref_squeeze %dma_start3A_85 : memref<1x64xf32, #tpu.memory_space<hbm>> -> memref<64xf32, #tpu.memory_space<hbm>>
      tpu.enqueue_dma source(%dma_start3A_86 : memref<64xf32, #tpu.memory_space<hbm>>) target(%dma_start3A_83 : memref<64xf32, #tpu.memory_space<vmem>>) target_semaphore(%arg14 : memref<!tpu.dma_semaphore, #tpu.memory_space<semaphore_mem>>)
      %slice3A_87 = vector.extract_strided_slice %get3A_52 {offsets = [2], sizes = [1], strides = [1]} : vector<16xi32> to vector<1xi32>
      %squeeze3A_88 = vector.extract %slice3A_87[0] : i32 from vector<1xi32>
      %mul3A_89 = arith.constant 8 : i32
      %mul3A_90 = arith.muli %scan3A_48, %mul3A_89 : i32
      %add3A_91 = arith.constant 1 : i32
      %add3A_92 = arith.addi %mul3A_90, %add3A_91 : i32
      %dma_start3A_93 = arith.constant 0 : i32
      %dma_start3A_94 = tpu.memref_slice %arg10[%add3A_92, %dma_start3A_93] : memref<320x128xf32, #tpu.memory_space<vmem>> -> memref<1x64xf32, #tpu.memory_space<vmem>>
      %dma_start3A_95 = tpu.memref_squeeze %dma_start3A_94 : memref<1x64xf32, #tpu.memory_space<vmem>> -> memref<64xf32, #tpu.memory_space<vmem>>
      %dma_start3A_96 = arith.constant 0 : i32
      %dma_start3A_97 = tpu.memref_slice %arg2[%squeeze3A_88, %dma_start3A_96] : memref<2600000x64xf32, #tpu.memory_space<hbm>> -> memref<1x64xf32, #tpu.memory_space<hbm>>
      %dma_start3A_98 = tpu.memref_squeeze %dma_start3A_97 : memref<1x64xf32, #tpu.memory_space<hbm>> -> memref<64xf32, #tpu.memory_space<hbm>>
      %dma_start3A_99 = arith.constant 0 : i32
      %dma_start3A_100 = tpu.memref_slice %arg10[%add3A_92, %dma_start3A_99] : memref<320x128xf32, #tpu.memory_space<vmem>> -> memref<1x64xf32, #tpu.memory_space<vmem>>
      %dma_start3A_101 = tpu.memref_squeeze %dma_start3A_100 : memref<1x64xf32, #tpu.memory_space<vmem>> -> memref<64xf32, #tpu.memory_space<vmem>>
      %dma_start3A_102 = arith.constant 0 : i32
      %dma_start3A_103 = tpu.memref_slice %arg2[%squeeze3A_88, %dma_start3A_102] : memref<2600000x64xf32, #tpu.memory_space<hbm>> -> memref<1x64xf32, #tpu.memory_space<hbm>>
      %dma_start3A_104 = tpu.memref_squeeze %dma_start3A_103 : memref<1x64xf32, #tpu.memory_space<hbm>> -> memref<64xf32, #tpu.memory_space<hbm>>
      tpu.enqueue_dma source(%dma_start3A_104 : memref<64xf32, #tpu.memory_space<hbm>>) target(%dma_start3A_101 : memref<64xf32, #tpu.memory_space<vmem>>) target_semaphore(%arg14 : memref<!tpu.dma_semaphore, #tpu.memory_space<semaphore_mem>>)
      %slice3A_105 = vector.extract_strided_slice %get3A_52 {offsets = [3], sizes = [1], strides = [1]} : vector<16xi32> to vector<1xi32>
      %squeeze3A_106 = vector.extract %slice3A_105[0] : i32 from vector<1xi32>
      %mul3A_107 = arith.constant 8 : i32
      %mul3A_108 = arith.muli %scan3A_48, %mul3A_107 : i32
      %add3A_109 = arith.constant 1 : i32
      %add3A_110 = arith.addi %mul3A_108, %add3A_109 : i32
      %dma_start3A_111 = arith.constant 64 : i32
      %dma_start3A_112 = tpu.memref_slice %arg10[%add3A_110, %dma_start3A_111] : memref<320x128xf32, #tpu.memory_space<vmem>> -> memref<1x64xf32, #tpu.memory_space<vmem>>
      %dma_start3A_113 = tpu.memref_squeeze %dma_start3A_112 : memref<1x64xf32, #tpu.memory_space<vmem>> -> memref<64xf32, #tpu.memory_space<vmem>>
      %dma_start3A_114 = arith.constant 0 : i32
      %dma_start3A_115 = tpu.memref_slice %arg2[%squeeze3A_106, %dma_start3A_114] : memref<2600000x64xf32, #tpu.memory_space<hbm>> -> memref<1x64xf32, #tpu.memory_space<hbm>>
      %dma_start3A_116 = tpu.memref_squeeze %dma_start3A_115 : memref<1x64xf32, #tpu.memory_space<hbm>> -> memref<64xf32, #tpu.memory_space<hbm>>
      %dma_start3A_117 = arith.constant 64 : i32
      %dma_start3A_118 = tpu.memref_slice %arg10[%add3A_110, %dma_start3A_117] : memref<320x128xf32, #tpu.memory_space<vmem>> -> memref<1x64xf32, #tpu.memory_space<vmem>>
      %dma_start3A_119 = tpu.memref_squeeze %dma_start3A_118 : memref<1x64xf32, #tpu.memory_space<vmem>> -> memref<64xf32, #tpu.memory_space<vmem>>
      %dma_start3A_120 = arith.constant 0 : i32
      %dma_start3A_121 = tpu.memref_slice %arg2[%squeeze3A_106, %dma_start3A_120] : memref<2600000x64xf32, #tpu.memory_space<hbm>> -> memref<1x64xf32, #tpu.memory_space<hbm>>
      %dma_start3A_122 = tpu.memref_squeeze %dma_start3A_121 : memref<1x64xf32, #tpu.memory_space<hbm>> -> memref<64xf32, #tpu.memory_space<hbm>>
      tpu.enqueue_dma source(%dma_start3A_122 : memref<64xf32, #tpu.memory_space<hbm>>) target(%dma_start3A_119 : memref<64xf32, #tpu.memory_space<vmem>>) target_semaphore(%arg14 : memref<!tpu.dma_semaphore, #tpu.memory_space<semaphore_mem>>)
      %slice3A_123 = vector.extract_strided_slice %get3A_52 {offsets = [4], sizes = [1], strides = [1]} : vector<16xi32> to vector<1xi32>
      %squeeze3A_124 = vector.extract %slice3A_123[0] : i32 from vector<1xi32>
      %mul3A_125 = arith.constant 8 : i32
      %mul3A_126 = arith.muli %scan3A_48, %mul3A_125 : i32
      %add3A_127 = arith.constant 2 : i32
      %add3A_128 = arith.addi %mul3A_126, %add3A_127 : i32
      %dma_start3A_129 = arith.constant 0 : i32
      %dma_start3A_130 = tpu.memref_slice %arg10[%add3A_128, %dma_start3A_129] : memref<320x128xf32, #tpu.memory_space<vmem>> -> memref<1x64xf32, #tpu.memory_space<vmem>>
      %dma_start3A_131 = tpu.memref_squeeze %dma_start3A_130 : memref<1x64xf32, #tpu.memory_space<vmem>> -> memref<64xf32, #tpu.memory_space<vmem>>
      %dma_start3A_132 = arith.constant 0 : i32
      %dma_start3A_133 = tpu.memref_slice %arg2[%squeeze3A_124, %dma_start3A_132] : memref<2600000x64xf32, #tpu.memory_space<hbm>> -> memref<1x64xf32, #tpu.memory_space<hbm>>
      %dma_start3A_134 = tpu.memref_squeeze %dma_start3A_133 : memref<1x64xf32, #tpu.memory_space<hbm>> -> memref<64xf32, #tpu.memory_space<hbm>>
      %dma_start3A_135 = arith.constant 0 : i32
      %dma_start3A_136 = tpu.memref_slice %arg10[%add3A_128, %dma_start3A_135] : memref<320x128xf32, #tpu.memory_space<vmem>> -> memref<1x64xf32, #tpu.memory_space<vmem>>
      %dma_start3A_137 = tpu.memref_squeeze %dma_start3A_136 : memref<1x64xf32, #tpu.memory_space<vmem>> -> memref<64xf32, #tpu.memory_space<vmem>>
      %dma_start3A_138 = arith.constant 0 : i32
      %dma_start3A_139 = tpu.memref_slice %arg2[%squeeze3A_124, %dma_start3A_138] : memref<2600000x64xf32, #tpu.memory_space<hbm>> -> memref<1x64xf32, #tpu.memory_space<hbm>>
      %dma_start3A_140 = tpu.memref_squeeze %dma_start3A_139 : memref<1x64xf32, #tpu.memory_space<hbm>> -> memref<64xf32, #tpu.memory_space<hbm>>
      tpu.enqueue_dma source(%dma_start3A_140 : memref<64xf32, #tpu.memory_space<hbm>>) target(%dma_start3A_137 : memref<64xf32, #tpu.memory_space<vmem>>) target_semaphore(%arg14 : memref<!tpu.dma_semaphore, #tpu.memory_space<semaphore_mem>>)
      %slice3A_141 = vector.extract_strided_slice %get3A_52 {offsets = [5], sizes = [1], strides = [1]} : vector<16xi32> to vector<1xi32>
      %squeeze3A_142 = vector.extract %slice3A_141[0] : i32 from vector<1xi32>
      %mul3A_143 = arith.constant 8 : i32
      %mul3A_144 = arith.muli %scan3A_48, %mul3A_143 : i32
      %add3A_145 = arith.constant 2 : i32
      %add3A_146 = arith.addi %mul3A_144, %add3A_145 : i32
      %dma_start3A_147 = arith.constant 64 : i32
      %dma_start3A_148 = tpu.memref_slice %arg10[%add3A_146, %dma_start3A_147] : memref<320x128xf32, #tpu.memory_space<vmem>> -> memref<1x64xf32, #tpu.memory_space<vmem>>
      %dma_start3A_149 = tpu.memref_squeeze %dma_start3A_148 : memref<1x64xf32, #tpu.memory_space<vmem>> -> memref<64xf32, #tpu.memory_space<vmem>>
      %dma_start3A_150 = arith.constant 0 : i32
      %dma_start3A_151 = tpu.memref_slice %arg2[%squeeze3A_142, %dma_start3A_150] : memref<2600000x64xf32, #tpu.memory_space<hbm>> -> memref<1x64xf32, #tpu.memory_space<hbm>>
      %dma_start3A_152 = tpu.memref_squeeze %dma_start3A_151 : memref<1x64xf32, #tpu.memory_space<hbm>> -> memref<64xf32, #tpu.memory_space<hbm>>
      %dma_start3A_153 = arith.constant 64 : i32
      %dma_start3A_154 = tpu.memref_slice %arg10[%add3A_146, %dma_start3A_153] : memref<320x128xf32, #tpu.memory_space<vmem>> -> memref<1x64xf32, #tpu.memory_space<vmem>>
      %dma_start3A_155 = tpu.memref_squeeze %dma_start3A_154 : memref<1x64xf32, #tpu.memory_space<vmem>> -> memref<64xf32, #tpu.memory_space<vmem>>
      %dma_start3A_156 = arith.constant 0 : i32
      %dma_start3A_157 = tpu.memref_slice %arg2[%squeeze3A_142, %dma_start3A_156] : memref<2600000x64xf32, #tpu.memory_space<hbm>> -> memref<1x64xf32, #tpu.memory_space<hbm>>
      %dma_start3A_158 = tpu.memref_squeeze %dma_start3A_157 : memref<1x64xf32, #tpu.memory_space<hbm>> -> memref<64xf32, #tpu.memory_space<hbm>>
      tpu.enqueue_dma source(%dma_start3A_158 : memref<64xf32, #tpu.memory_space<hbm>>) target(%dma_start3A_155 : memref<64xf32, #tpu.memory_space<vmem>>) target_semaphore(%arg14 : memref<!tpu.dma_semaphore, #tpu.memory_space<semaphore_mem>>)
      %slice3A_159 = vector.extract_strided_slice %get3A_52 {offsets = [6], sizes = [1], strides = [1]} : vector<16xi32> to vector<1xi32>
      %squeeze3A_160 = vector.extract %slice3A_159[0] : i32 from vector<1xi32>
      %mul3A_161 = arith.constant 8 : i32
      %mul3A_162 = arith.muli %scan3A_48, %mul3A_161 : i32
      %add3A_163 = arith.constant 3 : i32
      %add3A_164 = arith.addi %mul3A_162, %add3A_163 : i32
      %dma_start3A_165 = arith.constant 0 : i32
      %dma_start3A_166 = tpu.memref_slice %arg10[%add3A_164, %dma_start3A_165] : memref<320x128xf32, #tpu.memory_space<vmem>> -> memref<1x64xf32, #tpu.memory_space<vmem>>
      %dma_start3A_167 = tpu.memref_squeeze %dma_start3A_166 : memref<1x64xf32, #tpu.memory_space<vmem>> -> memref<64xf32, #tpu.memory_space<vmem>>
      %dma_start3A_168 = arith.constant 0 : i32
      %dma_start3A_169 = tpu.memref_slice %arg2[%squeeze3A_160, %dma_start3A_168] : memref<2600000x64xf32, #tpu.memory_space<hbm>> -> memref<1x64xf32, #tpu.memory_space<hbm>>
      %dma_start3A_170 = tpu.memref_squeeze %dma_start3A_169 : memref<1x64xf32, #tpu.memory_space<hbm>> -> memref<64xf32, #tpu.memory_space<hbm>>
      %dma_start3A_171 = arith.constant 0 : i32
      %dma_start3A_172 = tpu.memref_slice %arg10[%add3A_164, %dma_start3A_171] : memref<320x128xf32, #tpu.memory_space<vmem>> -> memref<1x64xf32, #tpu.memory_space<vmem>>
      %dma_start3A_173 = tpu.memref_squeeze %dma_start3A_172 : memref<1x64xf32, #tpu.memory_space<vmem>> -> memref<64xf32, #tpu.memory_space<vmem>>
      %dma_start3A_174 = arith.constant 0 : i32
      %dma_start3A_175 = tpu.memref_slice %arg2[%squeeze3A_160, %dma_start3A_174] : memref<2600000x64xf32, #tpu.memory_space<hbm>> -> memref<1x64xf32, #tpu.memory_space<hbm>>
      %dma_start3A_176 = tpu.memref_squeeze %dma_start3A_175 : memref<1x64xf32, #tpu.memory_space<hbm>> -> memref<64xf32, #tpu.memory_space<hbm>>
      tpu.enqueue_dma source(%dma_start3A_176 : memref<64xf32, #tpu.memory_space<hbm>>) target(%dma_start3A_173 : memref<64xf32, #tpu.memory_space<vmem>>) target_semaphore(%arg14 : memref<!tpu.dma_semaphore, #tpu.memory_space<semaphore_mem>>)
      %slice3A_177 = vector.extract_strided_slice %get3A_52 {offsets = [7], sizes = [1], strides = [1]} : vector<16xi32> to vector<1xi32>
      %squeeze3A_178 = vector.extract %slice3A_177[0] : i32 from vector<1xi32>
      %mul3A_179 = arith.constant 8 : i32
      %mul3A_180 = arith.muli %scan3A_48, %mul3A_179 : i32
      %add3A_181 = arith.constant 3 : i32
      %add3A_182 = arith.addi %mul3A_180, %add3A_181 : i32
      %dma_start3A_183 = arith.constant 64 : i32
      %dma_start3A_184 = tpu.memref_slice %arg10[%add3A_182, %dma_start3A_183] : memref<320x128xf32, #tpu.memory_space<vmem>> -> memref<1x64xf32, #tpu.memory_space<vmem>>
      %dma_start3A_185 = tpu.memref_squeeze %dma_start3A_184 : memref<1x64xf32, #tpu.memory_space<vmem>> -> memref<64xf32, #tpu.memory_space<vmem>>
      %dma_start3A_186 = arith.constant 0 : i32
      %dma_start3A_187 = tpu.memref_slice %arg2[%squeeze3A_178, %dma_start3A_186] : memref<2600000x64xf32, #tpu.memory_space<hbm>> -> memref<1x64xf32, #tpu.memory_space<hbm>>
      %dma_start3A_188 = tpu.memref_squeeze %dma_start3A_187 : memref<1x64xf32, #tpu.memory_space<hbm>> -> memref<64xf32, #tpu.memory_space<hbm>>
      %dma_start3A_189 = arith.constant 64 : i32
      %dma_start3A_190 = tpu.memref_slice %arg10[%add3A_182, %dma_start3A_189] : memref<320x128xf32, #tpu.memory_space<vmem>> -> memref<1x64xf32, #tpu.memory_space<vmem>>
      %dma_start3A_191 = tpu.memref_squeeze %dma_start3A_190 : memref<1x64xf32, #tpu.memory_space<vmem>> -> memref<64xf32, #tpu.memory_space<vmem>>
      %dma_start3A_192 = arith.constant 0 : i32
      %dma_start3A_193 = tpu.memref_slice %arg2[%squeeze3A_178, %dma_start3A_192] : memref<2600000x64xf32, #tpu.memory_space<hbm>> -> memref<1x64xf32, #tpu.memory_space<hbm>>
      %dma_start3A_194 = tpu.memref_squeeze %dma_start3A_193 : memref<1x64xf32, #tpu.memory_space<hbm>> -> memref<64xf32, #tpu.memory_space<hbm>>
      tpu.enqueue_dma source(%dma_start3A_194 : memref<64xf32, #tpu.memory_space<hbm>>) target(%dma_start3A_191 : memref<64xf32, #tpu.memory_space<vmem>>) target_semaphore(%arg14 : memref<!tpu.dma_semaphore, #tpu.memory_space<semaphore_mem>>)
      %slice3A_195 = vector.extract_strided_slice %get3A_52 {offsets = [8], sizes = [1], strides = [1]} : vector<16xi32> to vector<1xi32>
      %squeeze3A_196 = vector.extract %slice3A_195[0] : i32 from vector<1xi32>
      %mul3A_197 = arith.constant 8 : i32
      %mul3A_198 = arith.muli %scan3A_48, %mul3A_197 : i32
      %add3A_199 = arith.constant 4 : i32
      %add3A_200 = arith.addi %mul3A_198, %add3A_199 : i32
      %dma_start3A_201 = arith.constant 0 : i32
      %dma_start3A_202 = tpu.memref_slice %arg10[%add3A_200, %dma_start3A_201] : memref<320x128xf32, #tpu.memory_space<vmem>> -> memref<1x64xf32, #tpu.memory_space<vmem>>
      %dma_start3A_203 = tpu.memref_squeeze %dma_start3A_202 : memref<1x64xf32, #tpu.memory_space<vmem>> -> memref<64xf32, #tpu.memory_space<vmem>>
      %dma_start3A_204 = arith.constant 0 : i32
      %dma_start3A_205 = tpu.memref_slice %arg2[%squeeze3A_196, %dma_start3A_204] : memref<2600000x64xf32, #tpu.memory_space<hbm>> -> memref<1x64xf32, #tpu.memory_space<hbm>>
      %dma_start3A_206 = tpu.memref_squeeze %dma_start3A_205 : memref<1x64xf32, #tpu.memory_space<hbm>> -> memref<64xf32, #tpu.memory_space<hbm>>
      %dma_start3A_207 = arith.constant 0 : i32
      %dma_start3A_208 = tpu.memref_slice %arg10[%add3A_200, %dma_start3A_207] : memref<320x128xf32, #tpu.memory_space<vmem>> -> memref<1x64xf32, #tpu.memory_space<vmem>>
      %dma_start3A_209 = tpu.memref_squeeze %dma_start3A_208 : memref<1x64xf32, #tpu.memory_space<vmem>> -> memref<64xf32, #tpu.memory_space<vmem>>
      %dma_start3A_210 = arith.constant 0 : i32
      %dma_start3A_211 = tpu.memref_slice %arg2[%squeeze3A_196, %dma_start3A_210] : memref<2600000x64xf32, #tpu.memory_space<hbm>> -> memref<1x64xf32, #tpu.memory_space<hbm>>
      %dma_start3A_212 = tpu.memref_squeeze %dma_start3A_211 : memref<1x64xf32, #tpu.memory_space<hbm>> -> memref<64xf32, #tpu.memory_space<hbm>>
      tpu.enqueue_dma source(%dma_start3A_212 : memref<64xf32, #tpu.memory_space<hbm>>) target(%dma_start3A_209 : memref<64xf32, #tpu.memory_space<vmem>>) target_semaphore(%arg14 : memref<!tpu.dma_semaphore, #tpu.memory_space<semaphore_mem>>)
      %slice3A_213 = vector.extract_strided_slice %get3A_52 {offsets = [9], sizes = [1], strides = [1]} : vector<16xi32> to vector<1xi32>
      %squeeze3A_214 = vector.extract %slice3A_213[0] : i32 from vector<1xi32>
      %mul3A_215 = arith.constant 8 : i32
      %mul3A_216 = arith.muli %scan3A_48, %mul3A_215 : i32
      %add3A_217 = arith.constant 4 : i32
      %add3A_218 = arith.addi %mul3A_216, %add3A_217 : i32
      %dma_start3A_219 = arith.constant 64 : i32
      %dma_start3A_220 = tpu.memref_slice %arg10[%add3A_218, %dma_start3A_219] : memref<320x128xf32, #tpu.memory_space<vmem>> -> memref<1x64xf32, #tpu.memory_space<vmem>>
      %dma_start3A_221 = tpu.memref_squeeze %dma_start3A_220 : memref<1x64xf32, #tpu.memory_space<vmem>> -> memref<64xf32, #tpu.memory_space<vmem>>
      %dma_start3A_222 = arith.constant 0 : i32
      %dma_start3A_223 = tpu.memref_slice %arg2[%squeeze3A_214, %dma_start3A_222] : memref<2600000x64xf32, #tpu.memory_space<hbm>> -> memref<1x64xf32, #tpu.memory_space<hbm>>
      %dma_start3A_224 = tpu.memref_squeeze %dma_start3A_223 : memref<1x64xf32, #tpu.memory_space<hbm>> -> memref<64xf32, #tpu.memory_space<hbm>>
      %dma_start3A_225 = arith.constant 64 : i32
      %dma_start3A_226 = tpu.memref_slice %arg10[%add3A_218, %dma_start3A_225] : memref<320x128xf32, #tpu.memory_space<vmem>> -> memref<1x64xf32, #tpu.memory_space<vmem>>
      %dma_start3A_227 = tpu.memref_squeeze %dma_start3A_226 : memref<1x64xf32, #tpu.memory_space<vmem>> -> memref<64xf32, #tpu.memory_space<vmem>>
      %dma_start3A_228 = arith.constant 0 : i32
      %dma_start3A_229 = tpu.memref_slice %arg2[%squeeze3A_214, %dma_start3A_228] : memref<2600000x64xf32, #tpu.memory_space<hbm>> -> memref<1x64xf32, #tpu.memory_space<hbm>>
      %dma_start3A_230 = tpu.memref_squeeze %dma_start3A_229 : memref<1x64xf32, #tpu.memory_space<hbm>> -> memref<64xf32, #tpu.memory_space<hbm>>
      tpu.enqueue_dma source(%dma_start3A_230 : memref<64xf32, #tpu.memory_space<hbm>>) target(%dma_start3A_227 : memref<64xf32, #tpu.memory_space<vmem>>) target_semaphore(%arg14 : memref<!tpu.dma_semaphore, #tpu.memory_space<semaphore_mem>>)
      %slice3A_231 = vector.extract_strided_slice %get3A_52 {offsets = [10], sizes = [1], strides = [1]} : vector<16xi32> to vector<1xi32>
      %squeeze3A_232 = vector.extract %slice3A_231[0] : i32 from vector<1xi32>
      %mul3A_233 = arith.constant 8 : i32
      %mul3A_234 = arith.muli %scan3A_48, %mul3A_233 : i32
      %add3A_235 = arith.constant 5 : i32
      %add3A_236 = arith.addi %mul3A_234, %add3A_235 : i32
      %dma_start3A_237 = arith.constant 0 : i32
      %dma_start3A_238 = tpu.memref_slice %arg10[%add3A_236, %dma_start3A_237] : memref<320x128xf32, #tpu.memory_space<vmem>> -> memref<1x64xf32, #tpu.memory_space<vmem>>
      %dma_start3A_239 = tpu.memref_squeeze %dma_start3A_238 : memref<1x64xf32, #tpu.memory_space<vmem>> -> memref<64xf32, #tpu.memory_space<vmem>>
      %dma_start3A_240 = arith.constant 0 : i32
      %dma_start3A_241 = tpu.memref_slice %arg2[%squeeze3A_232, %dma_start3A_240] : memref<2600000x64xf32, #tpu.memory_space<hbm>> -> memref<1x64xf32, #tpu.memory_space<hbm>>
      %dma_start3A_242 = tpu.memref_squeeze %dma_start3A_241 : memref<1x64xf32, #tpu.memory_space<hbm>> -> memref<64xf32, #tpu.memory_space<hbm>>
      %dma_start3A_243 = arith.constant 0 : i32
      %dma_start3A_244 = tpu.memref_slice %arg10[%add3A_236, %dma_start3A_243] : memref<320x128xf32, #tpu.memory_space<vmem>> -> memref<1x64xf32, #tpu.memory_space<vmem>>
      %dma_start3A_245 = tpu.memref_squeeze %dma_start3A_244 : memref<1x64xf32, #tpu.memory_space<vmem>> -> memref<64xf32, #tpu.memory_space<vmem>>
      %dma_start3A_246 = arith.constant 0 : i32
      %dma_start3A_247 = tpu.memref_slice %arg2[%squeeze3A_232, %dma_start3A_246] : memref<2600000x64xf32, #tpu.memory_space<hbm>> -> memref<1x64xf32, #tpu.memory_space<hbm>>
      %dma_start3A_248 = tpu.memref_squeeze %dma_start3A_247 : memref<1x64xf32, #tpu.memory_space<hbm>> -> memref<64xf32, #tpu.memory_space<hbm>>
      tpu.enqueue_dma source(%dma_start3A_248 : memref<64xf32, #tpu.memory_space<hbm>>) target(%dma_start3A_245 : memref<64xf32, #tpu.memory_space<vmem>>) target_semaphore(%arg14 : memref<!tpu.dma_semaphore, #tpu.memory_space<semaphore_mem>>)
      %slice3A_249 = vector.extract_strided_slice %get3A_52 {offsets = [11], sizes = [1], strides = [1]} : vector<16xi32> to vector<1xi32>
      %squeeze3A_250 = vector.extract %slice3A_249[0] : i32 from vector<1xi32>
      %mul3A_251 = arith.constant 8 : i32
      %mul3A_252 = arith.muli %scan3A_48, %mul3A_251 : i32
      %add3A_253 = arith.constant 5 : i32
      %add3A_254 = arith.addi %mul3A_252, %add3A_253 : i32
      %dma_start3A_255 = arith.constant 64 : i32
      %dma_start3A_256 = tpu.memref_slice %arg10[%add3A_254, %dma_start3A_255] : memref<320x128xf32, #tpu.memory_space<vmem>> -> memref<1x64xf32, #tpu.memory_space<vmem>>
      %dma_start3A_257 = tpu.memref_squeeze %dma_start3A_256 : memref<1x64xf32, #tpu.memory_space<vmem>> -> memref<64xf32, #tpu.memory_space<vmem>>
      %dma_start3A_258 = arith.constant 0 : i32
      %dma_start3A_259 = tpu.memref_slice %arg2[%squeeze3A_250, %dma_start3A_258] : memref<2600000x64xf32, #tpu.memory_space<hbm>> -> memref<1x64xf32, #tpu.memory_space<hbm>>
      %dma_start3A_260 = tpu.memref_squeeze %dma_start3A_259 : memref<1x64xf32, #tpu.memory_space<hbm>> -> memref<64xf32, #tpu.memory_space<hbm>>
      %dma_start3A_261 = arith.constant 64 : i32
      %dma_start3A_262 = tpu.memref_slice %arg10[%add3A_254, %dma_start3A_261] : memref<320x128xf32, #tpu.memory_space<vmem>> -> memref<1x64xf32, #tpu.memory_space<vmem>>
      %dma_start3A_263 = tpu.memref_squeeze %dma_start3A_262 : memref<1x64xf32, #tpu.memory_space<vmem>> -> memref<64xf32, #tpu.memory_space<vmem>>
      %dma_start3A_264 = arith.constant 0 : i32
      %dma_start3A_265 = tpu.memref_slice %arg2[%squeeze3A_250, %dma_start3A_264] : memref<2600000x64xf32, #tpu.memory_space<hbm>> -> memref<1x64xf32, #tpu.memory_space<hbm>>
      %dma_start3A_266 = tpu.memref_squeeze %dma_start3A_265 : memref<1x64xf32, #tpu.memory_space<hbm>> -> memref<64xf32, #tpu.memory_space<hbm>>
      tpu.enqueue_dma source(%dma_start3A_266 : memref<64xf32, #tpu.memory_space<hbm>>) target(%dma_start3A_263 : memref<64xf32, #tpu.memory_space<vmem>>) target_semaphore(%arg14 : memref<!tpu.dma_semaphore, #tpu.memory_space<semaphore_mem>>)
      %slice3A_267 = vector.extract_strided_slice %get3A_52 {offsets = [12], sizes = [1], strides = [1]} : vector<16xi32> to vector<1xi32>
      %squeeze3A_268 = vector.extract %slice3A_267[0] : i32 from vector<1xi32>
      %mul3A_269 = arith.constant 8 : i32
      %mul3A_270 = arith.muli %scan3A_48, %mul3A_269 : i32
      %add3A_271 = arith.constant 6 : i32
      %add3A_272 = arith.addi %mul3A_270, %add3A_271 : i32
      %dma_start3A_273 = arith.constant 0 : i32
      %dma_start3A_274 = tpu.memref_slice %arg10[%add3A_272, %dma_start3A_273] : memref<320x128xf32, #tpu.memory_space<vmem>> -> memref<1x64xf32, #tpu.memory_space<vmem>>
      %dma_start3A_275 = tpu.memref_squeeze %dma_start3A_274 : memref<1x64xf32, #tpu.memory_space<vmem>> -> memref<64xf32, #tpu.memory_space<vmem>>
      %dma_start3A_276 = arith.constant 0 : i32
      %dma_start3A_277 = tpu.memref_slice %arg2[%squeeze3A_268, %dma_start3A_276] : memref<2600000x64xf32, #tpu.memory_space<hbm>> -> memref<1x64xf32, #tpu.memory_space<hbm>>
      %dma_start3A_278 = tpu.memref_squeeze %dma_start3A_277 : memref<1x64xf32, #tpu.memory_space<hbm>> -> memref<64xf32, #tpu.memory_space<hbm>>
      %dma_start3A_279 = arith.constant 0 : i32
      %dma_start3A_280 = tpu.memref_slice %arg10[%add3A_272, %dma_start3A_279] : memref<320x128xf32, #tpu.memory_space<vmem>> -> memref<1x64xf32, #tpu.memory_space<vmem>>
      %dma_start3A_281 = tpu.memref_squeeze %dma_start3A_280 : memref<1x64xf32, #tpu.memory_space<vmem>> -> memref<64xf32, #tpu.memory_space<vmem>>
      %dma_start3A_282 = arith.constant 0 : i32
      %dma_start3A_283 = tpu.memref_slice %arg2[%squeeze3A_268, %dma_start3A_282] : memref<2600000x64xf32, #tpu.memory_space<hbm>> -> memref<1x64xf32, #tpu.memory_space<hbm>>
      %dma_start3A_284 = tpu.memref_squeeze %dma_start3A_283 : memref<1x64xf32, #tpu.memory_space<hbm>> -> memref<64xf32, #tpu.memory_space<hbm>>
      tpu.enqueue_dma source(%dma_start3A_284 : memref<64xf32, #tpu.memory_space<hbm>>) target(%dma_start3A_281 : memref<64xf32, #tpu.memory_space<vmem>>) target_semaphore(%arg14 : memref<!tpu.dma_semaphore, #tpu.memory_space<semaphore_mem>>)
      %slice3A_285 = vector.extract_strided_slice %get3A_52 {offsets = [13], sizes = [1], strides = [1]} : vector<16xi32> to vector<1xi32>
      %squeeze3A_286 = vector.extract %slice3A_285[0] : i32 from vector<1xi32>
      %mul3A_287 = arith.constant 8 : i32
      %mul3A_288 = arith.muli %scan3A_48, %mul3A_287 : i32
      %add3A_289 = arith.constant 6 : i32
      %add3A_290 = arith.addi %mul3A_288, %add3A_289 : i32
      %dma_start3A_291 = arith.constant 64 : i32
      %dma_start3A_292 = tpu.memref_slice %arg10[%add3A_290, %dma_start3A_291] : memref<320x128xf32, #tpu.memory_space<vmem>> -> memref<1x64xf32, #tpu.memory_space<vmem>>
      %dma_start3A_293 = tpu.memref_squeeze %dma_start3A_292 : memref<1x64xf32, #tpu.memory_space<vmem>> -> memref<64xf32, #tpu.memory_space<vmem>>
      %dma_start3A_294 = arith.constant 0 : i32
      %dma_start3A_295 = tpu.memref_slice %arg2[%squeeze3A_286, %dma_start3A_294] : memref<2600000x64xf32, #tpu.memory_space<hbm>> -> memref<1x64xf32, #tpu.memory_space<hbm>>
      %dma_start3A_296 = tpu.memref_squeeze %dma_start3A_295 : memref<1x64xf32, #tpu.memory_space<hbm>> -> memref<64xf32, #tpu.memory_space<hbm>>
      %dma_start3A_297 = arith.constant 64 : i32
      %dma_start3A_298 = tpu.memref_slice %arg10[%add3A_290, %dma_start3A_297] : memref<320x128xf32, #tpu.memory_space<vmem>> -> memref<1x64xf32, #tpu.memory_space<vmem>>
      %dma_start3A_299 = tpu.memref_squeeze %dma_start3A_298 : memref<1x64xf32, #tpu.memory_space<vmem>> -> memref<64xf32, #tpu.memory_space<vmem>>
      %dma_start3A_300 = arith.constant 0 : i32
      %dma_start3A_301 = tpu.memref_slice %arg2[%squeeze3A_286, %dma_start3A_300] : memref<2600000x64xf32, #tpu.memory_space<hbm>> -> memref<1x64xf32, #tpu.memory_space<hbm>>
      %dma_start3A_302 = tpu.memref_squeeze %dma_start3A_301 : memref<1x64xf32, #tpu.memory_space<hbm>> -> memref<64xf32, #tpu.memory_space<hbm>>
      tpu.enqueue_dma source(%dma_start3A_302 : memref<64xf32, #tpu.memory_space<hbm>>) target(%dma_start3A_299 : memref<64xf32, #tpu.memory_space<vmem>>) target_semaphore(%arg14 : memref<!tpu.dma_semaphore, #tpu.memory_space<semaphore_mem>>)
      %slice3A_303 = vector.extract_strided_slice %get3A_52 {offsets = [14], sizes = [1], strides = [1]} : vector<16xi32> to vector<1xi32>
      %squeeze3A_304 = vector.extract %slice3A_303[0] : i32 from vector<1xi32>
      %mul3A_305 = arith.constant 8 : i32
      %mul3A_306 = arith.muli %scan3A_48, %mul3A_305 : i32
      %add3A_307 = arith.constant 7 : i32
      %add3A_308 = arith.addi %mul3A_306, %add3A_307 : i32
      %dma_start3A_309 = arith.constant 0 : i32
      %dma_start3A_310 = tpu.memref_slice %arg10[%add3A_308, %dma_start3A_309] : memref<320x128xf32, #tpu.memory_space<vmem>> -> memref<1x64xf32, #tpu.memory_space<vmem>>
      %dma_start3A_311 = tpu.memref_squeeze %dma_start3A_310 : memref<1x64xf32, #tpu.memory_space<vmem>> -> memref<64xf32, #tpu.memory_space<vmem>>
      %dma_start3A_312 = arith.constant 0 : i32
      %dma_start3A_313 = tpu.memref_slice %arg2[%squeeze3A_304, %dma_start3A_312] : memref<2600000x64xf32, #tpu.memory_space<hbm>> -> memref<1x64xf32, #tpu.memory_space<hbm>>
      %dma_start3A_314 = tpu.memref_squeeze %dma_start3A_313 : memref<1x64xf32, #tpu.memory_space<hbm>> -> memref<64xf32, #tpu.memory_space<hbm>>
      %dma_start3A_315 = arith.constant 0 : i32
      %dma_start3A_316 = tpu.memref_slice %arg10[%add3A_308, %dma_start3A_315] : memref<320x128xf32, #tpu.memory_space<vmem>> -> memref<1x64xf32, #tpu.memory_space<vmem>>
      %dma_start3A_317 = tpu.memref_squeeze %dma_start3A_316 : memref<1x64xf32, #tpu.memory_space<vmem>> -> memref<64xf32, #tpu.memory_space<vmem>>
      %dma_start3A_318 = arith.constant 0 : i32
      %dma_start3A_319 = tpu.memref_slice %arg2[%squeeze3A_304, %dma_start3A_318] : memref<2600000x64xf32, #tpu.memory_space<hbm>> -> memref<1x64xf32, #tpu.memory_space<hbm>>
      %dma_start3A_320 = tpu.memref_squeeze %dma_start3A_319 : memref<1x64xf32, #tpu.memory_space<hbm>> -> memref<64xf32, #tpu.memory_space<hbm>>
      tpu.enqueue_dma source(%dma_start3A_320 : memref<64xf32, #tpu.memory_space<hbm>>) target(%dma_start3A_317 : memref<64xf32, #tpu.memory_space<vmem>>) target_semaphore(%arg14 : memref<!tpu.dma_semaphore, #tpu.memory_space<semaphore_mem>>)
      %slice3A_321 = vector.extract_strided_slice %get3A_52 {offsets = [15], sizes = [1], strides = [1]} : vector<16xi32> to vector<1xi32>
      %squeeze3A_322 = vector.extract %slice3A_321[0] : i32 from vector<1xi32>
      %mul3A_323 = arith.constant 8 : i32
      %mul3A_324 = arith.muli %scan3A_48, %mul3A_323 : i32
      %add3A_325 = arith.constant 7 : i32
      %add3A_326 = arith.addi %mul3A_324, %add3A_325 : i32
      %dma_start3A_327 = arith.constant 64 : i32
      %dma_start3A_328 = tpu.memref_slice %arg10[%add3A_326, %dma_start3A_327] : memref<320x128xf32, #tpu.memory_space<vmem>> -> memref<1x64xf32, #tpu.memory_space<vmem>>
      %dma_start3A_329 = tpu.memref_squeeze %dma_start3A_328 : memref<1x64xf32, #tpu.memory_space<vmem>> -> memref<64xf32, #tpu.memory_space<vmem>>
      %dma_start3A_330 = arith.constant 0 : i32
      %dma_start3A_331 = tpu.memref_slice %arg2[%squeeze3A_322, %dma_start3A_330] : memref<2600000x64xf32, #tpu.memory_space<hbm>> -> memref<1x64xf32, #tpu.memory_space<hbm>>
      %dma_start3A_332 = tpu.memref_squeeze %dma_start3A_331 : memref<1x64xf32, #tpu.memory_space<hbm>> -> memref<64xf32, #tpu.memory_space<hbm>>
      %dma_start3A_333 = arith.constant 64 : i32
      %dma_start3A_334 = tpu.memref_slice %arg10[%add3A_326, %dma_start3A_333] : memref<320x128xf32, #tpu.memory_space<vmem>> -> memref<1x64xf32, #tpu.memory_space<vmem>>
      %dma_start3A_335 = tpu.memref_squeeze %dma_start3A_334 : memref<1x64xf32, #tpu.memory_space<vmem>> -> memref<64xf32, #tpu.memory_space<vmem>>
      %dma_start3A_336 = arith.constant 0 : i32
      %dma_start3A_337 = tpu.memref_slice %arg2[%squeeze3A_322, %dma_start3A_336] : memref<2600000x64xf32, #tpu.memory_space<hbm>> -> memref<1x64xf32, #tpu.memory_space<hbm>>
      %dma_start3A_338 = tpu.memref_squeeze %dma_start3A_337 : memref<1x64xf32, #tpu.memory_space<hbm>> -> memref<64xf32, #tpu.memory_space<hbm>>
      tpu.enqueue_dma source(%dma_start3A_338 : memref<64xf32, #tpu.memory_space<hbm>>) target(%dma_start3A_335 : memref<64xf32, #tpu.memory_space<vmem>>) target_semaphore(%arg14 : memref<!tpu.dma_semaphore, #tpu.memory_space<semaphore_mem>>)
    }
    %scan3A_29 = arith.constant 40 : i32
    %scan3A_30 = arith.constant 0 : i32
    %scan3A_31 = arith.constant 0 : i32
    %scan3A_32 = arith.constant 52 : i32
    %scan3A_33 = arith.addi %scan3A_31, %scan3A_32 : i32
    %scan3A_34 = arith.constant 1 : i32
    scf.for %scan3A_48 = %scan3A_31 to %scan3A_33 step %scan3A_34  : i32 {
      %mul3A_49 = arith.constant 2 : i32
      %mul3A_50 = arith.muli %scan3A_48, %mul3A_49 : i32
      %add3A_51 = arith.constant 0 : i32
      %add3A_52 = arith.addi %mul3A_50, %add3A_51 : i32
      %le3A = arith.constant 102 : i32
      %le3A_53 = arith.cmpi sle, %add3A_52, %le3A : i32
      %convert_element_type3A = arith.extui %le3A_53 : i1 to i32
      %cond3A = arith.constant 0 : i32
      %cond3A_54 = arith.cmpi ne, %convert_element_type3A, %cond3A : i32
      scf.if %cond3A_54 {
        %dma_wait3A_121 = arith.constant 0 : i32
        %dma_wait3A_122 = tpu.memref_slice %arg3[%dma_wait3A_121] : memref<2129920xi32, #tpu.memory_space<hbm>> -> memref<640xi32, #tpu.memory_space<hbm>>
        %dma_wait3A_123 = arith.constant 0 : i32
        %dma_wait3A_124 = tpu.memref_slice %arg3[%dma_wait3A_123] : memref<2129920xi32, #tpu.memory_space<hbm>> -> memref<640xi32, #tpu.memory_space<hbm>>
        tpu.wait_dma2 semaphore(%arg19 : memref<!tpu.dma_semaphore, #tpu.memory_space<semaphore_mem>>) src(%dma_wait3A_124 : memref<640xi32, #tpu.memory_space<hbm>>) dst(%arg7 : memref<640xi32, #tpu.memory_space<vmem>>)
        %add3A_125 = arith.constant 1 : i32
        %add3A_126 = arith.addi %add3A_52, %add3A_125 : i32
        %mul3A_127 = arith.constant 32 : i32
        %mul3A_128 = arith.muli %add3A_126, %mul3A_127 : i32
        %rem3A_129 = arith.constant 26 : i32
        %rem3A_130 = arith.remsi %mul3A_128, %rem3A_129 : i32
        %broadcast_in_dim3A_131 = vector.broadcast %rem3A_130 : i32 to vector<16xi32>
        %scan3A_132 = arith.constant 0 : i32
        %scan3A_133 = arith.constant 0 : i32
        %scan3A_134 = arith.constant 40 : i32
        %scan3A_135 = arith.addi %scan3A_133, %scan3A_134 : i32
        %scan3A_136 = arith.constant 1 : i32
        scf.for %scan3A_138 = %scan3A_133 to %scan3A_135 step %scan3A_136  : i32 {
          %iota3A = tpu.iota {dimensions = array<i32: 0>} : vector<16xi32>
          %mul3A_139 = arith.constant 16 : i32
          %mul3A_140 = arith.muli %scan3A_138, %mul3A_139 : i32
          %broadcast_in_dim3A_141 = vector.broadcast %mul3A_140 : i32 to vector<16xi32>
          %add3A_142 = arith.addi %iota3A, %broadcast_in_dim3A_141 : vector<16xi32>
          %div3A = arith.constant 20 : i32
          %div3A_143 = vector.broadcast %div3A : i32 to vector<16xi32>
          %div3A_144 = arith.divsi %add3A_142, %div3A_143 : vector<16xi32>
          %add3A_145 = arith.addi %broadcast_in_dim3A_131, %div3A_144 : vector<16xi32>
          %rem3A_146 = arith.constant 26 : i32
          %rem3A_147 = vector.broadcast %rem3A_146 : i32 to vector<16xi32>
          %rem3A_148 = arith.remsi %add3A_145, %rem3A_147 : vector<16xi32>
          %mul3A_149 = arith.constant 16 : i32
          %mul3A_150 = arith.muli %scan3A_138, %mul3A_149 : i32
          %get3A = arith.index_cast %mul3A_150 : i32 to index
          %get3A_151 = tpu.vector_load %arg7[%get3A] {strides = array<i32>} : memref<640xi32, #tpu.memory_space<vmem>>, vector<16xi32>,
          %get3A_152 = vector.shape_cast %get3A_151 : vector<16xi32> to vector<16xi32>
          %mul3A_153 = arith.constant 100000 : i32
          %mul3A_154 = vector.broadcast %mul3A_153 : i32 to vector<16xi32>
          %mul3A_155 = arith.muli %rem3A_148, %mul3A_154 : vector<16xi32>
          %add3A_156 = arith.addi %get3A_152, %mul3A_155 : vector<16xi32>
          %mul3A_157 = arith.constant 16 : i32
          %mul3A_158 = arith.muli %scan3A_138, %mul3A_157 : i32
          %swap3A = arith.index_cast %mul3A_158 : i32 to index
          %swap3A_159 = tpu.vector_load %arg9[%swap3A] {strides = array<i32>} : memref<640xi32, #tpu.memory_space<vmem>>, vector<16xi32>,
          %swap3A_160 = vector.shape_cast %swap3A_159 : vector<16xi32> to vector<16xi32>
          %swap3A_161 = vector.shape_cast %add3A_156 : vector<16xi32> to vector<16xi32>
          tpu.vector_store %arg9[%swap3A], %swap3A_161 {strides = array<i32>} : memref<640xi32, #tpu.memory_space<vmem>>, vector<16xi32>,
        }
        %scan3A_137 = arith.constant 40 : i32
      } else {
      }
      %le3A_55 = arith.constant 101 : i32
      %le3A_56 = arith.cmpi sle, %add3A_52, %le3A_55 : i32
      %convert_element_type3A_57 = arith.extui %le3A_56 : i1 to i32
      %cond3A_58 = arith.constant 0 : i32
      %cond3A_59 = arith.cmpi ne, %convert_element_type3A_57, %cond3A_58 : i32
      scf.if %cond3A_59 {
        %add3A_121 = arith.constant 2 : i32
        %add3A_122 = arith.addi %add3A_52, %add3A_121 : i32
        %mul3A_123 = arith.constant 32 : i32
        %mul3A_124 = arith.muli %add3A_122, %mul3A_123 : i32
        %add3A_125 = arith.addi %mul3A_2, %mul3A_124 : i32
        %mul3A_126 = arith.constant 20 : i32
        %mul3A_127 = arith.muli %add3A_125, %mul3A_126 : i32
        %dma_start3A_128 = tpu.memref_slice %arg3[%mul3A_127] : memref<2129920xi32, #tpu.memory_space<hbm>> -> memref<640xi32, #tpu.memory_space<hbm>>
        %dma_start3A_129 = tpu.memref_slice %arg3[%mul3A_127] : memref<2129920xi32, #tpu.memory_space<hbm>> -> memref<640xi32, #tpu.memory_space<hbm>>
        tpu.enqueue_dma source(%dma_start3A_129 : memref<640xi32, #tpu.memory_space<hbm>>) target(%arg6 : memref<640xi32, #tpu.memory_space<vmem>>) target_semaphore(%arg18 : memref<!tpu.dma_semaphore, #tpu.memory_space<semaphore_mem>>)
      } else {
      }
      tpu.wait_dma2 semaphore(%arg14 : memref<!tpu.dma_semaphore, #tpu.memory_space<semaphore_mem>>) src(%arg4 : memref<320x128xf32, #tpu.memory_space<hbm>>) dst(%arg10 : memref<320x128xf32, #tpu.memory_space<vmem>>)
      %ge3A = arith.constant 2 : i32
      %ge3A_60 = arith.cmpi sge, %add3A_52, %ge3A : i32
      %convert_element_type3A_61 = arith.extui %ge3A_60 : i1 to i32
      %cond3A_62 = arith.constant 0 : i32
      %cond3A_63 = arith.cmpi ne, %convert_element_type3A_61, %cond3A_62 : i32
      scf.if %cond3A_63 {
        %dma_wait3A_121 = arith.constant 0 : i32
        %dma_wait3A_122 = arith.constant 0 : i32
        %dma_wait3A_123 = tpu.memref_slice %arg5[%dma_wait3A_121, %dma_wait3A_122] : memref<106496x64xf32, #tpu.memory_space<hbm>> -> memref<32x64xf32, #tpu.memory_space<hbm>>
        %dma_wait3A_124 = arith.constant 0 : i32
        %dma_wait3A_125 = arith.constant 0 : i32
        %dma_wait3A_126 = tpu.memref_slice %arg5[%dma_wait3A_124, %dma_wait3A_125] : memref<106496x64xf32, #tpu.memory_space<hbm>> -> memref<32x64xf32, #tpu.memory_space<hbm>>
        tpu.wait_dma2 semaphore(%arg16 : memref<!tpu.dma_semaphore, #tpu.memory_space<semaphore_mem>>) src(%arg12 : memref<32x64xf32, #tpu.memory_space<vmem>>) dst(%dma_wait3A_126 : memref<32x64xf32, #tpu.memory_space<hbm>>)
      } else {
      }
      %scan3A_64 = arith.constant 0 : i32
      %scan3A_65 = arith.constant 0 : i32
      %scan3A_66 = arith.constant 40 : i32
      %scan3A_67 = arith.addi %scan3A_65, %scan3A_66 : i32
      %scan3A_68 = arith.constant 1 : i32
      scf.for %scan3A_121 = %scan3A_65 to %scan3A_67 step %scan3A_68  : i32 {
        %mul3A_122 = arith.constant 16 : i32
        %mul3A_123 = arith.muli %scan3A_121, %mul3A_122 : i32
        %get3A = arith.index_cast %mul3A_123 : i32 to index
        %get3A_124 = tpu.vector_load %arg9[%get3A] {strides = array<i32>} : memref<640xi32, #tpu.memory_space<vmem>>, vector<16xi32>,
        %get3A_125 = vector.shape_cast %get3A_124 : vector<16xi32> to vector<16xi32>
        %slice3A = vector.extract_strided_slice %get3A_125 {offsets = [0], sizes = [1], strides = [1]} : vector<16xi32> to vector<1xi32>
        %squeeze3A = vector.extract %slice3A[0] : i32 from vector<1xi32>
        %mul3A_126 = arith.constant 8 : i32
        %mul3A_127 = arith.muli %scan3A_121, %mul3A_126 : i32
        %add3A_128 = arith.constant 0 : i32
        %add3A_129 = arith.addi %mul3A_127, %add3A_128 : i32
        %dma_start3A_130 = arith.constant 0 : i32
        %dma_start3A_131 = tpu.memref_slice %arg11[%add3A_129, %dma_start3A_130] : memref<320x128xf32, #tpu.memory_space<vmem>> -> memref<1x64xf32, #tpu.memory_space<vmem>>
        %dma_start3A_132 = tpu.memref_squeeze %dma_start3A_131 : memref<1x64xf32, #tpu.memory_space<vmem>> -> memref<64xf32, #tpu.memory_space<vmem>>
        %dma_start3A_133 = arith.constant 0 : i32
        %dma_start3A_134 = tpu.memref_slice %arg2[%squeeze3A, %dma_start3A_133] : memref<2600000x64xf32, #tpu.memory_space<hbm>> -> memref<1x64xf32, #tpu.memory_space<hbm>>
        %dma_start3A_135 = tpu.memref_squeeze %dma_start3A_134 : memref<1x64xf32, #tpu.memory_space<hbm>> -> memref<64xf32, #tpu.memory_space<hbm>>
        %dma_start3A_136 = arith.constant 0 : i32
        %dma_start3A_137 = tpu.memref_slice %arg11[%add3A_129, %dma_start3A_136] : memref<320x128xf32, #tpu.memory_space<vmem>> -> memref<1x64xf32, #tpu.memory_space<vmem>>
        %dma_start3A_138 = tpu.memref_squeeze %dma_start3A_137 : memref<1x64xf32, #tpu.memory_space<vmem>> -> memref<64xf32, #tpu.memory_space<vmem>>
        %dma_start3A_139 = arith.constant 0 : i32
        %dma_start3A_140 = tpu.memref_slice %arg2[%squeeze3A, %dma_start3A_139] : memref<2600000x64xf32, #tpu.memory_space<hbm>> -> memref<1x64xf32, #tpu.memory_space<hbm>>
        %dma_start3A_141 = tpu.memref_squeeze %dma_start3A_140 : memref<1x64xf32, #tpu.memory_space<hbm>> -> memref<64xf32, #tpu.memory_space<hbm>>
        tpu.enqueue_dma source(%dma_start3A_141 : memref<64xf32, #tpu.memory_space<hbm>>) target(%dma_start3A_138 : memref<64xf32, #tpu.memory_space<vmem>>) target_semaphore(%arg15 : memref<!tpu.dma_semaphore, #tpu.memory_space<semaphore_mem>>)
        %slice3A_142 = vector.extract_strided_slice %get3A_125 {offsets = [1], sizes = [1], strides = [1]} : vector<16xi32> to vector<1xi32>
        %squeeze3A_143 = vector.extract %slice3A_142[0] : i32 from vector<1xi32>
        %mul3A_144 = arith.constant 8 : i32
        %mul3A_145 = arith.muli %scan3A_121, %mul3A_144 : i32
        %add3A_146 = arith.constant 0 : i32
        %add3A_147 = arith.addi %mul3A_145, %add3A_146 : i32
        %dma_start3A_148 = arith.constant 64 : i32
        %dma_start3A_149 = tpu.memref_slice %arg11[%add3A_147, %dma_start3A_148] : memref<320x128xf32, #tpu.memory_space<vmem>> -> memref<1x64xf32, #tpu.memory_space<vmem>>
        %dma_start3A_150 = tpu.memref_squeeze %dma_start3A_149 : memref<1x64xf32, #tpu.memory_space<vmem>> -> memref<64xf32, #tpu.memory_space<vmem>>
        %dma_start3A_151 = arith.constant 0 : i32
        %dma_start3A_152 = tpu.memref_slice %arg2[%squeeze3A_143, %dma_start3A_151] : memref<2600000x64xf32, #tpu.memory_space<hbm>> -> memref<1x64xf32, #tpu.memory_space<hbm>>
        %dma_start3A_153 = tpu.memref_squeeze %dma_start3A_152 : memref<1x64xf32, #tpu.memory_space<hbm>> -> memref<64xf32, #tpu.memory_space<hbm>>
        %dma_start3A_154 = arith.constant 64 : i32
        %dma_start3A_155 = tpu.memref_slice %arg11[%add3A_147, %dma_start3A_154] : memref<320x128xf32, #tpu.memory_space<vmem>> -> memref<1x64xf32, #tpu.memory_space<vmem>>
        %dma_start3A_156 = tpu.memref_squeeze %dma_start3A_155 : memref<1x64xf32, #tpu.memory_space<vmem>> -> memref<64xf32, #tpu.memory_space<vmem>>
        %dma_start3A_157 = arith.constant 0 : i32
        %dma_start3A_158 = tpu.memref_slice %arg2[%squeeze3A_143, %dma_start3A_157] : memref<2600000x64xf32, #tpu.memory_space<hbm>> -> memref<1x64xf32, #tpu.memory_space<hbm>>
        %dma_start3A_159 = tpu.memref_squeeze %dma_start3A_158 : memref<1x64xf32, #tpu.memory_space<hbm>> -> memref<64xf32, #tpu.memory_space<hbm>>
        tpu.enqueue_dma source(%dma_start3A_159 : memref<64xf32, #tpu.memory_space<hbm>>) target(%dma_start3A_156 : memref<64xf32, #tpu.memory_space<vmem>>) target_semaphore(%arg15 : memref<!tpu.dma_semaphore, #tpu.memory_space<semaphore_mem>>)
        %slice3A_160 = vector.extract_strided_slice %get3A_125 {offsets = [2], sizes = [1], strides = [1]} : vector<16xi32> to vector<1xi32>
        %squeeze3A_161 = vector.extract %slice3A_160[0] : i32 from vector<1xi32>
        %mul3A_162 = arith.constant 8 : i32
        %mul3A_163 = arith.muli %scan3A_121, %mul3A_162 : i32
        %add3A_164 = arith.constant 1 : i32
        %add3A_165 = arith.addi %mul3A_163, %add3A_164 : i32
        %dma_start3A_166 = arith.constant 0 : i32
        %dma_start3A_167 = tpu.memref_slice %arg11[%add3A_165, %dma_start3A_166] : memref<320x128xf32, #tpu.memory_space<vmem>> -> memref<1x64xf32, #tpu.memory_space<vmem>>
        %dma_start3A_168 = tpu.memref_squeeze %dma_start3A_167 : memref<1x64xf32, #tpu.memory_space<vmem>> -> memref<64xf32, #tpu.memory_space<vmem>>
        %dma_start3A_169 = arith.constant 0 : i32
        %dma_start3A_170 = tpu.memref_slice %arg2[%squeeze3A_161, %dma_start3A_169] : memref<2600000x64xf32, #tpu.memory_space<hbm>> -> memref<1x64xf32, #tpu.memory_space<hbm>>
        %dma_start3A_171 = tpu.memref_squeeze %dma_start3A_170 : memref<1x64xf32, #tpu.memory_space<hbm>> -> memref<64xf32, #tpu.memory_space<hbm>>
        %dma_start3A_172 = arith.constant 0 : i32
        %dma_start3A_173 = tpu.memref_slice %arg11[%add3A_165, %dma_start3A_172] : memref<320x128xf32, #tpu.memory_space<vmem>> -> memref<1x64xf32, #tpu.memory_space<vmem>>
        %dma_start3A_174 = tpu.memref_squeeze %dma_start3A_173 : memref<1x64xf32, #tpu.memory_space<vmem>> -> memref<64xf32, #tpu.memory_space<vmem>>
        %dma_start3A_175 = arith.constant 0 : i32
        %dma_start3A_176 = tpu.memref_slice %arg2[%squeeze3A_161, %dma_start3A_175] : memref<2600000x64xf32, #tpu.memory_space<hbm>> -> memref<1x64xf32, #tpu.memory_space<hbm>>
        %dma_start3A_177 = tpu.memref_squeeze %dma_start3A_176 : memref<1x64xf32, #tpu.memory_space<hbm>> -> memref<64xf32, #tpu.memory_space<hbm>>
        tpu.enqueue_dma source(%dma_start3A_177 : memref<64xf32, #tpu.memory_space<hbm>>) target(%dma_start3A_174 : memref<64xf32, #tpu.memory_space<vmem>>) target_semaphore(%arg15 : memref<!tpu.dma_semaphore, #tpu.memory_space<semaphore_mem>>)
        %slice3A_178 = vector.extract_strided_slice %get3A_125 {offsets = [3], sizes = [1], strides = [1]} : vector<16xi32> to vector<1xi32>
        %squeeze3A_179 = vector.extract %slice3A_178[0] : i32 from vector<1xi32>
        %mul3A_180 = arith.constant 8 : i32
        %mul3A_181 = arith.muli %scan3A_121, %mul3A_180 : i32
        %add3A_182 = arith.constant 1 : i32
        %add3A_183 = arith.addi %mul3A_181, %add3A_182 : i32
        %dma_start3A_184 = arith.constant 64 : i32
        %dma_start3A_185 = tpu.memref_slice %arg11[%add3A_183, %dma_start3A_184] : memref<320x128xf32, #tpu.memory_space<vmem>> -> memref<1x64xf32, #tpu.memory_space<vmem>>
        %dma_start3A_186 = tpu.memref_squeeze %dma_start3A_185 : memref<1x64xf32, #tpu.memory_space<vmem>> -> memref<64xf32, #tpu.memory_space<vmem>>
        %dma_start3A_187 = arith.constant 0 : i32
        %dma_start3A_188 = tpu.memref_slice %arg2[%squeeze3A_179, %dma_start3A_187] : memref<2600000x64xf32, #tpu.memory_space<hbm>> -> memref<1x64xf32, #tpu.memory_space<hbm>>
        %dma_start3A_189 = tpu.memref_squeeze %dma_start3A_188 : memref<1x64xf32, #tpu.memory_space<hbm>> -> memref<64xf32, #tpu.memory_space<hbm>>
        %dma_start3A_190 = arith.constant 64 : i32
        %dma_start3A_191 = tpu.memref_slice %arg11[%add3A_183, %dma_start3A_190] : memref<320x128xf32, #tpu.memory_space<vmem>> -> memref<1x64xf32, #tpu.memory_space<vmem>>
        %dma_start3A_192 = tpu.memref_squeeze %dma_start3A_191 : memref<1x64xf32, #tpu.memory_space<vmem>> -> memref<64xf32, #tpu.memory_space<vmem>>
        %dma_start3A_193 = arith.constant 0 : i32
        %dma_start3A_194 = tpu.memref_slice %arg2[%squeeze3A_179, %dma_start3A_193] : memref<2600000x64xf32, #tpu.memory_space<hbm>> -> memref<1x64xf32, #tpu.memory_space<hbm>>
        %dma_start3A_195 = tpu.memref_squeeze %dma_start3A_194 : memref<1x64xf32, #tpu.memory_space<hbm>> -> memref<64xf32, #tpu.memory_space<hbm>>
        tpu.enqueue_dma source(%dma_start3A_195 : memref<64xf32, #tpu.memory_space<hbm>>) target(%dma_start3A_192 : memref<64xf32, #tpu.memory_space<vmem>>) target_semaphore(%arg15 : memref<!tpu.dma_semaphore, #tpu.memory_space<semaphore_mem>>)
        %slice3A_196 = vector.extract_strided_slice %get3A_125 {offsets = [4], sizes = [1], strides = [1]} : vector<16xi32> to vector<1xi32>
        %squeeze3A_197 = vector.extract %slice3A_196[0] : i32 from vector<1xi32>
        %mul3A_198 = arith.constant 8 : i32
        %mul3A_199 = arith.muli %scan3A_121, %mul3A_198 : i32
        %add3A_200 = arith.constant 2 : i32
        %add3A_201 = arith.addi %mul3A_199, %add3A_200 : i32
        %dma_start3A_202 = arith.constant 0 : i32
        %dma_start3A_203 = tpu.memref_slice %arg11[%add3A_201, %dma_start3A_202] : memref<320x128xf32, #tpu.memory_space<vmem>> -> memref<1x64xf32, #tpu.memory_space<vmem>>
        %dma_start3A_204 = tpu.memref_squeeze %dma_start3A_203 : memref<1x64xf32, #tpu.memory_space<vmem>> -> memref<64xf32, #tpu.memory_space<vmem>>
        %dma_start3A_205 = arith.constant 0 : i32
        %dma_start3A_206 = tpu.memref_slice %arg2[%squeeze3A_197, %dma_start3A_205] : memref<2600000x64xf32, #tpu.memory_space<hbm>> -> memref<1x64xf32, #tpu.memory_space<hbm>>
        %dma_start3A_207 = tpu.memref_squeeze %dma_start3A_206 : memref<1x64xf32, #tpu.memory_space<hbm>> -> memref<64xf32, #tpu.memory_space<hbm>>
        %dma_start3A_208 = arith.constant 0 : i32
        %dma_start3A_209 = tpu.memref_slice %arg11[%add3A_201, %dma_start3A_208] : memref<320x128xf32, #tpu.memory_space<vmem>> -> memref<1x64xf32, #tpu.memory_space<vmem>>
        %dma_start3A_210 = tpu.memref_squeeze %dma_start3A_209 : memref<1x64xf32, #tpu.memory_space<vmem>> -> memref<64xf32, #tpu.memory_space<vmem>>
        %dma_start3A_211 = arith.constant 0 : i32
        %dma_start3A_212 = tpu.memref_slice %arg2[%squeeze3A_197, %dma_start3A_211] : memref<2600000x64xf32, #tpu.memory_space<hbm>> -> memref<1x64xf32, #tpu.memory_space<hbm>>
        %dma_start3A_213 = tpu.memref_squeeze %dma_start3A_212 : memref<1x64xf32, #tpu.memory_space<hbm>> -> memref<64xf32, #tpu.memory_space<hbm>>
        tpu.enqueue_dma source(%dma_start3A_213 : memref<64xf32, #tpu.memory_space<hbm>>) target(%dma_start3A_210 : memref<64xf32, #tpu.memory_space<vmem>>) target_semaphore(%arg15 : memref<!tpu.dma_semaphore, #tpu.memory_space<semaphore_mem>>)
        %slice3A_214 = vector.extract_strided_slice %get3A_125 {offsets = [5], sizes = [1], strides = [1]} : vector<16xi32> to vector<1xi32>
        %squeeze3A_215 = vector.extract %slice3A_214[0] : i32 from vector<1xi32>
        %mul3A_216 = arith.constant 8 : i32
        %mul3A_217 = arith.muli %scan3A_121, %mul3A_216 : i32
        %add3A_218 = arith.constant 2 : i32
        %add3A_219 = arith.addi %mul3A_217, %add3A_218 : i32
        %dma_start3A_220 = arith.constant 64 : i32
        %dma_start3A_221 = tpu.memref_slice %arg11[%add3A_219, %dma_start3A_220] : memref<320x128xf32, #tpu.memory_space<vmem>> -> memref<1x64xf32, #tpu.memory_space<vmem>>
        %dma_start3A_222 = tpu.memref_squeeze %dma_start3A_221 : memref<1x64xf32, #tpu.memory_space<vmem>> -> memref<64xf32, #tpu.memory_space<vmem>>
        %dma_start3A_223 = arith.constant 0 : i32
        %dma_start3A_224 = tpu.memref_slice %arg2[%squeeze3A_215, %dma_start3A_223] : memref<2600000x64xf32, #tpu.memory_space<hbm>> -> memref<1x64xf32, #tpu.memory_space<hbm>>
        %dma_start3A_225 = tpu.memref_squeeze %dma_start3A_224 : memref<1x64xf32, #tpu.memory_space<hbm>> -> memref<64xf32, #tpu.memory_space<hbm>>
        %dma_start3A_226 = arith.constant 64 : i32
        %dma_start3A_227 = tpu.memref_slice %arg11[%add3A_219, %dma_start3A_226] : memref<320x128xf32, #tpu.memory_space<vmem>> -> memref<1x64xf32, #tpu.memory_space<vmem>>
        %dma_start3A_228 = tpu.memref_squeeze %dma_start3A_227 : memref<1x64xf32, #tpu.memory_space<vmem>> -> memref<64xf32, #tpu.memory_space<vmem>>
        %dma_start3A_229 = arith.constant 0 : i32
        %dma_start3A_230 = tpu.memref_slice %arg2[%squeeze3A_215, %dma_start3A_229] : memref<2600000x64xf32, #tpu.memory_space<hbm>> -> memref<1x64xf32, #tpu.memory_space<hbm>>
        %dma_start3A_231 = tpu.memref_squeeze %dma_start3A_230 : memref<1x64xf32, #tpu.memory_space<hbm>> -> memref<64xf32, #tpu.memory_space<hbm>>
        tpu.enqueue_dma source(%dma_start3A_231 : memref<64xf32, #tpu.memory_space<hbm>>) target(%dma_start3A_228 : memref<64xf32, #tpu.memory_space<vmem>>) target_semaphore(%arg15 : memref<!tpu.dma_semaphore, #tpu.memory_space<semaphore_mem>>)
        %slice3A_232 = vector.extract_strided_slice %get3A_125 {offsets = [6], sizes = [1], strides = [1]} : vector<16xi32> to vector<1xi32>
        %squeeze3A_233 = vector.extract %slice3A_232[0] : i32 from vector<1xi32>
        %mul3A_234 = arith.constant 8 : i32
        %mul3A_235 = arith.muli %scan3A_121, %mul3A_234 : i32
        %add3A_236 = arith.constant 3 : i32
        %add3A_237 = arith.addi %mul3A_235, %add3A_236 : i32
        %dma_start3A_238 = arith.constant 0 : i32
        %dma_start3A_239 = tpu.memref_slice %arg11[%add3A_237, %dma_start3A_238] : memref<320x128xf32, #tpu.memory_space<vmem>> -> memref<1x64xf32, #tpu.memory_space<vmem>>
        %dma_start3A_240 = tpu.memref_squeeze %dma_start3A_239 : memref<1x64xf32, #tpu.memory_space<vmem>> -> memref<64xf32, #tpu.memory_space<vmem>>
        %dma_start3A_241 = arith.constant 0 : i32
        %dma_start3A_242 = tpu.memref_slice %arg2[%squeeze3A_233, %dma_start3A_241] : memref<2600000x64xf32, #tpu.memory_space<hbm>> -> memref<1x64xf32, #tpu.memory_space<hbm>>
        %dma_start3A_243 = tpu.memref_squeeze %dma_start3A_242 : memref<1x64xf32, #tpu.memory_space<hbm>> -> memref<64xf32, #tpu.memory_space<hbm>>
        %dma_start3A_244 = arith.constant 0 : i32
        %dma_start3A_245 = tpu.memref_slice %arg11[%add3A_237, %dma_start3A_244] : memref<320x128xf32, #tpu.memory_space<vmem>> -> memref<1x64xf32, #tpu.memory_space<vmem>>
        %dma_start3A_246 = tpu.memref_squeeze %dma_start3A_245 : memref<1x64xf32, #tpu.memory_space<vmem>> -> memref<64xf32, #tpu.memory_space<vmem>>
        %dma_start3A_247 = arith.constant 0 : i32
        %dma_start3A_248 = tpu.memref_slice %arg2[%squeeze3A_233, %dma_start3A_247] : memref<2600000x64xf32, #tpu.memory_space<hbm>> -> memref<1x64xf32, #tpu.memory_space<hbm>>
        %dma_start3A_249 = tpu.memref_squeeze %dma_start3A_248 : memref<1x64xf32, #tpu.memory_space<hbm>> -> memref<64xf32, #tpu.memory_space<hbm>>
        tpu.enqueue_dma source(%dma_start3A_249 : memref<64xf32, #tpu.memory_space<hbm>>) target(%dma_start3A_246 : memref<64xf32, #tpu.memory_space<vmem>>) target_semaphore(%arg15 : memref<!tpu.dma_semaphore, #tpu.memory_space<semaphore_mem>>)
        %slice3A_250 = vector.extract_strided_slice %get3A_125 {offsets = [7], sizes = [1], strides = [1]} : vector<16xi32> to vector<1xi32>
        %squeeze3A_251 = vector.extract %slice3A_250[0] : i32 from vector<1xi32>
        %mul3A_252 = arith.constant 8 : i32
        %mul3A_253 = arith.muli %scan3A_121, %mul3A_252 : i32
        %add3A_254 = arith.constant 3 : i32
        %add3A_255 = arith.addi %mul3A_253, %add3A_254 : i32
        %dma_start3A_256 = arith.constant 64 : i32
        %dma_start3A_257 = tpu.memref_slice %arg11[%add3A_255, %dma_start3A_256] : memref<320x128xf32, #tpu.memory_space<vmem>> -> memref<1x64xf32, #tpu.memory_space<vmem>>
        %dma_start3A_258 = tpu.memref_squeeze %dma_start3A_257 : memref<1x64xf32, #tpu.memory_space<vmem>> -> memref<64xf32, #tpu.memory_space<vmem>>
        %dma_start3A_259 = arith.constant 0 : i32
        %dma_start3A_260 = tpu.memref_slice %arg2[%squeeze3A_251, %dma_start3A_259] : memref<2600000x64xf32, #tpu.memory_space<hbm>> -> memref<1x64xf32, #tpu.memory_space<hbm>>
        %dma_start3A_261 = tpu.memref_squeeze %dma_start3A_260 : memref<1x64xf32, #tpu.memory_space<hbm>> -> memref<64xf32, #tpu.memory_space<hbm>>
        %dma_start3A_262 = arith.constant 64 : i32
        %dma_start3A_263 = tpu.memref_slice %arg11[%add3A_255, %dma_start3A_262] : memref<320x128xf32, #tpu.memory_space<vmem>> -> memref<1x64xf32, #tpu.memory_space<vmem>>
        %dma_start3A_264 = tpu.memref_squeeze %dma_start3A_263 : memref<1x64xf32, #tpu.memory_space<vmem>> -> memref<64xf32, #tpu.memory_space<vmem>>
        %dma_start3A_265 = arith.constant 0 : i32
        %dma_start3A_266 = tpu.memref_slice %arg2[%squeeze3A_251, %dma_start3A_265] : memref<2600000x64xf32, #tpu.memory_space<hbm>> -> memref<1x64xf32, #tpu.memory_space<hbm>>
        %dma_start3A_267 = tpu.memref_squeeze %dma_start3A_266 : memref<1x64xf32, #tpu.memory_space<hbm>> -> memref<64xf32, #tpu.memory_space<hbm>>
        tpu.enqueue_dma source(%dma_start3A_267 : memref<64xf32, #tpu.memory_space<hbm>>) target(%dma_start3A_264 : memref<64xf32, #tpu.memory_space<vmem>>) target_semaphore(%arg15 : memref<!tpu.dma_semaphore, #tpu.memory_space<semaphore_mem>>)
        %slice3A_268 = vector.extract_strided_slice %get3A_125 {offsets = [8], sizes = [1], strides = [1]} : vector<16xi32> to vector<1xi32>
        %squeeze3A_269 = vector.extract %slice3A_268[0] : i32 from vector<1xi32>
        %mul3A_270 = arith.constant 8 : i32
        %mul3A_271 = arith.muli %scan3A_121, %mul3A_270 : i32
        %add3A_272 = arith.constant 4 : i32
        %add3A_273 = arith.addi %mul3A_271, %add3A_272 : i32
        %dma_start3A_274 = arith.constant 0 : i32
        %dma_start3A_275 = tpu.memref_slice %arg11[%add3A_273, %dma_start3A_274] : memref<320x128xf32, #tpu.memory_space<vmem>> -> memref<1x64xf32, #tpu.memory_space<vmem>>
        %dma_start3A_276 = tpu.memref_squeeze %dma_start3A_275 : memref<1x64xf32, #tpu.memory_space<vmem>> -> memref<64xf32, #tpu.memory_space<vmem>>
        %dma_start3A_277 = arith.constant 0 : i32
        %dma_start3A_278 = tpu.memref_slice %arg2[%squeeze3A_269, %dma_start3A_277] : memref<2600000x64xf32, #tpu.memory_space<hbm>> -> memref<1x64xf32, #tpu.memory_space<hbm>>
        %dma_start3A_279 = tpu.memref_squeeze %dma_start3A_278 : memref<1x64xf32, #tpu.memory_space<hbm>> -> memref<64xf32, #tpu.memory_space<hbm>>
        %dma_start3A_280 = arith.constant 0 : i32
        %dma_start3A_281 = tpu.memref_slice %arg11[%add3A_273, %dma_start3A_280] : memref<320x128xf32, #tpu.memory_space<vmem>> -> memref<1x64xf32, #tpu.memory_space<vmem>>
        %dma_start3A_282 = tpu.memref_squeeze %dma_start3A_281 : memref<1x64xf32, #tpu.memory_space<vmem>> -> memref<64xf32, #tpu.memory_space<vmem>>
        %dma_start3A_283 = arith.constant 0 : i32
        %dma_start3A_284 = tpu.memref_slice %arg2[%squeeze3A_269, %dma_start3A_283] : memref<2600000x64xf32, #tpu.memory_space<hbm>> -> memref<1x64xf32, #tpu.memory_space<hbm>>
        %dma_start3A_285 = tpu.memref_squeeze %dma_start3A_284 : memref<1x64xf32, #tpu.memory_space<hbm>> -> memref<64xf32, #tpu.memory_space<hbm>>
        tpu.enqueue_dma source(%dma_start3A_285 : memref<64xf32, #tpu.memory_space<hbm>>) target(%dma_start3A_282 : memref<64xf32, #tpu.memory_space<vmem>>) target_semaphore(%arg15 : memref<!tpu.dma_semaphore, #tpu.memory_space<semaphore_mem>>)
        %slice3A_286 = vector.extract_strided_slice %get3A_125 {offsets = [9], sizes = [1], strides = [1]} : vector<16xi32> to vector<1xi32>
        %squeeze3A_287 = vector.extract %slice3A_286[0] : i32 from vector<1xi32>
        %mul3A_288 = arith.constant 8 : i32
        %mul3A_289 = arith.muli %scan3A_121, %mul3A_288 : i32
        %add3A_290 = arith.constant 4 : i32
        %add3A_291 = arith.addi %mul3A_289, %add3A_290 : i32
        %dma_start3A_292 = arith.constant 64 : i32
        %dma_start3A_293 = tpu.memref_slice %arg11[%add3A_291, %dma_start3A_292] : memref<320x128xf32, #tpu.memory_space<vmem>> -> memref<1x64xf32, #tpu.memory_space<vmem>>
        %dma_start3A_294 = tpu.memref_squeeze %dma_start3A_293 : memref<1x64xf32, #tpu.memory_space<vmem>> -> memref<64xf32, #tpu.memory_space<vmem>>
        %dma_start3A_295 = arith.constant 0 : i32
        %dma_start3A_296 = tpu.memref_slice %arg2[%squeeze3A_287, %dma_start3A_295] : memref<2600000x64xf32, #tpu.memory_space<hbm>> -> memref<1x64xf32, #tpu.memory_space<hbm>>
        %dma_start3A_297 = tpu.memref_squeeze %dma_start3A_296 : memref<1x64xf32, #tpu.memory_space<hbm>> -> memref<64xf32, #tpu.memory_space<hbm>>
        %dma_start3A_298 = arith.constant 64 : i32
        %dma_start3A_299 = tpu.memref_slice %arg11[%add3A_291, %dma_start3A_298] : memref<320x128xf32, #tpu.memory_space<vmem>> -> memref<1x64xf32, #tpu.memory_space<vmem>>
        %dma_start3A_300 = tpu.memref_squeeze %dma_start3A_299 : memref<1x64xf32, #tpu.memory_space<vmem>> -> memref<64xf32, #tpu.memory_space<vmem>>
        %dma_start3A_301 = arith.constant 0 : i32
        %dma_start3A_302 = tpu.memref_slice %arg2[%squeeze3A_287, %dma_start3A_301] : memref<2600000x64xf32, #tpu.memory_space<hbm>> -> memref<1x64xf32, #tpu.memory_space<hbm>>
        %dma_start3A_303 = tpu.memref_squeeze %dma_start3A_302 : memref<1x64xf32, #tpu.memory_space<hbm>> -> memref<64xf32, #tpu.memory_space<hbm>>
        tpu.enqueue_dma source(%dma_start3A_303 : memref<64xf32, #tpu.memory_space<hbm>>) target(%dma_start3A_300 : memref<64xf32, #tpu.memory_space<vmem>>) target_semaphore(%arg15 : memref<!tpu.dma_semaphore, #tpu.memory_space<semaphore_mem>>)
        %slice3A_304 = vector.extract_strided_slice %get3A_125 {offsets = [10], sizes = [1], strides = [1]} : vector<16xi32> to vector<1xi32>
        %squeeze3A_305 = vector.extract %slice3A_304[0] : i32 from vector<1xi32>
        %mul3A_306 = arith.constant 8 : i32
        %mul3A_307 = arith.muli %scan3A_121, %mul3A_306 : i32
        %add3A_308 = arith.constant 5 : i32
        %add3A_309 = arith.addi %mul3A_307, %add3A_308 : i32
        %dma_start3A_310 = arith.constant 0 : i32
        %dma_start3A_311 = tpu.memref_slice %arg11[%add3A_309, %dma_start3A_310] : memref<320x128xf32, #tpu.memory_space<vmem>> -> memref<1x64xf32, #tpu.memory_space<vmem>>
        %dma_start3A_312 = tpu.memref_squeeze %dma_start3A_311 : memref<1x64xf32, #tpu.memory_space<vmem>> -> memref<64xf32, #tpu.memory_space<vmem>>
        %dma_start3A_313 = arith.constant 0 : i32
        %dma_start3A_314 = tpu.memref_slice %arg2[%squeeze3A_305, %dma_start3A_313] : memref<2600000x64xf32, #tpu.memory_space<hbm>> -> memref<1x64xf32, #tpu.memory_space<hbm>>
        %dma_start3A_315 = tpu.memref_squeeze %dma_start3A_314 : memref<1x64xf32, #tpu.memory_space<hbm>> -> memref<64xf32, #tpu.memory_space<hbm>>
        %dma_start3A_316 = arith.constant 0 : i32
        %dma_start3A_317 = tpu.memref_slice %arg11[%add3A_309, %dma_start3A_316] : memref<320x128xf32, #tpu.memory_space<vmem>> -> memref<1x64xf32, #tpu.memory_space<vmem>>
        %dma_start3A_318 = tpu.memref_squeeze %dma_start3A_317 : memref<1x64xf32, #tpu.memory_space<vmem>> -> memref<64xf32, #tpu.memory_space<vmem>>
        %dma_start3A_319 = arith.constant 0 : i32
        %dma_start3A_320 = tpu.memref_slice %arg2[%squeeze3A_305, %dma_start3A_319] : memref<2600000x64xf32, #tpu.memory_space<hbm>> -> memref<1x64xf32, #tpu.memory_space<hbm>>
        %dma_start3A_321 = tpu.memref_squeeze %dma_start3A_320 : memref<1x64xf32, #tpu.memory_space<hbm>> -> memref<64xf32, #tpu.memory_space<hbm>>
        tpu.enqueue_dma source(%dma_start3A_321 : memref<64xf32, #tpu.memory_space<hbm>>) target(%dma_start3A_318 : memref<64xf32, #tpu.memory_space<vmem>>) target_semaphore(%arg15 : memref<!tpu.dma_semaphore, #tpu.memory_space<semaphore_mem>>)
        %slice3A_322 = vector.extract_strided_slice %get3A_125 {offsets = [11], sizes = [1], strides = [1]} : vector<16xi32> to vector<1xi32>
        %squeeze3A_323 = vector.extract %slice3A_322[0] : i32 from vector<1xi32>
        %mul3A_324 = arith.constant 8 : i32
        %mul3A_325 = arith.muli %scan3A_121, %mul3A_324 : i32
        %add3A_326 = arith.constant 5 : i32
        %add3A_327 = arith.addi %mul3A_325, %add3A_326 : i32
        %dma_start3A_328 = arith.constant 64 : i32
        %dma_start3A_329 = tpu.memref_slice %arg11[%add3A_327, %dma_start3A_328] : memref<320x128xf32, #tpu.memory_space<vmem>> -> memref<1x64xf32, #tpu.memory_space<vmem>>
        %dma_start3A_330 = tpu.memref_squeeze %dma_start3A_329 : memref<1x64xf32, #tpu.memory_space<vmem>> -> memref<64xf32, #tpu.memory_space<vmem>>
        %dma_start3A_331 = arith.constant 0 : i32
        %dma_start3A_332 = tpu.memref_slice %arg2[%squeeze3A_323, %dma_start3A_331] : memref<2600000x64xf32, #tpu.memory_space<hbm>> -> memref<1x64xf32, #tpu.memory_space<hbm>>
        %dma_start3A_333 = tpu.memref_squeeze %dma_start3A_332 : memref<1x64xf32, #tpu.memory_space<hbm>> -> memref<64xf32, #tpu.memory_space<hbm>>
        %dma_start3A_334 = arith.constant 64 : i32
        %dma_start3A_335 = tpu.memref_slice %arg11[%add3A_327, %dma_start3A_334] : memref<320x128xf32, #tpu.memory_space<vmem>> -> memref<1x64xf32, #tpu.memory_space<vmem>>
        %dma_start3A_336 = tpu.memref_squeeze %dma_start3A_335 : memref<1x64xf32, #tpu.memory_space<vmem>> -> memref<64xf32, #tpu.memory_space<vmem>>
        %dma_start3A_337 = arith.constant 0 : i32
        %dma_start3A_338 = tpu.memref_slice %arg2[%squeeze3A_323, %dma_start3A_337] : memref<2600000x64xf32, #tpu.memory_space<hbm>> -> memref<1x64xf32, #tpu.memory_space<hbm>>
        %dma_start3A_339 = tpu.memref_squeeze %dma_start3A_338 : memref<1x64xf32, #tpu.memory_space<hbm>> -> memref<64xf32, #tpu.memory_space<hbm>>
        tpu.enqueue_dma source(%dma_start3A_339 : memref<64xf32, #tpu.memory_space<hbm>>) target(%dma_start3A_336 : memref<64xf32, #tpu.memory_space<vmem>>) target_semaphore(%arg15 : memref<!tpu.dma_semaphore, #tpu.memory_space<semaphore_mem>>)
        %slice3A_340 = vector.extract_strided_slice %get3A_125 {offsets = [12], sizes = [1], strides = [1]} : vector<16xi32> to vector<1xi32>
        %squeeze3A_341 = vector.extract %slice3A_340[0] : i32 from vector<1xi32>
        %mul3A_342 = arith.constant 8 : i32
        %mul3A_343 = arith.muli %scan3A_121, %mul3A_342 : i32
        %add3A_344 = arith.constant 6 : i32
        %add3A_345 = arith.addi %mul3A_343, %add3A_344 : i32
        %dma_start3A_346 = arith.constant 0 : i32
        %dma_start3A_347 = tpu.memref_slice %arg11[%add3A_345, %dma_start3A_346] : memref<320x128xf32, #tpu.memory_space<vmem>> -> memref<1x64xf32, #tpu.memory_space<vmem>>
        %dma_start3A_348 = tpu.memref_squeeze %dma_start3A_347 : memref<1x64xf32, #tpu.memory_space<vmem>> -> memref<64xf32, #tpu.memory_space<vmem>>
        %dma_start3A_349 = arith.constant 0 : i32
        %dma_start3A_350 = tpu.memref_slice %arg2[%squeeze3A_341, %dma_start3A_349] : memref<2600000x64xf32, #tpu.memory_space<hbm>> -> memref<1x64xf32, #tpu.memory_space<hbm>>
        %dma_start3A_351 = tpu.memref_squeeze %dma_start3A_350 : memref<1x64xf32, #tpu.memory_space<hbm>> -> memref<64xf32, #tpu.memory_space<hbm>>
        %dma_start3A_352 = arith.constant 0 : i32
        %dma_start3A_353 = tpu.memref_slice %arg11[%add3A_345, %dma_start3A_352] : memref<320x128xf32, #tpu.memory_space<vmem>> -> memref<1x64xf32, #tpu.memory_space<vmem>>
        %dma_start3A_354 = tpu.memref_squeeze %dma_start3A_353 : memref<1x64xf32, #tpu.memory_space<vmem>> -> memref<64xf32, #tpu.memory_space<vmem>>
        %dma_start3A_355 = arith.constant 0 : i32
        %dma_start3A_356 = tpu.memref_slice %arg2[%squeeze3A_341, %dma_start3A_355] : memref<2600000x64xf32, #tpu.memory_space<hbm>> -> memref<1x64xf32, #tpu.memory_space<hbm>>
        %dma_start3A_357 = tpu.memref_squeeze %dma_start3A_356 : memref<1x64xf32, #tpu.memory_space<hbm>> -> memref<64xf32, #tpu.memory_space<hbm>>
        tpu.enqueue_dma source(%dma_start3A_357 : memref<64xf32, #tpu.memory_space<hbm>>) target(%dma_start3A_354 : memref<64xf32, #tpu.memory_space<vmem>>) target_semaphore(%arg15 : memref<!tpu.dma_semaphore, #tpu.memory_space<semaphore_mem>>)
        %slice3A_358 = vector.extract_strided_slice %get3A_125 {offsets = [13], sizes = [1], strides = [1]} : vector<16xi32> to vector<1xi32>
        %squeeze3A_359 = vector.extract %slice3A_358[0] : i32 from vector<1xi32>
        %mul3A_360 = arith.constant 8 : i32
        %mul3A_361 = arith.muli %scan3A_121, %mul3A_360 : i32
        %add3A_362 = arith.constant 6 : i32
        %add3A_363 = arith.addi %mul3A_361, %add3A_362 : i32
        %dma_start3A_364 = arith.constant 64 : i32
        %dma_start3A_365 = tpu.memref_slice %arg11[%add3A_363, %dma_start3A_364] : memref<320x128xf32, #tpu.memory_space<vmem>> -> memref<1x64xf32, #tpu.memory_space<vmem>>
        %dma_start3A_366 = tpu.memref_squeeze %dma_start3A_365 : memref<1x64xf32, #tpu.memory_space<vmem>> -> memref<64xf32, #tpu.memory_space<vmem>>
        %dma_start3A_367 = arith.constant 0 : i32
        %dma_start3A_368 = tpu.memref_slice %arg2[%squeeze3A_359, %dma_start3A_367] : memref<2600000x64xf32, #tpu.memory_space<hbm>> -> memref<1x64xf32, #tpu.memory_space<hbm>>
        %dma_start3A_369 = tpu.memref_squeeze %dma_start3A_368 : memref<1x64xf32, #tpu.memory_space<hbm>> -> memref<64xf32, #tpu.memory_space<hbm>>
        %dma_start3A_370 = arith.constant 64 : i32
        %dma_start3A_371 = tpu.memref_slice %arg11[%add3A_363, %dma_start3A_370] : memref<320x128xf32, #tpu.memory_space<vmem>> -> memref<1x64xf32, #tpu.memory_space<vmem>>
        %dma_start3A_372 = tpu.memref_squeeze %dma_start3A_371 : memref<1x64xf32, #tpu.memory_space<vmem>> -> memref<64xf32, #tpu.memory_space<vmem>>
        %dma_start3A_373 = arith.constant 0 : i32
        %dma_start3A_374 = tpu.memref_slice %arg2[%squeeze3A_359, %dma_start3A_373] : memref<2600000x64xf32, #tpu.memory_space<hbm>> -> memref<1x64xf32, #tpu.memory_space<hbm>>
        %dma_start3A_375 = tpu.memref_squeeze %dma_start3A_374 : memref<1x64xf32, #tpu.memory_space<hbm>> -> memref<64xf32, #tpu.memory_space<hbm>>
        tpu.enqueue_dma source(%dma_start3A_375 : memref<64xf32, #tpu.memory_space<hbm>>) target(%dma_start3A_372 : memref<64xf32, #tpu.memory_space<vmem>>) target_semaphore(%arg15 : memref<!tpu.dma_semaphore, #tpu.memory_space<semaphore_mem>>)
        %slice3A_376 = vector.extract_strided_slice %get3A_125 {offsets = [14], sizes = [1], strides = [1]} : vector<16xi32> to vector<1xi32>
        %squeeze3A_377 = vector.extract %slice3A_376[0] : i32 from vector<1xi32>
        %mul3A_378 = arith.constant 8 : i32
        %mul3A_379 = arith.muli %scan3A_121, %mul3A_378 : i32
        %add3A_380 = arith.constant 7 : i32
        %add3A_381 = arith.addi %mul3A_379, %add3A_380 : i32
        %dma_start3A_382 = arith.constant 0 : i32
        %dma_start3A_383 = tpu.memref_slice %arg11[%add3A_381, %dma_start3A_382] : memref<320x128xf32, #tpu.memory_space<vmem>> -> memref<1x64xf32, #tpu.memory_space<vmem>>
        %dma_start3A_384 = tpu.memref_squeeze %dma_start3A_383 : memref<1x64xf32, #tpu.memory_space<vmem>> -> memref<64xf32, #tpu.memory_space<vmem>>
        %dma_start3A_385 = arith.constant 0 : i32
        %dma_start3A_386 = tpu.memref_slice %arg2[%squeeze3A_377, %dma_start3A_385] : memref<2600000x64xf32, #tpu.memory_space<hbm>> -> memref<1x64xf32, #tpu.memory_space<hbm>>
        %dma_start3A_387 = tpu.memref_squeeze %dma_start3A_386 : memref<1x64xf32, #tpu.memory_space<hbm>> -> memref<64xf32, #tpu.memory_space<hbm>>
        %dma_start3A_388 = arith.constant 0 : i32
        %dma_start3A_389 = tpu.memref_slice %arg11[%add3A_381, %dma_start3A_388] : memref<320x128xf32, #tpu.memory_space<vmem>> -> memref<1x64xf32, #tpu.memory_space<vmem>>
        %dma_start3A_390 = tpu.memref_squeeze %dma_start3A_389 : memref<1x64xf32, #tpu.memory_space<vmem>> -> memref<64xf32, #tpu.memory_space<vmem>>
        %dma_start3A_391 = arith.constant 0 : i32
        %dma_start3A_392 = tpu.memref_slice %arg2[%squeeze3A_377, %dma_start3A_391] : memref<2600000x64xf32, #tpu.memory_space<hbm>> -> memref<1x64xf32, #tpu.memory_space<hbm>>
        %dma_start3A_393 = tpu.memref_squeeze %dma_start3A_392 : memref<1x64xf32, #tpu.memory_space<hbm>> -> memref<64xf32, #tpu.memory_space<hbm>>
        tpu.enqueue_dma source(%dma_start3A_393 : memref<64xf32, #tpu.memory_space<hbm>>) target(%dma_start3A_390 : memref<64xf32, #tpu.memory_space<vmem>>) target_semaphore(%arg15 : memref<!tpu.dma_semaphore, #tpu.memory_space<semaphore_mem>>)
        %slice3A_394 = vector.extract_strided_slice %get3A_125 {offsets = [15], sizes = [1], strides = [1]} : vector<16xi32> to vector<1xi32>
        %squeeze3A_395 = vector.extract %slice3A_394[0] : i32 from vector<1xi32>
        %mul3A_396 = arith.constant 8 : i32
        %mul3A_397 = arith.muli %scan3A_121, %mul3A_396 : i32
        %add3A_398 = arith.constant 7 : i32
        %add3A_399 = arith.addi %mul3A_397, %add3A_398 : i32
        %dma_start3A_400 = arith.constant 64 : i32
        %dma_start3A_401 = tpu.memref_slice %arg11[%add3A_399, %dma_start3A_400] : memref<320x128xf32, #tpu.memory_space<vmem>> -> memref<1x64xf32, #tpu.memory_space<vmem>>
        %dma_start3A_402 = tpu.memref_squeeze %dma_start3A_401 : memref<1x64xf32, #tpu.memory_space<vmem>> -> memref<64xf32, #tpu.memory_space<vmem>>
        %dma_start3A_403 = arith.constant 0 : i32
        %dma_start3A_404 = tpu.memref_slice %arg2[%squeeze3A_395, %dma_start3A_403] : memref<2600000x64xf32, #tpu.memory_space<hbm>> -> memref<1x64xf32, #tpu.memory_space<hbm>>
        %dma_start3A_405 = tpu.memref_squeeze %dma_start3A_404 : memref<1x64xf32, #tpu.memory_space<hbm>> -> memref<64xf32, #tpu.memory_space<hbm>>
        %dma_start3A_406 = arith.constant 64 : i32
        %dma_start3A_407 = tpu.memref_slice %arg11[%add3A_399, %dma_start3A_406] : memref<320x128xf32, #tpu.memory_space<vmem>> -> memref<1x64xf32, #tpu.memory_space<vmem>>
        %dma_start3A_408 = tpu.memref_squeeze %dma_start3A_407 : memref<1x64xf32, #tpu.memory_space<vmem>> -> memref<64xf32, #tpu.memory_space<vmem>>
        %dma_start3A_409 = arith.constant 0 : i32
        %dma_start3A_410 = tpu.memref_slice %arg2[%squeeze3A_395, %dma_start3A_409] : memref<2600000x64xf32, #tpu.memory_space<hbm>> -> memref<1x64xf32, #tpu.memory_space<hbm>>
        %dma_start3A_411 = tpu.memref_squeeze %dma_start3A_410 : memref<1x64xf32, #tpu.memory_space<hbm>> -> memref<64xf32, #tpu.memory_space<hbm>>
        tpu.enqueue_dma source(%dma_start3A_411 : memref<64xf32, #tpu.memory_space<hbm>>) target(%dma_start3A_408 : memref<64xf32, #tpu.memory_space<vmem>>) target_semaphore(%arg15 : memref<!tpu.dma_semaphore, #tpu.memory_space<semaphore_mem>>)
      }
      %scan3A_69 = arith.constant 40 : i32
      %mul3A_70 = arith.constant 32 : i32
      %mul3A_71 = arith.muli %add3A_52, %mul3A_70 : i32
      %add3A_72 = arith.addi %mul3A_2, %mul3A_71 : i32
      %scan3A_73 = arith.constant 0 : i32
      %scan3A_74 = arith.constant 0 : i32
      %scan3A_75 = arith.constant 16 : i32
      %scan3A_76 = arith.addi %scan3A_74, %scan3A_75 : i32
      %scan3A_77 = arith.constant 1 : i32
      scf.for %scan3A_121 = %scan3A_74 to %scan3A_76 step %scan3A_77  : i32 {
        %mul3A_122 = arith.constant 2 : i32
        %mul3A_123 = arith.muli %scan3A_121, %mul3A_122 : i32
        %add3A_124 = arith.constant 0 : i32
        %add3A_125 = arith.addi %mul3A_123, %add3A_124 : i32
        %mul3A_126 = arith.constant 10 : i32
        %mul3A_127 = arith.muli %add3A_125, %mul3A_126 : i32
        %get3A = arith.index_cast %mul3A_127 : i32 to index
        %get3A_128 = arith.constant 0 : index
        %get3A_129 = tpu.vector_load %arg10[%get3A, %get3A_128] {strides = array<i32>} : memref<320x128xf32, #tpu.memory_space<vmem>>, vector<1x16xf32>,
        %get3A_130 = vector.shape_cast %get3A_129 : vector<1x16xf32> to vector<16xf32>
        %add3A_131 = arith.constant 0 : i32
        %add3A_132 = arith.addi %mul3A_127, %add3A_131 : i32
        %get3A_133 = arith.index_cast %add3A_132 : i32 to index
        %get3A_134 = arith.constant 64 : index
        %get3A_135 = tpu.vector_load %arg10[%get3A_133, %get3A_134] {strides = array<i32>} : memref<320x128xf32, #tpu.memory_space<vmem>>, vector<1x16xf32>,
        %get3A_136 = vector.shape_cast %get3A_135 : vector<1x16xf32> to vector<16xf32>
        %add3A_137 = arith.addf %get3A_130, %get3A_136 : vector<16xf32>
        %add3A_138 = arith.constant 1 : i32
        %add3A_139 = arith.addi %mul3A_127, %add3A_138 : i32
        %get3A_140 = arith.index_cast %add3A_139 : i32 to index
        %get3A_141 = arith.constant 0 : index
        %get3A_142 = tpu.vector_load %arg10[%get3A_140, %get3A_141] {strides = array<i32>} : memref<320x128xf32, #tpu.memory_space<vmem>>, vector<1x16xf32>,
        %get3A_143 = vector.shape_cast %get3A_142 : vector<1x16xf32> to vector<16xf32>
        %add3A_144 = arith.addf %add3A_137, %get3A_143 : vector<16xf32>
        %add3A_145 = arith.constant 1 : i32
        %add3A_146 = arith.addi %mul3A_127, %add3A_145 : i32
        %get3A_147 = arith.index_cast %add3A_146 : i32 to index
        %get3A_148 = arith.constant 64 : index
        %get3A_149 = tpu.vector_load %arg10[%get3A_147, %get3A_148] {strides = array<i32>} : memref<320x128xf32, #tpu.memory_space<vmem>>, vector<1x16xf32>,
        %get3A_150 = vector.shape_cast %get3A_149 : vector<1x16xf32> to vector<16xf32>
        %add3A_151 = arith.addf %add3A_144, %get3A_150 : vector<16xf32>
        %add3A_152 = arith.constant 2 : i32
        %add3A_153 = arith.addi %mul3A_127, %add3A_152 : i32
        %get3A_154 = arith.index_cast %add3A_153 : i32 to index
        %get3A_155 = arith.constant 0 : index
        %get3A_156 = tpu.vector_load %arg10[%get3A_154, %get3A_155] {strides = array<i32>} : memref<320x128xf32, #tpu.memory_space<vmem>>, vector<1x16xf32>,
        %get3A_157 = vector.shape_cast %get3A_156 : vector<1x16xf32> to vector<16xf32>
        %add3A_158 = arith.addf %add3A_151, %get3A_157 : vector<16xf32>
        %add3A_159 = arith.constant 2 : i32
        %add3A_160 = arith.addi %mul3A_127, %add3A_159 : i32
        %get3A_161 = arith.index_cast %add3A_160 : i32 to index
        %get3A_162 = arith.constant 64 : index
        %get3A_163 = tpu.vector_load %arg10[%get3A_161, %get3A_162] {strides = array<i32>} : memref<320x128xf32, #tpu.memory_space<vmem>>, vector<1x16xf32>,
        %get3A_164 = vector.shape_cast %get3A_163 : vector<1x16xf32> to vector<16xf32>
        %add3A_165 = arith.addf %add3A_158, %get3A_164 : vector<16xf32>
        %add3A_166 = arith.constant 3 : i32
        %add3A_167 = arith.addi %mul3A_127, %add3A_166 : i32
        %get3A_168 = arith.index_cast %add3A_167 : i32 to index
        %get3A_169 = arith.constant 0 : index
        %get3A_170 = tpu.vector_load %arg10[%get3A_168, %get3A_169] {strides = array<i32>} : memref<320x128xf32, #tpu.memory_space<vmem>>, vector<1x16xf32>,
        %get3A_171 = vector.shape_cast %get3A_170 : vector<1x16xf32> to vector<16xf32>
        %add3A_172 = arith.addf %add3A_165, %get3A_171 : vector<16xf32>
        %add3A_173 = arith.constant 3 : i32
        %add3A_174 = arith.addi %mul3A_127, %add3A_173 : i32
        %get3A_175 = arith.index_cast %add3A_174 : i32 to index
        %get3A_176 = arith.constant 64 : index
        %get3A_177 = tpu.vector_load %arg10[%get3A_175, %get3A_176] {strides = array<i32>} : memref<320x128xf32, #tpu.memory_space<vmem>>, vector<1x16xf32>,
        %get3A_178 = vector.shape_cast %get3A_177 : vector<1x16xf32> to vector<16xf32>
        %add3A_179 = arith.addf %add3A_172, %get3A_178 : vector<16xf32>
        %add3A_180 = arith.constant 4 : i32
        %add3A_181 = arith.addi %mul3A_127, %add3A_180 : i32
        %get3A_182 = arith.index_cast %add3A_181 : i32 to index
        %get3A_183 = arith.constant 0 : index
        %get3A_184 = tpu.vector_load %arg10[%get3A_182, %get3A_183] {strides = array<i32>} : memref<320x128xf32, #tpu.memory_space<vmem>>, vector<1x16xf32>,
        %get3A_185 = vector.shape_cast %get3A_184 : vector<1x16xf32> to vector<16xf32>
        %add3A_186 = arith.addf %add3A_179, %get3A_185 : vector<16xf32>
        %add3A_187 = arith.constant 4 : i32
        %add3A_188 = arith.addi %mul3A_127, %add3A_187 : i32
        %get3A_189 = arith.index_cast %add3A_188 : i32 to index
        %get3A_190 = arith.constant 64 : index
        %get3A_191 = tpu.vector_load %arg10[%get3A_189, %get3A_190] {strides = array<i32>} : memref<320x128xf32, #tpu.memory_space<vmem>>, vector<1x16xf32>,
        %get3A_192 = vector.shape_cast %get3A_191 : vector<1x16xf32> to vector<16xf32>
        %add3A_193 = arith.addf %add3A_186, %get3A_192 : vector<16xf32>
        %add3A_194 = arith.constant 5 : i32
        %add3A_195 = arith.addi %mul3A_127, %add3A_194 : i32
        %get3A_196 = arith.index_cast %add3A_195 : i32 to index
        %get3A_197 = arith.constant 0 : index
        %get3A_198 = tpu.vector_load %arg10[%get3A_196, %get3A_197] {strides = array<i32>} : memref<320x128xf32, #tpu.memory_space<vmem>>, vector<1x16xf32>,
        %get3A_199 = vector.shape_cast %get3A_198 : vector<1x16xf32> to vector<16xf32>
        %add3A_200 = arith.addf %add3A_193, %get3A_199 : vector<16xf32>
        %add3A_201 = arith.constant 5 : i32
        %add3A_202 = arith.addi %mul3A_127, %add3A_201 : i32
        %get3A_203 = arith.index_cast %add3A_202 : i32 to index
        %get3A_204 = arith.constant 64 : index
        %get3A_205 = tpu.vector_load %arg10[%get3A_203, %get3A_204] {strides = array<i32>} : memref<320x128xf32, #tpu.memory_space<vmem>>, vector<1x16xf32>,
        %get3A_206 = vector.shape_cast %get3A_205 : vector<1x16xf32> to vector<16xf32>
        %add3A_207 = arith.addf %add3A_200, %get3A_206 : vector<16xf32>
        %add3A_208 = arith.constant 6 : i32
        %add3A_209 = arith.addi %mul3A_127, %add3A_208 : i32
        %get3A_210 = arith.index_cast %add3A_209 : i32 to index
        %get3A_211 = arith.constant 0 : index
        %get3A_212 = tpu.vector_load %arg10[%get3A_210, %get3A_211] {strides = array<i32>} : memref<320x128xf32, #tpu.memory_space<vmem>>, vector<1x16xf32>,
        %get3A_213 = vector.shape_cast %get3A_212 : vector<1x16xf32> to vector<16xf32>
        %add3A_214 = arith.addf %add3A_207, %get3A_213 : vector<16xf32>
        %add3A_215 = arith.constant 6 : i32
        %add3A_216 = arith.addi %mul3A_127, %add3A_215 : i32
        %get3A_217 = arith.index_cast %add3A_216 : i32 to index
        %get3A_218 = arith.constant 64 : index
        %get3A_219 = tpu.vector_load %arg10[%get3A_217, %get3A_218] {strides = array<i32>} : memref<320x128xf32, #tpu.memory_space<vmem>>, vector<1x16xf32>,
        %get3A_220 = vector.shape_cast %get3A_219 : vector<1x16xf32> to vector<16xf32>
        %add3A_221 = arith.addf %add3A_214, %get3A_220 : vector<16xf32>
        %add3A_222 = arith.constant 7 : i32
        %add3A_223 = arith.addi %mul3A_127, %add3A_222 : i32
        %get3A_224 = arith.index_cast %add3A_223 : i32 to index
        %get3A_225 = arith.constant 0 : index
        %get3A_226 = tpu.vector_load %arg10[%get3A_224, %get3A_225] {strides = array<i32>} : memref<320x128xf32, #tpu.memory_space<vmem>>, vector<1x16xf32>,
        %get3A_227 = vector.shape_cast %get3A_226 : vector<1x16xf32> to vector<16xf32>
        %add3A_228 = arith.addf %add3A_221, %get3A_227 : vector<16xf32>
        %add3A_229 = arith.constant 7 : i32
        %add3A_230 = arith.addi %mul3A_127, %add3A_229 : i32
        %get3A_231 = arith.index_cast %add3A_230 : i32 to index
        %get3A_232 = arith.constant 64 : index
        %get3A_233 = tpu.vector_load %arg10[%get3A_231, %get3A_232] {strides = array<i32>} : memref<320x128xf32, #tpu.memory_space<vmem>>, vector<1x16xf32>,
        %get3A_234 = vector.shape_cast %get3A_233 : vector<1x16xf32> to vector<16xf32>
        %add3A_235 = arith.addf %add3A_228, %get3A_234 : vector<16xf32>
        %add3A_236 = arith.constant 8 : i32
        %add3A_237 = arith.addi %mul3A_127, %add3A_236 : i32
        %get3A_238 = arith.index_cast %add3A_237 : i32 to index
        %get3A_239 = arith.constant 0 : index
        %get3A_240 = tpu.vector_load %arg10[%get3A_238, %get3A_239] {strides = array<i32>} : memref<320x128xf32, #tpu.memory_space<vmem>>, vector<1x16xf32>,
        %get3A_241 = vector.shape_cast %get3A_240 : vector<1x16xf32> to vector<16xf32>
        %add3A_242 = arith.addf %add3A_235, %get3A_241 : vector<16xf32>
        %add3A_243 = arith.constant 8 : i32
        %add3A_244 = arith.addi %mul3A_127, %add3A_243 : i32
        %get3A_245 = arith.index_cast %add3A_244 : i32 to index
        %get3A_246 = arith.constant 64 : index
        %get3A_247 = tpu.vector_load %arg10[%get3A_245, %get3A_246] {strides = array<i32>} : memref<320x128xf32, #tpu.memory_space<vmem>>, vector<1x16xf32>,
        %get3A_248 = vector.shape_cast %get3A_247 : vector<1x16xf32> to vector<16xf32>
        %add3A_249 = arith.addf %add3A_242, %get3A_248 : vector<16xf32>
        %add3A_250 = arith.constant 9 : i32
        %add3A_251 = arith.addi %mul3A_127, %add3A_250 : i32
        %get3A_252 = arith.index_cast %add3A_251 : i32 to index
        %get3A_253 = arith.constant 0 : index
        %get3A_254 = tpu.vector_load %arg10[%get3A_252, %get3A_253] {strides = array<i32>} : memref<320x128xf32, #tpu.memory_space<vmem>>, vector<1x16xf32>,
        %get3A_255 = vector.shape_cast %get3A_254 : vector<1x16xf32> to vector<16xf32>
        %add3A_256 = arith.addf %add3A_249, %get3A_255 : vector<16xf32>
        %add3A_257 = arith.constant 9 : i32
        %add3A_258 = arith.addi %mul3A_127, %add3A_257 : i32
        %get3A_259 = arith.index_cast %add3A_258 : i32 to index
        %get3A_260 = arith.constant 64 : index
        %get3A_261 = tpu.vector_load %arg10[%get3A_259, %get3A_260] {strides = array<i32>} : memref<320x128xf32, #tpu.memory_space<vmem>>, vector<1x16xf32>,
        %get3A_262 = vector.shape_cast %get3A_261 : vector<1x16xf32> to vector<16xf32>
        %add3A_263 = arith.addf %add3A_256, %get3A_262 : vector<16xf32>
        %swap3A = arith.index_cast %add3A_125 : i32 to index
        %swap3A_264 = arith.constant 0 : index
        %swap3A_265 = tpu.vector_load %arg12[%swap3A, %swap3A_264] {strides = array<i32>} : memref<32x64xf32, #tpu.memory_space<vmem>>, vector<1x16xf32>,
        %swap3A_266 = vector.shape_cast %swap3A_265 : vector<1x16xf32> to vector<16xf32>
        %swap3A_267 = vector.shape_cast %add3A_263 : vector<16xf32> to vector<1x16xf32>
        tpu.vector_store %arg12[%swap3A, %swap3A_264], %swap3A_267 {strides = array<i32>} : memref<32x64xf32, #tpu.memory_space<vmem>>, vector<1x16xf32>,
        %get3A_268 = arith.index_cast %mul3A_127 : i32 to index
        %get3A_269 = arith.constant 16 : index
        %get3A_270 = tpu.vector_load %arg10[%get3A_268, %get3A_269] {strides = array<i32>} : memref<320x128xf32, #tpu.memory_space<vmem>>, vector<1x16xf32>,
        %get3A_271 = vector.shape_cast %get3A_270 : vector<1x16xf32> to vector<16xf32>
        %add3A_272 = arith.constant 0 : i32
        %add3A_273 = arith.addi %mul3A_127, %add3A_272 : i32
        %get3A_274 = arith.index_cast %add3A_273 : i32 to index
        %get3A_275 = arith.constant 80 : index
        %get3A_276 = tpu.vector_load %arg10[%get3A_274, %get3A_275] {strides = array<i32>} : memref<320x128xf32, #tpu.memory_space<vmem>>, vector<1x16xf32>,
        %get3A_277 = vector.shape_cast %get3A_276 : vector<1x16xf32> to vector<16xf32>
        %add3A_278 = arith.addf %get3A_271, %get3A_277 : vector<16xf32>
        %add3A_279 = arith.constant 1 : i32
        %add3A_280 = arith.addi %mul3A_127, %add3A_279 : i32
        %get3A_281 = arith.index_cast %add3A_280 : i32 to index
        %get3A_282 = arith.constant 16 : index
        %get3A_283 = tpu.vector_load %arg10[%get3A_281, %get3A_282] {strides = array<i32>} : memref<320x128xf32, #tpu.memory_space<vmem>>, vector<1x16xf32>,
        %get3A_284 = vector.shape_cast %get3A_283 : vector<1x16xf32> to vector<16xf32>
        %add3A_285 = arith.addf %add3A_278, %get3A_284 : vector<16xf32>
        %add3A_286 = arith.constant 1 : i32
        %add3A_287 = arith.addi %mul3A_127, %add3A_286 : i32
        %get3A_288 = arith.index_cast %add3A_287 : i32 to index
        %get3A_289 = arith.constant 80 : index
        %get3A_290 = tpu.vector_load %arg10[%get3A_288, %get3A_289] {strides = array<i32>} : memref<320x128xf32, #tpu.memory_space<vmem>>, vector<1x16xf32>,
        %get3A_291 = vector.shape_cast %get3A_290 : vector<1x16xf32> to vector<16xf32>
        %add3A_292 = arith.addf %add3A_285, %get3A_291 : vector<16xf32>
        %add3A_293 = arith.constant 2 : i32
        %add3A_294 = arith.addi %mul3A_127, %add3A_293 : i32
        %get3A_295 = arith.index_cast %add3A_294 : i32 to index
        %get3A_296 = arith.constant 16 : index
        %get3A_297 = tpu.vector_load %arg10[%get3A_295, %get3A_296] {strides = array<i32>} : memref<320x128xf32, #tpu.memory_space<vmem>>, vector<1x16xf32>,
        %get3A_298 = vector.shape_cast %get3A_297 : vector<1x16xf32> to vector<16xf32>
        %add3A_299 = arith.addf %add3A_292, %get3A_298 : vector<16xf32>
        %add3A_300 = arith.constant 2 : i32
        %add3A_301 = arith.addi %mul3A_127, %add3A_300 : i32
        %get3A_302 = arith.index_cast %add3A_301 : i32 to index
        %get3A_303 = arith.constant 80 : index
        %get3A_304 = tpu.vector_load %arg10[%get3A_302, %get3A_303] {strides = array<i32>} : memref<320x128xf32, #tpu.memory_space<vmem>>, vector<1x16xf32>,
        %get3A_305 = vector.shape_cast %get3A_304 : vector<1x16xf32> to vector<16xf32>
        %add3A_306 = arith.addf %add3A_299, %get3A_305 : vector<16xf32>
        %add3A_307 = arith.constant 3 : i32
        %add3A_308 = arith.addi %mul3A_127, %add3A_307 : i32
        %get3A_309 = arith.index_cast %add3A_308 : i32 to index
        %get3A_310 = arith.constant 16 : index
        %get3A_311 = tpu.vector_load %arg10[%get3A_309, %get3A_310] {strides = array<i32>} : memref<320x128xf32, #tpu.memory_space<vmem>>, vector<1x16xf32>,
        %get3A_312 = vector.shape_cast %get3A_311 : vector<1x16xf32> to vector<16xf32>
        %add3A_313 = arith.addf %add3A_306, %get3A_312 : vector<16xf32>
        %add3A_314 = arith.constant 3 : i32
        %add3A_315 = arith.addi %mul3A_127, %add3A_314 : i32
        %get3A_316 = arith.index_cast %add3A_315 : i32 to index
        %get3A_317 = arith.constant 80 : index
        %get3A_318 = tpu.vector_load %arg10[%get3A_316, %get3A_317] {strides = array<i32>} : memref<320x128xf32, #tpu.memory_space<vmem>>, vector<1x16xf32>,
        %get3A_319 = vector.shape_cast %get3A_318 : vector<1x16xf32> to vector<16xf32>
        %add3A_320 = arith.addf %add3A_313, %get3A_319 : vector<16xf32>
        %add3A_321 = arith.constant 4 : i32
        %add3A_322 = arith.addi %mul3A_127, %add3A_321 : i32
        %get3A_323 = arith.index_cast %add3A_322 : i32 to index
        %get3A_324 = arith.constant 16 : index
        %get3A_325 = tpu.vector_load %arg10[%get3A_323, %get3A_324] {strides = array<i32>} : memref<320x128xf32, #tpu.memory_space<vmem>>, vector<1x16xf32>,
        %get3A_326 = vector.shape_cast %get3A_325 : vector<1x16xf32> to vector<16xf32>
        %add3A_327 = arith.addf %add3A_320, %get3A_326 : vector<16xf32>
        %add3A_328 = arith.constant 4 : i32
        %add3A_329 = arith.addi %mul3A_127, %add3A_328 : i32
        %get3A_330 = arith.index_cast %add3A_329 : i32 to index
        %get3A_331 = arith.constant 80 : index
        %get3A_332 = tpu.vector_load %arg10[%get3A_330, %get3A_331] {strides = array<i32>} : memref<320x128xf32, #tpu.memory_space<vmem>>, vector<1x16xf32>,
        %get3A_333 = vector.shape_cast %get3A_332 : vector<1x16xf32> to vector<16xf32>
        %add3A_334 = arith.addf %add3A_327, %get3A_333 : vector<16xf32>
        %add3A_335 = arith.constant 5 : i32
        %add3A_336 = arith.addi %mul3A_127, %add3A_335 : i32
        %get3A_337 = arith.index_cast %add3A_336 : i32 to index
        %get3A_338 = arith.constant 16 : index
        %get3A_339 = tpu.vector_load %arg10[%get3A_337, %get3A_338] {strides = array<i32>} : memref<320x128xf32, #tpu.memory_space<vmem>>, vector<1x16xf32>,
        %get3A_340 = vector.shape_cast %get3A_339 : vector<1x16xf32> to vector<16xf32>
        %add3A_341 = arith.addf %add3A_334, %get3A_340 : vector<16xf32>
        %add3A_342 = arith.constant 5 : i32
        %add3A_343 = arith.addi %mul3A_127, %add3A_342 : i32
        %get3A_344 = arith.index_cast %add3A_343 : i32 to index
        %get3A_345 = arith.constant 80 : index
        %get3A_346 = tpu.vector_load %arg10[%get3A_344, %get3A_345] {strides = array<i32>} : memref<320x128xf32, #tpu.memory_space<vmem>>, vector<1x16xf32>,
        %get3A_347 = vector.shape_cast %get3A_346 : vector<1x16xf32> to vector<16xf32>
        %add3A_348 = arith.addf %add3A_341, %get3A_347 : vector<16xf32>
        %add3A_349 = arith.constant 6 : i32
        %add3A_350 = arith.addi %mul3A_127, %add3A_349 : i32
        %get3A_351 = arith.index_cast %add3A_350 : i32 to index
        %get3A_352 = arith.constant 16 : index
        %get3A_353 = tpu.vector_load %arg10[%get3A_351, %get3A_352] {strides = array<i32>} : memref<320x128xf32, #tpu.memory_space<vmem>>, vector<1x16xf32>,
        %get3A_354 = vector.shape_cast %get3A_353 : vector<1x16xf32> to vector<16xf32>
        %add3A_355 = arith.addf %add3A_348, %get3A_354 : vector<16xf32>
        %add3A_356 = arith.constant 6 : i32
        %add3A_357 = arith.addi %mul3A_127, %add3A_356 : i32
        %get3A_358 = arith.index_cast %add3A_357 : i32 to index
        %get3A_359 = arith.constant 80 : index
        %get3A_360 = tpu.vector_load %arg10[%get3A_358, %get3A_359] {strides = array<i32>} : memref<320x128xf32, #tpu.memory_space<vmem>>, vector<1x16xf32>,
        %get3A_361 = vector.shape_cast %get3A_360 : vector<1x16xf32> to vector<16xf32>
        %add3A_362 = arith.addf %add3A_355, %get3A_361 : vector<16xf32>
        %add3A_363 = arith.constant 7 : i32
        %add3A_364 = arith.addi %mul3A_127, %add3A_363 : i32
        %get3A_365 = arith.index_cast %add3A_364 : i32 to index
        %get3A_366 = arith.constant 16 : index
        %get3A_367 = tpu.vector_load %arg10[%get3A_365, %get3A_366] {strides = array<i32>} : memref<320x128xf32, #tpu.memory_space<vmem>>, vector<1x16xf32>,
        %get3A_368 = vector.shape_cast %get3A_367 : vector<1x16xf32> to vector<16xf32>
        %add3A_369 = arith.addf %add3A_362, %get3A_368 : vector<16xf32>
        %add3A_370 = arith.constant 7 : i32
        %add3A_371 = arith.addi %mul3A_127, %add3A_370 : i32
        %get3A_372 = arith.index_cast %add3A_371 : i32 to index
        %get3A_373 = arith.constant 80 : index
        %get3A_374 = tpu.vector_load %arg10[%get3A_372, %get3A_373] {strides = array<i32>} : memref<320x128xf32, #tpu.memory_space<vmem>>, vector<1x16xf32>,
        %get3A_375 = vector.shape_cast %get3A_374 : vector<1x16xf32> to vector<16xf32>
        %add3A_376 = arith.addf %add3A_369, %get3A_375 : vector<16xf32>
        %add3A_377 = arith.constant 8 : i32
        %add3A_378 = arith.addi %mul3A_127, %add3A_377 : i32
        %get3A_379 = arith.index_cast %add3A_378 : i32 to index
        %get3A_380 = arith.constant 16 : index
        %get3A_381 = tpu.vector_load %arg10[%get3A_379, %get3A_380] {strides = array<i32>} : memref<320x128xf32, #tpu.memory_space<vmem>>, vector<1x16xf32>,
        %get3A_382 = vector.shape_cast %get3A_381 : vector<1x16xf32> to vector<16xf32>
        %add3A_383 = arith.addf %add3A_376, %get3A_382 : vector<16xf32>
        %add3A_384 = arith.constant 8 : i32
        %add3A_385 = arith.addi %mul3A_127, %add3A_384 : i32
        %get3A_386 = arith.index_cast %add3A_385 : i32 to index
        %get3A_387 = arith.constant 80 : index
        %get3A_388 = tpu.vector_load %arg10[%get3A_386, %get3A_387] {strides = array<i32>} : memref<320x128xf32, #tpu.memory_space<vmem>>, vector<1x16xf32>,
        %get3A_389 = vector.shape_cast %get3A_388 : vector<1x16xf32> to vector<16xf32>
        %add3A_390 = arith.addf %add3A_383, %get3A_389 : vector<16xf32>
        %add3A_391 = arith.constant 9 : i32
        %add3A_392 = arith.addi %mul3A_127, %add3A_391 : i32
        %get3A_393 = arith.index_cast %add3A_392 : i32 to index
        %get3A_394 = arith.constant 16 : index
        %get3A_395 = tpu.vector_load %arg10[%get3A_393, %get3A_394] {strides = array<i32>} : memref<320x128xf32, #tpu.memory_space<vmem>>, vector<1x16xf32>,
        %get3A_396 = vector.shape_cast %get3A_395 : vector<1x16xf32> to vector<16xf32>
        %add3A_397 = arith.addf %add3A_390, %get3A_396 : vector<16xf32>
        %add3A_398 = arith.constant 9 : i32
        %add3A_399 = arith.addi %mul3A_127, %add3A_398 : i32
        %get3A_400 = arith.index_cast %add3A_399 : i32 to index
        %get3A_401 = arith.constant 80 : index
        %get3A_402 = tpu.vector_load %arg10[%get3A_400, %get3A_401] {strides = array<i32>} : memref<320x128xf32, #tpu.memory_space<vmem>>, vector<1x16xf32>,
        %get3A_403 = vector.shape_cast %get3A_402 : vector<1x16xf32> to vector<16xf32>
        %add3A_404 = arith.addf %add3A_397, %get3A_403 : vector<16xf32>
        %swap3A_405 = arith.index_cast %add3A_125 : i32 to index
        %swap3A_406 = arith.constant 16 : index
        %swap3A_407 = tpu.vector_load %arg12[%swap3A_405, %swap3A_406] {strides = array<i32>} : memref<32x64xf32, #tpu.memory_space<vmem>>, vector<1x16xf32>,
        %swap3A_408 = vector.shape_cast %swap3A_407 : vector<1x16xf32> to vector<16xf32>
        %swap3A_409 = vector.shape_cast %add3A_404 : vector<16xf32> to vector<1x16xf32>
        tpu.vector_store %arg12[%swap3A_405, %swap3A_406], %swap3A_409 {strides = array<i32>} : memref<32x64xf32, #tpu.memory_space<vmem>>, vector<1x16xf32>,
        %get3A_410 = arith.index_cast %mul3A_127 : i32 to index
        %get3A_411 = arith.constant 32 : index
        %get3A_412 = tpu.vector_load %arg10[%get3A_410, %get3A_411] {strides = array<i32>} : memref<320x128xf32, #tpu.memory_space<vmem>>, vector<1x16xf32>,
        %get3A_413 = vector.shape_cast %get3A_412 : vector<1x16xf32> to vector<16xf32>
        %add3A_414 = arith.constant 0 : i32
        %add3A_415 = arith.addi %mul3A_127, %add3A_414 : i32
        %get3A_416 = arith.index_cast %add3A_415 : i32 to index
        %get3A_417 = arith.constant 96 : index
        %get3A_418 = tpu.vector_load %arg10[%get3A_416, %get3A_417] {strides = array<i32>} : memref<320x128xf32, #tpu.memory_space<vmem>>, vector<1x16xf32>,
        %get3A_419 = vector.shape_cast %get3A_418 : vector<1x16xf32> to vector<16xf32>
        %add3A_420 = arith.addf %get3A_413, %get3A_419 : vector<16xf32>
        %add3A_421 = arith.constant 1 : i32
        %add3A_422 = arith.addi %mul3A_127, %add3A_421 : i32
        %get3A_423 = arith.index_cast %add3A_422 : i32 to index
        %get3A_424 = arith.constant 32 : index
        %get3A_425 = tpu.vector_load %arg10[%get3A_423, %get3A_424] {strides = array<i32>} : memref<320x128xf32, #tpu.memory_space<vmem>>, vector<1x16xf32>,
        %get3A_426 = vector.shape_cast %get3A_425 : vector<1x16xf32> to vector<16xf32>
        %add3A_427 = arith.addf %add3A_420, %get3A_426 : vector<16xf32>
        %add3A_428 = arith.constant 1 : i32
        %add3A_429 = arith.addi %mul3A_127, %add3A_428 : i32
        %get3A_430 = arith.index_cast %add3A_429 : i32 to index
        %get3A_431 = arith.constant 96 : index
        %get3A_432 = tpu.vector_load %arg10[%get3A_430, %get3A_431] {strides = array<i32>} : memref<320x128xf32, #tpu.memory_space<vmem>>, vector<1x16xf32>,
        %get3A_433 = vector.shape_cast %get3A_432 : vector<1x16xf32> to vector<16xf32>
        %add3A_434 = arith.addf %add3A_427, %get3A_433 : vector<16xf32>
        %add3A_435 = arith.constant 2 : i32
        %add3A_436 = arith.addi %mul3A_127, %add3A_435 : i32
        %get3A_437 = arith.index_cast %add3A_436 : i32 to index
        %get3A_438 = arith.constant 32 : index
        %get3A_439 = tpu.vector_load %arg10[%get3A_437, %get3A_438] {strides = array<i32>} : memref<320x128xf32, #tpu.memory_space<vmem>>, vector<1x16xf32>,
        %get3A_440 = vector.shape_cast %get3A_439 : vector<1x16xf32> to vector<16xf32>
        %add3A_441 = arith.addf %add3A_434, %get3A_440 : vector<16xf32>
        %add3A_442 = arith.constant 2 : i32
        %add3A_443 = arith.addi %mul3A_127, %add3A_442 : i32
        %get3A_444 = arith.index_cast %add3A_443 : i32 to index
        %get3A_445 = arith.constant 96 : index
        %get3A_446 = tpu.vector_load %arg10[%get3A_444, %get3A_445] {strides = array<i32>} : memref<320x128xf32, #tpu.memory_space<vmem>>, vector<1x16xf32>,
        %get3A_447 = vector.shape_cast %get3A_446 : vector<1x16xf32> to vector<16xf32>
        %add3A_448 = arith.addf %add3A_441, %get3A_447 : vector<16xf32>
        %add3A_449 = arith.constant 3 : i32
        %add3A_450 = arith.addi %mul3A_127, %add3A_449 : i32
        %get3A_451 = arith.index_cast %add3A_450 : i32 to index
        %get3A_452 = arith.constant 32 : index
        %get3A_453 = tpu.vector_load %arg10[%get3A_451, %get3A_452] {strides = array<i32>} : memref<320x128xf32, #tpu.memory_space<vmem>>, vector<1x16xf32>,
        %get3A_454 = vector.shape_cast %get3A_453 : vector<1x16xf32> to vector<16xf32>
        %add3A_455 = arith.addf %add3A_448, %get3A_454 : vector<16xf32>
        %add3A_456 = arith.constant 3 : i32
        %add3A_457 = arith.addi %mul3A_127, %add3A_456 : i32
        %get3A_458 = arith.index_cast %add3A_457 : i32 to index
        %get3A_459 = arith.constant 96 : index
        %get3A_460 = tpu.vector_load %arg10[%get3A_458, %get3A_459] {strides = array<i32>} : memref<320x128xf32, #tpu.memory_space<vmem>>, vector<1x16xf32>,
        %get3A_461 = vector.shape_cast %get3A_460 : vector<1x16xf32> to vector<16xf32>
        %add3A_462 = arith.addf %add3A_455, %get3A_461 : vector<16xf32>
        %add3A_463 = arith.constant 4 : i32
        %add3A_464 = arith.addi %mul3A_127, %add3A_463 : i32
        %get3A_465 = arith.index_cast %add3A_464 : i32 to index
        %get3A_466 = arith.constant 32 : index
        %get3A_467 = tpu.vector_load %arg10[%get3A_465, %get3A_466] {strides = array<i32>} : memref<320x128xf32, #tpu.memory_space<vmem>>, vector<1x16xf32>,
        %get3A_468 = vector.shape_cast %get3A_467 : vector<1x16xf32> to vector<16xf32>
        %add3A_469 = arith.addf %add3A_462, %get3A_468 : vector<16xf32>
        %add3A_470 = arith.constant 4 : i32
        %add3A_471 = arith.addi %mul3A_127, %add3A_470 : i32
        %get3A_472 = arith.index_cast %add3A_471 : i32 to index
        %get3A_473 = arith.constant 96 : index
        %get3A_474 = tpu.vector_load %arg10[%get3A_472, %get3A_473] {strides = array<i32>} : memref<320x128xf32, #tpu.memory_space<vmem>>, vector<1x16xf32>,
        %get3A_475 = vector.shape_cast %get3A_474 : vector<1x16xf32> to vector<16xf32>
        %add3A_476 = arith.addf %add3A_469, %get3A_475 : vector<16xf32>
        %add3A_477 = arith.constant 5 : i32
        %add3A_478 = arith.addi %mul3A_127, %add3A_477 : i32
        %get3A_479 = arith.index_cast %add3A_478 : i32 to index
        %get3A_480 = arith.constant 32 : index
        %get3A_481 = tpu.vector_load %arg10[%get3A_479, %get3A_480] {strides = array<i32>} : memref<320x128xf32, #tpu.memory_space<vmem>>, vector<1x16xf32>,
        %get3A_482 = vector.shape_cast %get3A_481 : vector<1x16xf32> to vector<16xf32>
        %add3A_483 = arith.addf %add3A_476, %get3A_482 : vector<16xf32>
        %add3A_484 = arith.constant 5 : i32
        %add3A_485 = arith.addi %mul3A_127, %add3A_484 : i32
        %get3A_486 = arith.index_cast %add3A_485 : i32 to index
        %get3A_487 = arith.constant 96 : index
        %get3A_488 = tpu.vector_load %arg10[%get3A_486, %get3A_487] {strides = array<i32>} : memref<320x128xf32, #tpu.memory_space<vmem>>, vector<1x16xf32>,
        %get3A_489 = vector.shape_cast %get3A_488 : vector<1x16xf32> to vector<16xf32>
        %add3A_490 = arith.addf %add3A_483, %get3A_489 : vector<16xf32>
        %add3A_491 = arith.constant 6 : i32
        %add3A_492 = arith.addi %mul3A_127, %add3A_491 : i32
        %get3A_493 = arith.index_cast %add3A_492 : i32 to index
        %get3A_494 = arith.constant 32 : index
        %get3A_495 = tpu.vector_load %arg10[%get3A_493, %get3A_494] {strides = array<i32>} : memref<320x128xf32, #tpu.memory_space<vmem>>, vector<1x16xf32>,
        %get3A_496 = vector.shape_cast %get3A_495 : vector<1x16xf32> to vector<16xf32>
        %add3A_497 = arith.addf %add3A_490, %get3A_496 : vector<16xf32>
        %add3A_498 = arith.constant 6 : i32
        %add3A_499 = arith.addi %mul3A_127, %add3A_498 : i32
        %get3A_500 = arith.index_cast %add3A_499 : i32 to index
        %get3A_501 = arith.constant 96 : index
        %get3A_502 = tpu.vector_load %arg10[%get3A_500, %get3A_501] {strides = array<i32>} : memref<320x128xf32, #tpu.memory_space<vmem>>, vector<1x16xf32>,
        %get3A_503 = vector.shape_cast %get3A_502 : vector<1x16xf32> to vector<16xf32>
        %add3A_504 = arith.addf %add3A_497, %get3A_503 : vector<16xf32>
        %add3A_505 = arith.constant 7 : i32
        %add3A_506 = arith.addi %mul3A_127, %add3A_505 : i32
        %get3A_507 = arith.index_cast %add3A_506 : i32 to index
        %get3A_508 = arith.constant 32 : index
        %get3A_509 = tpu.vector_load %arg10[%get3A_507, %get3A_508] {strides = array<i32>} : memref<320x128xf32, #tpu.memory_space<vmem>>, vector<1x16xf32>,
        %get3A_510 = vector.shape_cast %get3A_509 : vector<1x16xf32> to vector<16xf32>
        %add3A_511 = arith.addf %add3A_504, %get3A_510 : vector<16xf32>
        %add3A_512 = arith.constant 7 : i32
        %add3A_513 = arith.addi %mul3A_127, %add3A_512 : i32
        %get3A_514 = arith.index_cast %add3A_513 : i32 to index
        %get3A_515 = arith.constant 96 : index
        %get3A_516 = tpu.vector_load %arg10[%get3A_514, %get3A_515] {strides = array<i32>} : memref<320x128xf32, #tpu.memory_space<vmem>>, vector<1x16xf32>,
        %get3A_517 = vector.shape_cast %get3A_516 : vector<1x16xf32> to vector<16xf32>
        %add3A_518 = arith.addf %add3A_511, %get3A_517 : vector<16xf32>
        %add3A_519 = arith.constant 8 : i32
        %add3A_520 = arith.addi %mul3A_127, %add3A_519 : i32
        %get3A_521 = arith.index_cast %add3A_520 : i32 to index
        %get3A_522 = arith.constant 32 : index
        %get3A_523 = tpu.vector_load %arg10[%get3A_521, %get3A_522] {strides = array<i32>} : memref<320x128xf32, #tpu.memory_space<vmem>>, vector<1x16xf32>,
        %get3A_524 = vector.shape_cast %get3A_523 : vector<1x16xf32> to vector<16xf32>
        %add3A_525 = arith.addf %add3A_518, %get3A_524 : vector<16xf32>
        %add3A_526 = arith.constant 8 : i32
        %add3A_527 = arith.addi %mul3A_127, %add3A_526 : i32
        %get3A_528 = arith.index_cast %add3A_527 : i32 to index
        %get3A_529 = arith.constant 96 : index
        %get3A_530 = tpu.vector_load %arg10[%get3A_528, %get3A_529] {strides = array<i32>} : memref<320x128xf32, #tpu.memory_space<vmem>>, vector<1x16xf32>,
        %get3A_531 = vector.shape_cast %get3A_530 : vector<1x16xf32> to vector<16xf32>
        %add3A_532 = arith.addf %add3A_525, %get3A_531 : vector<16xf32>
        %add3A_533 = arith.constant 9 : i32
        %add3A_534 = arith.addi %mul3A_127, %add3A_533 : i32
        %get3A_535 = arith.index_cast %add3A_534 : i32 to index
        %get3A_536 = arith.constant 32 : index
        %get3A_537 = tpu.vector_load %arg10[%get3A_535, %get3A_536] {strides = array<i32>} : memref<320x128xf32, #tpu.memory_space<vmem>>, vector<1x16xf32>,
        %get3A_538 = vector.shape_cast %get3A_537 : vector<1x16xf32> to vector<16xf32>
        %add3A_539 = arith.addf %add3A_532, %get3A_538 : vector<16xf32>
        %add3A_540 = arith.constant 9 : i32
        %add3A_541 = arith.addi %mul3A_127, %add3A_540 : i32
        %get3A_542 = arith.index_cast %add3A_541 : i32 to index
        %get3A_543 = arith.constant 96 : index
        %get3A_544 = tpu.vector_load %arg10[%get3A_542, %get3A_543] {strides = array<i32>} : memref<320x128xf32, #tpu.memory_space<vmem>>, vector<1x16xf32>,
        %get3A_545 = vector.shape_cast %get3A_544 : vector<1x16xf32> to vector<16xf32>
        %add3A_546 = arith.addf %add3A_539, %get3A_545 : vector<16xf32>
        %swap3A_547 = arith.index_cast %add3A_125 : i32 to index
        %swap3A_548 = arith.constant 32 : index
        %swap3A_549 = tpu.vector_load %arg12[%swap3A_547, %swap3A_548] {strides = array<i32>} : memref<32x64xf32, #tpu.memory_space<vmem>>, vector<1x16xf32>,
        %swap3A_550 = vector.shape_cast %swap3A_549 : vector<1x16xf32> to vector<16xf32>
        %swap3A_551 = vector.shape_cast %add3A_546 : vector<16xf32> to vector<1x16xf32>
        tpu.vector_store %arg12[%swap3A_547, %swap3A_548], %swap3A_551 {strides = array<i32>} : memref<32x64xf32, #tpu.memory_space<vmem>>, vector<1x16xf32>,
        %get3A_552 = arith.index_cast %mul3A_127 : i32 to index
        %get3A_553 = arith.constant 48 : index
        %get3A_554 = tpu.vector_load %arg10[%get3A_552, %get3A_553] {strides = array<i32>} : memref<320x128xf32, #tpu.memory_space<vmem>>, vector<1x16xf32>,
        %get3A_555 = vector.shape_cast %get3A_554 : vector<1x16xf32> to vector<16xf32>
        %add3A_556 = arith.constant 0 : i32
        %add3A_557 = arith.addi %mul3A_127, %add3A_556 : i32
        %get3A_558 = arith.index_cast %add3A_557 : i32 to index
        %get3A_559 = arith.constant 112 : index
        %get3A_560 = tpu.vector_load %arg10[%get3A_558, %get3A_559] {strides = array<i32>} : memref<320x128xf32, #tpu.memory_space<vmem>>, vector<1x16xf32>,
        %get3A_561 = vector.shape_cast %get3A_560 : vector<1x16xf32> to vector<16xf32>
        %add3A_562 = arith.addf %get3A_555, %get3A_561 : vector<16xf32>
        %add3A_563 = arith.constant 1 : i32
        %add3A_564 = arith.addi %mul3A_127, %add3A_563 : i32
        %get3A_565 = arith.index_cast %add3A_564 : i32 to index
        %get3A_566 = arith.constant 48 : index
        %get3A_567 = tpu.vector_load %arg10[%get3A_565, %get3A_566] {strides = array<i32>} : memref<320x128xf32, #tpu.memory_space<vmem>>, vector<1x16xf32>,
        %get3A_568 = vector.shape_cast %get3A_567 : vector<1x16xf32> to vector<16xf32>
        %add3A_569 = arith.addf %add3A_562, %get3A_568 : vector<16xf32>
        %add3A_570 = arith.constant 1 : i32
        %add3A_571 = arith.addi %mul3A_127, %add3A_570 : i32
        %get3A_572 = arith.index_cast %add3A_571 : i32 to index
        %get3A_573 = arith.constant 112 : index
        %get3A_574 = tpu.vector_load %arg10[%get3A_572, %get3A_573] {strides = array<i32>} : memref<320x128xf32, #tpu.memory_space<vmem>>, vector<1x16xf32>,
        %get3A_575 = vector.shape_cast %get3A_574 : vector<1x16xf32> to vector<16xf32>
        %add3A_576 = arith.addf %add3A_569, %get3A_575 : vector<16xf32>
        %add3A_577 = arith.constant 2 : i32
        %add3A_578 = arith.addi %mul3A_127, %add3A_577 : i32
        %get3A_579 = arith.index_cast %add3A_578 : i32 to index
        %get3A_580 = arith.constant 48 : index
        %get3A_581 = tpu.vector_load %arg10[%get3A_579, %get3A_580] {strides = array<i32>} : memref<320x128xf32, #tpu.memory_space<vmem>>, vector<1x16xf32>,
        %get3A_582 = vector.shape_cast %get3A_581 : vector<1x16xf32> to vector<16xf32>
        %add3A_583 = arith.addf %add3A_576, %get3A_582 : vector<16xf32>
        %add3A_584 = arith.constant 2 : i32
        %add3A_585 = arith.addi %mul3A_127, %add3A_584 : i32
        %get3A_586 = arith.index_cast %add3A_585 : i32 to index
        %get3A_587 = arith.constant 112 : index
        %get3A_588 = tpu.vector_load %arg10[%get3A_586, %get3A_587] {strides = array<i32>} : memref<320x128xf32, #tpu.memory_space<vmem>>, vector<1x16xf32>,
        %get3A_589 = vector.shape_cast %get3A_588 : vector<1x16xf32> to vector<16xf32>
        %add3A_590 = arith.addf %add3A_583, %get3A_589 : vector<16xf32>
        %add3A_591 = arith.constant 3 : i32
        %add3A_592 = arith.addi %mul3A_127, %add3A_591 : i32
        %get3A_593 = arith.index_cast %add3A_592 : i32 to index
        %get3A_594 = arith.constant 48 : index
        %get3A_595 = tpu.vector_load %arg10[%get3A_593, %get3A_594] {strides = array<i32>} : memref<320x128xf32, #tpu.memory_space<vmem>>, vector<1x16xf32>,
        %get3A_596 = vector.shape_cast %get3A_595 : vector<1x16xf32> to vector<16xf32>
        %add3A_597 = arith.addf %add3A_590, %get3A_596 : vector<16xf32>
        %add3A_598 = arith.constant 3 : i32
        %add3A_599 = arith.addi %mul3A_127, %add3A_598 : i32
        %get3A_600 = arith.index_cast %add3A_599 : i32 to index
        %get3A_601 = arith.constant 112 : index
        %get3A_602 = tpu.vector_load %arg10[%get3A_600, %get3A_601] {strides = array<i32>} : memref<320x128xf32, #tpu.memory_space<vmem>>, vector<1x16xf32>,
        %get3A_603 = vector.shape_cast %get3A_602 : vector<1x16xf32> to vector<16xf32>
        %add3A_604 = arith.addf %add3A_597, %get3A_603 : vector<16xf32>
        %add3A_605 = arith.constant 4 : i32
        %add3A_606 = arith.addi %mul3A_127, %add3A_605 : i32
        %get3A_607 = arith.index_cast %add3A_606 : i32 to index
        %get3A_608 = arith.constant 48 : index
        %get3A_609 = tpu.vector_load %arg10[%get3A_607, %get3A_608] {strides = array<i32>} : memref<320x128xf32, #tpu.memory_space<vmem>>, vector<1x16xf32>,
        %get3A_610 = vector.shape_cast %get3A_609 : vector<1x16xf32> to vector<16xf32>
        %add3A_611 = arith.addf %add3A_604, %get3A_610 : vector<16xf32>
        %add3A_612 = arith.constant 4 : i32
        %add3A_613 = arith.addi %mul3A_127, %add3A_612 : i32
        %get3A_614 = arith.index_cast %add3A_613 : i32 to index
        %get3A_615 = arith.constant 112 : index
        %get3A_616 = tpu.vector_load %arg10[%get3A_614, %get3A_615] {strides = array<i32>} : memref<320x128xf32, #tpu.memory_space<vmem>>, vector<1x16xf32>,
        %get3A_617 = vector.shape_cast %get3A_616 : vector<1x16xf32> to vector<16xf32>
        %add3A_618 = arith.addf %add3A_611, %get3A_617 : vector<16xf32>
        %add3A_619 = arith.constant 5 : i32
        %add3A_620 = arith.addi %mul3A_127, %add3A_619 : i32
        %get3A_621 = arith.index_cast %add3A_620 : i32 to index
        %get3A_622 = arith.constant 48 : index
        %get3A_623 = tpu.vector_load %arg10[%get3A_621, %get3A_622] {strides = array<i32>} : memref<320x128xf32, #tpu.memory_space<vmem>>, vector<1x16xf32>,
        %get3A_624 = vector.shape_cast %get3A_623 : vector<1x16xf32> to vector<16xf32>
        %add3A_625 = arith.addf %add3A_618, %get3A_624 : vector<16xf32>
        %add3A_626 = arith.constant 5 : i32
        %add3A_627 = arith.addi %mul3A_127, %add3A_626 : i32
        %get3A_628 = arith.index_cast %add3A_627 : i32 to index
        %get3A_629 = arith.constant 112 : index
        %get3A_630 = tpu.vector_load %arg10[%get3A_628, %get3A_629] {strides = array<i32>} : memref<320x128xf32, #tpu.memory_space<vmem>>, vector<1x16xf32>,
        %get3A_631 = vector.shape_cast %get3A_630 : vector<1x16xf32> to vector<16xf32>
        %add3A_632 = arith.addf %add3A_625, %get3A_631 : vector<16xf32>
        %add3A_633 = arith.constant 6 : i32
        %add3A_634 = arith.addi %mul3A_127, %add3A_633 : i32
        %get3A_635 = arith.index_cast %add3A_634 : i32 to index
        %get3A_636 = arith.constant 48 : index
        %get3A_637 = tpu.vector_load %arg10[%get3A_635, %get3A_636] {strides = array<i32>} : memref<320x128xf32, #tpu.memory_space<vmem>>, vector<1x16xf32>,
        %get3A_638 = vector.shape_cast %get3A_637 : vector<1x16xf32> to vector<16xf32>
        %add3A_639 = arith.addf %add3A_632, %get3A_638 : vector<16xf32>
        %add3A_640 = arith.constant 6 : i32
        %add3A_641 = arith.addi %mul3A_127, %add3A_640 : i32
        %get3A_642 = arith.index_cast %add3A_641 : i32 to index
        %get3A_643 = arith.constant 112 : index
        %get3A_644 = tpu.vector_load %arg10[%get3A_642, %get3A_643] {strides = array<i32>} : memref<320x128xf32, #tpu.memory_space<vmem>>, vector<1x16xf32>,
        %get3A_645 = vector.shape_cast %get3A_644 : vector<1x16xf32> to vector<16xf32>
        %add3A_646 = arith.addf %add3A_639, %get3A_645 : vector<16xf32>
        %add3A_647 = arith.constant 7 : i32
        %add3A_648 = arith.addi %mul3A_127, %add3A_647 : i32
        %get3A_649 = arith.index_cast %add3A_648 : i32 to index
        %get3A_650 = arith.constant 48 : index
        %get3A_651 = tpu.vector_load %arg10[%get3A_649, %get3A_650] {strides = array<i32>} : memref<320x128xf32, #tpu.memory_space<vmem>>, vector<1x16xf32>,
        %get3A_652 = vector.shape_cast %get3A_651 : vector<1x16xf32> to vector<16xf32>
        %add3A_653 = arith.addf %add3A_646, %get3A_652 : vector<16xf32>
        %add3A_654 = arith.constant 7 : i32
        %add3A_655 = arith.addi %mul3A_127, %add3A_654 : i32
        %get3A_656 = arith.index_cast %add3A_655 : i32 to index
        %get3A_657 = arith.constant 112 : index
        %get3A_658 = tpu.vector_load %arg10[%get3A_656, %get3A_657] {strides = array<i32>} : memref<320x128xf32, #tpu.memory_space<vmem>>, vector<1x16xf32>,
        %get3A_659 = vector.shape_cast %get3A_658 : vector<1x16xf32> to vector<16xf32>
        %add3A_660 = arith.addf %add3A_653, %get3A_659 : vector<16xf32>
        %add3A_661 = arith.constant 8 : i32
        %add3A_662 = arith.addi %mul3A_127, %add3A_661 : i32
        %get3A_663 = arith.index_cast %add3A_662 : i32 to index
        %get3A_664 = arith.constant 48 : index
        %get3A_665 = tpu.vector_load %arg10[%get3A_663, %get3A_664] {strides = array<i32>} : memref<320x128xf32, #tpu.memory_space<vmem>>, vector<1x16xf32>,
        %get3A_666 = vector.shape_cast %get3A_665 : vector<1x16xf32> to vector<16xf32>
        %add3A_667 = arith.addf %add3A_660, %get3A_666 : vector<16xf32>
        %add3A_668 = arith.constant 8 : i32
        %add3A_669 = arith.addi %mul3A_127, %add3A_668 : i32
        %get3A_670 = arith.index_cast %add3A_669 : i32 to index
        %get3A_671 = arith.constant 112 : index
        %get3A_672 = tpu.vector_load %arg10[%get3A_670, %get3A_671] {strides = array<i32>} : memref<320x128xf32, #tpu.memory_space<vmem>>, vector<1x16xf32>,
        %get3A_673 = vector.shape_cast %get3A_672 : vector<1x16xf32> to vector<16xf32>
        %add3A_674 = arith.addf %add3A_667, %get3A_673 : vector<16xf32>
        %add3A_675 = arith.constant 9 : i32
        %add3A_676 = arith.addi %mul3A_127, %add3A_675 : i32
        %get3A_677 = arith.index_cast %add3A_676 : i32 to index
        %get3A_678 = arith.constant 48 : index
        %get3A_679 = tpu.vector_load %arg10[%get3A_677, %get3A_678] {strides = array<i32>} : memref<320x128xf32, #tpu.memory_space<vmem>>, vector<1x16xf32>,
        %get3A_680 = vector.shape_cast %get3A_679 : vector<1x16xf32> to vector<16xf32>
        %add3A_681 = arith.addf %add3A_674, %get3A_680 : vector<16xf32>
        %add3A_682 = arith.constant 9 : i32
        %add3A_683 = arith.addi %mul3A_127, %add3A_682 : i32
        %get3A_684 = arith.index_cast %add3A_683 : i32 to index
        %get3A_685 = arith.constant 112 : index
        %get3A_686 = tpu.vector_load %arg10[%get3A_684, %get3A_685] {strides = array<i32>} : memref<320x128xf32, #tpu.memory_space<vmem>>, vector<1x16xf32>,
        %get3A_687 = vector.shape_cast %get3A_686 : vector<1x16xf32> to vector<16xf32>
        %add3A_688 = arith.addf %add3A_681, %get3A_687 : vector<16xf32>
        %swap3A_689 = arith.index_cast %add3A_125 : i32 to index
        %swap3A_690 = arith.constant 48 : index
        %swap3A_691 = tpu.vector_load %arg12[%swap3A_689, %swap3A_690] {strides = array<i32>} : memref<32x64xf32, #tpu.memory_space<vmem>>, vector<1x16xf32>,
        %swap3A_692 = vector.shape_cast %swap3A_691 : vector<1x16xf32> to vector<16xf32>
        %swap3A_693 = vector.shape_cast %add3A_688 : vector<16xf32> to vector<1x16xf32>
        tpu.vector_store %arg12[%swap3A_689, %swap3A_690], %swap3A_693 {strides = array<i32>} : memref<32x64xf32, #tpu.memory_space<vmem>>, vector<1x16xf32>,
        %mul3A_694 = arith.constant 2 : i32
        %mul3A_695 = arith.muli %scan3A_121, %mul3A_694 : i32
        %add3A_696 = arith.constant 1 : i32
        %add3A_697 = arith.addi %mul3A_695, %add3A_696 : i32
        %mul3A_698 = arith.constant 10 : i32
        %mul3A_699 = arith.muli %add3A_697, %mul3A_698 : i32
        %get3A_700 = arith.index_cast %mul3A_699 : i32 to index
        %get3A_701 = arith.constant 0 : index
        %get3A_702 = tpu.vector_load %arg10[%get3A_700, %get3A_701] {strides = array<i32>} : memref<320x128xf32, #tpu.memory_space<vmem>>, vector<1x16xf32>,
        %get3A_703 = vector.shape_cast %get3A_702 : vector<1x16xf32> to vector<16xf32>
        %add3A_704 = arith.constant 0 : i32
        %add3A_705 = arith.addi %mul3A_699, %add3A_704 : i32
        %get3A_706 = arith.index_cast %add3A_705 : i32 to index
        %get3A_707 = arith.constant 64 : index
        %get3A_708 = tpu.vector_load %arg10[%get3A_706, %get3A_707] {strides = array<i32>} : memref<320x128xf32, #tpu.memory_space<vmem>>, vector<1x16xf32>,
        %get3A_709 = vector.shape_cast %get3A_708 : vector<1x16xf32> to vector<16xf32>
        %add3A_710 = arith.addf %get3A_703, %get3A_709 : vector<16xf32>
        %add3A_711 = arith.constant 1 : i32
        %add3A_712 = arith.addi %mul3A_699, %add3A_711 : i32
        %get3A_713 = arith.index_cast %add3A_712 : i32 to index
        %get3A_714 = arith.constant 0 : index
        %get3A_715 = tpu.vector_load %arg10[%get3A_713, %get3A_714] {strides = array<i32>} : memref<320x128xf32, #tpu.memory_space<vmem>>, vector<1x16xf32>,
        %get3A_716 = vector.shape_cast %get3A_715 : vector<1x16xf32> to vector<16xf32>
        %add3A_717 = arith.addf %add3A_710, %get3A_716 : vector<16xf32>
        %add3A_718 = arith.constant 1 : i32
        %add3A_719 = arith.addi %mul3A_699, %add3A_718 : i32
        %get3A_720 = arith.index_cast %add3A_719 : i32 to index
        %get3A_721 = arith.constant 64 : index
        %get3A_722 = tpu.vector_load %arg10[%get3A_720, %get3A_721] {strides = array<i32>} : memref<320x128xf32, #tpu.memory_space<vmem>>, vector<1x16xf32>,
        %get3A_723 = vector.shape_cast %get3A_722 : vector<1x16xf32> to vector<16xf32>
        %add3A_724 = arith.addf %add3A_717, %get3A_723 : vector<16xf32>
        %add3A_725 = arith.constant 2 : i32
        %add3A_726 = arith.addi %mul3A_699, %add3A_725 : i32
        %get3A_727 = arith.index_cast %add3A_726 : i32 to index
        %get3A_728 = arith.constant 0 : index
        %get3A_729 = tpu.vector_load %arg10[%get3A_727, %get3A_728] {strides = array<i32>} : memref<320x128xf32, #tpu.memory_space<vmem>>, vector<1x16xf32>,
        %get3A_730 = vector.shape_cast %get3A_729 : vector<1x16xf32> to vector<16xf32>
        %add3A_731 = arith.addf %add3A_724, %get3A_730 : vector<16xf32>
        %add3A_732 = arith.constant 2 : i32
        %add3A_733 = arith.addi %mul3A_699, %add3A_732 : i32
        %get3A_734 = arith.index_cast %add3A_733 : i32 to index
        %get3A_735 = arith.constant 64 : index
        %get3A_736 = tpu.vector_load %arg10[%get3A_734, %get3A_735] {strides = array<i32>} : memref<320x128xf32, #tpu.memory_space<vmem>>, vector<1x16xf32>,
        %get3A_737 = vector.shape_cast %get3A_736 : vector<1x16xf32> to vector<16xf32>
        %add3A_738 = arith.addf %add3A_731, %get3A_737 : vector<16xf32>
        %add3A_739 = arith.constant 3 : i32
        %add3A_740 = arith.addi %mul3A_699, %add3A_739 : i32
        %get3A_741 = arith.index_cast %add3A_740 : i32 to index
        %get3A_742 = arith.constant 0 : index
        %get3A_743 = tpu.vector_load %arg10[%get3A_741, %get3A_742] {strides = array<i32>} : memref<320x128xf32, #tpu.memory_space<vmem>>, vector<1x16xf32>,
        %get3A_744 = vector.shape_cast %get3A_743 : vector<1x16xf32> to vector<16xf32>
        %add3A_745 = arith.addf %add3A_738, %get3A_744 : vector<16xf32>
        %add3A_746 = arith.constant 3 : i32
        %add3A_747 = arith.addi %mul3A_699, %add3A_746 : i32
        %get3A_748 = arith.index_cast %add3A_747 : i32 to index
        %get3A_749 = arith.constant 64 : index
        %get3A_750 = tpu.vector_load %arg10[%get3A_748, %get3A_749] {strides = array<i32>} : memref<320x128xf32, #tpu.memory_space<vmem>>, vector<1x16xf32>,
        %get3A_751 = vector.shape_cast %get3A_750 : vector<1x16xf32> to vector<16xf32>
        %add3A_752 = arith.addf %add3A_745, %get3A_751 : vector<16xf32>
        %add3A_753 = arith.constant 4 : i32
        %add3A_754 = arith.addi %mul3A_699, %add3A_753 : i32
        %get3A_755 = arith.index_cast %add3A_754 : i32 to index
        %get3A_756 = arith.constant 0 : index
        %get3A_757 = tpu.vector_load %arg10[%get3A_755, %get3A_756] {strides = array<i32>} : memref<320x128xf32, #tpu.memory_space<vmem>>, vector<1x16xf32>,
        %get3A_758 = vector.shape_cast %get3A_757 : vector<1x16xf32> to vector<16xf32>
        %add3A_759 = arith.addf %add3A_752, %get3A_758 : vector<16xf32>
        %add3A_760 = arith.constant 4 : i32
        %add3A_761 = arith.addi %mul3A_699, %add3A_760 : i32
        %get3A_762 = arith.index_cast %add3A_761 : i32 to index
        %get3A_763 = arith.constant 64 : index
        %get3A_764 = tpu.vector_load %arg10[%get3A_762, %get3A_763] {strides = array<i32>} : memref<320x128xf32, #tpu.memory_space<vmem>>, vector<1x16xf32>,
        %get3A_765 = vector.shape_cast %get3A_764 : vector<1x16xf32> to vector<16xf32>
        %add3A_766 = arith.addf %add3A_759, %get3A_765 : vector<16xf32>
        %add3A_767 = arith.constant 5 : i32
        %add3A_768 = arith.addi %mul3A_699, %add3A_767 : i32
        %get3A_769 = arith.index_cast %add3A_768 : i32 to index
        %get3A_770 = arith.constant 0 : index
        %get3A_771 = tpu.vector_load %arg10[%get3A_769, %get3A_770] {strides = array<i32>} : memref<320x128xf32, #tpu.memory_space<vmem>>, vector<1x16xf32>,
        %get3A_772 = vector.shape_cast %get3A_771 : vector<1x16xf32> to vector<16xf32>
        %add3A_773 = arith.addf %add3A_766, %get3A_772 : vector<16xf32>
        %add3A_774 = arith.constant 5 : i32
        %add3A_775 = arith.addi %mul3A_699, %add3A_774 : i32
        %get3A_776 = arith.index_cast %add3A_775 : i32 to index
        %get3A_777 = arith.constant 64 : index
        %get3A_778 = tpu.vector_load %arg10[%get3A_776, %get3A_777] {strides = array<i32>} : memref<320x128xf32, #tpu.memory_space<vmem>>, vector<1x16xf32>,
        %get3A_779 = vector.shape_cast %get3A_778 : vector<1x16xf32> to vector<16xf32>
        %add3A_780 = arith.addf %add3A_773, %get3A_779 : vector<16xf32>
        %add3A_781 = arith.constant 6 : i32
        %add3A_782 = arith.addi %mul3A_699, %add3A_781 : i32
        %get3A_783 = arith.index_cast %add3A_782 : i32 to index
        %get3A_784 = arith.constant 0 : index
        %get3A_785 = tpu.vector_load %arg10[%get3A_783, %get3A_784] {strides = array<i32>} : memref<320x128xf32, #tpu.memory_space<vmem>>, vector<1x16xf32>,
        %get3A_786 = vector.shape_cast %get3A_785 : vector<1x16xf32> to vector<16xf32>
        %add3A_787 = arith.addf %add3A_780, %get3A_786 : vector<16xf32>
        %add3A_788 = arith.constant 6 : i32
        %add3A_789 = arith.addi %mul3A_699, %add3A_788 : i32
        %get3A_790 = arith.index_cast %add3A_789 : i32 to index
        %get3A_791 = arith.constant 64 : index
        %get3A_792 = tpu.vector_load %arg10[%get3A_790, %get3A_791] {strides = array<i32>} : memref<320x128xf32, #tpu.memory_space<vmem>>, vector<1x16xf32>,
        %get3A_793 = vector.shape_cast %get3A_792 : vector<1x16xf32> to vector<16xf32>
        %add3A_794 = arith.addf %add3A_787, %get3A_793 : vector<16xf32>
        %add3A_795 = arith.constant 7 : i32
        %add3A_796 = arith.addi %mul3A_699, %add3A_795 : i32
        %get3A_797 = arith.index_cast %add3A_796 : i32 to index
        %get3A_798 = arith.constant 0 : index
        %get3A_799 = tpu.vector_load %arg10[%get3A_797, %get3A_798] {strides = array<i32>} : memref<320x128xf32, #tpu.memory_space<vmem>>, vector<1x16xf32>,
        %get3A_800 = vector.shape_cast %get3A_799 : vector<1x16xf32> to vector<16xf32>
        %add3A_801 = arith.addf %add3A_794, %get3A_800 : vector<16xf32>
        %add3A_802 = arith.constant 7 : i32
        %add3A_803 = arith.addi %mul3A_699, %add3A_802 : i32
        %get3A_804 = arith.index_cast %add3A_803 : i32 to index
        %get3A_805 = arith.constant 64 : index
        %get3A_806 = tpu.vector_load %arg10[%get3A_804, %get3A_805] {strides = array<i32>} : memref<320x128xf32, #tpu.memory_space<vmem>>, vector<1x16xf32>,
        %get3A_807 = vector.shape_cast %get3A_806 : vector<1x16xf32> to vector<16xf32>
        %add3A_808 = arith.addf %add3A_801, %get3A_807 : vector<16xf32>
        %add3A_809 = arith.constant 8 : i32
        %add3A_810 = arith.addi %mul3A_699, %add3A_809 : i32
        %get3A_811 = arith.index_cast %add3A_810 : i32 to index
        %get3A_812 = arith.constant 0 : index
        %get3A_813 = tpu.vector_load %arg10[%get3A_811, %get3A_812] {strides = array<i32>} : memref<320x128xf32, #tpu.memory_space<vmem>>, vector<1x16xf32>,
        %get3A_814 = vector.shape_cast %get3A_813 : vector<1x16xf32> to vector<16xf32>
        %add3A_815 = arith.addf %add3A_808, %get3A_814 : vector<16xf32>
        %add3A_816 = arith.constant 8 : i32
        %add3A_817 = arith.addi %mul3A_699, %add3A_816 : i32
        %get3A_818 = arith.index_cast %add3A_817 : i32 to index
        %get3A_819 = arith.constant 64 : index
        %get3A_820 = tpu.vector_load %arg10[%get3A_818, %get3A_819] {strides = array<i32>} : memref<320x128xf32, #tpu.memory_space<vmem>>, vector<1x16xf32>,
        %get3A_821 = vector.shape_cast %get3A_820 : vector<1x16xf32> to vector<16xf32>
        %add3A_822 = arith.addf %add3A_815, %get3A_821 : vector<16xf32>
        %add3A_823 = arith.constant 9 : i32
        %add3A_824 = arith.addi %mul3A_699, %add3A_823 : i32
        %get3A_825 = arith.index_cast %add3A_824 : i32 to index
        %get3A_826 = arith.constant 0 : index
        %get3A_827 = tpu.vector_load %arg10[%get3A_825, %get3A_826] {strides = array<i32>} : memref<320x128xf32, #tpu.memory_space<vmem>>, vector<1x16xf32>,
        %get3A_828 = vector.shape_cast %get3A_827 : vector<1x16xf32> to vector<16xf32>
        %add3A_829 = arith.addf %add3A_822, %get3A_828 : vector<16xf32>
        %add3A_830 = arith.constant 9 : i32
        %add3A_831 = arith.addi %mul3A_699, %add3A_830 : i32
        %get3A_832 = arith.index_cast %add3A_831 : i32 to index
        %get3A_833 = arith.constant 64 : index
        %get3A_834 = tpu.vector_load %arg10[%get3A_832, %get3A_833] {strides = array<i32>} : memref<320x128xf32, #tpu.memory_space<vmem>>, vector<1x16xf32>,
        %get3A_835 = vector.shape_cast %get3A_834 : vector<1x16xf32> to vector<16xf32>
        %add3A_836 = arith.addf %add3A_829, %get3A_835 : vector<16xf32>
        %swap3A_837 = arith.index_cast %add3A_697 : i32 to index
        %swap3A_838 = arith.constant 0 : index
        %swap3A_839 = tpu.vector_load %arg12[%swap3A_837, %swap3A_838] {strides = array<i32>} : memref<32x64xf32, #tpu.memory_space<vmem>>, vector<1x16xf32>,
        %swap3A_840 = vector.shape_cast %swap3A_839 : vector<1x16xf32> to vector<16xf32>
        %swap3A_841 = vector.shape_cast %add3A_836 : vector<16xf32> to vector<1x16xf32>
        tpu.vector_store %arg12[%swap3A_837, %swap3A_838], %swap3A_841 {strides = array<i32>} : memref<32x64xf32, #tpu.memory_space<vmem>>, vector<1x16xf32>,
        %get3A_842 = arith.index_cast %mul3A_699 : i32 to index
        %get3A_843 = arith.constant 16 : index
        %get3A_844 = tpu.vector_load %arg10[%get3A_842, %get3A_843] {strides = array<i32>} : memref<320x128xf32, #tpu.memory_space<vmem>>, vector<1x16xf32>,
        %get3A_845 = vector.shape_cast %get3A_844 : vector<1x16xf32> to vector<16xf32>
        %add3A_846 = arith.constant 0 : i32
        %add3A_847 = arith.addi %mul3A_699, %add3A_846 : i32
        %get3A_848 = arith.index_cast %add3A_847 : i32 to index
        %get3A_849 = arith.constant 80 : index
        %get3A_850 = tpu.vector_load %arg10[%get3A_848, %get3A_849] {strides = array<i32>} : memref<320x128xf32, #tpu.memory_space<vmem>>, vector<1x16xf32>,
        %get3A_851 = vector.shape_cast %get3A_850 : vector<1x16xf32> to vector<16xf32>
        %add3A_852 = arith.addf %get3A_845, %get3A_851 : vector<16xf32>
        %add3A_853 = arith.constant 1 : i32
        %add3A_854 = arith.addi %mul3A_699, %add3A_853 : i32
        %get3A_855 = arith.index_cast %add3A_854 : i32 to index
        %get3A_856 = arith.constant 16 : index
        %get3A_857 = tpu.vector_load %arg10[%get3A_855, %get3A_856] {strides = array<i32>} : memref<320x128xf32, #tpu.memory_space<vmem>>, vector<1x16xf32>,
        %get3A_858 = vector.shape_cast %get3A_857 : vector<1x16xf32> to vector<16xf32>
        %add3A_859 = arith.addf %add3A_852, %get3A_858 : vector<16xf32>
        %add3A_860 = arith.constant 1 : i32
        %add3A_861 = arith.addi %mul3A_699, %add3A_860 : i32
        %get3A_862 = arith.index_cast %add3A_861 : i32 to index
        %get3A_863 = arith.constant 80 : index
        %get3A_864 = tpu.vector_load %arg10[%get3A_862, %get3A_863] {strides = array<i32>} : memref<320x128xf32, #tpu.memory_space<vmem>>, vector<1x16xf32>,
        %get3A_865 = vector.shape_cast %get3A_864 : vector<1x16xf32> to vector<16xf32>
        %add3A_866 = arith.addf %add3A_859, %get3A_865 : vector<16xf32>
        %add3A_867 = arith.constant 2 : i32
        %add3A_868 = arith.addi %mul3A_699, %add3A_867 : i32
        %get3A_869 = arith.index_cast %add3A_868 : i32 to index
        %get3A_870 = arith.constant 16 : index
        %get3A_871 = tpu.vector_load %arg10[%get3A_869, %get3A_870] {strides = array<i32>} : memref<320x128xf32, #tpu.memory_space<vmem>>, vector<1x16xf32>,
        %get3A_872 = vector.shape_cast %get3A_871 : vector<1x16xf32> to vector<16xf32>
        %add3A_873 = arith.addf %add3A_866, %get3A_872 : vector<16xf32>
        %add3A_874 = arith.constant 2 : i32
        %add3A_875 = arith.addi %mul3A_699, %add3A_874 : i32
        %get3A_876 = arith.index_cast %add3A_875 : i32 to index
        %get3A_877 = arith.constant 80 : index
        %get3A_878 = tpu.vector_load %arg10[%get3A_876, %get3A_877] {strides = array<i32>} : memref<320x128xf32, #tpu.memory_space<vmem>>, vector<1x16xf32>,
        %get3A_879 = vector.shape_cast %get3A_878 : vector<1x16xf32> to vector<16xf32>
        %add3A_880 = arith.addf %add3A_873, %get3A_879 : vector<16xf32>
        %add3A_881 = arith.constant 3 : i32
        %add3A_882 = arith.addi %mul3A_699, %add3A_881 : i32
        %get3A_883 = arith.index_cast %add3A_882 : i32 to index
        %get3A_884 = arith.constant 16 : index
        %get3A_885 = tpu.vector_load %arg10[%get3A_883, %get3A_884] {strides = array<i32>} : memref<320x128xf32, #tpu.memory_space<vmem>>, vector<1x16xf32>,
        %get3A_886 = vector.shape_cast %get3A_885 : vector<1x16xf32> to vector<16xf32>
        %add3A_887 = arith.addf %add3A_880, %get3A_886 : vector<16xf32>
        %add3A_888 = arith.constant 3 : i32
        %add3A_889 = arith.addi %mul3A_699, %add3A_888 : i32
        %get3A_890 = arith.index_cast %add3A_889 : i32 to index
        %get3A_891 = arith.constant 80 : index
        %get3A_892 = tpu.vector_load %arg10[%get3A_890, %get3A_891] {strides = array<i32>} : memref<320x128xf32, #tpu.memory_space<vmem>>, vector<1x16xf32>,
        %get3A_893 = vector.shape_cast %get3A_892 : vector<1x16xf32> to vector<16xf32>
        %add3A_894 = arith.addf %add3A_887, %get3A_893 : vector<16xf32>
        %add3A_895 = arith.constant 4 : i32
        %add3A_896 = arith.addi %mul3A_699, %add3A_895 : i32
        %get3A_897 = arith.index_cast %add3A_896 : i32 to index
        %get3A_898 = arith.constant 16 : index
        %get3A_899 = tpu.vector_load %arg10[%get3A_897, %get3A_898] {strides = array<i32>} : memref<320x128xf32, #tpu.memory_space<vmem>>, vector<1x16xf32>,
        %get3A_900 = vector.shape_cast %get3A_899 : vector<1x16xf32> to vector<16xf32>
        %add3A_901 = arith.addf %add3A_894, %get3A_900 : vector<16xf32>
        %add3A_902 = arith.constant 4 : i32
        %add3A_903 = arith.addi %mul3A_699, %add3A_902 : i32
        %get3A_904 = arith.index_cast %add3A_903 : i32 to index
        %get3A_905 = arith.constant 80 : index
        %get3A_906 = tpu.vector_load %arg10[%get3A_904, %get3A_905] {strides = array<i32>} : memref<320x128xf32, #tpu.memory_space<vmem>>, vector<1x16xf32>,
        %get3A_907 = vector.shape_cast %get3A_906 : vector<1x16xf32> to vector<16xf32>
        %add3A_908 = arith.addf %add3A_901, %get3A_907 : vector<16xf32>
        %add3A_909 = arith.constant 5 : i32
        %add3A_910 = arith.addi %mul3A_699, %add3A_909 : i32
        %get3A_911 = arith.index_cast %add3A_910 : i32 to index
        %get3A_912 = arith.constant 16 : index
        %get3A_913 = tpu.vector_load %arg10[%get3A_911, %get3A_912] {strides = array<i32>} : memref<320x128xf32, #tpu.memory_space<vmem>>, vector<1x16xf32>,
        %get3A_914 = vector.shape_cast %get3A_913 : vector<1x16xf32> to vector<16xf32>
        %add3A_915 = arith.addf %add3A_908, %get3A_914 : vector<16xf32>
        %add3A_916 = arith.constant 5 : i32
        %add3A_917 = arith.addi %mul3A_699, %add3A_916 : i32
        %get3A_918 = arith.index_cast %add3A_917 : i32 to index
        %get3A_919 = arith.constant 80 : index
        %get3A_920 = tpu.vector_load %arg10[%get3A_918, %get3A_919] {strides = array<i32>} : memref<320x128xf32, #tpu.memory_space<vmem>>, vector<1x16xf32>,
        %get3A_921 = vector.shape_cast %get3A_920 : vector<1x16xf32> to vector<16xf32>
        %add3A_922 = arith.addf %add3A_915, %get3A_921 : vector<16xf32>
        %add3A_923 = arith.constant 6 : i32
        %add3A_924 = arith.addi %mul3A_699, %add3A_923 : i32
        %get3A_925 = arith.index_cast %add3A_924 : i32 to index
        %get3A_926 = arith.constant 16 : index
        %get3A_927 = tpu.vector_load %arg10[%get3A_925, %get3A_926] {strides = array<i32>} : memref<320x128xf32, #tpu.memory_space<vmem>>, vector<1x16xf32>,
        %get3A_928 = vector.shape_cast %get3A_927 : vector<1x16xf32> to vector<16xf32>
        %add3A_929 = arith.addf %add3A_922, %get3A_928 : vector<16xf32>
        %add3A_930 = arith.constant 6 : i32
        %add3A_931 = arith.addi %mul3A_699, %add3A_930 : i32
        %get3A_932 = arith.index_cast %add3A_931 : i32 to index
        %get3A_933 = arith.constant 80 : index
        %get3A_934 = tpu.vector_load %arg10[%get3A_932, %get3A_933] {strides = array<i32>} : memref<320x128xf32, #tpu.memory_space<vmem>>, vector<1x16xf32>,
        %get3A_935 = vector.shape_cast %get3A_934 : vector<1x16xf32> to vector<16xf32>
        %add3A_936 = arith.addf %add3A_929, %get3A_935 : vector<16xf32>
        %add3A_937 = arith.constant 7 : i32
        %add3A_938 = arith.addi %mul3A_699, %add3A_937 : i32
        %get3A_939 = arith.index_cast %add3A_938 : i32 to index
        %get3A_940 = arith.constant 16 : index
        %get3A_941 = tpu.vector_load %arg10[%get3A_939, %get3A_940] {strides = array<i32>} : memref<320x128xf32, #tpu.memory_space<vmem>>, vector<1x16xf32>,
        %get3A_942 = vector.shape_cast %get3A_941 : vector<1x16xf32> to vector<16xf32>
        %add3A_943 = arith.addf %add3A_936, %get3A_942 : vector<16xf32>
        %add3A_944 = arith.constant 7 : i32
        %add3A_945 = arith.addi %mul3A_699, %add3A_944 : i32
        %get3A_946 = arith.index_cast %add3A_945 : i32 to index
        %get3A_947 = arith.constant 80 : index
        %get3A_948 = tpu.vector_load %arg10[%get3A_946, %get3A_947] {strides = array<i32>} : memref<320x128xf32, #tpu.memory_space<vmem>>, vector<1x16xf32>,
        %get3A_949 = vector.shape_cast %get3A_948 : vector<1x16xf32> to vector<16xf32>
        %add3A_950 = arith.addf %add3A_943, %get3A_949 : vector<16xf32>
        %add3A_951 = arith.constant 8 : i32
        %add3A_952 = arith.addi %mul3A_699, %add3A_951 : i32
        %get3A_953 = arith.index_cast %add3A_952 : i32 to index
        %get3A_954 = arith.constant 16 : index
        %get3A_955 = tpu.vector_load %arg10[%get3A_953, %get3A_954] {strides = array<i32>} : memref<320x128xf32, #tpu.memory_space<vmem>>, vector<1x16xf32>,
        %get3A_956 = vector.shape_cast %get3A_955 : vector<1x16xf32> to vector<16xf32>
        %add3A_957 = arith.addf %add3A_950, %get3A_956 : vector<16xf32>
        %add3A_958 = arith.constant 8 : i32
        %add3A_959 = arith.addi %mul3A_699, %add3A_958 : i32
        %get3A_960 = arith.index_cast %add3A_959 : i32 to index
        %get3A_961 = arith.constant 80 : index
        %get3A_962 = tpu.vector_load %arg10[%get3A_960, %get3A_961] {strides = array<i32>} : memref<320x128xf32, #tpu.memory_space<vmem>>, vector<1x16xf32>,
        %get3A_963 = vector.shape_cast %get3A_962 : vector<1x16xf32> to vector<16xf32>
        %add3A_964 = arith.addf %add3A_957, %get3A_963 : vector<16xf32>
        %add3A_965 = arith.constant 9 : i32
        %add3A_966 = arith.addi %mul3A_699, %add3A_965 : i32
        %get3A_967 = arith.index_cast %add3A_966 : i32 to index
        %get3A_968 = arith.constant 16 : index
        %get3A_969 = tpu.vector_load %arg10[%get3A_967, %get3A_968] {strides = array<i32>} : memref<320x128xf32, #tpu.memory_space<vmem>>, vector<1x16xf32>,
        %get3A_970 = vector.shape_cast %get3A_969 : vector<1x16xf32> to vector<16xf32>
        %add3A_971 = arith.addf %add3A_964, %get3A_970 : vector<16xf32>
        %add3A_972 = arith.constant 9 : i32
        %add3A_973 = arith.addi %mul3A_699, %add3A_972 : i32
        %get3A_974 = arith.index_cast %add3A_973 : i32 to index
        %get3A_975 = arith.constant 80 : index
        %get3A_976 = tpu.vector_load %arg10[%get3A_974, %get3A_975] {strides = array<i32>} : memref<320x128xf32, #tpu.memory_space<vmem>>, vector<1x16xf32>,
        %get3A_977 = vector.shape_cast %get3A_976 : vector<1x16xf32> to vector<16xf32>
        %add3A_978 = arith.addf %add3A_971, %get3A_977 : vector<16xf32>
        %swap3A_979 = arith.index_cast %add3A_697 : i32 to index
        %swap3A_980 = arith.constant 16 : index
        %swap3A_981 = tpu.vector_load %arg12[%swap3A_979, %swap3A_980] {strides = array<i32>} : memref<32x64xf32, #tpu.memory_space<vmem>>, vector<1x16xf32>,
        %swap3A_982 = vector.shape_cast %swap3A_981 : vector<1x16xf32> to vector<16xf32>
        %swap3A_983 = vector.shape_cast %add3A_978 : vector<16xf32> to vector<1x16xf32>
        tpu.vector_store %arg12[%swap3A_979, %swap3A_980], %swap3A_983 {strides = array<i32>} : memref<32x64xf32, #tpu.memory_space<vmem>>, vector<1x16xf32>,
        %get3A_984 = arith.index_cast %mul3A_699 : i32 to index
        %get3A_985 = arith.constant 32 : index
        %get3A_986 = tpu.vector_load %arg10[%get3A_984, %get3A_985] {strides = array<i32>} : memref<320x128xf32, #tpu.memory_space<vmem>>, vector<1x16xf32>,
        %get3A_987 = vector.shape_cast %get3A_986 : vector<1x16xf32> to vector<16xf32>
        %add3A_988 = arith.constant 0 : i32
        %add3A_989 = arith.addi %mul3A_699, %add3A_988 : i32
        %get3A_990 = arith.index_cast %add3A_989 : i32 to index
        %get3A_991 = arith.constant 96 : index
        %get3A_992 = tpu.vector_load %arg10[%get3A_990, %get3A_991] {strides = array<i32>} : memref<320x128xf32, #tpu.memory_space<vmem>>, vector<1x16xf32>,
        %get3A_993 = vector.shape_cast %get3A_992 : vector<1x16xf32> to vector<16xf32>
        %add3A_994 = arith.addf %get3A_987, %get3A_993 : vector<16xf32>
        %add3A_995 = arith.constant 1 : i32
        %add3A_996 = arith.addi %mul3A_699, %add3A_995 : i32
        %get3A_997 = arith.index_cast %add3A_996 : i32 to index
        %get3A_998 = arith.constant 32 : index
        %get3A_999 = tpu.vector_load %arg10[%get3A_997, %get3A_998] {strides = array<i32>} : memref<320x128xf32, #tpu.memory_space<vmem>>, vector<1x16xf32>,
        %get3A_1000 = vector.shape_cast %get3A_999 : vector<1x16xf32> to vector<16xf32>
        %add3A_1001 = arith.addf %add3A_994, %get3A_1000 : vector<16xf32>
        %add3A_1002 = arith.constant 1 : i32
        %add3A_1003 = arith.addi %mul3A_699, %add3A_1002 : i32
        %get3A_1004 = arith.index_cast %add3A_1003 : i32 to index
        %get3A_1005 = arith.constant 96 : index
        %get3A_1006 = tpu.vector_load %arg10[%get3A_1004, %get3A_1005] {strides = array<i32>} : memref<320x128xf32, #tpu.memory_space<vmem>>, vector<1x16xf32>,
        %get3A_1007 = vector.shape_cast %get3A_1006 : vector<1x16xf32> to vector<16xf32>
        %add3A_1008 = arith.addf %add3A_1001, %get3A_1007 : vector<16xf32>
        %add3A_1009 = arith.constant 2 : i32
        %add3A_1010 = arith.addi %mul3A_699, %add3A_1009 : i32
        %get3A_1011 = arith.index_cast %add3A_1010 : i32 to index
        %get3A_1012 = arith.constant 32 : index
        %get3A_1013 = tpu.vector_load %arg10[%get3A_1011, %get3A_1012] {strides = array<i32>} : memref<320x128xf32, #tpu.memory_space<vmem>>, vector<1x16xf32>,
        %get3A_1014 = vector.shape_cast %get3A_1013 : vector<1x16xf32> to vector<16xf32>
        %add3A_1015 = arith.addf %add3A_1008, %get3A_1014 : vector<16xf32>
        %add3A_1016 = arith.constant 2 : i32
        %add3A_1017 = arith.addi %mul3A_699, %add3A_1016 : i32
        %get3A_1018 = arith.index_cast %add3A_1017 : i32 to index
        %get3A_1019 = arith.constant 96 : index
        %get3A_1020 = tpu.vector_load %arg10[%get3A_1018, %get3A_1019] {strides = array<i32>} : memref<320x128xf32, #tpu.memory_space<vmem>>, vector<1x16xf32>,
        %get3A_1021 = vector.shape_cast %get3A_1020 : vector<1x16xf32> to vector<16xf32>
        %add3A_1022 = arith.addf %add3A_1015, %get3A_1021 : vector<16xf32>
        %add3A_1023 = arith.constant 3 : i32
        %add3A_1024 = arith.addi %mul3A_699, %add3A_1023 : i32
        %get3A_1025 = arith.index_cast %add3A_1024 : i32 to index
        %get3A_1026 = arith.constant 32 : index
        %get3A_1027 = tpu.vector_load %arg10[%get3A_1025, %get3A_1026] {strides = array<i32>} : memref<320x128xf32, #tpu.memory_space<vmem>>, vector<1x16xf32>,
        %get3A_1028 = vector.shape_cast %get3A_1027 : vector<1x16xf32> to vector<16xf32>
        %add3A_1029 = arith.addf %add3A_1022, %get3A_1028 : vector<16xf32>
        %add3A_1030 = arith.constant 3 : i32
        %add3A_1031 = arith.addi %mul3A_699, %add3A_1030 : i32
        %get3A_1032 = arith.index_cast %add3A_1031 : i32 to index
        %get3A_1033 = arith.constant 96 : index
        %get3A_1034 = tpu.vector_load %arg10[%get3A_1032, %get3A_1033] {strides = array<i32>} : memref<320x128xf32, #tpu.memory_space<vmem>>, vector<1x16xf32>,
        %get3A_1035 = vector.shape_cast %get3A_1034 : vector<1x16xf32> to vector<16xf32>
        %add3A_1036 = arith.addf %add3A_1029, %get3A_1035 : vector<16xf32>
        %add3A_1037 = arith.constant 4 : i32
        %add3A_1038 = arith.addi %mul3A_699, %add3A_1037 : i32
        %get3A_1039 = arith.index_cast %add3A_1038 : i32 to index
        %get3A_1040 = arith.constant 32 : index
        %get3A_1041 = tpu.vector_load %arg10[%get3A_1039, %get3A_1040] {strides = array<i32>} : memref<320x128xf32, #tpu.memory_space<vmem>>, vector<1x16xf32>,
        %get3A_1042 = vector.shape_cast %get3A_1041 : vector<1x16xf32> to vector<16xf32>
        %add3A_1043 = arith.addf %add3A_1036, %get3A_1042 : vector<16xf32>
        %add3A_1044 = arith.constant 4 : i32
        %add3A_1045 = arith.addi %mul3A_699, %add3A_1044 : i32
        %get3A_1046 = arith.index_cast %add3A_1045 : i32 to index
        %get3A_1047 = arith.constant 96 : index
        %get3A_1048 = tpu.vector_load %arg10[%get3A_1046, %get3A_1047] {strides = array<i32>} : memref<320x128xf32, #tpu.memory_space<vmem>>, vector<1x16xf32>,
        %get3A_1049 = vector.shape_cast %get3A_1048 : vector<1x16xf32> to vector<16xf32>
        %add3A_1050 = arith.addf %add3A_1043, %get3A_1049 : vector<16xf32>
        %add3A_1051 = arith.constant 5 : i32
        %add3A_1052 = arith.addi %mul3A_699, %add3A_1051 : i32
        %get3A_1053 = arith.index_cast %add3A_1052 : i32 to index
        %get3A_1054 = arith.constant 32 : index
        %get3A_1055 = tpu.vector_load %arg10[%get3A_1053, %get3A_1054] {strides = array<i32>} : memref<320x128xf32, #tpu.memory_space<vmem>>, vector<1x16xf32>,
        %get3A_1056 = vector.shape_cast %get3A_1055 : vector<1x16xf32> to vector<16xf32>
        %add3A_1057 = arith.addf %add3A_1050, %get3A_1056 : vector<16xf32>
        %add3A_1058 = arith.constant 5 : i32
        %add3A_1059 = arith.addi %mul3A_699, %add3A_1058 : i32
        %get3A_1060 = arith.index_cast %add3A_1059 : i32 to index
        %get3A_1061 = arith.constant 96 : index
        %get3A_1062 = tpu.vector_load %arg10[%get3A_1060, %get3A_1061] {strides = array<i32>} : memref<320x128xf32, #tpu.memory_space<vmem>>, vector<1x16xf32>,
        %get3A_1063 = vector.shape_cast %get3A_1062 : vector<1x16xf32> to vector<16xf32>
        %add3A_1064 = arith.addf %add3A_1057, %get3A_1063 : vector<16xf32>
        %add3A_1065 = arith.constant 6 : i32
        %add3A_1066 = arith.addi %mul3A_699, %add3A_1065 : i32
        %get3A_1067 = arith.index_cast %add3A_1066 : i32 to index
        %get3A_1068 = arith.constant 32 : index
        %get3A_1069 = tpu.vector_load %arg10[%get3A_1067, %get3A_1068] {strides = array<i32>} : memref<320x128xf32, #tpu.memory_space<vmem>>, vector<1x16xf32>,
        %get3A_1070 = vector.shape_cast %get3A_1069 : vector<1x16xf32> to vector<16xf32>
        %add3A_1071 = arith.addf %add3A_1064, %get3A_1070 : vector<16xf32>
        %add3A_1072 = arith.constant 6 : i32
        %add3A_1073 = arith.addi %mul3A_699, %add3A_1072 : i32
        %get3A_1074 = arith.index_cast %add3A_1073 : i32 to index
        %get3A_1075 = arith.constant 96 : index
        %get3A_1076 = tpu.vector_load %arg10[%get3A_1074, %get3A_1075] {strides = array<i32>} : memref<320x128xf32, #tpu.memory_space<vmem>>, vector<1x16xf32>,
        %get3A_1077 = vector.shape_cast %get3A_1076 : vector<1x16xf32> to vector<16xf32>
        %add3A_1078 = arith.addf %add3A_1071, %get3A_1077 : vector<16xf32>
        %add3A_1079 = arith.constant 7 : i32
        %add3A_1080 = arith.addi %mul3A_699, %add3A_1079 : i32
        %get3A_1081 = arith.index_cast %add3A_1080 : i32 to index
        %get3A_1082 = arith.constant 32 : index
        %get3A_1083 = tpu.vector_load %arg10[%get3A_1081, %get3A_1082] {strides = array<i32>} : memref<320x128xf32, #tpu.memory_space<vmem>>, vector<1x16xf32>,
        %get3A_1084 = vector.shape_cast %get3A_1083 : vector<1x16xf32> to vector<16xf32>
        %add3A_1085 = arith.addf %add3A_1078, %get3A_1084 : vector<16xf32>
        %add3A_1086 = arith.constant 7 : i32
        %add3A_1087 = arith.addi %mul3A_699, %add3A_1086 : i32
        %get3A_1088 = arith.index_cast %add3A_1087 : i32 to index
        %get3A_1089 = arith.constant 96 : index
        %get3A_1090 = tpu.vector_load %arg10[%get3A_1088, %get3A_1089] {strides = array<i32>} : memref<320x128xf32, #tpu.memory_space<vmem>>, vector<1x16xf32>,
        %get3A_1091 = vector.shape_cast %get3A_1090 : vector<1x16xf32> to vector<16xf32>
        %add3A_1092 = arith.addf %add3A_1085, %get3A_1091 : vector<16xf32>
        %add3A_1093 = arith.constant 8 : i32
        %add3A_1094 = arith.addi %mul3A_699, %add3A_1093 : i32
        %get3A_1095 = arith.index_cast %add3A_1094 : i32 to index
        %get3A_1096 = arith.constant 32 : index
        %get3A_1097 = tpu.vector_load %arg10[%get3A_1095, %get3A_1096] {strides = array<i32>} : memref<320x128xf32, #tpu.memory_space<vmem>>, vector<1x16xf32>,
        %get3A_1098 = vector.shape_cast %get3A_1097 : vector<1x16xf32> to vector<16xf32>
        %add3A_1099 = arith.addf %add3A_1092, %get3A_1098 : vector<16xf32>
        %add3A_1100 = arith.constant 8 : i32
        %add3A_1101 = arith.addi %mul3A_699, %add3A_1100 : i32
        %get3A_1102 = arith.index_cast %add3A_1101 : i32 to index
        %get3A_1103 = arith.constant 96 : index
        %get3A_1104 = tpu.vector_load %arg10[%get3A_1102, %get3A_1103] {strides = array<i32>} : memref<320x128xf32, #tpu.memory_space<vmem>>, vector<1x16xf32>,
        %get3A_1105 = vector.shape_cast %get3A_1104 : vector<1x16xf32> to vector<16xf32>
        %add3A_1106 = arith.addf %add3A_1099, %get3A_1105 : vector<16xf32>
        %add3A_1107 = arith.constant 9 : i32
        %add3A_1108 = arith.addi %mul3A_699, %add3A_1107 : i32
        %get3A_1109 = arith.index_cast %add3A_1108 : i32 to index
        %get3A_1110 = arith.constant 32 : index
        %get3A_1111 = tpu.vector_load %arg10[%get3A_1109, %get3A_1110] {strides = array<i32>} : memref<320x128xf32, #tpu.memory_space<vmem>>, vector<1x16xf32>,
        %get3A_1112 = vector.shape_cast %get3A_1111 : vector<1x16xf32> to vector<16xf32>
        %add3A_1113 = arith.addf %add3A_1106, %get3A_1112 : vector<16xf32>
        %add3A_1114 = arith.constant 9 : i32
        %add3A_1115 = arith.addi %mul3A_699, %add3A_1114 : i32
        %get3A_1116 = arith.index_cast %add3A_1115 : i32 to index
        %get3A_1117 = arith.constant 96 : index
        %get3A_1118 = tpu.vector_load %arg10[%get3A_1116, %get3A_1117] {strides = array<i32>} : memref<320x128xf32, #tpu.memory_space<vmem>>, vector<1x16xf32>,
        %get3A_1119 = vector.shape_cast %get3A_1118 : vector<1x16xf32> to vector<16xf32>
        %add3A_1120 = arith.addf %add3A_1113, %get3A_1119 : vector<16xf32>
        %swap3A_1121 = arith.index_cast %add3A_697 : i32 to index
        %swap3A_1122 = arith.constant 32 : index
        %swap3A_1123 = tpu.vector_load %arg12[%swap3A_1121, %swap3A_1122] {strides = array<i32>} : memref<32x64xf32, #tpu.memory_space<vmem>>, vector<1x16xf32>,
        %swap3A_1124 = vector.shape_cast %swap3A_1123 : vector<1x16xf32> to vector<16xf32>
        %swap3A_1125 = vector.shape_cast %add3A_1120 : vector<16xf32> to vector<1x16xf32>
        tpu.vector_store %arg12[%swap3A_1121, %swap3A_1122], %swap3A_1125 {strides = array<i32>} : memref<32x64xf32, #tpu.memory_space<vmem>>, vector<1x16xf32>,
        %get3A_1126 = arith.index_cast %mul3A_699 : i32 to index
        %get3A_1127 = arith.constant 48 : index
        %get3A_1128 = tpu.vector_load %arg10[%get3A_1126, %get3A_1127] {strides = array<i32>} : memref<320x128xf32, #tpu.memory_space<vmem>>, vector<1x16xf32>,
        %get3A_1129 = vector.shape_cast %get3A_1128 : vector<1x16xf32> to vector<16xf32>
        %add3A_1130 = arith.constant 0 : i32
        %add3A_1131 = arith.addi %mul3A_699, %add3A_1130 : i32
        %get3A_1132 = arith.index_cast %add3A_1131 : i32 to index
        %get3A_1133 = arith.constant 112 : index
        %get3A_1134 = tpu.vector_load %arg10[%get3A_1132, %get3A_1133] {strides = array<i32>} : memref<320x128xf32, #tpu.memory_space<vmem>>, vector<1x16xf32>,
        %get3A_1135 = vector.shape_cast %get3A_1134 : vector<1x16xf32> to vector<16xf32>
        %add3A_1136 = arith.addf %get3A_1129, %get3A_1135 : vector<16xf32>
        %add3A_1137 = arith.constant 1 : i32
        %add3A_1138 = arith.addi %mul3A_699, %add3A_1137 : i32
        %get3A_1139 = arith.index_cast %add3A_1138 : i32 to index
        %get3A_1140 = arith.constant 48 : index
        %get3A_1141 = tpu.vector_load %arg10[%get3A_1139, %get3A_1140] {strides = array<i32>} : memref<320x128xf32, #tpu.memory_space<vmem>>, vector<1x16xf32>,
        %get3A_1142 = vector.shape_cast %get3A_1141 : vector<1x16xf32> to vector<16xf32>
        %add3A_1143 = arith.addf %add3A_1136, %get3A_1142 : vector<16xf32>
        %add3A_1144 = arith.constant 1 : i32
        %add3A_1145 = arith.addi %mul3A_699, %add3A_1144 : i32
        %get3A_1146 = arith.index_cast %add3A_1145 : i32 to index
        %get3A_1147 = arith.constant 112 : index
        %get3A_1148 = tpu.vector_load %arg10[%get3A_1146, %get3A_1147] {strides = array<i32>} : memref<320x128xf32, #tpu.memory_space<vmem>>, vector<1x16xf32>,
        %get3A_1149 = vector.shape_cast %get3A_1148 : vector<1x16xf32> to vector<16xf32>
        %add3A_1150 = arith.addf %add3A_1143, %get3A_1149 : vector<16xf32>
        %add3A_1151 = arith.constant 2 : i32
        %add3A_1152 = arith.addi %mul3A_699, %add3A_1151 : i32
        %get3A_1153 = arith.index_cast %add3A_1152 : i32 to index
        %get3A_1154 = arith.constant 48 : index
        %get3A_1155 = tpu.vector_load %arg10[%get3A_1153, %get3A_1154] {strides = array<i32>} : memref<320x128xf32, #tpu.memory_space<vmem>>, vector<1x16xf32>,
        %get3A_1156 = vector.shape_cast %get3A_1155 : vector<1x16xf32> to vector<16xf32>
        %add3A_1157 = arith.addf %add3A_1150, %get3A_1156 : vector<16xf32>
        %add3A_1158 = arith.constant 2 : i32
        %add3A_1159 = arith.addi %mul3A_699, %add3A_1158 : i32
        %get3A_1160 = arith.index_cast %add3A_1159 : i32 to index
        %get3A_1161 = arith.constant 112 : index
        %get3A_1162 = tpu.vector_load %arg10[%get3A_1160, %get3A_1161] {strides = array<i32>} : memref<320x128xf32, #tpu.memory_space<vmem>>, vector<1x16xf32>,
        %get3A_1163 = vector.shape_cast %get3A_1162 : vector<1x16xf32> to vector<16xf32>
        %add3A_1164 = arith.addf %add3A_1157, %get3A_1163 : vector<16xf32>
        %add3A_1165 = arith.constant 3 : i32
        %add3A_1166 = arith.addi %mul3A_699, %add3A_1165 : i32
        %get3A_1167 = arith.index_cast %add3A_1166 : i32 to index
        %get3A_1168 = arith.constant 48 : index
        %get3A_1169 = tpu.vector_load %arg10[%get3A_1167, %get3A_1168] {strides = array<i32>} : memref<320x128xf32, #tpu.memory_space<vmem>>, vector<1x16xf32>,
        %get3A_1170 = vector.shape_cast %get3A_1169 : vector<1x16xf32> to vector<16xf32>
        %add3A_1171 = arith.addf %add3A_1164, %get3A_1170 : vector<16xf32>
        %add3A_1172 = arith.constant 3 : i32
        %add3A_1173 = arith.addi %mul3A_699, %add3A_1172 : i32
        %get3A_1174 = arith.index_cast %add3A_1173 : i32 to index
        %get3A_1175 = arith.constant 112 : index
        %get3A_1176 = tpu.vector_load %arg10[%get3A_1174, %get3A_1175] {strides = array<i32>} : memref<320x128xf32, #tpu.memory_space<vmem>>, vector<1x16xf32>,
        %get3A_1177 = vector.shape_cast %get3A_1176 : vector<1x16xf32> to vector<16xf32>
        %add3A_1178 = arith.addf %add3A_1171, %get3A_1177 : vector<16xf32>
        %add3A_1179 = arith.constant 4 : i32
        %add3A_1180 = arith.addi %mul3A_699, %add3A_1179 : i32
        %get3A_1181 = arith.index_cast %add3A_1180 : i32 to index
        %get3A_1182 = arith.constant 48 : index
        %get3A_1183 = tpu.vector_load %arg10[%get3A_1181, %get3A_1182] {strides = array<i32>} : memref<320x128xf32, #tpu.memory_space<vmem>>, vector<1x16xf32>,
        %get3A_1184 = vector.shape_cast %get3A_1183 : vector<1x16xf32> to vector<16xf32>
        %add3A_1185 = arith.addf %add3A_1178, %get3A_1184 : vector<16xf32>
        %add3A_1186 = arith.constant 4 : i32
        %add3A_1187 = arith.addi %mul3A_699, %add3A_1186 : i32
        %get3A_1188 = arith.index_cast %add3A_1187 : i32 to index
        %get3A_1189 = arith.constant 112 : index
        %get3A_1190 = tpu.vector_load %arg10[%get3A_1188, %get3A_1189] {strides = array<i32>} : memref<320x128xf32, #tpu.memory_space<vmem>>, vector<1x16xf32>,
        %get3A_1191 = vector.shape_cast %get3A_1190 : vector<1x16xf32> to vector<16xf32>
        %add3A_1192 = arith.addf %add3A_1185, %get3A_1191 : vector<16xf32>
        %add3A_1193 = arith.constant 5 : i32
        %add3A_1194 = arith.addi %mul3A_699, %add3A_1193 : i32
        %get3A_1195 = arith.index_cast %add3A_1194 : i32 to index
        %get3A_1196 = arith.constant 48 : index
        %get3A_1197 = tpu.vector_load %arg10[%get3A_1195, %get3A_1196] {strides = array<i32>} : memref<320x128xf32, #tpu.memory_space<vmem>>, vector<1x16xf32>,
        %get3A_1198 = vector.shape_cast %get3A_1197 : vector<1x16xf32> to vector<16xf32>
        %add3A_1199 = arith.addf %add3A_1192, %get3A_1198 : vector<16xf32>
        %add3A_1200 = arith.constant 5 : i32
        %add3A_1201 = arith.addi %mul3A_699, %add3A_1200 : i32
        %get3A_1202 = arith.index_cast %add3A_1201 : i32 to index
        %get3A_1203 = arith.constant 112 : index
        %get3A_1204 = tpu.vector_load %arg10[%get3A_1202, %get3A_1203] {strides = array<i32>} : memref<320x128xf32, #tpu.memory_space<vmem>>, vector<1x16xf32>,
        %get3A_1205 = vector.shape_cast %get3A_1204 : vector<1x16xf32> to vector<16xf32>
        %add3A_1206 = arith.addf %add3A_1199, %get3A_1205 : vector<16xf32>
        %add3A_1207 = arith.constant 6 : i32
        %add3A_1208 = arith.addi %mul3A_699, %add3A_1207 : i32
        %get3A_1209 = arith.index_cast %add3A_1208 : i32 to index
        %get3A_1210 = arith.constant 48 : index
        %get3A_1211 = tpu.vector_load %arg10[%get3A_1209, %get3A_1210] {strides = array<i32>} : memref<320x128xf32, #tpu.memory_space<vmem>>, vector<1x16xf32>,
        %get3A_1212 = vector.shape_cast %get3A_1211 : vector<1x16xf32> to vector<16xf32>
        %add3A_1213 = arith.addf %add3A_1206, %get3A_1212 : vector<16xf32>
        %add3A_1214 = arith.constant 6 : i32
        %add3A_1215 = arith.addi %mul3A_699, %add3A_1214 : i32
        %get3A_1216 = arith.index_cast %add3A_1215 : i32 to index
        %get3A_1217 = arith.constant 112 : index
        %get3A_1218 = tpu.vector_load %arg10[%get3A_1216, %get3A_1217] {strides = array<i32>} : memref<320x128xf32, #tpu.memory_space<vmem>>, vector<1x16xf32>,
        %get3A_1219 = vector.shape_cast %get3A_1218 : vector<1x16xf32> to vector<16xf32>
        %add3A_1220 = arith.addf %add3A_1213, %get3A_1219 : vector<16xf32>
        %add3A_1221 = arith.constant 7 : i32
        %add3A_1222 = arith.addi %mul3A_699, %add3A_1221 : i32
        %get3A_1223 = arith.index_cast %add3A_1222 : i32 to index
        %get3A_1224 = arith.constant 48 : index
        %get3A_1225 = tpu.vector_load %arg10[%get3A_1223, %get3A_1224] {strides = array<i32>} : memref<320x128xf32, #tpu.memory_space<vmem>>, vector<1x16xf32>,
        %get3A_1226 = vector.shape_cast %get3A_1225 : vector<1x16xf32> to vector<16xf32>
        %add3A_1227 = arith.addf %add3A_1220, %get3A_1226 : vector<16xf32>
        %add3A_1228 = arith.constant 7 : i32
        %add3A_1229 = arith.addi %mul3A_699, %add3A_1228 : i32
        %get3A_1230 = arith.index_cast %add3A_1229 : i32 to index
        %get3A_1231 = arith.constant 112 : index
        %get3A_1232 = tpu.vector_load %arg10[%get3A_1230, %get3A_1231] {strides = array<i32>} : memref<320x128xf32, #tpu.memory_space<vmem>>, vector<1x16xf32>,
        %get3A_1233 = vector.shape_cast %get3A_1232 : vector<1x16xf32> to vector<16xf32>
        %add3A_1234 = arith.addf %add3A_1227, %get3A_1233 : vector<16xf32>
        %add3A_1235 = arith.constant 8 : i32
        %add3A_1236 = arith.addi %mul3A_699, %add3A_1235 : i32
        %get3A_1237 = arith.index_cast %add3A_1236 : i32 to index
        %get3A_1238 = arith.constant 48 : index
        %get3A_1239 = tpu.vector_load %arg10[%get3A_1237, %get3A_1238] {strides = array<i32>} : memref<320x128xf32, #tpu.memory_space<vmem>>, vector<1x16xf32>,
        %get3A_1240 = vector.shape_cast %get3A_1239 : vector<1x16xf32> to vector<16xf32>
        %add3A_1241 = arith.addf %add3A_1234, %get3A_1240 : vector<16xf32>
        %add3A_1242 = arith.constant 8 : i32
        %add3A_1243 = arith.addi %mul3A_699, %add3A_1242 : i32
        %get3A_1244 = arith.index_cast %add3A_1243 : i32 to index
        %get3A_1245 = arith.constant 112 : index
        %get3A_1246 = tpu.vector_load %arg10[%get3A_1244, %get3A_1245] {strides = array<i32>} : memref<320x128xf32, #tpu.memory_space<vmem>>, vector<1x16xf32>,
        %get3A_1247 = vector.shape_cast %get3A_1246 : vector<1x16xf32> to vector<16xf32>
        %add3A_1248 = arith.addf %add3A_1241, %get3A_1247 : vector<16xf32>
        %add3A_1249 = arith.constant 9 : i32
        %add3A_1250 = arith.addi %mul3A_699, %add3A_1249 : i32
        %get3A_1251 = arith.index_cast %add3A_1250 : i32 to index
        %get3A_1252 = arith.constant 48 : index
        %get3A_1253 = tpu.vector_load %arg10[%get3A_1251, %get3A_1252] {strides = array<i32>} : memref<320x128xf32, #tpu.memory_space<vmem>>, vector<1x16xf32>,
        %get3A_1254 = vector.shape_cast %get3A_1253 : vector<1x16xf32> to vector<16xf32>
        %add3A_1255 = arith.addf %add3A_1248, %get3A_1254 : vector<16xf32>
        %add3A_1256 = arith.constant 9 : i32
        %add3A_1257 = arith.addi %mul3A_699, %add3A_1256 : i32
        %get3A_1258 = arith.index_cast %add3A_1257 : i32 to index
        %get3A_1259 = arith.constant 112 : index
        %get3A_1260 = tpu.vector_load %arg10[%get3A_1258, %get3A_1259] {strides = array<i32>} : memref<320x128xf32, #tpu.memory_space<vmem>>, vector<1x16xf32>,
        %get3A_1261 = vector.shape_cast %get3A_1260 : vector<1x16xf32> to vector<16xf32>
        %add3A_1262 = arith.addf %add3A_1255, %get3A_1261 : vector<16xf32>
        %swap3A_1263 = arith.index_cast %add3A_697 : i32 to index
        %swap3A_1264 = arith.constant 48 : index
        %swap3A_1265 = tpu.vector_load %arg12[%swap3A_1263, %swap3A_1264] {strides = array<i32>} : memref<32x64xf32, #tpu.memory_space<vmem>>, vector<1x16xf32>,
        %swap3A_1266 = vector.shape_cast %swap3A_1265 : vector<1x16xf32> to vector<16xf32>
        %swap3A_1267 = vector.shape_cast %add3A_1262 : vector<16xf32> to vector<1x16xf32>
        tpu.vector_store %arg12[%swap3A_1263, %swap3A_1264], %swap3A_1267 {strides = array<i32>} : memref<32x64xf32, #tpu.memory_space<vmem>>, vector<1x16xf32>,
      }
      %scan3A_78 = arith.constant 16 : i32
      %dma_start3A_79 = arith.constant 0 : i32
      %dma_start3A_80 = tpu.memref_slice %arg5[%add3A_72, %dma_start3A_79] : memref<106496x64xf32, #tpu.memory_space<hbm>> -> memref<32x64xf32, #tpu.memory_space<hbm>>
      %dma_start3A_81 = arith.constant 0 : i32
      %dma_start3A_82 = tpu.memref_slice %arg5[%add3A_72, %dma_start3A_81] : memref<106496x64xf32, #tpu.memory_space<hbm>> -> memref<32x64xf32, #tpu.memory_space<hbm>>
      tpu.enqueue_dma source(%arg12 : memref<32x64xf32, #tpu.memory_space<vmem>>) target(%dma_start3A_82 : memref<32x64xf32, #tpu.memory_space<hbm>>) target_semaphore(%arg16 : memref<!tpu.dma_semaphore, #tpu.memory_space<semaphore_mem>>)
      %mul3A_83 = arith.constant 2 : i32
      %mul3A_84 = arith.muli %scan3A_48, %mul3A_83 : i32
      %add3A_85 = arith.constant 1 : i32
      %add3A_86 = arith.addi %mul3A_84, %add3A_85 : i32
      %le3A_87 = arith.constant 102 : i32
      %le3A_88 = arith.cmpi sle, %add3A_86, %le3A_87 : i32
      %convert_element_type3A_89 = arith.extui %le3A_88 : i1 to i32
      %cond3A_90 = arith.constant 0 : i32
      %cond3A_91 = arith.cmpi ne, %convert_element_type3A_89, %cond3A_90 : i32
      scf.if %cond3A_91 {
        %dma_wait3A_121 = arith.constant 0 : i32
        %dma_wait3A_122 = tpu.memref_slice %arg3[%dma_wait3A_121] : memref<2129920xi32, #tpu.memory_space<hbm>> -> memref<640xi32, #tpu.memory_space<hbm>>
        %dma_wait3A_123 = arith.constant 0 : i32
        %dma_wait3A_124 = tpu.memref_slice %arg3[%dma_wait3A_123] : memref<2129920xi32, #tpu.memory_space<hbm>> -> memref<640xi32, #tpu.memory_space<hbm>>
        tpu.wait_dma2 semaphore(%arg18 : memref<!tpu.dma_semaphore, #tpu.memory_space<semaphore_mem>>) src(%dma_wait3A_124 : memref<640xi32, #tpu.memory_space<hbm>>) dst(%arg6 : memref<640xi32, #tpu.memory_space<vmem>>)
        %add3A_125 = arith.constant 1 : i32
        %add3A_126 = arith.addi %add3A_86, %add3A_125 : i32
        %mul3A_127 = arith.constant 32 : i32
        %mul3A_128 = arith.muli %add3A_126, %mul3A_127 : i32
        %rem3A_129 = arith.constant 26 : i32
        %rem3A_130 = arith.remsi %mul3A_128, %rem3A_129 : i32
        %broadcast_in_dim3A_131 = vector.broadcast %rem3A_130 : i32 to vector<16xi32>
        %scan3A_132 = arith.constant 0 : i32
        %scan3A_133 = arith.constant 0 : i32
        %scan3A_134 = arith.constant 40 : i32
        %scan3A_135 = arith.addi %scan3A_133, %scan3A_134 : i32
        %scan3A_136 = arith.constant 1 : i32
        scf.for %scan3A_138 = %scan3A_133 to %scan3A_135 step %scan3A_136  : i32 {
          %iota3A = tpu.iota {dimensions = array<i32: 0>} : vector<16xi32>
          %mul3A_139 = arith.constant 16 : i32
          %mul3A_140 = arith.muli %scan3A_138, %mul3A_139 : i32
          %broadcast_in_dim3A_141 = vector.broadcast %mul3A_140 : i32 to vector<16xi32>
          %add3A_142 = arith.addi %iota3A, %broadcast_in_dim3A_141 : vector<16xi32>
          %div3A = arith.constant 20 : i32
          %div3A_143 = vector.broadcast %div3A : i32 to vector<16xi32>
          %div3A_144 = arith.divsi %add3A_142, %div3A_143 : vector<16xi32>
          %add3A_145 = arith.addi %broadcast_in_dim3A_131, %div3A_144 : vector<16xi32>
          %rem3A_146 = arith.constant 26 : i32
          %rem3A_147 = vector.broadcast %rem3A_146 : i32 to vector<16xi32>
          %rem3A_148 = arith.remsi %add3A_145, %rem3A_147 : vector<16xi32>
          %mul3A_149 = arith.constant 16 : i32
          %mul3A_150 = arith.muli %scan3A_138, %mul3A_149 : i32
          %get3A = arith.index_cast %mul3A_150 : i32 to index
          %get3A_151 = tpu.vector_load %arg6[%get3A] {strides = array<i32>} : memref<640xi32, #tpu.memory_space<vmem>>, vector<16xi32>,
          %get3A_152 = vector.shape_cast %get3A_151 : vector<16xi32> to vector<16xi32>
          %mul3A_153 = arith.constant 100000 : i32
          %mul3A_154 = vector.broadcast %mul3A_153 : i32 to vector<16xi32>
          %mul3A_155 = arith.muli %rem3A_148, %mul3A_154 : vector<16xi32>
          %add3A_156 = arith.addi %get3A_152, %mul3A_155 : vector<16xi32>
          %mul3A_157 = arith.constant 16 : i32
          %mul3A_158 = arith.muli %scan3A_138, %mul3A_157 : i32
          %swap3A = arith.index_cast %mul3A_158 : i32 to index
          %swap3A_159 = tpu.vector_load %arg8[%swap3A] {strides = array<i32>} : memref<640xi32, #tpu.memory_space<vmem>>, vector<16xi32>,
          %swap3A_160 = vector.shape_cast %swap3A_159 : vector<16xi32> to vector<16xi32>
          %swap3A_161 = vector.shape_cast %add3A_156 : vector<16xi32> to vector<16xi32>
          tpu.vector_store %arg8[%swap3A], %swap3A_161 {strides = array<i32>} : memref<640xi32, #tpu.memory_space<vmem>>, vector<16xi32>,
        }
        %scan3A_137 = arith.constant 40 : i32
      } else {
      }
      %le3A_92 = arith.constant 101 : i32
      %le3A_93 = arith.cmpi sle, %add3A_86, %le3A_92 : i32
      %convert_element_type3A_94 = arith.extui %le3A_93 : i1 to i32
      %cond3A_95 = arith.constant 0 : i32
      %cond3A_96 = arith.cmpi ne, %convert_element_type3A_94, %cond3A_95 : i32
      scf.if %cond3A_96 {
        %add3A_121 = arith.constant 2 : i32
        %add3A_122 = arith.addi %add3A_86, %add3A_121 : i32
        %mul3A_123 = arith.constant 32 : i32
        %mul3A_124 = arith.muli %add3A_122, %mul3A_123 : i32
        %add3A_125 = arith.addi %mul3A_2, %mul3A_124 : i32
        %mul3A_126 = arith.constant 20 : i32
        %mul3A_127 = arith.muli %add3A_125, %mul3A_126 : i32
        %dma_start3A_128 = tpu.memref_slice %arg3[%mul3A_127] : memref<2129920xi32, #tpu.memory_space<hbm>> -> memref<640xi32, #tpu.memory_space<hbm>>
        %dma_start3A_129 = tpu.memref_slice %arg3[%mul3A_127] : memref<2129920xi32, #tpu.memory_space<hbm>> -> memref<640xi32, #tpu.memory_space<hbm>>
        tpu.enqueue_dma source(%dma_start3A_129 : memref<640xi32, #tpu.memory_space<hbm>>) target(%arg7 : memref<640xi32, #tpu.memory_space<vmem>>) target_semaphore(%arg19 : memref<!tpu.dma_semaphore, #tpu.memory_space<semaphore_mem>>)
      } else {
      }
      tpu.wait_dma2 semaphore(%arg15 : memref<!tpu.dma_semaphore, #tpu.memory_space<semaphore_mem>>) src(%arg4 : memref<320x128xf32, #tpu.memory_space<hbm>>) dst(%arg11 : memref<320x128xf32, #tpu.memory_space<vmem>>)
      %ge3A_97 = arith.constant 2 : i32
      %ge3A_98 = arith.cmpi sge, %add3A_86, %ge3A_97 : i32
      %convert_element_type3A_99 = arith.extui %ge3A_98 : i1 to i32
      %cond3A_100 = arith.constant 0 : i32
      %cond3A_101 = arith.cmpi ne, %convert_element_type3A_99, %cond3A_100 : i32
      scf.if %cond3A_101 {
        %dma_wait3A_121 = arith.constant 0 : i32
        %dma_wait3A_122 = arith.constant 0 : i32
        %dma_wait3A_123 = tpu.memref_slice %arg5[%dma_wait3A_121, %dma_wait3A_122] : memref<106496x64xf32, #tpu.memory_space<hbm>> -> memref<32x64xf32, #tpu.memory_space<hbm>>
        %dma_wait3A_124 = arith.constant 0 : i32
        %dma_wait3A_125 = arith.constant 0 : i32
        %dma_wait3A_126 = tpu.memref_slice %arg5[%dma_wait3A_124, %dma_wait3A_125] : memref<106496x64xf32, #tpu.memory_space<hbm>> -> memref<32x64xf32, #tpu.memory_space<hbm>>
        tpu.wait_dma2 semaphore(%arg17 : memref<!tpu.dma_semaphore, #tpu.memory_space<semaphore_mem>>) src(%arg13 : memref<32x64xf32, #tpu.memory_space<vmem>>) dst(%dma_wait3A_126 : memref<32x64xf32, #tpu.memory_space<hbm>>)
      } else {
      }
      %scan3A_102 = arith.constant 0 : i32
      %scan3A_103 = arith.constant 0 : i32
      %scan3A_104 = arith.constant 40 : i32
      %scan3A_105 = arith.addi %scan3A_103, %scan3A_104 : i32
      %scan3A_106 = arith.constant 1 : i32
      scf.for %scan3A_121 = %scan3A_103 to %scan3A_105 step %scan3A_106  : i32 {
        %mul3A_122 = arith.constant 16 : i32
        %mul3A_123 = arith.muli %scan3A_121, %mul3A_122 : i32
        %get3A = arith.index_cast %mul3A_123 : i32 to index
        %get3A_124 = tpu.vector_load %arg8[%get3A] {strides = array<i32>} : memref<640xi32, #tpu.memory_space<vmem>>, vector<16xi32>,
        %get3A_125 = vector.shape_cast %get3A_124 : vector<16xi32> to vector<16xi32>
        %slice3A = vector.extract_strided_slice %get3A_125 {offsets = [0], sizes = [1], strides = [1]} : vector<16xi32> to vector<1xi32>
        %squeeze3A = vector.extract %slice3A[0] : i32 from vector<1xi32>
        %mul3A_126 = arith.constant 8 : i32
        %mul3A_127 = arith.muli %scan3A_121, %mul3A_126 : i32
        %add3A_128 = arith.constant 0 : i32
        %add3A_129 = arith.addi %mul3A_127, %add3A_128 : i32
        %dma_start3A_130 = arith.constant 0 : i32
        %dma_start3A_131 = tpu.memref_slice %arg10[%add3A_129, %dma_start3A_130] : memref<320x128xf32, #tpu.memory_space<vmem>> -> memref<1x64xf32, #tpu.memory_space<vmem>>
        %dma_start3A_132 = tpu.memref_squeeze %dma_start3A_131 : memref<1x64xf32, #tpu.memory_space<vmem>> -> memref<64xf32, #tpu.memory_space<vmem>>
        %dma_start3A_133 = arith.constant 0 : i32
        %dma_start3A_134 = tpu.memref_slice %arg2[%squeeze3A, %dma_start3A_133] : memref<2600000x64xf32, #tpu.memory_space<hbm>> -> memref<1x64xf32, #tpu.memory_space<hbm>>
        %dma_start3A_135 = tpu.memref_squeeze %dma_start3A_134 : memref<1x64xf32, #tpu.memory_space<hbm>> -> memref<64xf32, #tpu.memory_space<hbm>>
        %dma_start3A_136 = arith.constant 0 : i32
        %dma_start3A_137 = tpu.memref_slice %arg10[%add3A_129, %dma_start3A_136] : memref<320x128xf32, #tpu.memory_space<vmem>> -> memref<1x64xf32, #tpu.memory_space<vmem>>
        %dma_start3A_138 = tpu.memref_squeeze %dma_start3A_137 : memref<1x64xf32, #tpu.memory_space<vmem>> -> memref<64xf32, #tpu.memory_space<vmem>>
        %dma_start3A_139 = arith.constant 0 : i32
        %dma_start3A_140 = tpu.memref_slice %arg2[%squeeze3A, %dma_start3A_139] : memref<2600000x64xf32, #tpu.memory_space<hbm>> -> memref<1x64xf32, #tpu.memory_space<hbm>>
        %dma_start3A_141 = tpu.memref_squeeze %dma_start3A_140 : memref<1x64xf32, #tpu.memory_space<hbm>> -> memref<64xf32, #tpu.memory_space<hbm>>
        tpu.enqueue_dma source(%dma_start3A_141 : memref<64xf32, #tpu.memory_space<hbm>>) target(%dma_start3A_138 : memref<64xf32, #tpu.memory_space<vmem>>) target_semaphore(%arg14 : memref<!tpu.dma_semaphore, #tpu.memory_space<semaphore_mem>>)
        %slice3A_142 = vector.extract_strided_slice %get3A_125 {offsets = [1], sizes = [1], strides = [1]} : vector<16xi32> to vector<1xi32>
        %squeeze3A_143 = vector.extract %slice3A_142[0] : i32 from vector<1xi32>
        %mul3A_144 = arith.constant 8 : i32
        %mul3A_145 = arith.muli %scan3A_121, %mul3A_144 : i32
        %add3A_146 = arith.constant 0 : i32
        %add3A_147 = arith.addi %mul3A_145, %add3A_146 : i32
        %dma_start3A_148 = arith.constant 64 : i32
        %dma_start3A_149 = tpu.memref_slice %arg10[%add3A_147, %dma_start3A_148] : memref<320x128xf32, #tpu.memory_space<vmem>> -> memref<1x64xf32, #tpu.memory_space<vmem>>
        %dma_start3A_150 = tpu.memref_squeeze %dma_start3A_149 : memref<1x64xf32, #tpu.memory_space<vmem>> -> memref<64xf32, #tpu.memory_space<vmem>>
        %dma_start3A_151 = arith.constant 0 : i32
        %dma_start3A_152 = tpu.memref_slice %arg2[%squeeze3A_143, %dma_start3A_151] : memref<2600000x64xf32, #tpu.memory_space<hbm>> -> memref<1x64xf32, #tpu.memory_space<hbm>>
        %dma_start3A_153 = tpu.memref_squeeze %dma_start3A_152 : memref<1x64xf32, #tpu.memory_space<hbm>> -> memref<64xf32, #tpu.memory_space<hbm>>
        %dma_start3A_154 = arith.constant 64 : i32
        %dma_start3A_155 = tpu.memref_slice %arg10[%add3A_147, %dma_start3A_154] : memref<320x128xf32, #tpu.memory_space<vmem>> -> memref<1x64xf32, #tpu.memory_space<vmem>>
        %dma_start3A_156 = tpu.memref_squeeze %dma_start3A_155 : memref<1x64xf32, #tpu.memory_space<vmem>> -> memref<64xf32, #tpu.memory_space<vmem>>
        %dma_start3A_157 = arith.constant 0 : i32
        %dma_start3A_158 = tpu.memref_slice %arg2[%squeeze3A_143, %dma_start3A_157] : memref<2600000x64xf32, #tpu.memory_space<hbm>> -> memref<1x64xf32, #tpu.memory_space<hbm>>
        %dma_start3A_159 = tpu.memref_squeeze %dma_start3A_158 : memref<1x64xf32, #tpu.memory_space<hbm>> -> memref<64xf32, #tpu.memory_space<hbm>>
        tpu.enqueue_dma source(%dma_start3A_159 : memref<64xf32, #tpu.memory_space<hbm>>) target(%dma_start3A_156 : memref<64xf32, #tpu.memory_space<vmem>>) target_semaphore(%arg14 : memref<!tpu.dma_semaphore, #tpu.memory_space<semaphore_mem>>)
        %slice3A_160 = vector.extract_strided_slice %get3A_125 {offsets = [2], sizes = [1], strides = [1]} : vector<16xi32> to vector<1xi32>
        %squeeze3A_161 = vector.extract %slice3A_160[0] : i32 from vector<1xi32>
        %mul3A_162 = arith.constant 8 : i32
        %mul3A_163 = arith.muli %scan3A_121, %mul3A_162 : i32
        %add3A_164 = arith.constant 1 : i32
        %add3A_165 = arith.addi %mul3A_163, %add3A_164 : i32
        %dma_start3A_166 = arith.constant 0 : i32
        %dma_start3A_167 = tpu.memref_slice %arg10[%add3A_165, %dma_start3A_166] : memref<320x128xf32, #tpu.memory_space<vmem>> -> memref<1x64xf32, #tpu.memory_space<vmem>>
        %dma_start3A_168 = tpu.memref_squeeze %dma_start3A_167 : memref<1x64xf32, #tpu.memory_space<vmem>> -> memref<64xf32, #tpu.memory_space<vmem>>
        %dma_start3A_169 = arith.constant 0 : i32
        %dma_start3A_170 = tpu.memref_slice %arg2[%squeeze3A_161, %dma_start3A_169] : memref<2600000x64xf32, #tpu.memory_space<hbm>> -> memref<1x64xf32, #tpu.memory_space<hbm>>
        %dma_start3A_171 = tpu.memref_squeeze %dma_start3A_170 : memref<1x64xf32, #tpu.memory_space<hbm>> -> memref<64xf32, #tpu.memory_space<hbm>>
        %dma_start3A_172 = arith.constant 0 : i32
        %dma_start3A_173 = tpu.memref_slice %arg10[%add3A_165, %dma_start3A_172] : memref<320x128xf32, #tpu.memory_space<vmem>> -> memref<1x64xf32, #tpu.memory_space<vmem>>
        %dma_start3A_174 = tpu.memref_squeeze %dma_start3A_173 : memref<1x64xf32, #tpu.memory_space<vmem>> -> memref<64xf32, #tpu.memory_space<vmem>>
        %dma_start3A_175 = arith.constant 0 : i32
        %dma_start3A_176 = tpu.memref_slice %arg2[%squeeze3A_161, %dma_start3A_175] : memref<2600000x64xf32, #tpu.memory_space<hbm>> -> memref<1x64xf32, #tpu.memory_space<hbm>>
        %dma_start3A_177 = tpu.memref_squeeze %dma_start3A_176 : memref<1x64xf32, #tpu.memory_space<hbm>> -> memref<64xf32, #tpu.memory_space<hbm>>
        tpu.enqueue_dma source(%dma_start3A_177 : memref<64xf32, #tpu.memory_space<hbm>>) target(%dma_start3A_174 : memref<64xf32, #tpu.memory_space<vmem>>) target_semaphore(%arg14 : memref<!tpu.dma_semaphore, #tpu.memory_space<semaphore_mem>>)
        %slice3A_178 = vector.extract_strided_slice %get3A_125 {offsets = [3], sizes = [1], strides = [1]} : vector<16xi32> to vector<1xi32>
        %squeeze3A_179 = vector.extract %slice3A_178[0] : i32 from vector<1xi32>
        %mul3A_180 = arith.constant 8 : i32
        %mul3A_181 = arith.muli %scan3A_121, %mul3A_180 : i32
        %add3A_182 = arith.constant 1 : i32
        %add3A_183 = arith.addi %mul3A_181, %add3A_182 : i32
        %dma_start3A_184 = arith.constant 64 : i32
        %dma_start3A_185 = tpu.memref_slice %arg10[%add3A_183, %dma_start3A_184] : memref<320x128xf32, #tpu.memory_space<vmem>> -> memref<1x64xf32, #tpu.memory_space<vmem>>
        %dma_start3A_186 = tpu.memref_squeeze %dma_start3A_185 : memref<1x64xf32, #tpu.memory_space<vmem>> -> memref<64xf32, #tpu.memory_space<vmem>>
        %dma_start3A_187 = arith.constant 0 : i32
        %dma_start3A_188 = tpu.memref_slice %arg2[%squeeze3A_179, %dma_start3A_187] : memref<2600000x64xf32, #tpu.memory_space<hbm>> -> memref<1x64xf32, #tpu.memory_space<hbm>>
        %dma_start3A_189 = tpu.memref_squeeze %dma_start3A_188 : memref<1x64xf32, #tpu.memory_space<hbm>> -> memref<64xf32, #tpu.memory_space<hbm>>
        %dma_start3A_190 = arith.constant 64 : i32
        %dma_start3A_191 = tpu.memref_slice %arg10[%add3A_183, %dma_start3A_190] : memref<320x128xf32, #tpu.memory_space<vmem>> -> memref<1x64xf32, #tpu.memory_space<vmem>>
        %dma_start3A_192 = tpu.memref_squeeze %dma_start3A_191 : memref<1x64xf32, #tpu.memory_space<vmem>> -> memref<64xf32, #tpu.memory_space<vmem>>
        %dma_start3A_193 = arith.constant 0 : i32
        %dma_start3A_194 = tpu.memref_slice %arg2[%squeeze3A_179, %dma_start3A_193] : memref<2600000x64xf32, #tpu.memory_space<hbm>> -> memref<1x64xf32, #tpu.memory_space<hbm>>
        %dma_start3A_195 = tpu.memref_squeeze %dma_start3A_194 : memref<1x64xf32, #tpu.memory_space<hbm>> -> memref<64xf32, #tpu.memory_space<hbm>>
        tpu.enqueue_dma source(%dma_start3A_195 : memref<64xf32, #tpu.memory_space<hbm>>) target(%dma_start3A_192 : memref<64xf32, #tpu.memory_space<vmem>>) target_semaphore(%arg14 : memref<!tpu.dma_semaphore, #tpu.memory_space<semaphore_mem>>)
        %slice3A_196 = vector.extract_strided_slice %get3A_125 {offsets = [4], sizes = [1], strides = [1]} : vector<16xi32> to vector<1xi32>
        %squeeze3A_197 = vector.extract %slice3A_196[0] : i32 from vector<1xi32>
        %mul3A_198 = arith.constant 8 : i32
        %mul3A_199 = arith.muli %scan3A_121, %mul3A_198 : i32
        %add3A_200 = arith.constant 2 : i32
        %add3A_201 = arith.addi %mul3A_199, %add3A_200 : i32
        %dma_start3A_202 = arith.constant 0 : i32
        %dma_start3A_203 = tpu.memref_slice %arg10[%add3A_201, %dma_start3A_202] : memref<320x128xf32, #tpu.memory_space<vmem>> -> memref<1x64xf32, #tpu.memory_space<vmem>>
        %dma_start3A_204 = tpu.memref_squeeze %dma_start3A_203 : memref<1x64xf32, #tpu.memory_space<vmem>> -> memref<64xf32, #tpu.memory_space<vmem>>
        %dma_start3A_205 = arith.constant 0 : i32
        %dma_start3A_206 = tpu.memref_slice %arg2[%squeeze3A_197, %dma_start3A_205] : memref<2600000x64xf32, #tpu.memory_space<hbm>> -> memref<1x64xf32, #tpu.memory_space<hbm>>
        %dma_start3A_207 = tpu.memref_squeeze %dma_start3A_206 : memref<1x64xf32, #tpu.memory_space<hbm>> -> memref<64xf32, #tpu.memory_space<hbm>>
        %dma_start3A_208 = arith.constant 0 : i32
        %dma_start3A_209 = tpu.memref_slice %arg10[%add3A_201, %dma_start3A_208] : memref<320x128xf32, #tpu.memory_space<vmem>> -> memref<1x64xf32, #tpu.memory_space<vmem>>
        %dma_start3A_210 = tpu.memref_squeeze %dma_start3A_209 : memref<1x64xf32, #tpu.memory_space<vmem>> -> memref<64xf32, #tpu.memory_space<vmem>>
        %dma_start3A_211 = arith.constant 0 : i32
        %dma_start3A_212 = tpu.memref_slice %arg2[%squeeze3A_197, %dma_start3A_211] : memref<2600000x64xf32, #tpu.memory_space<hbm>> -> memref<1x64xf32, #tpu.memory_space<hbm>>
        %dma_start3A_213 = tpu.memref_squeeze %dma_start3A_212 : memref<1x64xf32, #tpu.memory_space<hbm>> -> memref<64xf32, #tpu.memory_space<hbm>>
        tpu.enqueue_dma source(%dma_start3A_213 : memref<64xf32, #tpu.memory_space<hbm>>) target(%dma_start3A_210 : memref<64xf32, #tpu.memory_space<vmem>>) target_semaphore(%arg14 : memref<!tpu.dma_semaphore, #tpu.memory_space<semaphore_mem>>)
        %slice3A_214 = vector.extract_strided_slice %get3A_125 {offsets = [5], sizes = [1], strides = [1]} : vector<16xi32> to vector<1xi32>
        %squeeze3A_215 = vector.extract %slice3A_214[0] : i32 from vector<1xi32>
        %mul3A_216 = arith.constant 8 : i32
        %mul3A_217 = arith.muli %scan3A_121, %mul3A_216 : i32
        %add3A_218 = arith.constant 2 : i32
        %add3A_219 = arith.addi %mul3A_217, %add3A_218 : i32
        %dma_start3A_220 = arith.constant 64 : i32
        %dma_start3A_221 = tpu.memref_slice %arg10[%add3A_219, %dma_start3A_220] : memref<320x128xf32, #tpu.memory_space<vmem>> -> memref<1x64xf32, #tpu.memory_space<vmem>>
        %dma_start3A_222 = tpu.memref_squeeze %dma_start3A_221 : memref<1x64xf32, #tpu.memory_space<vmem>> -> memref<64xf32, #tpu.memory_space<vmem>>
        %dma_start3A_223 = arith.constant 0 : i32
        %dma_start3A_224 = tpu.memref_slice %arg2[%squeeze3A_215, %dma_start3A_223] : memref<2600000x64xf32, #tpu.memory_space<hbm>> -> memref<1x64xf32, #tpu.memory_space<hbm>>
        %dma_start3A_225 = tpu.memref_squeeze %dma_start3A_224 : memref<1x64xf32, #tpu.memory_space<hbm>> -> memref<64xf32, #tpu.memory_space<hbm>>
        %dma_start3A_226 = arith.constant 64 : i32
        %dma_start3A_227 = tpu.memref_slice %arg10[%add3A_219, %dma_start3A_226] : memref<320x128xf32, #tpu.memory_space<vmem>> -> memref<1x64xf32, #tpu.memory_space<vmem>>
        %dma_start3A_228 = tpu.memref_squeeze %dma_start3A_227 : memref<1x64xf32, #tpu.memory_space<vmem>> -> memref<64xf32, #tpu.memory_space<vmem>>
        %dma_start3A_229 = arith.constant 0 : i32
        %dma_start3A_230 = tpu.memref_slice %arg2[%squeeze3A_215, %dma_start3A_229] : memref<2600000x64xf32, #tpu.memory_space<hbm>> -> memref<1x64xf32, #tpu.memory_space<hbm>>
        %dma_start3A_231 = tpu.memref_squeeze %dma_start3A_230 : memref<1x64xf32, #tpu.memory_space<hbm>> -> memref<64xf32, #tpu.memory_space<hbm>>
        tpu.enqueue_dma source(%dma_start3A_231 : memref<64xf32, #tpu.memory_space<hbm>>) target(%dma_start3A_228 : memref<64xf32, #tpu.memory_space<vmem>>) target_semaphore(%arg14 : memref<!tpu.dma_semaphore, #tpu.memory_space<semaphore_mem>>)
        %slice3A_232 = vector.extract_strided_slice %get3A_125 {offsets = [6], sizes = [1], strides = [1]} : vector<16xi32> to vector<1xi32>
        %squeeze3A_233 = vector.extract %slice3A_232[0] : i32 from vector<1xi32>
        %mul3A_234 = arith.constant 8 : i32
        %mul3A_235 = arith.muli %scan3A_121, %mul3A_234 : i32
        %add3A_236 = arith.constant 3 : i32
        %add3A_237 = arith.addi %mul3A_235, %add3A_236 : i32
        %dma_start3A_238 = arith.constant 0 : i32
        %dma_start3A_239 = tpu.memref_slice %arg10[%add3A_237, %dma_start3A_238] : memref<320x128xf32, #tpu.memory_space<vmem>> -> memref<1x64xf32, #tpu.memory_space<vmem>>
        %dma_start3A_240 = tpu.memref_squeeze %dma_start3A_239 : memref<1x64xf32, #tpu.memory_space<vmem>> -> memref<64xf32, #tpu.memory_space<vmem>>
        %dma_start3A_241 = arith.constant 0 : i32
        %dma_start3A_242 = tpu.memref_slice %arg2[%squeeze3A_233, %dma_start3A_241] : memref<2600000x64xf32, #tpu.memory_space<hbm>> -> memref<1x64xf32, #tpu.memory_space<hbm>>
        %dma_start3A_243 = tpu.memref_squeeze %dma_start3A_242 : memref<1x64xf32, #tpu.memory_space<hbm>> -> memref<64xf32, #tpu.memory_space<hbm>>
        %dma_start3A_244 = arith.constant 0 : i32
        %dma_start3A_245 = tpu.memref_slice %arg10[%add3A_237, %dma_start3A_244] : memref<320x128xf32, #tpu.memory_space<vmem>> -> memref<1x64xf32, #tpu.memory_space<vmem>>
        %dma_start3A_246 = tpu.memref_squeeze %dma_start3A_245 : memref<1x64xf32, #tpu.memory_space<vmem>> -> memref<64xf32, #tpu.memory_space<vmem>>
        %dma_start3A_247 = arith.constant 0 : i32
        %dma_start3A_248 = tpu.memref_slice %arg2[%squeeze3A_233, %dma_start3A_247] : memref<2600000x64xf32, #tpu.memory_space<hbm>> -> memref<1x64xf32, #tpu.memory_space<hbm>>
        %dma_start3A_249 = tpu.memref_squeeze %dma_start3A_248 : memref<1x64xf32, #tpu.memory_space<hbm>> -> memref<64xf32, #tpu.memory_space<hbm>>
        tpu.enqueue_dma source(%dma_start3A_249 : memref<64xf32, #tpu.memory_space<hbm>>) target(%dma_start3A_246 : memref<64xf32, #tpu.memory_space<vmem>>) target_semaphore(%arg14 : memref<!tpu.dma_semaphore, #tpu.memory_space<semaphore_mem>>)
        %slice3A_250 = vector.extract_strided_slice %get3A_125 {offsets = [7], sizes = [1], strides = [1]} : vector<16xi32> to vector<1xi32>
        %squeeze3A_251 = vector.extract %slice3A_250[0] : i32 from vector<1xi32>
        %mul3A_252 = arith.constant 8 : i32
        %mul3A_253 = arith.muli %scan3A_121, %mul3A_252 : i32
        %add3A_254 = arith.constant 3 : i32
        %add3A_255 = arith.addi %mul3A_253, %add3A_254 : i32
        %dma_start3A_256 = arith.constant 64 : i32
        %dma_start3A_257 = tpu.memref_slice %arg10[%add3A_255, %dma_start3A_256] : memref<320x128xf32, #tpu.memory_space<vmem>> -> memref<1x64xf32, #tpu.memory_space<vmem>>
        %dma_start3A_258 = tpu.memref_squeeze %dma_start3A_257 : memref<1x64xf32, #tpu.memory_space<vmem>> -> memref<64xf32, #tpu.memory_space<vmem>>
        %dma_start3A_259 = arith.constant 0 : i32
        %dma_start3A_260 = tpu.memref_slice %arg2[%squeeze3A_251, %dma_start3A_259] : memref<2600000x64xf32, #tpu.memory_space<hbm>> -> memref<1x64xf32, #tpu.memory_space<hbm>>
        %dma_start3A_261 = tpu.memref_squeeze %dma_start3A_260 : memref<1x64xf32, #tpu.memory_space<hbm>> -> memref<64xf32, #tpu.memory_space<hbm>>
        %dma_start3A_262 = arith.constant 64 : i32
        %dma_start3A_263 = tpu.memref_slice %arg10[%add3A_255, %dma_start3A_262] : memref<320x128xf32, #tpu.memory_space<vmem>> -> memref<1x64xf32, #tpu.memory_space<vmem>>
        %dma_start3A_264 = tpu.memref_squeeze %dma_start3A_263 : memref<1x64xf32, #tpu.memory_space<vmem>> -> memref<64xf32, #tpu.memory_space<vmem>>
        %dma_start3A_265 = arith.constant 0 : i32
        %dma_start3A_266 = tpu.memref_slice %arg2[%squeeze3A_251, %dma_start3A_265] : memref<2600000x64xf32, #tpu.memory_space<hbm>> -> memref<1x64xf32, #tpu.memory_space<hbm>>
        %dma_start3A_267 = tpu.memref_squeeze %dma_start3A_266 : memref<1x64xf32, #tpu.memory_space<hbm>> -> memref<64xf32, #tpu.memory_space<hbm>>
        tpu.enqueue_dma source(%dma_start3A_267 : memref<64xf32, #tpu.memory_space<hbm>>) target(%dma_start3A_264 : memref<64xf32, #tpu.memory_space<vmem>>) target_semaphore(%arg14 : memref<!tpu.dma_semaphore, #tpu.memory_space<semaphore_mem>>)
        %slice3A_268 = vector.extract_strided_slice %get3A_125 {offsets = [8], sizes = [1], strides = [1]} : vector<16xi32> to vector<1xi32>
        %squeeze3A_269 = vector.extract %slice3A_268[0] : i32 from vector<1xi32>
        %mul3A_270 = arith.constant 8 : i32
        %mul3A_271 = arith.muli %scan3A_121, %mul3A_270 : i32
        %add3A_272 = arith.constant 4 : i32
        %add3A_273 = arith.addi %mul3A_271, %add3A_272 : i32
        %dma_start3A_274 = arith.constant 0 : i32
        %dma_start3A_275 = tpu.memref_slice %arg10[%add3A_273, %dma_start3A_274] : memref<320x128xf32, #tpu.memory_space<vmem>> -> memref<1x64xf32, #tpu.memory_space<vmem>>
        %dma_start3A_276 = tpu.memref_squeeze %dma_start3A_275 : memref<1x64xf32, #tpu.memory_space<vmem>> -> memref<64xf32, #tpu.memory_space<vmem>>
        %dma_start3A_277 = arith.constant 0 : i32
        %dma_start3A_278 = tpu.memref_slice %arg2[%squeeze3A_269, %dma_start3A_277] : memref<2600000x64xf32, #tpu.memory_space<hbm>> -> memref<1x64xf32, #tpu.memory_space<hbm>>
        %dma_start3A_279 = tpu.memref_squeeze %dma_start3A_278 : memref<1x64xf32, #tpu.memory_space<hbm>> -> memref<64xf32, #tpu.memory_space<hbm>>
        %dma_start3A_280 = arith.constant 0 : i32
        %dma_start3A_281 = tpu.memref_slice %arg10[%add3A_273, %dma_start3A_280] : memref<320x128xf32, #tpu.memory_space<vmem>> -> memref<1x64xf32, #tpu.memory_space<vmem>>
        %dma_start3A_282 = tpu.memref_squeeze %dma_start3A_281 : memref<1x64xf32, #tpu.memory_space<vmem>> -> memref<64xf32, #tpu.memory_space<vmem>>
        %dma_start3A_283 = arith.constant 0 : i32
        %dma_start3A_284 = tpu.memref_slice %arg2[%squeeze3A_269, %dma_start3A_283] : memref<2600000x64xf32, #tpu.memory_space<hbm>> -> memref<1x64xf32, #tpu.memory_space<hbm>>
        %dma_start3A_285 = tpu.memref_squeeze %dma_start3A_284 : memref<1x64xf32, #tpu.memory_space<hbm>> -> memref<64xf32, #tpu.memory_space<hbm>>
        tpu.enqueue_dma source(%dma_start3A_285 : memref<64xf32, #tpu.memory_space<hbm>>) target(%dma_start3A_282 : memref<64xf32, #tpu.memory_space<vmem>>) target_semaphore(%arg14 : memref<!tpu.dma_semaphore, #tpu.memory_space<semaphore_mem>>)
        %slice3A_286 = vector.extract_strided_slice %get3A_125 {offsets = [9], sizes = [1], strides = [1]} : vector<16xi32> to vector<1xi32>
        %squeeze3A_287 = vector.extract %slice3A_286[0] : i32 from vector<1xi32>
        %mul3A_288 = arith.constant 8 : i32
        %mul3A_289 = arith.muli %scan3A_121, %mul3A_288 : i32
        %add3A_290 = arith.constant 4 : i32
        %add3A_291 = arith.addi %mul3A_289, %add3A_290 : i32
        %dma_start3A_292 = arith.constant 64 : i32
        %dma_start3A_293 = tpu.memref_slice %arg10[%add3A_291, %dma_start3A_292] : memref<320x128xf32, #tpu.memory_space<vmem>> -> memref<1x64xf32, #tpu.memory_space<vmem>>
        %dma_start3A_294 = tpu.memref_squeeze %dma_start3A_293 : memref<1x64xf32, #tpu.memory_space<vmem>> -> memref<64xf32, #tpu.memory_space<vmem>>
        %dma_start3A_295 = arith.constant 0 : i32
        %dma_start3A_296 = tpu.memref_slice %arg2[%squeeze3A_287, %dma_start3A_295] : memref<2600000x64xf32, #tpu.memory_space<hbm>> -> memref<1x64xf32, #tpu.memory_space<hbm>>
        %dma_start3A_297 = tpu.memref_squeeze %dma_start3A_296 : memref<1x64xf32, #tpu.memory_space<hbm>> -> memref<64xf32, #tpu.memory_space<hbm>>
        %dma_start3A_298 = arith.constant 64 : i32
        %dma_start3A_299 = tpu.memref_slice %arg10[%add3A_291, %dma_start3A_298] : memref<320x128xf32, #tpu.memory_space<vmem>> -> memref<1x64xf32, #tpu.memory_space<vmem>>
        %dma_start3A_300 = tpu.memref_squeeze %dma_start3A_299 : memref<1x64xf32, #tpu.memory_space<vmem>> -> memref<64xf32, #tpu.memory_space<vmem>>
        %dma_start3A_301 = arith.constant 0 : i32
        %dma_start3A_302 = tpu.memref_slice %arg2[%squeeze3A_287, %dma_start3A_301] : memref<2600000x64xf32, #tpu.memory_space<hbm>> -> memref<1x64xf32, #tpu.memory_space<hbm>>
        %dma_start3A_303 = tpu.memref_squeeze %dma_start3A_302 : memref<1x64xf32, #tpu.memory_space<hbm>> -> memref<64xf32, #tpu.memory_space<hbm>>
        tpu.enqueue_dma source(%dma_start3A_303 : memref<64xf32, #tpu.memory_space<hbm>>) target(%dma_start3A_300 : memref<64xf32, #tpu.memory_space<vmem>>) target_semaphore(%arg14 : memref<!tpu.dma_semaphore, #tpu.memory_space<semaphore_mem>>)
        %slice3A_304 = vector.extract_strided_slice %get3A_125 {offsets = [10], sizes = [1], strides = [1]} : vector<16xi32> to vector<1xi32>
        %squeeze3A_305 = vector.extract %slice3A_304[0] : i32 from vector<1xi32>
        %mul3A_306 = arith.constant 8 : i32
        %mul3A_307 = arith.muli %scan3A_121, %mul3A_306 : i32
        %add3A_308 = arith.constant 5 : i32
        %add3A_309 = arith.addi %mul3A_307, %add3A_308 : i32
        %dma_start3A_310 = arith.constant 0 : i32
        %dma_start3A_311 = tpu.memref_slice %arg10[%add3A_309, %dma_start3A_310] : memref<320x128xf32, #tpu.memory_space<vmem>> -> memref<1x64xf32, #tpu.memory_space<vmem>>
        %dma_start3A_312 = tpu.memref_squeeze %dma_start3A_311 : memref<1x64xf32, #tpu.memory_space<vmem>> -> memref<64xf32, #tpu.memory_space<vmem>>
        %dma_start3A_313 = arith.constant 0 : i32
        %dma_start3A_314 = tpu.memref_slice %arg2[%squeeze3A_305, %dma_start3A_313] : memref<2600000x64xf32, #tpu.memory_space<hbm>> -> memref<1x64xf32, #tpu.memory_space<hbm>>
        %dma_start3A_315 = tpu.memref_squeeze %dma_start3A_314 : memref<1x64xf32, #tpu.memory_space<hbm>> -> memref<64xf32, #tpu.memory_space<hbm>>
        %dma_start3A_316 = arith.constant 0 : i32
        %dma_start3A_317 = tpu.memref_slice %arg10[%add3A_309, %dma_start3A_316] : memref<320x128xf32, #tpu.memory_space<vmem>> -> memref<1x64xf32, #tpu.memory_space<vmem>>
        %dma_start3A_318 = tpu.memref_squeeze %dma_start3A_317 : memref<1x64xf32, #tpu.memory_space<vmem>> -> memref<64xf32, #tpu.memory_space<vmem>>
        %dma_start3A_319 = arith.constant 0 : i32
        %dma_start3A_320 = tpu.memref_slice %arg2[%squeeze3A_305, %dma_start3A_319] : memref<2600000x64xf32, #tpu.memory_space<hbm>> -> memref<1x64xf32, #tpu.memory_space<hbm>>
        %dma_start3A_321 = tpu.memref_squeeze %dma_start3A_320 : memref<1x64xf32, #tpu.memory_space<hbm>> -> memref<64xf32, #tpu.memory_space<hbm>>
        tpu.enqueue_dma source(%dma_start3A_321 : memref<64xf32, #tpu.memory_space<hbm>>) target(%dma_start3A_318 : memref<64xf32, #tpu.memory_space<vmem>>) target_semaphore(%arg14 : memref<!tpu.dma_semaphore, #tpu.memory_space<semaphore_mem>>)
        %slice3A_322 = vector.extract_strided_slice %get3A_125 {offsets = [11], sizes = [1], strides = [1]} : vector<16xi32> to vector<1xi32>
        %squeeze3A_323 = vector.extract %slice3A_322[0] : i32 from vector<1xi32>
        %mul3A_324 = arith.constant 8 : i32
        %mul3A_325 = arith.muli %scan3A_121, %mul3A_324 : i32
        %add3A_326 = arith.constant 5 : i32
        %add3A_327 = arith.addi %mul3A_325, %add3A_326 : i32
        %dma_start3A_328 = arith.constant 64 : i32
        %dma_start3A_329 = tpu.memref_slice %arg10[%add3A_327, %dma_start3A_328] : memref<320x128xf32, #tpu.memory_space<vmem>> -> memref<1x64xf32, #tpu.memory_space<vmem>>
        %dma_start3A_330 = tpu.memref_squeeze %dma_start3A_329 : memref<1x64xf32, #tpu.memory_space<vmem>> -> memref<64xf32, #tpu.memory_space<vmem>>
        %dma_start3A_331 = arith.constant 0 : i32
        %dma_start3A_332 = tpu.memref_slice %arg2[%squeeze3A_323, %dma_start3A_331] : memref<2600000x64xf32, #tpu.memory_space<hbm>> -> memref<1x64xf32, #tpu.memory_space<hbm>>
        %dma_start3A_333 = tpu.memref_squeeze %dma_start3A_332 : memref<1x64xf32, #tpu.memory_space<hbm>> -> memref<64xf32, #tpu.memory_space<hbm>>
        %dma_start3A_334 = arith.constant 64 : i32
        %dma_start3A_335 = tpu.memref_slice %arg10[%add3A_327, %dma_start3A_334] : memref<320x128xf32, #tpu.memory_space<vmem>> -> memref<1x64xf32, #tpu.memory_space<vmem>>
        %dma_start3A_336 = tpu.memref_squeeze %dma_start3A_335 : memref<1x64xf32, #tpu.memory_space<vmem>> -> memref<64xf32, #tpu.memory_space<vmem>>
        %dma_start3A_337 = arith.constant 0 : i32
        %dma_start3A_338 = tpu.memref_slice %arg2[%squeeze3A_323, %dma_start3A_337] : memref<2600000x64xf32, #tpu.memory_space<hbm>> -> memref<1x64xf32, #tpu.memory_space<hbm>>
        %dma_start3A_339 = tpu.memref_squeeze %dma_start3A_338 : memref<1x64xf32, #tpu.memory_space<hbm>> -> memref<64xf32, #tpu.memory_space<hbm>>
        tpu.enqueue_dma source(%dma_start3A_339 : memref<64xf32, #tpu.memory_space<hbm>>) target(%dma_start3A_336 : memref<64xf32, #tpu.memory_space<vmem>>) target_semaphore(%arg14 : memref<!tpu.dma_semaphore, #tpu.memory_space<semaphore_mem>>)
        %slice3A_340 = vector.extract_strided_slice %get3A_125 {offsets = [12], sizes = [1], strides = [1]} : vector<16xi32> to vector<1xi32>
        %squeeze3A_341 = vector.extract %slice3A_340[0] : i32 from vector<1xi32>
        %mul3A_342 = arith.constant 8 : i32
        %mul3A_343 = arith.muli %scan3A_121, %mul3A_342 : i32
        %add3A_344 = arith.constant 6 : i32
        %add3A_345 = arith.addi %mul3A_343, %add3A_344 : i32
        %dma_start3A_346 = arith.constant 0 : i32
        %dma_start3A_347 = tpu.memref_slice %arg10[%add3A_345, %dma_start3A_346] : memref<320x128xf32, #tpu.memory_space<vmem>> -> memref<1x64xf32, #tpu.memory_space<vmem>>
        %dma_start3A_348 = tpu.memref_squeeze %dma_start3A_347 : memref<1x64xf32, #tpu.memory_space<vmem>> -> memref<64xf32, #tpu.memory_space<vmem>>
        %dma_start3A_349 = arith.constant 0 : i32
        %dma_start3A_350 = tpu.memref_slice %arg2[%squeeze3A_341, %dma_start3A_349] : memref<2600000x64xf32, #tpu.memory_space<hbm>> -> memref<1x64xf32, #tpu.memory_space<hbm>>
        %dma_start3A_351 = tpu.memref_squeeze %dma_start3A_350 : memref<1x64xf32, #tpu.memory_space<hbm>> -> memref<64xf32, #tpu.memory_space<hbm>>
        %dma_start3A_352 = arith.constant 0 : i32
        %dma_start3A_353 = tpu.memref_slice %arg10[%add3A_345, %dma_start3A_352] : memref<320x128xf32, #tpu.memory_space<vmem>> -> memref<1x64xf32, #tpu.memory_space<vmem>>
        %dma_start3A_354 = tpu.memref_squeeze %dma_start3A_353 : memref<1x64xf32, #tpu.memory_space<vmem>> -> memref<64xf32, #tpu.memory_space<vmem>>
        %dma_start3A_355 = arith.constant 0 : i32
        %dma_start3A_356 = tpu.memref_slice %arg2[%squeeze3A_341, %dma_start3A_355] : memref<2600000x64xf32, #tpu.memory_space<hbm>> -> memref<1x64xf32, #tpu.memory_space<hbm>>
        %dma_start3A_357 = tpu.memref_squeeze %dma_start3A_356 : memref<1x64xf32, #tpu.memory_space<hbm>> -> memref<64xf32, #tpu.memory_space<hbm>>
        tpu.enqueue_dma source(%dma_start3A_357 : memref<64xf32, #tpu.memory_space<hbm>>) target(%dma_start3A_354 : memref<64xf32, #tpu.memory_space<vmem>>) target_semaphore(%arg14 : memref<!tpu.dma_semaphore, #tpu.memory_space<semaphore_mem>>)
        %slice3A_358 = vector.extract_strided_slice %get3A_125 {offsets = [13], sizes = [1], strides = [1]} : vector<16xi32> to vector<1xi32>
        %squeeze3A_359 = vector.extract %slice3A_358[0] : i32 from vector<1xi32>
        %mul3A_360 = arith.constant 8 : i32
        %mul3A_361 = arith.muli %scan3A_121, %mul3A_360 : i32
        %add3A_362 = arith.constant 6 : i32
        %add3A_363 = arith.addi %mul3A_361, %add3A_362 : i32
        %dma_start3A_364 = arith.constant 64 : i32
        %dma_start3A_365 = tpu.memref_slice %arg10[%add3A_363, %dma_start3A_364] : memref<320x128xf32, #tpu.memory_space<vmem>> -> memref<1x64xf32, #tpu.memory_space<vmem>>
        %dma_start3A_366 = tpu.memref_squeeze %dma_start3A_365 : memref<1x64xf32, #tpu.memory_space<vmem>> -> memref<64xf32, #tpu.memory_space<vmem>>
        %dma_start3A_367 = arith.constant 0 : i32
        %dma_start3A_368 = tpu.memref_slice %arg2[%squeeze3A_359, %dma_start3A_367] : memref<2600000x64xf32, #tpu.memory_space<hbm>> -> memref<1x64xf32, #tpu.memory_space<hbm>>
        %dma_start3A_369 = tpu.memref_squeeze %dma_start3A_368 : memref<1x64xf32, #tpu.memory_space<hbm>> -> memref<64xf32, #tpu.memory_space<hbm>>
        %dma_start3A_370 = arith.constant 64 : i32
        %dma_start3A_371 = tpu.memref_slice %arg10[%add3A_363, %dma_start3A_370] : memref<320x128xf32, #tpu.memory_space<vmem>> -> memref<1x64xf32, #tpu.memory_space<vmem>>
        %dma_start3A_372 = tpu.memref_squeeze %dma_start3A_371 : memref<1x64xf32, #tpu.memory_space<vmem>> -> memref<64xf32, #tpu.memory_space<vmem>>
        %dma_start3A_373 = arith.constant 0 : i32
        %dma_start3A_374 = tpu.memref_slice %arg2[%squeeze3A_359, %dma_start3A_373] : memref<2600000x64xf32, #tpu.memory_space<hbm>> -> memref<1x64xf32, #tpu.memory_space<hbm>>
        %dma_start3A_375 = tpu.memref_squeeze %dma_start3A_374 : memref<1x64xf32, #tpu.memory_space<hbm>> -> memref<64xf32, #tpu.memory_space<hbm>>
        tpu.enqueue_dma source(%dma_start3A_375 : memref<64xf32, #tpu.memory_space<hbm>>) target(%dma_start3A_372 : memref<64xf32, #tpu.memory_space<vmem>>) target_semaphore(%arg14 : memref<!tpu.dma_semaphore, #tpu.memory_space<semaphore_mem>>)
        %slice3A_376 = vector.extract_strided_slice %get3A_125 {offsets = [14], sizes = [1], strides = [1]} : vector<16xi32> to vector<1xi32>
        %squeeze3A_377 = vector.extract %slice3A_376[0] : i32 from vector<1xi32>
        %mul3A_378 = arith.constant 8 : i32
        %mul3A_379 = arith.muli %scan3A_121, %mul3A_378 : i32
        %add3A_380 = arith.constant 7 : i32
        %add3A_381 = arith.addi %mul3A_379, %add3A_380 : i32
        %dma_start3A_382 = arith.constant 0 : i32
        %dma_start3A_383 = tpu.memref_slice %arg10[%add3A_381, %dma_start3A_382] : memref<320x128xf32, #tpu.memory_space<vmem>> -> memref<1x64xf32, #tpu.memory_space<vmem>>
        %dma_start3A_384 = tpu.memref_squeeze %dma_start3A_383 : memref<1x64xf32, #tpu.memory_space<vmem>> -> memref<64xf32, #tpu.memory_space<vmem>>
        %dma_start3A_385 = arith.constant 0 : i32
        %dma_start3A_386 = tpu.memref_slice %arg2[%squeeze3A_377, %dma_start3A_385] : memref<2600000x64xf32, #tpu.memory_space<hbm>> -> memref<1x64xf32, #tpu.memory_space<hbm>>
        %dma_start3A_387 = tpu.memref_squeeze %dma_start3A_386 : memref<1x64xf32, #tpu.memory_space<hbm>> -> memref<64xf32, #tpu.memory_space<hbm>>
        %dma_start3A_388 = arith.constant 0 : i32
        %dma_start3A_389 = tpu.memref_slice %arg10[%add3A_381, %dma_start3A_388] : memref<320x128xf32, #tpu.memory_space<vmem>> -> memref<1x64xf32, #tpu.memory_space<vmem>>
        %dma_start3A_390 = tpu.memref_squeeze %dma_start3A_389 : memref<1x64xf32, #tpu.memory_space<vmem>> -> memref<64xf32, #tpu.memory_space<vmem>>
        %dma_start3A_391 = arith.constant 0 : i32
        %dma_start3A_392 = tpu.memref_slice %arg2[%squeeze3A_377, %dma_start3A_391] : memref<2600000x64xf32, #tpu.memory_space<hbm>> -> memref<1x64xf32, #tpu.memory_space<hbm>>
        %dma_start3A_393 = tpu.memref_squeeze %dma_start3A_392 : memref<1x64xf32, #tpu.memory_space<hbm>> -> memref<64xf32, #tpu.memory_space<hbm>>
        tpu.enqueue_dma source(%dma_start3A_393 : memref<64xf32, #tpu.memory_space<hbm>>) target(%dma_start3A_390 : memref<64xf32, #tpu.memory_space<vmem>>) target_semaphore(%arg14 : memref<!tpu.dma_semaphore, #tpu.memory_space<semaphore_mem>>)
        %slice3A_394 = vector.extract_strided_slice %get3A_125 {offsets = [15], sizes = [1], strides = [1]} : vector<16xi32> to vector<1xi32>
        %squeeze3A_395 = vector.extract %slice3A_394[0] : i32 from vector<1xi32>
        %mul3A_396 = arith.constant 8 : i32
        %mul3A_397 = arith.muli %scan3A_121, %mul3A_396 : i32
        %add3A_398 = arith.constant 7 : i32
        %add3A_399 = arith.addi %mul3A_397, %add3A_398 : i32
        %dma_start3A_400 = arith.constant 64 : i32
        %dma_start3A_401 = tpu.memref_slice %arg10[%add3A_399, %dma_start3A_400] : memref<320x128xf32, #tpu.memory_space<vmem>> -> memref<1x64xf32, #tpu.memory_space<vmem>>
        %dma_start3A_402 = tpu.memref_squeeze %dma_start3A_401 : memref<1x64xf32, #tpu.memory_space<vmem>> -> memref<64xf32, #tpu.memory_space<vmem>>
        %dma_start3A_403 = arith.constant 0 : i32
        %dma_start3A_404 = tpu.memref_slice %arg2[%squeeze3A_395, %dma_start3A_403] : memref<2600000x64xf32, #tpu.memory_space<hbm>> -> memref<1x64xf32, #tpu.memory_space<hbm>>
        %dma_start3A_405 = tpu.memref_squeeze %dma_start3A_404 : memref<1x64xf32, #tpu.memory_space<hbm>> -> memref<64xf32, #tpu.memory_space<hbm>>
        %dma_start3A_406 = arith.constant 64 : i32
        %dma_start3A_407 = tpu.memref_slice %arg10[%add3A_399, %dma_start3A_406] : memref<320x128xf32, #tpu.memory_space<vmem>> -> memref<1x64xf32, #tpu.memory_space<vmem>>
        %dma_start3A_408 = tpu.memref_squeeze %dma_start3A_407 : memref<1x64xf32, #tpu.memory_space<vmem>> -> memref<64xf32, #tpu.memory_space<vmem>>
        %dma_start3A_409 = arith.constant 0 : i32
        %dma_start3A_410 = tpu.memref_slice %arg2[%squeeze3A_395, %dma_start3A_409] : memref<2600000x64xf32, #tpu.memory_space<hbm>> -> memref<1x64xf32, #tpu.memory_space<hbm>>
        %dma_start3A_411 = tpu.memref_squeeze %dma_start3A_410 : memref<1x64xf32, #tpu.memory_space<hbm>> -> memref<64xf32, #tpu.memory_space<hbm>>
        tpu.enqueue_dma source(%dma_start3A_411 : memref<64xf32, #tpu.memory_space<hbm>>) target(%dma_start3A_408 : memref<64xf32, #tpu.memory_space<vmem>>) target_semaphore(%arg14 : memref<!tpu.dma_semaphore, #tpu.memory_space<semaphore_mem>>)
      }
      %scan3A_107 = arith.constant 40 : i32
      %mul3A_108 = arith.constant 32 : i32
      %mul3A_109 = arith.muli %add3A_86, %mul3A_108 : i32
      %add3A_110 = arith.addi %mul3A_2, %mul3A_109 : i32
      %scan3A_111 = arith.constant 0 : i32
      %scan3A_112 = arith.constant 0 : i32
      %scan3A_113 = arith.constant 16 : i32
      %scan3A_114 = arith.addi %scan3A_112, %scan3A_113 : i32
      %scan3A_115 = arith.constant 1 : i32
      scf.for %scan3A_121 = %scan3A_112 to %scan3A_114 step %scan3A_115  : i32 {
        %mul3A_122 = arith.constant 2 : i32
        %mul3A_123 = arith.muli %scan3A_121, %mul3A_122 : i32
        %add3A_124 = arith.constant 0 : i32
        %add3A_125 = arith.addi %mul3A_123, %add3A_124 : i32
        %mul3A_126 = arith.constant 10 : i32
        %mul3A_127 = arith.muli %add3A_125, %mul3A_126 : i32
        %get3A = arith.index_cast %mul3A_127 : i32 to index
        %get3A_128 = arith.constant 0 : index
        %get3A_129 = tpu.vector_load %arg11[%get3A, %get3A_128] {strides = array<i32>} : memref<320x128xf32, #tpu.memory_space<vmem>>, vector<1x16xf32>,
        %get3A_130 = vector.shape_cast %get3A_129 : vector<1x16xf32> to vector<16xf32>
        %add3A_131 = arith.constant 0 : i32
        %add3A_132 = arith.addi %mul3A_127, %add3A_131 : i32
        %get3A_133 = arith.index_cast %add3A_132 : i32 to index
        %get3A_134 = arith.constant 64 : index
        %get3A_135 = tpu.vector_load %arg11[%get3A_133, %get3A_134] {strides = array<i32>} : memref<320x128xf32, #tpu.memory_space<vmem>>, vector<1x16xf32>,
        %get3A_136 = vector.shape_cast %get3A_135 : vector<1x16xf32> to vector<16xf32>
        %add3A_137 = arith.addf %get3A_130, %get3A_136 : vector<16xf32>
        %add3A_138 = arith.constant 1 : i32
        %add3A_139 = arith.addi %mul3A_127, %add3A_138 : i32
        %get3A_140 = arith.index_cast %add3A_139 : i32 to index
        %get3A_141 = arith.constant 0 : index
        %get3A_142 = tpu.vector_load %arg11[%get3A_140, %get3A_141] {strides = array<i32>} : memref<320x128xf32, #tpu.memory_space<vmem>>, vector<1x16xf32>,
        %get3A_143 = vector.shape_cast %get3A_142 : vector<1x16xf32> to vector<16xf32>
        %add3A_144 = arith.addf %add3A_137, %get3A_143 : vector<16xf32>
        %add3A_145 = arith.constant 1 : i32
        %add3A_146 = arith.addi %mul3A_127, %add3A_145 : i32
        %get3A_147 = arith.index_cast %add3A_146 : i32 to index
        %get3A_148 = arith.constant 64 : index
        %get3A_149 = tpu.vector_load %arg11[%get3A_147, %get3A_148] {strides = array<i32>} : memref<320x128xf32, #tpu.memory_space<vmem>>, vector<1x16xf32>,
        %get3A_150 = vector.shape_cast %get3A_149 : vector<1x16xf32> to vector<16xf32>
        %add3A_151 = arith.addf %add3A_144, %get3A_150 : vector<16xf32>
        %add3A_152 = arith.constant 2 : i32
        %add3A_153 = arith.addi %mul3A_127, %add3A_152 : i32
        %get3A_154 = arith.index_cast %add3A_153 : i32 to index
        %get3A_155 = arith.constant 0 : index
        %get3A_156 = tpu.vector_load %arg11[%get3A_154, %get3A_155] {strides = array<i32>} : memref<320x128xf32, #tpu.memory_space<vmem>>, vector<1x16xf32>,
        %get3A_157 = vector.shape_cast %get3A_156 : vector<1x16xf32> to vector<16xf32>
        %add3A_158 = arith.addf %add3A_151, %get3A_157 : vector<16xf32>
        %add3A_159 = arith.constant 2 : i32
        %add3A_160 = arith.addi %mul3A_127, %add3A_159 : i32
        %get3A_161 = arith.index_cast %add3A_160 : i32 to index
        %get3A_162 = arith.constant 64 : index
        %get3A_163 = tpu.vector_load %arg11[%get3A_161, %get3A_162] {strides = array<i32>} : memref<320x128xf32, #tpu.memory_space<vmem>>, vector<1x16xf32>,
        %get3A_164 = vector.shape_cast %get3A_163 : vector<1x16xf32> to vector<16xf32>
        %add3A_165 = arith.addf %add3A_158, %get3A_164 : vector<16xf32>
        %add3A_166 = arith.constant 3 : i32
        %add3A_167 = arith.addi %mul3A_127, %add3A_166 : i32
        %get3A_168 = arith.index_cast %add3A_167 : i32 to index
        %get3A_169 = arith.constant 0 : index
        %get3A_170 = tpu.vector_load %arg11[%get3A_168, %get3A_169] {strides = array<i32>} : memref<320x128xf32, #tpu.memory_space<vmem>>, vector<1x16xf32>,
        %get3A_171 = vector.shape_cast %get3A_170 : vector<1x16xf32> to vector<16xf32>
        %add3A_172 = arith.addf %add3A_165, %get3A_171 : vector<16xf32>
        %add3A_173 = arith.constant 3 : i32
        %add3A_174 = arith.addi %mul3A_127, %add3A_173 : i32
        %get3A_175 = arith.index_cast %add3A_174 : i32 to index
        %get3A_176 = arith.constant 64 : index
        %get3A_177 = tpu.vector_load %arg11[%get3A_175, %get3A_176] {strides = array<i32>} : memref<320x128xf32, #tpu.memory_space<vmem>>, vector<1x16xf32>,
        %get3A_178 = vector.shape_cast %get3A_177 : vector<1x16xf32> to vector<16xf32>
        %add3A_179 = arith.addf %add3A_172, %get3A_178 : vector<16xf32>
        %add3A_180 = arith.constant 4 : i32
        %add3A_181 = arith.addi %mul3A_127, %add3A_180 : i32
        %get3A_182 = arith.index_cast %add3A_181 : i32 to index
        %get3A_183 = arith.constant 0 : index
        %get3A_184 = tpu.vector_load %arg11[%get3A_182, %get3A_183] {strides = array<i32>} : memref<320x128xf32, #tpu.memory_space<vmem>>, vector<1x16xf32>,
        %get3A_185 = vector.shape_cast %get3A_184 : vector<1x16xf32> to vector<16xf32>
        %add3A_186 = arith.addf %add3A_179, %get3A_185 : vector<16xf32>
        %add3A_187 = arith.constant 4 : i32
        %add3A_188 = arith.addi %mul3A_127, %add3A_187 : i32
        %get3A_189 = arith.index_cast %add3A_188 : i32 to index
        %get3A_190 = arith.constant 64 : index
        %get3A_191 = tpu.vector_load %arg11[%get3A_189, %get3A_190] {strides = array<i32>} : memref<320x128xf32, #tpu.memory_space<vmem>>, vector<1x16xf32>,
        %get3A_192 = vector.shape_cast %get3A_191 : vector<1x16xf32> to vector<16xf32>
        %add3A_193 = arith.addf %add3A_186, %get3A_192 : vector<16xf32>
        %add3A_194 = arith.constant 5 : i32
        %add3A_195 = arith.addi %mul3A_127, %add3A_194 : i32
        %get3A_196 = arith.index_cast %add3A_195 : i32 to index
        %get3A_197 = arith.constant 0 : index
        %get3A_198 = tpu.vector_load %arg11[%get3A_196, %get3A_197] {strides = array<i32>} : memref<320x128xf32, #tpu.memory_space<vmem>>, vector<1x16xf32>,
        %get3A_199 = vector.shape_cast %get3A_198 : vector<1x16xf32> to vector<16xf32>
        %add3A_200 = arith.addf %add3A_193, %get3A_199 : vector<16xf32>
        %add3A_201 = arith.constant 5 : i32
        %add3A_202 = arith.addi %mul3A_127, %add3A_201 : i32
        %get3A_203 = arith.index_cast %add3A_202 : i32 to index
        %get3A_204 = arith.constant 64 : index
        %get3A_205 = tpu.vector_load %arg11[%get3A_203, %get3A_204] {strides = array<i32>} : memref<320x128xf32, #tpu.memory_space<vmem>>, vector<1x16xf32>,
        %get3A_206 = vector.shape_cast %get3A_205 : vector<1x16xf32> to vector<16xf32>
        %add3A_207 = arith.addf %add3A_200, %get3A_206 : vector<16xf32>
        %add3A_208 = arith.constant 6 : i32
        %add3A_209 = arith.addi %mul3A_127, %add3A_208 : i32
        %get3A_210 = arith.index_cast %add3A_209 : i32 to index
        %get3A_211 = arith.constant 0 : index
        %get3A_212 = tpu.vector_load %arg11[%get3A_210, %get3A_211] {strides = array<i32>} : memref<320x128xf32, #tpu.memory_space<vmem>>, vector<1x16xf32>,
        %get3A_213 = vector.shape_cast %get3A_212 : vector<1x16xf32> to vector<16xf32>
        %add3A_214 = arith.addf %add3A_207, %get3A_213 : vector<16xf32>
        %add3A_215 = arith.constant 6 : i32
        %add3A_216 = arith.addi %mul3A_127, %add3A_215 : i32
        %get3A_217 = arith.index_cast %add3A_216 : i32 to index
        %get3A_218 = arith.constant 64 : index
        %get3A_219 = tpu.vector_load %arg11[%get3A_217, %get3A_218] {strides = array<i32>} : memref<320x128xf32, #tpu.memory_space<vmem>>, vector<1x16xf32>,
        %get3A_220 = vector.shape_cast %get3A_219 : vector<1x16xf32> to vector<16xf32>
        %add3A_221 = arith.addf %add3A_214, %get3A_220 : vector<16xf32>
        %add3A_222 = arith.constant 7 : i32
        %add3A_223 = arith.addi %mul3A_127, %add3A_222 : i32
        %get3A_224 = arith.index_cast %add3A_223 : i32 to index
        %get3A_225 = arith.constant 0 : index
        %get3A_226 = tpu.vector_load %arg11[%get3A_224, %get3A_225] {strides = array<i32>} : memref<320x128xf32, #tpu.memory_space<vmem>>, vector<1x16xf32>,
        %get3A_227 = vector.shape_cast %get3A_226 : vector<1x16xf32> to vector<16xf32>
        %add3A_228 = arith.addf %add3A_221, %get3A_227 : vector<16xf32>
        %add3A_229 = arith.constant 7 : i32
        %add3A_230 = arith.addi %mul3A_127, %add3A_229 : i32
        %get3A_231 = arith.index_cast %add3A_230 : i32 to index
        %get3A_232 = arith.constant 64 : index
        %get3A_233 = tpu.vector_load %arg11[%get3A_231, %get3A_232] {strides = array<i32>} : memref<320x128xf32, #tpu.memory_space<vmem>>, vector<1x16xf32>,
        %get3A_234 = vector.shape_cast %get3A_233 : vector<1x16xf32> to vector<16xf32>
        %add3A_235 = arith.addf %add3A_228, %get3A_234 : vector<16xf32>
        %add3A_236 = arith.constant 8 : i32
        %add3A_237 = arith.addi %mul3A_127, %add3A_236 : i32
        %get3A_238 = arith.index_cast %add3A_237 : i32 to index
        %get3A_239 = arith.constant 0 : index
        %get3A_240 = tpu.vector_load %arg11[%get3A_238, %get3A_239] {strides = array<i32>} : memref<320x128xf32, #tpu.memory_space<vmem>>, vector<1x16xf32>,
        %get3A_241 = vector.shape_cast %get3A_240 : vector<1x16xf32> to vector<16xf32>
        %add3A_242 = arith.addf %add3A_235, %get3A_241 : vector<16xf32>
        %add3A_243 = arith.constant 8 : i32
        %add3A_244 = arith.addi %mul3A_127, %add3A_243 : i32
        %get3A_245 = arith.index_cast %add3A_244 : i32 to index
        %get3A_246 = arith.constant 64 : index
        %get3A_247 = tpu.vector_load %arg11[%get3A_245, %get3A_246] {strides = array<i32>} : memref<320x128xf32, #tpu.memory_space<vmem>>, vector<1x16xf32>,
        %get3A_248 = vector.shape_cast %get3A_247 : vector<1x16xf32> to vector<16xf32>
        %add3A_249 = arith.addf %add3A_242, %get3A_248 : vector<16xf32>
        %add3A_250 = arith.constant 9 : i32
        %add3A_251 = arith.addi %mul3A_127, %add3A_250 : i32
        %get3A_252 = arith.index_cast %add3A_251 : i32 to index
        %get3A_253 = arith.constant 0 : index
        %get3A_254 = tpu.vector_load %arg11[%get3A_252, %get3A_253] {strides = array<i32>} : memref<320x128xf32, #tpu.memory_space<vmem>>, vector<1x16xf32>,
        %get3A_255 = vector.shape_cast %get3A_254 : vector<1x16xf32> to vector<16xf32>
        %add3A_256 = arith.addf %add3A_249, %get3A_255 : vector<16xf32>
        %add3A_257 = arith.constant 9 : i32
        %add3A_258 = arith.addi %mul3A_127, %add3A_257 : i32
        %get3A_259 = arith.index_cast %add3A_258 : i32 to index
        %get3A_260 = arith.constant 64 : index
        %get3A_261 = tpu.vector_load %arg11[%get3A_259, %get3A_260] {strides = array<i32>} : memref<320x128xf32, #tpu.memory_space<vmem>>, vector<1x16xf32>,
        %get3A_262 = vector.shape_cast %get3A_261 : vector<1x16xf32> to vector<16xf32>
        %add3A_263 = arith.addf %add3A_256, %get3A_262 : vector<16xf32>
        %swap3A = arith.index_cast %add3A_125 : i32 to index
        %swap3A_264 = arith.constant 0 : index
        %swap3A_265 = tpu.vector_load %arg13[%swap3A, %swap3A_264] {strides = array<i32>} : memref<32x64xf32, #tpu.memory_space<vmem>>, vector<1x16xf32>,
        %swap3A_266 = vector.shape_cast %swap3A_265 : vector<1x16xf32> to vector<16xf32>
        %swap3A_267 = vector.shape_cast %add3A_263 : vector<16xf32> to vector<1x16xf32>
        tpu.vector_store %arg13[%swap3A, %swap3A_264], %swap3A_267 {strides = array<i32>} : memref<32x64xf32, #tpu.memory_space<vmem>>, vector<1x16xf32>,
        %get3A_268 = arith.index_cast %mul3A_127 : i32 to index
        %get3A_269 = arith.constant 16 : index
        %get3A_270 = tpu.vector_load %arg11[%get3A_268, %get3A_269] {strides = array<i32>} : memref<320x128xf32, #tpu.memory_space<vmem>>, vector<1x16xf32>,
        %get3A_271 = vector.shape_cast %get3A_270 : vector<1x16xf32> to vector<16xf32>
        %add3A_272 = arith.constant 0 : i32
        %add3A_273 = arith.addi %mul3A_127, %add3A_272 : i32
        %get3A_274 = arith.index_cast %add3A_273 : i32 to index
        %get3A_275 = arith.constant 80 : index
        %get3A_276 = tpu.vector_load %arg11[%get3A_274, %get3A_275] {strides = array<i32>} : memref<320x128xf32, #tpu.memory_space<vmem>>, vector<1x16xf32>,
        %get3A_277 = vector.shape_cast %get3A_276 : vector<1x16xf32> to vector<16xf32>
        %add3A_278 = arith.addf %get3A_271, %get3A_277 : vector<16xf32>
        %add3A_279 = arith.constant 1 : i32
        %add3A_280 = arith.addi %mul3A_127, %add3A_279 : i32
        %get3A_281 = arith.index_cast %add3A_280 : i32 to index
        %get3A_282 = arith.constant 16 : index
        %get3A_283 = tpu.vector_load %arg11[%get3A_281, %get3A_282] {strides = array<i32>} : memref<320x128xf32, #tpu.memory_space<vmem>>, vector<1x16xf32>,
        %get3A_284 = vector.shape_cast %get3A_283 : vector<1x16xf32> to vector<16xf32>
        %add3A_285 = arith.addf %add3A_278, %get3A_284 : vector<16xf32>
        %add3A_286 = arith.constant 1 : i32
        %add3A_287 = arith.addi %mul3A_127, %add3A_286 : i32
        %get3A_288 = arith.index_cast %add3A_287 : i32 to index
        %get3A_289 = arith.constant 80 : index
        %get3A_290 = tpu.vector_load %arg11[%get3A_288, %get3A_289] {strides = array<i32>} : memref<320x128xf32, #tpu.memory_space<vmem>>, vector<1x16xf32>,
        %get3A_291 = vector.shape_cast %get3A_290 : vector<1x16xf32> to vector<16xf32>
        %add3A_292 = arith.addf %add3A_285, %get3A_291 : vector<16xf32>
        %add3A_293 = arith.constant 2 : i32
        %add3A_294 = arith.addi %mul3A_127, %add3A_293 : i32
        %get3A_295 = arith.index_cast %add3A_294 : i32 to index
        %get3A_296 = arith.constant 16 : index
        %get3A_297 = tpu.vector_load %arg11[%get3A_295, %get3A_296] {strides = array<i32>} : memref<320x128xf32, #tpu.memory_space<vmem>>, vector<1x16xf32>,
        %get3A_298 = vector.shape_cast %get3A_297 : vector<1x16xf32> to vector<16xf32>
        %add3A_299 = arith.addf %add3A_292, %get3A_298 : vector<16xf32>
        %add3A_300 = arith.constant 2 : i32
        %add3A_301 = arith.addi %mul3A_127, %add3A_300 : i32
        %get3A_302 = arith.index_cast %add3A_301 : i32 to index
        %get3A_303 = arith.constant 80 : index
        %get3A_304 = tpu.vector_load %arg11[%get3A_302, %get3A_303] {strides = array<i32>} : memref<320x128xf32, #tpu.memory_space<vmem>>, vector<1x16xf32>,
        %get3A_305 = vector.shape_cast %get3A_304 : vector<1x16xf32> to vector<16xf32>
        %add3A_306 = arith.addf %add3A_299, %get3A_305 : vector<16xf32>
        %add3A_307 = arith.constant 3 : i32
        %add3A_308 = arith.addi %mul3A_127, %add3A_307 : i32
        %get3A_309 = arith.index_cast %add3A_308 : i32 to index
        %get3A_310 = arith.constant 16 : index
        %get3A_311 = tpu.vector_load %arg11[%get3A_309, %get3A_310] {strides = array<i32>} : memref<320x128xf32, #tpu.memory_space<vmem>>, vector<1x16xf32>,
        %get3A_312 = vector.shape_cast %get3A_311 : vector<1x16xf32> to vector<16xf32>
        %add3A_313 = arith.addf %add3A_306, %get3A_312 : vector<16xf32>
        %add3A_314 = arith.constant 3 : i32
        %add3A_315 = arith.addi %mul3A_127, %add3A_314 : i32
        %get3A_316 = arith.index_cast %add3A_315 : i32 to index
        %get3A_317 = arith.constant 80 : index
        %get3A_318 = tpu.vector_load %arg11[%get3A_316, %get3A_317] {strides = array<i32>} : memref<320x128xf32, #tpu.memory_space<vmem>>, vector<1x16xf32>,
        %get3A_319 = vector.shape_cast %get3A_318 : vector<1x16xf32> to vector<16xf32>
        %add3A_320 = arith.addf %add3A_313, %get3A_319 : vector<16xf32>
        %add3A_321 = arith.constant 4 : i32
        %add3A_322 = arith.addi %mul3A_127, %add3A_321 : i32
        %get3A_323 = arith.index_cast %add3A_322 : i32 to index
        %get3A_324 = arith.constant 16 : index
        %get3A_325 = tpu.vector_load %arg11[%get3A_323, %get3A_324] {strides = array<i32>} : memref<320x128xf32, #tpu.memory_space<vmem>>, vector<1x16xf32>,
        %get3A_326 = vector.shape_cast %get3A_325 : vector<1x16xf32> to vector<16xf32>
        %add3A_327 = arith.addf %add3A_320, %get3A_326 : vector<16xf32>
        %add3A_328 = arith.constant 4 : i32
        %add3A_329 = arith.addi %mul3A_127, %add3A_328 : i32
        %get3A_330 = arith.index_cast %add3A_329 : i32 to index
        %get3A_331 = arith.constant 80 : index
        %get3A_332 = tpu.vector_load %arg11[%get3A_330, %get3A_331] {strides = array<i32>} : memref<320x128xf32, #tpu.memory_space<vmem>>, vector<1x16xf32>,
        %get3A_333 = vector.shape_cast %get3A_332 : vector<1x16xf32> to vector<16xf32>
        %add3A_334 = arith.addf %add3A_327, %get3A_333 : vector<16xf32>
        %add3A_335 = arith.constant 5 : i32
        %add3A_336 = arith.addi %mul3A_127, %add3A_335 : i32
        %get3A_337 = arith.index_cast %add3A_336 : i32 to index
        %get3A_338 = arith.constant 16 : index
        %get3A_339 = tpu.vector_load %arg11[%get3A_337, %get3A_338] {strides = array<i32>} : memref<320x128xf32, #tpu.memory_space<vmem>>, vector<1x16xf32>,
        %get3A_340 = vector.shape_cast %get3A_339 : vector<1x16xf32> to vector<16xf32>
        %add3A_341 = arith.addf %add3A_334, %get3A_340 : vector<16xf32>
        %add3A_342 = arith.constant 5 : i32
        %add3A_343 = arith.addi %mul3A_127, %add3A_342 : i32
        %get3A_344 = arith.index_cast %add3A_343 : i32 to index
        %get3A_345 = arith.constant 80 : index
        %get3A_346 = tpu.vector_load %arg11[%get3A_344, %get3A_345] {strides = array<i32>} : memref<320x128xf32, #tpu.memory_space<vmem>>, vector<1x16xf32>,
        %get3A_347 = vector.shape_cast %get3A_346 : vector<1x16xf32> to vector<16xf32>
        %add3A_348 = arith.addf %add3A_341, %get3A_347 : vector<16xf32>
        %add3A_349 = arith.constant 6 : i32
        %add3A_350 = arith.addi %mul3A_127, %add3A_349 : i32
        %get3A_351 = arith.index_cast %add3A_350 : i32 to index
        %get3A_352 = arith.constant 16 : index
        %get3A_353 = tpu.vector_load %arg11[%get3A_351, %get3A_352] {strides = array<i32>} : memref<320x128xf32, #tpu.memory_space<vmem>>, vector<1x16xf32>,
        %get3A_354 = vector.shape_cast %get3A_353 : vector<1x16xf32> to vector<16xf32>
        %add3A_355 = arith.addf %add3A_348, %get3A_354 : vector<16xf32>
        %add3A_356 = arith.constant 6 : i32
        %add3A_357 = arith.addi %mul3A_127, %add3A_356 : i32
        %get3A_358 = arith.index_cast %add3A_357 : i32 to index
        %get3A_359 = arith.constant 80 : index
        %get3A_360 = tpu.vector_load %arg11[%get3A_358, %get3A_359] {strides = array<i32>} : memref<320x128xf32, #tpu.memory_space<vmem>>, vector<1x16xf32>,
        %get3A_361 = vector.shape_cast %get3A_360 : vector<1x16xf32> to vector<16xf32>
        %add3A_362 = arith.addf %add3A_355, %get3A_361 : vector<16xf32>
        %add3A_363 = arith.constant 7 : i32
        %add3A_364 = arith.addi %mul3A_127, %add3A_363 : i32
        %get3A_365 = arith.index_cast %add3A_364 : i32 to index
        %get3A_366 = arith.constant 16 : index
        %get3A_367 = tpu.vector_load %arg11[%get3A_365, %get3A_366] {strides = array<i32>} : memref<320x128xf32, #tpu.memory_space<vmem>>, vector<1x16xf32>,
        %get3A_368 = vector.shape_cast %get3A_367 : vector<1x16xf32> to vector<16xf32>
        %add3A_369 = arith.addf %add3A_362, %get3A_368 : vector<16xf32>
        %add3A_370 = arith.constant 7 : i32
        %add3A_371 = arith.addi %mul3A_127, %add3A_370 : i32
        %get3A_372 = arith.index_cast %add3A_371 : i32 to index
        %get3A_373 = arith.constant 80 : index
        %get3A_374 = tpu.vector_load %arg11[%get3A_372, %get3A_373] {strides = array<i32>} : memref<320x128xf32, #tpu.memory_space<vmem>>, vector<1x16xf32>,
        %get3A_375 = vector.shape_cast %get3A_374 : vector<1x16xf32> to vector<16xf32>
        %add3A_376 = arith.addf %add3A_369, %get3A_375 : vector<16xf32>
        %add3A_377 = arith.constant 8 : i32
        %add3A_378 = arith.addi %mul3A_127, %add3A_377 : i32
        %get3A_379 = arith.index_cast %add3A_378 : i32 to index
        %get3A_380 = arith.constant 16 : index
        %get3A_381 = tpu.vector_load %arg11[%get3A_379, %get3A_380] {strides = array<i32>} : memref<320x128xf32, #tpu.memory_space<vmem>>, vector<1x16xf32>,
        %get3A_382 = vector.shape_cast %get3A_381 : vector<1x16xf32> to vector<16xf32>
        %add3A_383 = arith.addf %add3A_376, %get3A_382 : vector<16xf32>
        %add3A_384 = arith.constant 8 : i32
        %add3A_385 = arith.addi %mul3A_127, %add3A_384 : i32
        %get3A_386 = arith.index_cast %add3A_385 : i32 to index
        %get3A_387 = arith.constant 80 : index
        %get3A_388 = tpu.vector_load %arg11[%get3A_386, %get3A_387] {strides = array<i32>} : memref<320x128xf32, #tpu.memory_space<vmem>>, vector<1x16xf32>,
        %get3A_389 = vector.shape_cast %get3A_388 : vector<1x16xf32> to vector<16xf32>
        %add3A_390 = arith.addf %add3A_383, %get3A_389 : vector<16xf32>
        %add3A_391 = arith.constant 9 : i32
        %add3A_392 = arith.addi %mul3A_127, %add3A_391 : i32
        %get3A_393 = arith.index_cast %add3A_392 : i32 to index
        %get3A_394 = arith.constant 16 : index
        %get3A_395 = tpu.vector_load %arg11[%get3A_393, %get3A_394] {strides = array<i32>} : memref<320x128xf32, #tpu.memory_space<vmem>>, vector<1x16xf32>,
        %get3A_396 = vector.shape_cast %get3A_395 : vector<1x16xf32> to vector<16xf32>
        %add3A_397 = arith.addf %add3A_390, %get3A_396 : vector<16xf32>
        %add3A_398 = arith.constant 9 : i32
        %add3A_399 = arith.addi %mul3A_127, %add3A_398 : i32
        %get3A_400 = arith.index_cast %add3A_399 : i32 to index
        %get3A_401 = arith.constant 80 : index
        %get3A_402 = tpu.vector_load %arg11[%get3A_400, %get3A_401] {strides = array<i32>} : memref<320x128xf32, #tpu.memory_space<vmem>>, vector<1x16xf32>,
        %get3A_403 = vector.shape_cast %get3A_402 : vector<1x16xf32> to vector<16xf32>
        %add3A_404 = arith.addf %add3A_397, %get3A_403 : vector<16xf32>
        %swap3A_405 = arith.index_cast %add3A_125 : i32 to index
        %swap3A_406 = arith.constant 16 : index
        %swap3A_407 = tpu.vector_load %arg13[%swap3A_405, %swap3A_406] {strides = array<i32>} : memref<32x64xf32, #tpu.memory_space<vmem>>, vector<1x16xf32>,
        %swap3A_408 = vector.shape_cast %swap3A_407 : vector<1x16xf32> to vector<16xf32>
        %swap3A_409 = vector.shape_cast %add3A_404 : vector<16xf32> to vector<1x16xf32>
        tpu.vector_store %arg13[%swap3A_405, %swap3A_406], %swap3A_409 {strides = array<i32>} : memref<32x64xf32, #tpu.memory_space<vmem>>, vector<1x16xf32>,
        %get3A_410 = arith.index_cast %mul3A_127 : i32 to index
        %get3A_411 = arith.constant 32 : index
        %get3A_412 = tpu.vector_load %arg11[%get3A_410, %get3A_411] {strides = array<i32>} : memref<320x128xf32, #tpu.memory_space<vmem>>, vector<1x16xf32>,
        %get3A_413 = vector.shape_cast %get3A_412 : vector<1x16xf32> to vector<16xf32>
        %add3A_414 = arith.constant 0 : i32
        %add3A_415 = arith.addi %mul3A_127, %add3A_414 : i32
        %get3A_416 = arith.index_cast %add3A_415 : i32 to index
        %get3A_417 = arith.constant 96 : index
        %get3A_418 = tpu.vector_load %arg11[%get3A_416, %get3A_417] {strides = array<i32>} : memref<320x128xf32, #tpu.memory_space<vmem>>, vector<1x16xf32>,
        %get3A_419 = vector.shape_cast %get3A_418 : vector<1x16xf32> to vector<16xf32>
        %add3A_420 = arith.addf %get3A_413, %get3A_419 : vector<16xf32>
        %add3A_421 = arith.constant 1 : i32
        %add3A_422 = arith.addi %mul3A_127, %add3A_421 : i32
        %get3A_423 = arith.index_cast %add3A_422 : i32 to index
        %get3A_424 = arith.constant 32 : index
        %get3A_425 = tpu.vector_load %arg11[%get3A_423, %get3A_424] {strides = array<i32>} : memref<320x128xf32, #tpu.memory_space<vmem>>, vector<1x16xf32>,
        %get3A_426 = vector.shape_cast %get3A_425 : vector<1x16xf32> to vector<16xf32>
        %add3A_427 = arith.addf %add3A_420, %get3A_426 : vector<16xf32>
        %add3A_428 = arith.constant 1 : i32
        %add3A_429 = arith.addi %mul3A_127, %add3A_428 : i32
        %get3A_430 = arith.index_cast %add3A_429 : i32 to index
        %get3A_431 = arith.constant 96 : index
        %get3A_432 = tpu.vector_load %arg11[%get3A_430, %get3A_431] {strides = array<i32>} : memref<320x128xf32, #tpu.memory_space<vmem>>, vector<1x16xf32>,
        %get3A_433 = vector.shape_cast %get3A_432 : vector<1x16xf32> to vector<16xf32>
        %add3A_434 = arith.addf %add3A_427, %get3A_433 : vector<16xf32>
        %add3A_435 = arith.constant 2 : i32
        %add3A_436 = arith.addi %mul3A_127, %add3A_435 : i32
        %get3A_437 = arith.index_cast %add3A_436 : i32 to index
        %get3A_438 = arith.constant 32 : index
        %get3A_439 = tpu.vector_load %arg11[%get3A_437, %get3A_438] {strides = array<i32>} : memref<320x128xf32, #tpu.memory_space<vmem>>, vector<1x16xf32>,
        %get3A_440 = vector.shape_cast %get3A_439 : vector<1x16xf32> to vector<16xf32>
        %add3A_441 = arith.addf %add3A_434, %get3A_440 : vector<16xf32>
        %add3A_442 = arith.constant 2 : i32
        %add3A_443 = arith.addi %mul3A_127, %add3A_442 : i32
        %get3A_444 = arith.index_cast %add3A_443 : i32 to index
        %get3A_445 = arith.constant 96 : index
        %get3A_446 = tpu.vector_load %arg11[%get3A_444, %get3A_445] {strides = array<i32>} : memref<320x128xf32, #tpu.memory_space<vmem>>, vector<1x16xf32>,
        %get3A_447 = vector.shape_cast %get3A_446 : vector<1x16xf32> to vector<16xf32>
        %add3A_448 = arith.addf %add3A_441, %get3A_447 : vector<16xf32>
        %add3A_449 = arith.constant 3 : i32
        %add3A_450 = arith.addi %mul3A_127, %add3A_449 : i32
        %get3A_451 = arith.index_cast %add3A_450 : i32 to index
        %get3A_452 = arith.constant 32 : index
        %get3A_453 = tpu.vector_load %arg11[%get3A_451, %get3A_452] {strides = array<i32>} : memref<320x128xf32, #tpu.memory_space<vmem>>, vector<1x16xf32>,
        %get3A_454 = vector.shape_cast %get3A_453 : vector<1x16xf32> to vector<16xf32>
        %add3A_455 = arith.addf %add3A_448, %get3A_454 : vector<16xf32>
        %add3A_456 = arith.constant 3 : i32
        %add3A_457 = arith.addi %mul3A_127, %add3A_456 : i32
        %get3A_458 = arith.index_cast %add3A_457 : i32 to index
        %get3A_459 = arith.constant 96 : index
        %get3A_460 = tpu.vector_load %arg11[%get3A_458, %get3A_459] {strides = array<i32>} : memref<320x128xf32, #tpu.memory_space<vmem>>, vector<1x16xf32>,
        %get3A_461 = vector.shape_cast %get3A_460 : vector<1x16xf32> to vector<16xf32>
        %add3A_462 = arith.addf %add3A_455, %get3A_461 : vector<16xf32>
        %add3A_463 = arith.constant 4 : i32
        %add3A_464 = arith.addi %mul3A_127, %add3A_463 : i32
        %get3A_465 = arith.index_cast %add3A_464 : i32 to index
        %get3A_466 = arith.constant 32 : index
        %get3A_467 = tpu.vector_load %arg11[%get3A_465, %get3A_466] {strides = array<i32>} : memref<320x128xf32, #tpu.memory_space<vmem>>, vector<1x16xf32>,
        %get3A_468 = vector.shape_cast %get3A_467 : vector<1x16xf32> to vector<16xf32>
        %add3A_469 = arith.addf %add3A_462, %get3A_468 : vector<16xf32>
        %add3A_470 = arith.constant 4 : i32
        %add3A_471 = arith.addi %mul3A_127, %add3A_470 : i32
        %get3A_472 = arith.index_cast %add3A_471 : i32 to index
        %get3A_473 = arith.constant 96 : index
        %get3A_474 = tpu.vector_load %arg11[%get3A_472, %get3A_473] {strides = array<i32>} : memref<320x128xf32, #tpu.memory_space<vmem>>, vector<1x16xf32>,
        %get3A_475 = vector.shape_cast %get3A_474 : vector<1x16xf32> to vector<16xf32>
        %add3A_476 = arith.addf %add3A_469, %get3A_475 : vector<16xf32>
        %add3A_477 = arith.constant 5 : i32
        %add3A_478 = arith.addi %mul3A_127, %add3A_477 : i32
        %get3A_479 = arith.index_cast %add3A_478 : i32 to index
        %get3A_480 = arith.constant 32 : index
        %get3A_481 = tpu.vector_load %arg11[%get3A_479, %get3A_480] {strides = array<i32>} : memref<320x128xf32, #tpu.memory_space<vmem>>, vector<1x16xf32>,
        %get3A_482 = vector.shape_cast %get3A_481 : vector<1x16xf32> to vector<16xf32>
        %add3A_483 = arith.addf %add3A_476, %get3A_482 : vector<16xf32>
        %add3A_484 = arith.constant 5 : i32
        %add3A_485 = arith.addi %mul3A_127, %add3A_484 : i32
        %get3A_486 = arith.index_cast %add3A_485 : i32 to index
        %get3A_487 = arith.constant 96 : index
        %get3A_488 = tpu.vector_load %arg11[%get3A_486, %get3A_487] {strides = array<i32>} : memref<320x128xf32, #tpu.memory_space<vmem>>, vector<1x16xf32>,
        %get3A_489 = vector.shape_cast %get3A_488 : vector<1x16xf32> to vector<16xf32>
        %add3A_490 = arith.addf %add3A_483, %get3A_489 : vector<16xf32>
        %add3A_491 = arith.constant 6 : i32
        %add3A_492 = arith.addi %mul3A_127, %add3A_491 : i32
        %get3A_493 = arith.index_cast %add3A_492 : i32 to index
        %get3A_494 = arith.constant 32 : index
        %get3A_495 = tpu.vector_load %arg11[%get3A_493, %get3A_494] {strides = array<i32>} : memref<320x128xf32, #tpu.memory_space<vmem>>, vector<1x16xf32>,
        %get3A_496 = vector.shape_cast %get3A_495 : vector<1x16xf32> to vector<16xf32>
        %add3A_497 = arith.addf %add3A_490, %get3A_496 : vector<16xf32>
        %add3A_498 = arith.constant 6 : i32
        %add3A_499 = arith.addi %mul3A_127, %add3A_498 : i32
        %get3A_500 = arith.index_cast %add3A_499 : i32 to index
        %get3A_501 = arith.constant 96 : index
        %get3A_502 = tpu.vector_load %arg11[%get3A_500, %get3A_501] {strides = array<i32>} : memref<320x128xf32, #tpu.memory_space<vmem>>, vector<1x16xf32>,
        %get3A_503 = vector.shape_cast %get3A_502 : vector<1x16xf32> to vector<16xf32>
        %add3A_504 = arith.addf %add3A_497, %get3A_503 : vector<16xf32>
        %add3A_505 = arith.constant 7 : i32
        %add3A_506 = arith.addi %mul3A_127, %add3A_505 : i32
        %get3A_507 = arith.index_cast %add3A_506 : i32 to index
        %get3A_508 = arith.constant 32 : index
        %get3A_509 = tpu.vector_load %arg11[%get3A_507, %get3A_508] {strides = array<i32>} : memref<320x128xf32, #tpu.memory_space<vmem>>, vector<1x16xf32>,
        %get3A_510 = vector.shape_cast %get3A_509 : vector<1x16xf32> to vector<16xf32>
        %add3A_511 = arith.addf %add3A_504, %get3A_510 : vector<16xf32>
        %add3A_512 = arith.constant 7 : i32
        %add3A_513 = arith.addi %mul3A_127, %add3A_512 : i32
        %get3A_514 = arith.index_cast %add3A_513 : i32 to index
        %get3A_515 = arith.constant 96 : index
        %get3A_516 = tpu.vector_load %arg11[%get3A_514, %get3A_515] {strides = array<i32>} : memref<320x128xf32, #tpu.memory_space<vmem>>, vector<1x16xf32>,
        %get3A_517 = vector.shape_cast %get3A_516 : vector<1x16xf32> to vector<16xf32>
        %add3A_518 = arith.addf %add3A_511, %get3A_517 : vector<16xf32>
        %add3A_519 = arith.constant 8 : i32
        %add3A_520 = arith.addi %mul3A_127, %add3A_519 : i32
        %get3A_521 = arith.index_cast %add3A_520 : i32 to index
        %get3A_522 = arith.constant 32 : index
        %get3A_523 = tpu.vector_load %arg11[%get3A_521, %get3A_522] {strides = array<i32>} : memref<320x128xf32, #tpu.memory_space<vmem>>, vector<1x16xf32>,
        %get3A_524 = vector.shape_cast %get3A_523 : vector<1x16xf32> to vector<16xf32>
        %add3A_525 = arith.addf %add3A_518, %get3A_524 : vector<16xf32>
        %add3A_526 = arith.constant 8 : i32
        %add3A_527 = arith.addi %mul3A_127, %add3A_526 : i32
        %get3A_528 = arith.index_cast %add3A_527 : i32 to index
        %get3A_529 = arith.constant 96 : index
        %get3A_530 = tpu.vector_load %arg11[%get3A_528, %get3A_529] {strides = array<i32>} : memref<320x128xf32, #tpu.memory_space<vmem>>, vector<1x16xf32>,
        %get3A_531 = vector.shape_cast %get3A_530 : vector<1x16xf32> to vector<16xf32>
        %add3A_532 = arith.addf %add3A_525, %get3A_531 : vector<16xf32>
        %add3A_533 = arith.constant 9 : i32
        %add3A_534 = arith.addi %mul3A_127, %add3A_533 : i32
        %get3A_535 = arith.index_cast %add3A_534 : i32 to index
        %get3A_536 = arith.constant 32 : index
        %get3A_537 = tpu.vector_load %arg11[%get3A_535, %get3A_536] {strides = array<i32>} : memref<320x128xf32, #tpu.memory_space<vmem>>, vector<1x16xf32>,
        %get3A_538 = vector.shape_cast %get3A_537 : vector<1x16xf32> to vector<16xf32>
        %add3A_539 = arith.addf %add3A_532, %get3A_538 : vector<16xf32>
        %add3A_540 = arith.constant 9 : i32
        %add3A_541 = arith.addi %mul3A_127, %add3A_540 : i32
        %get3A_542 = arith.index_cast %add3A_541 : i32 to index
        %get3A_543 = arith.constant 96 : index
        %get3A_544 = tpu.vector_load %arg11[%get3A_542, %get3A_543] {strides = array<i32>} : memref<320x128xf32, #tpu.memory_space<vmem>>, vector<1x16xf32>,
        %get3A_545 = vector.shape_cast %get3A_544 : vector<1x16xf32> to vector<16xf32>
        %add3A_546 = arith.addf %add3A_539, %get3A_545 : vector<16xf32>
        %swap3A_547 = arith.index_cast %add3A_125 : i32 to index
        %swap3A_548 = arith.constant 32 : index
        %swap3A_549 = tpu.vector_load %arg13[%swap3A_547, %swap3A_548] {strides = array<i32>} : memref<32x64xf32, #tpu.memory_space<vmem>>, vector<1x16xf32>,
        %swap3A_550 = vector.shape_cast %swap3A_549 : vector<1x16xf32> to vector<16xf32>
        %swap3A_551 = vector.shape_cast %add3A_546 : vector<16xf32> to vector<1x16xf32>
        tpu.vector_store %arg13[%swap3A_547, %swap3A_548], %swap3A_551 {strides = array<i32>} : memref<32x64xf32, #tpu.memory_space<vmem>>, vector<1x16xf32>,
        %get3A_552 = arith.index_cast %mul3A_127 : i32 to index
        %get3A_553 = arith.constant 48 : index
        %get3A_554 = tpu.vector_load %arg11[%get3A_552, %get3A_553] {strides = array<i32>} : memref<320x128xf32, #tpu.memory_space<vmem>>, vector<1x16xf32>,
        %get3A_555 = vector.shape_cast %get3A_554 : vector<1x16xf32> to vector<16xf32>
        %add3A_556 = arith.constant 0 : i32
        %add3A_557 = arith.addi %mul3A_127, %add3A_556 : i32
        %get3A_558 = arith.index_cast %add3A_557 : i32 to index
        %get3A_559 = arith.constant 112 : index
        %get3A_560 = tpu.vector_load %arg11[%get3A_558, %get3A_559] {strides = array<i32>} : memref<320x128xf32, #tpu.memory_space<vmem>>, vector<1x16xf32>,
        %get3A_561 = vector.shape_cast %get3A_560 : vector<1x16xf32> to vector<16xf32>
        %add3A_562 = arith.addf %get3A_555, %get3A_561 : vector<16xf32>
        %add3A_563 = arith.constant 1 : i32
        %add3A_564 = arith.addi %mul3A_127, %add3A_563 : i32
        %get3A_565 = arith.index_cast %add3A_564 : i32 to index
        %get3A_566 = arith.constant 48 : index
        %get3A_567 = tpu.vector_load %arg11[%get3A_565, %get3A_566] {strides = array<i32>} : memref<320x128xf32, #tpu.memory_space<vmem>>, vector<1x16xf32>,
        %get3A_568 = vector.shape_cast %get3A_567 : vector<1x16xf32> to vector<16xf32>
        %add3A_569 = arith.addf %add3A_562, %get3A_568 : vector<16xf32>
        %add3A_570 = arith.constant 1 : i32
        %add3A_571 = arith.addi %mul3A_127, %add3A_570 : i32
        %get3A_572 = arith.index_cast %add3A_571 : i32 to index
        %get3A_573 = arith.constant 112 : index
        %get3A_574 = tpu.vector_load %arg11[%get3A_572, %get3A_573] {strides = array<i32>} : memref<320x128xf32, #tpu.memory_space<vmem>>, vector<1x16xf32>,
        %get3A_575 = vector.shape_cast %get3A_574 : vector<1x16xf32> to vector<16xf32>
        %add3A_576 = arith.addf %add3A_569, %get3A_575 : vector<16xf32>
        %add3A_577 = arith.constant 2 : i32
        %add3A_578 = arith.addi %mul3A_127, %add3A_577 : i32
        %get3A_579 = arith.index_cast %add3A_578 : i32 to index
        %get3A_580 = arith.constant 48 : index
        %get3A_581 = tpu.vector_load %arg11[%get3A_579, %get3A_580] {strides = array<i32>} : memref<320x128xf32, #tpu.memory_space<vmem>>, vector<1x16xf32>,
        %get3A_582 = vector.shape_cast %get3A_581 : vector<1x16xf32> to vector<16xf32>
        %add3A_583 = arith.addf %add3A_576, %get3A_582 : vector<16xf32>
        %add3A_584 = arith.constant 2 : i32
        %add3A_585 = arith.addi %mul3A_127, %add3A_584 : i32
        %get3A_586 = arith.index_cast %add3A_585 : i32 to index
        %get3A_587 = arith.constant 112 : index
        %get3A_588 = tpu.vector_load %arg11[%get3A_586, %get3A_587] {strides = array<i32>} : memref<320x128xf32, #tpu.memory_space<vmem>>, vector<1x16xf32>,
        %get3A_589 = vector.shape_cast %get3A_588 : vector<1x16xf32> to vector<16xf32>
        %add3A_590 = arith.addf %add3A_583, %get3A_589 : vector<16xf32>
        %add3A_591 = arith.constant 3 : i32
        %add3A_592 = arith.addi %mul3A_127, %add3A_591 : i32
        %get3A_593 = arith.index_cast %add3A_592 : i32 to index
        %get3A_594 = arith.constant 48 : index
        %get3A_595 = tpu.vector_load %arg11[%get3A_593, %get3A_594] {strides = array<i32>} : memref<320x128xf32, #tpu.memory_space<vmem>>, vector<1x16xf32>,
        %get3A_596 = vector.shape_cast %get3A_595 : vector<1x16xf32> to vector<16xf32>
        %add3A_597 = arith.addf %add3A_590, %get3A_596 : vector<16xf32>
        %add3A_598 = arith.constant 3 : i32
        %add3A_599 = arith.addi %mul3A_127, %add3A_598 : i32
        %get3A_600 = arith.index_cast %add3A_599 : i32 to index
        %get3A_601 = arith.constant 112 : index
        %get3A_602 = tpu.vector_load %arg11[%get3A_600, %get3A_601] {strides = array<i32>} : memref<320x128xf32, #tpu.memory_space<vmem>>, vector<1x16xf32>,
        %get3A_603 = vector.shape_cast %get3A_602 : vector<1x16xf32> to vector<16xf32>
        %add3A_604 = arith.addf %add3A_597, %get3A_603 : vector<16xf32>
        %add3A_605 = arith.constant 4 : i32
        %add3A_606 = arith.addi %mul3A_127, %add3A_605 : i32
        %get3A_607 = arith.index_cast %add3A_606 : i32 to index
        %get3A_608 = arith.constant 48 : index
        %get3A_609 = tpu.vector_load %arg11[%get3A_607, %get3A_608] {strides = array<i32>} : memref<320x128xf32, #tpu.memory_space<vmem>>, vector<1x16xf32>,
        %get3A_610 = vector.shape_cast %get3A_609 : vector<1x16xf32> to vector<16xf32>
        %add3A_611 = arith.addf %add3A_604, %get3A_610 : vector<16xf32>
        %add3A_612 = arith.constant 4 : i32
        %add3A_613 = arith.addi %mul3A_127, %add3A_612 : i32
        %get3A_614 = arith.index_cast %add3A_613 : i32 to index
        %get3A_615 = arith.constant 112 : index
        %get3A_616 = tpu.vector_load %arg11[%get3A_614, %get3A_615] {strides = array<i32>} : memref<320x128xf32, #tpu.memory_space<vmem>>, vector<1x16xf32>,
        %get3A_617 = vector.shape_cast %get3A_616 : vector<1x16xf32> to vector<16xf32>
        %add3A_618 = arith.addf %add3A_611, %get3A_617 : vector<16xf32>
        %add3A_619 = arith.constant 5 : i32
        %add3A_620 = arith.addi %mul3A_127, %add3A_619 : i32
        %get3A_621 = arith.index_cast %add3A_620 : i32 to index
        %get3A_622 = arith.constant 48 : index
        %get3A_623 = tpu.vector_load %arg11[%get3A_621, %get3A_622] {strides = array<i32>} : memref<320x128xf32, #tpu.memory_space<vmem>>, vector<1x16xf32>,
        %get3A_624 = vector.shape_cast %get3A_623 : vector<1x16xf32> to vector<16xf32>
        %add3A_625 = arith.addf %add3A_618, %get3A_624 : vector<16xf32>
        %add3A_626 = arith.constant 5 : i32
        %add3A_627 = arith.addi %mul3A_127, %add3A_626 : i32
        %get3A_628 = arith.index_cast %add3A_627 : i32 to index
        %get3A_629 = arith.constant 112 : index
        %get3A_630 = tpu.vector_load %arg11[%get3A_628, %get3A_629] {strides = array<i32>} : memref<320x128xf32, #tpu.memory_space<vmem>>, vector<1x16xf32>,
        %get3A_631 = vector.shape_cast %get3A_630 : vector<1x16xf32> to vector<16xf32>
        %add3A_632 = arith.addf %add3A_625, %get3A_631 : vector<16xf32>
        %add3A_633 = arith.constant 6 : i32
        %add3A_634 = arith.addi %mul3A_127, %add3A_633 : i32
        %get3A_635 = arith.index_cast %add3A_634 : i32 to index
        %get3A_636 = arith.constant 48 : index
        %get3A_637 = tpu.vector_load %arg11[%get3A_635, %get3A_636] {strides = array<i32>} : memref<320x128xf32, #tpu.memory_space<vmem>>, vector<1x16xf32>,
        %get3A_638 = vector.shape_cast %get3A_637 : vector<1x16xf32> to vector<16xf32>
        %add3A_639 = arith.addf %add3A_632, %get3A_638 : vector<16xf32>
        %add3A_640 = arith.constant 6 : i32
        %add3A_641 = arith.addi %mul3A_127, %add3A_640 : i32
        %get3A_642 = arith.index_cast %add3A_641 : i32 to index
        %get3A_643 = arith.constant 112 : index
        %get3A_644 = tpu.vector_load %arg11[%get3A_642, %get3A_643] {strides = array<i32>} : memref<320x128xf32, #tpu.memory_space<vmem>>, vector<1x16xf32>,
        %get3A_645 = vector.shape_cast %get3A_644 : vector<1x16xf32> to vector<16xf32>
        %add3A_646 = arith.addf %add3A_639, %get3A_645 : vector<16xf32>
        %add3A_647 = arith.constant 7 : i32
        %add3A_648 = arith.addi %mul3A_127, %add3A_647 : i32
        %get3A_649 = arith.index_cast %add3A_648 : i32 to index
        %get3A_650 = arith.constant 48 : index
        %get3A_651 = tpu.vector_load %arg11[%get3A_649, %get3A_650] {strides = array<i32>} : memref<320x128xf32, #tpu.memory_space<vmem>>, vector<1x16xf32>,
        %get3A_652 = vector.shape_cast %get3A_651 : vector<1x16xf32> to vector<16xf32>
        %add3A_653 = arith.addf %add3A_646, %get3A_652 : vector<16xf32>
        %add3A_654 = arith.constant 7 : i32
        %add3A_655 = arith.addi %mul3A_127, %add3A_654 : i32
        %get3A_656 = arith.index_cast %add3A_655 : i32 to index
        %get3A_657 = arith.constant 112 : index
        %get3A_658 = tpu.vector_load %arg11[%get3A_656, %get3A_657] {strides = array<i32>} : memref<320x128xf32, #tpu.memory_space<vmem>>, vector<1x16xf32>,
        %get3A_659 = vector.shape_cast %get3A_658 : vector<1x16xf32> to vector<16xf32>
        %add3A_660 = arith.addf %add3A_653, %get3A_659 : vector<16xf32>
        %add3A_661 = arith.constant 8 : i32
        %add3A_662 = arith.addi %mul3A_127, %add3A_661 : i32
        %get3A_663 = arith.index_cast %add3A_662 : i32 to index
        %get3A_664 = arith.constant 48 : index
        %get3A_665 = tpu.vector_load %arg11[%get3A_663, %get3A_664] {strides = array<i32>} : memref<320x128xf32, #tpu.memory_space<vmem>>, vector<1x16xf32>,
        %get3A_666 = vector.shape_cast %get3A_665 : vector<1x16xf32> to vector<16xf32>
        %add3A_667 = arith.addf %add3A_660, %get3A_666 : vector<16xf32>
        %add3A_668 = arith.constant 8 : i32
        %add3A_669 = arith.addi %mul3A_127, %add3A_668 : i32
        %get3A_670 = arith.index_cast %add3A_669 : i32 to index
        %get3A_671 = arith.constant 112 : index
        %get3A_672 = tpu.vector_load %arg11[%get3A_670, %get3A_671] {strides = array<i32>} : memref<320x128xf32, #tpu.memory_space<vmem>>, vector<1x16xf32>,
        %get3A_673 = vector.shape_cast %get3A_672 : vector<1x16xf32> to vector<16xf32>
        %add3A_674 = arith.addf %add3A_667, %get3A_673 : vector<16xf32>
        %add3A_675 = arith.constant 9 : i32
        %add3A_676 = arith.addi %mul3A_127, %add3A_675 : i32
        %get3A_677 = arith.index_cast %add3A_676 : i32 to index
        %get3A_678 = arith.constant 48 : index
        %get3A_679 = tpu.vector_load %arg11[%get3A_677, %get3A_678] {strides = array<i32>} : memref<320x128xf32, #tpu.memory_space<vmem>>, vector<1x16xf32>,
        %get3A_680 = vector.shape_cast %get3A_679 : vector<1x16xf32> to vector<16xf32>
        %add3A_681 = arith.addf %add3A_674, %get3A_680 : vector<16xf32>
        %add3A_682 = arith.constant 9 : i32
        %add3A_683 = arith.addi %mul3A_127, %add3A_682 : i32
        %get3A_684 = arith.index_cast %add3A_683 : i32 to index
        %get3A_685 = arith.constant 112 : index
        %get3A_686 = tpu.vector_load %arg11[%get3A_684, %get3A_685] {strides = array<i32>} : memref<320x128xf32, #tpu.memory_space<vmem>>, vector<1x16xf32>,
        %get3A_687 = vector.shape_cast %get3A_686 : vector<1x16xf32> to vector<16xf32>
        %add3A_688 = arith.addf %add3A_681, %get3A_687 : vector<16xf32>
        %swap3A_689 = arith.index_cast %add3A_125 : i32 to index
        %swap3A_690 = arith.constant 48 : index
        %swap3A_691 = tpu.vector_load %arg13[%swap3A_689, %swap3A_690] {strides = array<i32>} : memref<32x64xf32, #tpu.memory_space<vmem>>, vector<1x16xf32>,
        %swap3A_692 = vector.shape_cast %swap3A_691 : vector<1x16xf32> to vector<16xf32>
        %swap3A_693 = vector.shape_cast %add3A_688 : vector<16xf32> to vector<1x16xf32>
        tpu.vector_store %arg13[%swap3A_689, %swap3A_690], %swap3A_693 {strides = array<i32>} : memref<32x64xf32, #tpu.memory_space<vmem>>, vector<1x16xf32>,
        %mul3A_694 = arith.constant 2 : i32
        %mul3A_695 = arith.muli %scan3A_121, %mul3A_694 : i32
        %add3A_696 = arith.constant 1 : i32
        %add3A_697 = arith.addi %mul3A_695, %add3A_696 : i32
        %mul3A_698 = arith.constant 10 : i32
        %mul3A_699 = arith.muli %add3A_697, %mul3A_698 : i32
        %get3A_700 = arith.index_cast %mul3A_699 : i32 to index
        %get3A_701 = arith.constant 0 : index
        %get3A_702 = tpu.vector_load %arg11[%get3A_700, %get3A_701] {strides = array<i32>} : memref<320x128xf32, #tpu.memory_space<vmem>>, vector<1x16xf32>,
        %get3A_703 = vector.shape_cast %get3A_702 : vector<1x16xf32> to vector<16xf32>
        %add3A_704 = arith.constant 0 : i32
        %add3A_705 = arith.addi %mul3A_699, %add3A_704 : i32
        %get3A_706 = arith.index_cast %add3A_705 : i32 to index
        %get3A_707 = arith.constant 64 : index
        %get3A_708 = tpu.vector_load %arg11[%get3A_706, %get3A_707] {strides = array<i32>} : memref<320x128xf32, #tpu.memory_space<vmem>>, vector<1x16xf32>,
        %get3A_709 = vector.shape_cast %get3A_708 : vector<1x16xf32> to vector<16xf32>
        %add3A_710 = arith.addf %get3A_703, %get3A_709 : vector<16xf32>
        %add3A_711 = arith.constant 1 : i32
        %add3A_712 = arith.addi %mul3A_699, %add3A_711 : i32
        %get3A_713 = arith.index_cast %add3A_712 : i32 to index
        %get3A_714 = arith.constant 0 : index
        %get3A_715 = tpu.vector_load %arg11[%get3A_713, %get3A_714] {strides = array<i32>} : memref<320x128xf32, #tpu.memory_space<vmem>>, vector<1x16xf32>,
        %get3A_716 = vector.shape_cast %get3A_715 : vector<1x16xf32> to vector<16xf32>
        %add3A_717 = arith.addf %add3A_710, %get3A_716 : vector<16xf32>
        %add3A_718 = arith.constant 1 : i32
        %add3A_719 = arith.addi %mul3A_699, %add3A_718 : i32
        %get3A_720 = arith.index_cast %add3A_719 : i32 to index
        %get3A_721 = arith.constant 64 : index
        %get3A_722 = tpu.vector_load %arg11[%get3A_720, %get3A_721] {strides = array<i32>} : memref<320x128xf32, #tpu.memory_space<vmem>>, vector<1x16xf32>,
        %get3A_723 = vector.shape_cast %get3A_722 : vector<1x16xf32> to vector<16xf32>
        %add3A_724 = arith.addf %add3A_717, %get3A_723 : vector<16xf32>
        %add3A_725 = arith.constant 2 : i32
        %add3A_726 = arith.addi %mul3A_699, %add3A_725 : i32
        %get3A_727 = arith.index_cast %add3A_726 : i32 to index
        %get3A_728 = arith.constant 0 : index
        %get3A_729 = tpu.vector_load %arg11[%get3A_727, %get3A_728] {strides = array<i32>} : memref<320x128xf32, #tpu.memory_space<vmem>>, vector<1x16xf32>,
        %get3A_730 = vector.shape_cast %get3A_729 : vector<1x16xf32> to vector<16xf32>
        %add3A_731 = arith.addf %add3A_724, %get3A_730 : vector<16xf32>
        %add3A_732 = arith.constant 2 : i32
        %add3A_733 = arith.addi %mul3A_699, %add3A_732 : i32
        %get3A_734 = arith.index_cast %add3A_733 : i32 to index
        %get3A_735 = arith.constant 64 : index
        %get3A_736 = tpu.vector_load %arg11[%get3A_734, %get3A_735] {strides = array<i32>} : memref<320x128xf32, #tpu.memory_space<vmem>>, vector<1x16xf32>,
        %get3A_737 = vector.shape_cast %get3A_736 : vector<1x16xf32> to vector<16xf32>
        %add3A_738 = arith.addf %add3A_731, %get3A_737 : vector<16xf32>
        %add3A_739 = arith.constant 3 : i32
        %add3A_740 = arith.addi %mul3A_699, %add3A_739 : i32
        %get3A_741 = arith.index_cast %add3A_740 : i32 to index
        %get3A_742 = arith.constant 0 : index
        %get3A_743 = tpu.vector_load %arg11[%get3A_741, %get3A_742] {strides = array<i32>} : memref<320x128xf32, #tpu.memory_space<vmem>>, vector<1x16xf32>,
        %get3A_744 = vector.shape_cast %get3A_743 : vector<1x16xf32> to vector<16xf32>
        %add3A_745 = arith.addf %add3A_738, %get3A_744 : vector<16xf32>
        %add3A_746 = arith.constant 3 : i32
        %add3A_747 = arith.addi %mul3A_699, %add3A_746 : i32
        %get3A_748 = arith.index_cast %add3A_747 : i32 to index
        %get3A_749 = arith.constant 64 : index
        %get3A_750 = tpu.vector_load %arg11[%get3A_748, %get3A_749] {strides = array<i32>} : memref<320x128xf32, #tpu.memory_space<vmem>>, vector<1x16xf32>,
        %get3A_751 = vector.shape_cast %get3A_750 : vector<1x16xf32> to vector<16xf32>
        %add3A_752 = arith.addf %add3A_745, %get3A_751 : vector<16xf32>
        %add3A_753 = arith.constant 4 : i32
        %add3A_754 = arith.addi %mul3A_699, %add3A_753 : i32
        %get3A_755 = arith.index_cast %add3A_754 : i32 to index
        %get3A_756 = arith.constant 0 : index
        %get3A_757 = tpu.vector_load %arg11[%get3A_755, %get3A_756] {strides = array<i32>} : memref<320x128xf32, #tpu.memory_space<vmem>>, vector<1x16xf32>,
        %get3A_758 = vector.shape_cast %get3A_757 : vector<1x16xf32> to vector<16xf32>
        %add3A_759 = arith.addf %add3A_752, %get3A_758 : vector<16xf32>
        %add3A_760 = arith.constant 4 : i32
        %add3A_761 = arith.addi %mul3A_699, %add3A_760 : i32
        %get3A_762 = arith.index_cast %add3A_761 : i32 to index
        %get3A_763 = arith.constant 64 : index
        %get3A_764 = tpu.vector_load %arg11[%get3A_762, %get3A_763] {strides = array<i32>} : memref<320x128xf32, #tpu.memory_space<vmem>>, vector<1x16xf32>,
        %get3A_765 = vector.shape_cast %get3A_764 : vector<1x16xf32> to vector<16xf32>
        %add3A_766 = arith.addf %add3A_759, %get3A_765 : vector<16xf32>
        %add3A_767 = arith.constant 5 : i32
        %add3A_768 = arith.addi %mul3A_699, %add3A_767 : i32
        %get3A_769 = arith.index_cast %add3A_768 : i32 to index
        %get3A_770 = arith.constant 0 : index
        %get3A_771 = tpu.vector_load %arg11[%get3A_769, %get3A_770] {strides = array<i32>} : memref<320x128xf32, #tpu.memory_space<vmem>>, vector<1x16xf32>,
        %get3A_772 = vector.shape_cast %get3A_771 : vector<1x16xf32> to vector<16xf32>
        %add3A_773 = arith.addf %add3A_766, %get3A_772 : vector<16xf32>
        %add3A_774 = arith.constant 5 : i32
        %add3A_775 = arith.addi %mul3A_699, %add3A_774 : i32
        %get3A_776 = arith.index_cast %add3A_775 : i32 to index
        %get3A_777 = arith.constant 64 : index
        %get3A_778 = tpu.vector_load %arg11[%get3A_776, %get3A_777] {strides = array<i32>} : memref<320x128xf32, #tpu.memory_space<vmem>>, vector<1x16xf32>,
        %get3A_779 = vector.shape_cast %get3A_778 : vector<1x16xf32> to vector<16xf32>
        %add3A_780 = arith.addf %add3A_773, %get3A_779 : vector<16xf32>
        %add3A_781 = arith.constant 6 : i32
        %add3A_782 = arith.addi %mul3A_699, %add3A_781 : i32
        %get3A_783 = arith.index_cast %add3A_782 : i32 to index
        %get3A_784 = arith.constant 0 : index
        %get3A_785 = tpu.vector_load %arg11[%get3A_783, %get3A_784] {strides = array<i32>} : memref<320x128xf32, #tpu.memory_space<vmem>>, vector<1x16xf32>,
        %get3A_786 = vector.shape_cast %get3A_785 : vector<1x16xf32> to vector<16xf32>
        %add3A_787 = arith.addf %add3A_780, %get3A_786 : vector<16xf32>
        %add3A_788 = arith.constant 6 : i32
        %add3A_789 = arith.addi %mul3A_699, %add3A_788 : i32
        %get3A_790 = arith.index_cast %add3A_789 : i32 to index
        %get3A_791 = arith.constant 64 : index
        %get3A_792 = tpu.vector_load %arg11[%get3A_790, %get3A_791] {strides = array<i32>} : memref<320x128xf32, #tpu.memory_space<vmem>>, vector<1x16xf32>,
        %get3A_793 = vector.shape_cast %get3A_792 : vector<1x16xf32> to vector<16xf32>
        %add3A_794 = arith.addf %add3A_787, %get3A_793 : vector<16xf32>
        %add3A_795 = arith.constant 7 : i32
        %add3A_796 = arith.addi %mul3A_699, %add3A_795 : i32
        %get3A_797 = arith.index_cast %add3A_796 : i32 to index
        %get3A_798 = arith.constant 0 : index
        %get3A_799 = tpu.vector_load %arg11[%get3A_797, %get3A_798] {strides = array<i32>} : memref<320x128xf32, #tpu.memory_space<vmem>>, vector<1x16xf32>,
        %get3A_800 = vector.shape_cast %get3A_799 : vector<1x16xf32> to vector<16xf32>
        %add3A_801 = arith.addf %add3A_794, %get3A_800 : vector<16xf32>
        %add3A_802 = arith.constant 7 : i32
        %add3A_803 = arith.addi %mul3A_699, %add3A_802 : i32
        %get3A_804 = arith.index_cast %add3A_803 : i32 to index
        %get3A_805 = arith.constant 64 : index
        %get3A_806 = tpu.vector_load %arg11[%get3A_804, %get3A_805] {strides = array<i32>} : memref<320x128xf32, #tpu.memory_space<vmem>>, vector<1x16xf32>,
        %get3A_807 = vector.shape_cast %get3A_806 : vector<1x16xf32> to vector<16xf32>
        %add3A_808 = arith.addf %add3A_801, %get3A_807 : vector<16xf32>
        %add3A_809 = arith.constant 8 : i32
        %add3A_810 = arith.addi %mul3A_699, %add3A_809 : i32
        %get3A_811 = arith.index_cast %add3A_810 : i32 to index
        %get3A_812 = arith.constant 0 : index
        %get3A_813 = tpu.vector_load %arg11[%get3A_811, %get3A_812] {strides = array<i32>} : memref<320x128xf32, #tpu.memory_space<vmem>>, vector<1x16xf32>,
        %get3A_814 = vector.shape_cast %get3A_813 : vector<1x16xf32> to vector<16xf32>
        %add3A_815 = arith.addf %add3A_808, %get3A_814 : vector<16xf32>
        %add3A_816 = arith.constant 8 : i32
        %add3A_817 = arith.addi %mul3A_699, %add3A_816 : i32
        %get3A_818 = arith.index_cast %add3A_817 : i32 to index
        %get3A_819 = arith.constant 64 : index
        %get3A_820 = tpu.vector_load %arg11[%get3A_818, %get3A_819] {strides = array<i32>} : memref<320x128xf32, #tpu.memory_space<vmem>>, vector<1x16xf32>,
        %get3A_821 = vector.shape_cast %get3A_820 : vector<1x16xf32> to vector<16xf32>
        %add3A_822 = arith.addf %add3A_815, %get3A_821 : vector<16xf32>
        %add3A_823 = arith.constant 9 : i32
        %add3A_824 = arith.addi %mul3A_699, %add3A_823 : i32
        %get3A_825 = arith.index_cast %add3A_824 : i32 to index
        %get3A_826 = arith.constant 0 : index
        %get3A_827 = tpu.vector_load %arg11[%get3A_825, %get3A_826] {strides = array<i32>} : memref<320x128xf32, #tpu.memory_space<vmem>>, vector<1x16xf32>,
        %get3A_828 = vector.shape_cast %get3A_827 : vector<1x16xf32> to vector<16xf32>
        %add3A_829 = arith.addf %add3A_822, %get3A_828 : vector<16xf32>
        %add3A_830 = arith.constant 9 : i32
        %add3A_831 = arith.addi %mul3A_699, %add3A_830 : i32
        %get3A_832 = arith.index_cast %add3A_831 : i32 to index
        %get3A_833 = arith.constant 64 : index
        %get3A_834 = tpu.vector_load %arg11[%get3A_832, %get3A_833] {strides = array<i32>} : memref<320x128xf32, #tpu.memory_space<vmem>>, vector<1x16xf32>,
        %get3A_835 = vector.shape_cast %get3A_834 : vector<1x16xf32> to vector<16xf32>
        %add3A_836 = arith.addf %add3A_829, %get3A_835 : vector<16xf32>
        %swap3A_837 = arith.index_cast %add3A_697 : i32 to index
        %swap3A_838 = arith.constant 0 : index
        %swap3A_839 = tpu.vector_load %arg13[%swap3A_837, %swap3A_838] {strides = array<i32>} : memref<32x64xf32, #tpu.memory_space<vmem>>, vector<1x16xf32>,
        %swap3A_840 = vector.shape_cast %swap3A_839 : vector<1x16xf32> to vector<16xf32>
        %swap3A_841 = vector.shape_cast %add3A_836 : vector<16xf32> to vector<1x16xf32>
        tpu.vector_store %arg13[%swap3A_837, %swap3A_838], %swap3A_841 {strides = array<i32>} : memref<32x64xf32, #tpu.memory_space<vmem>>, vector<1x16xf32>,
        %get3A_842 = arith.index_cast %mul3A_699 : i32 to index
        %get3A_843 = arith.constant 16 : index
        %get3A_844 = tpu.vector_load %arg11[%get3A_842, %get3A_843] {strides = array<i32>} : memref<320x128xf32, #tpu.memory_space<vmem>>, vector<1x16xf32>,
        %get3A_845 = vector.shape_cast %get3A_844 : vector<1x16xf32> to vector<16xf32>
        %add3A_846 = arith.constant 0 : i32
        %add3A_847 = arith.addi %mul3A_699, %add3A_846 : i32
        %get3A_848 = arith.index_cast %add3A_847 : i32 to index
        %get3A_849 = arith.constant 80 : index
        %get3A_850 = tpu.vector_load %arg11[%get3A_848, %get3A_849] {strides = array<i32>} : memref<320x128xf32, #tpu.memory_space<vmem>>, vector<1x16xf32>,
        %get3A_851 = vector.shape_cast %get3A_850 : vector<1x16xf32> to vector<16xf32>
        %add3A_852 = arith.addf %get3A_845, %get3A_851 : vector<16xf32>
        %add3A_853 = arith.constant 1 : i32
        %add3A_854 = arith.addi %mul3A_699, %add3A_853 : i32
        %get3A_855 = arith.index_cast %add3A_854 : i32 to index
        %get3A_856 = arith.constant 16 : index
        %get3A_857 = tpu.vector_load %arg11[%get3A_855, %get3A_856] {strides = array<i32>} : memref<320x128xf32, #tpu.memory_space<vmem>>, vector<1x16xf32>,
        %get3A_858 = vector.shape_cast %get3A_857 : vector<1x16xf32> to vector<16xf32>
        %add3A_859 = arith.addf %add3A_852, %get3A_858 : vector<16xf32>
        %add3A_860 = arith.constant 1 : i32
        %add3A_861 = arith.addi %mul3A_699, %add3A_860 : i32
        %get3A_862 = arith.index_cast %add3A_861 : i32 to index
        %get3A_863 = arith.constant 80 : index
        %get3A_864 = tpu.vector_load %arg11[%get3A_862, %get3A_863] {strides = array<i32>} : memref<320x128xf32, #tpu.memory_space<vmem>>, vector<1x16xf32>,
        %get3A_865 = vector.shape_cast %get3A_864 : vector<1x16xf32> to vector<16xf32>
        %add3A_866 = arith.addf %add3A_859, %get3A_865 : vector<16xf32>
        %add3A_867 = arith.constant 2 : i32
        %add3A_868 = arith.addi %mul3A_699, %add3A_867 : i32
        %get3A_869 = arith.index_cast %add3A_868 : i32 to index
        %get3A_870 = arith.constant 16 : index
        %get3A_871 = tpu.vector_load %arg11[%get3A_869, %get3A_870] {strides = array<i32>} : memref<320x128xf32, #tpu.memory_space<vmem>>, vector<1x16xf32>,
        %get3A_872 = vector.shape_cast %get3A_871 : vector<1x16xf32> to vector<16xf32>
        %add3A_873 = arith.addf %add3A_866, %get3A_872 : vector<16xf32>
        %add3A_874 = arith.constant 2 : i32
        %add3A_875 = arith.addi %mul3A_699, %add3A_874 : i32
        %get3A_876 = arith.index_cast %add3A_875 : i32 to index
        %get3A_877 = arith.constant 80 : index
        %get3A_878 = tpu.vector_load %arg11[%get3A_876, %get3A_877] {strides = array<i32>} : memref<320x128xf32, #tpu.memory_space<vmem>>, vector<1x16xf32>,
        %get3A_879 = vector.shape_cast %get3A_878 : vector<1x16xf32> to vector<16xf32>
        %add3A_880 = arith.addf %add3A_873, %get3A_879 : vector<16xf32>
        %add3A_881 = arith.constant 3 : i32
        %add3A_882 = arith.addi %mul3A_699, %add3A_881 : i32
        %get3A_883 = arith.index_cast %add3A_882 : i32 to index
        %get3A_884 = arith.constant 16 : index
        %get3A_885 = tpu.vector_load %arg11[%get3A_883, %get3A_884] {strides = array<i32>} : memref<320x128xf32, #tpu.memory_space<vmem>>, vector<1x16xf32>,
        %get3A_886 = vector.shape_cast %get3A_885 : vector<1x16xf32> to vector<16xf32>
        %add3A_887 = arith.addf %add3A_880, %get3A_886 : vector<16xf32>
        %add3A_888 = arith.constant 3 : i32
        %add3A_889 = arith.addi %mul3A_699, %add3A_888 : i32
        %get3A_890 = arith.index_cast %add3A_889 : i32 to index
        %get3A_891 = arith.constant 80 : index
        %get3A_892 = tpu.vector_load %arg11[%get3A_890, %get3A_891] {strides = array<i32>} : memref<320x128xf32, #tpu.memory_space<vmem>>, vector<1x16xf32>,
        %get3A_893 = vector.shape_cast %get3A_892 : vector<1x16xf32> to vector<16xf32>
        %add3A_894 = arith.addf %add3A_887, %get3A_893 : vector<16xf32>
        %add3A_895 = arith.constant 4 : i32
        %add3A_896 = arith.addi %mul3A_699, %add3A_895 : i32
        %get3A_897 = arith.index_cast %add3A_896 : i32 to index
        %get3A_898 = arith.constant 16 : index
        %get3A_899 = tpu.vector_load %arg11[%get3A_897, %get3A_898] {strides = array<i32>} : memref<320x128xf32, #tpu.memory_space<vmem>>, vector<1x16xf32>,
        %get3A_900 = vector.shape_cast %get3A_899 : vector<1x16xf32> to vector<16xf32>
        %add3A_901 = arith.addf %add3A_894, %get3A_900 : vector<16xf32>
        %add3A_902 = arith.constant 4 : i32
        %add3A_903 = arith.addi %mul3A_699, %add3A_902 : i32
        %get3A_904 = arith.index_cast %add3A_903 : i32 to index
        %get3A_905 = arith.constant 80 : index
        %get3A_906 = tpu.vector_load %arg11[%get3A_904, %get3A_905] {strides = array<i32>} : memref<320x128xf32, #tpu.memory_space<vmem>>, vector<1x16xf32>,
        %get3A_907 = vector.shape_cast %get3A_906 : vector<1x16xf32> to vector<16xf32>
        %add3A_908 = arith.addf %add3A_901, %get3A_907 : vector<16xf32>
        %add3A_909 = arith.constant 5 : i32
        %add3A_910 = arith.addi %mul3A_699, %add3A_909 : i32
        %get3A_911 = arith.index_cast %add3A_910 : i32 to index
        %get3A_912 = arith.constant 16 : index
        %get3A_913 = tpu.vector_load %arg11[%get3A_911, %get3A_912] {strides = array<i32>} : memref<320x128xf32, #tpu.memory_space<vmem>>, vector<1x16xf32>,
        %get3A_914 = vector.shape_cast %get3A_913 : vector<1x16xf32> to vector<16xf32>
        %add3A_915 = arith.addf %add3A_908, %get3A_914 : vector<16xf32>
        %add3A_916 = arith.constant 5 : i32
        %add3A_917 = arith.addi %mul3A_699, %add3A_916 : i32
        %get3A_918 = arith.index_cast %add3A_917 : i32 to index
        %get3A_919 = arith.constant 80 : index
        %get3A_920 = tpu.vector_load %arg11[%get3A_918, %get3A_919] {strides = array<i32>} : memref<320x128xf32, #tpu.memory_space<vmem>>, vector<1x16xf32>,
        %get3A_921 = vector.shape_cast %get3A_920 : vector<1x16xf32> to vector<16xf32>
        %add3A_922 = arith.addf %add3A_915, %get3A_921 : vector<16xf32>
        %add3A_923 = arith.constant 6 : i32
        %add3A_924 = arith.addi %mul3A_699, %add3A_923 : i32
        %get3A_925 = arith.index_cast %add3A_924 : i32 to index
        %get3A_926 = arith.constant 16 : index
        %get3A_927 = tpu.vector_load %arg11[%get3A_925, %get3A_926] {strides = array<i32>} : memref<320x128xf32, #tpu.memory_space<vmem>>, vector<1x16xf32>,
        %get3A_928 = vector.shape_cast %get3A_927 : vector<1x16xf32> to vector<16xf32>
        %add3A_929 = arith.addf %add3A_922, %get3A_928 : vector<16xf32>
        %add3A_930 = arith.constant 6 : i32
        %add3A_931 = arith.addi %mul3A_699, %add3A_930 : i32
        %get3A_932 = arith.index_cast %add3A_931 : i32 to index
        %get3A_933 = arith.constant 80 : index
        %get3A_934 = tpu.vector_load %arg11[%get3A_932, %get3A_933] {strides = array<i32>} : memref<320x128xf32, #tpu.memory_space<vmem>>, vector<1x16xf32>,
        %get3A_935 = vector.shape_cast %get3A_934 : vector<1x16xf32> to vector<16xf32>
        %add3A_936 = arith.addf %add3A_929, %get3A_935 : vector<16xf32>
        %add3A_937 = arith.constant 7 : i32
        %add3A_938 = arith.addi %mul3A_699, %add3A_937 : i32
        %get3A_939 = arith.index_cast %add3A_938 : i32 to index
        %get3A_940 = arith.constant 16 : index
        %get3A_941 = tpu.vector_load %arg11[%get3A_939, %get3A_940] {strides = array<i32>} : memref<320x128xf32, #tpu.memory_space<vmem>>, vector<1x16xf32>,
        %get3A_942 = vector.shape_cast %get3A_941 : vector<1x16xf32> to vector<16xf32>
        %add3A_943 = arith.addf %add3A_936, %get3A_942 : vector<16xf32>
        %add3A_944 = arith.constant 7 : i32
        %add3A_945 = arith.addi %mul3A_699, %add3A_944 : i32
        %get3A_946 = arith.index_cast %add3A_945 : i32 to index
        %get3A_947 = arith.constant 80 : index
        %get3A_948 = tpu.vector_load %arg11[%get3A_946, %get3A_947] {strides = array<i32>} : memref<320x128xf32, #tpu.memory_space<vmem>>, vector<1x16xf32>,
        %get3A_949 = vector.shape_cast %get3A_948 : vector<1x16xf32> to vector<16xf32>
        %add3A_950 = arith.addf %add3A_943, %get3A_949 : vector<16xf32>
        %add3A_951 = arith.constant 8 : i32
        %add3A_952 = arith.addi %mul3A_699, %add3A_951 : i32
        %get3A_953 = arith.index_cast %add3A_952 : i32 to index
        %get3A_954 = arith.constant 16 : index
        %get3A_955 = tpu.vector_load %arg11[%get3A_953, %get3A_954] {strides = array<i32>} : memref<320x128xf32, #tpu.memory_space<vmem>>, vector<1x16xf32>,
        %get3A_956 = vector.shape_cast %get3A_955 : vector<1x16xf32> to vector<16xf32>
        %add3A_957 = arith.addf %add3A_950, %get3A_956 : vector<16xf32>
        %add3A_958 = arith.constant 8 : i32
        %add3A_959 = arith.addi %mul3A_699, %add3A_958 : i32
        %get3A_960 = arith.index_cast %add3A_959 : i32 to index
        %get3A_961 = arith.constant 80 : index
        %get3A_962 = tpu.vector_load %arg11[%get3A_960, %get3A_961] {strides = array<i32>} : memref<320x128xf32, #tpu.memory_space<vmem>>, vector<1x16xf32>,
        %get3A_963 = vector.shape_cast %get3A_962 : vector<1x16xf32> to vector<16xf32>
        %add3A_964 = arith.addf %add3A_957, %get3A_963 : vector<16xf32>
        %add3A_965 = arith.constant 9 : i32
        %add3A_966 = arith.addi %mul3A_699, %add3A_965 : i32
        %get3A_967 = arith.index_cast %add3A_966 : i32 to index
        %get3A_968 = arith.constant 16 : index
        %get3A_969 = tpu.vector_load %arg11[%get3A_967, %get3A_968] {strides = array<i32>} : memref<320x128xf32, #tpu.memory_space<vmem>>, vector<1x16xf32>,
        %get3A_970 = vector.shape_cast %get3A_969 : vector<1x16xf32> to vector<16xf32>
        %add3A_971 = arith.addf %add3A_964, %get3A_970 : vector<16xf32>
        %add3A_972 = arith.constant 9 : i32
        %add3A_973 = arith.addi %mul3A_699, %add3A_972 : i32
        %get3A_974 = arith.index_cast %add3A_973 : i32 to index
        %get3A_975 = arith.constant 80 : index
        %get3A_976 = tpu.vector_load %arg11[%get3A_974, %get3A_975] {strides = array<i32>} : memref<320x128xf32, #tpu.memory_space<vmem>>, vector<1x16xf32>,
        %get3A_977 = vector.shape_cast %get3A_976 : vector<1x16xf32> to vector<16xf32>
        %add3A_978 = arith.addf %add3A_971, %get3A_977 : vector<16xf32>
        %swap3A_979 = arith.index_cast %add3A_697 : i32 to index
        %swap3A_980 = arith.constant 16 : index
        %swap3A_981 = tpu.vector_load %arg13[%swap3A_979, %swap3A_980] {strides = array<i32>} : memref<32x64xf32, #tpu.memory_space<vmem>>, vector<1x16xf32>,
        %swap3A_982 = vector.shape_cast %swap3A_981 : vector<1x16xf32> to vector<16xf32>
        %swap3A_983 = vector.shape_cast %add3A_978 : vector<16xf32> to vector<1x16xf32>
        tpu.vector_store %arg13[%swap3A_979, %swap3A_980], %swap3A_983 {strides = array<i32>} : memref<32x64xf32, #tpu.memory_space<vmem>>, vector<1x16xf32>,
        %get3A_984 = arith.index_cast %mul3A_699 : i32 to index
        %get3A_985 = arith.constant 32 : index
        %get3A_986 = tpu.vector_load %arg11[%get3A_984, %get3A_985] {strides = array<i32>} : memref<320x128xf32, #tpu.memory_space<vmem>>, vector<1x16xf32>,
        %get3A_987 = vector.shape_cast %get3A_986 : vector<1x16xf32> to vector<16xf32>
        %add3A_988 = arith.constant 0 : i32
        %add3A_989 = arith.addi %mul3A_699, %add3A_988 : i32
        %get3A_990 = arith.index_cast %add3A_989 : i32 to index
        %get3A_991 = arith.constant 96 : index
        %get3A_992 = tpu.vector_load %arg11[%get3A_990, %get3A_991] {strides = array<i32>} : memref<320x128xf32, #tpu.memory_space<vmem>>, vector<1x16xf32>,
        %get3A_993 = vector.shape_cast %get3A_992 : vector<1x16xf32> to vector<16xf32>
        %add3A_994 = arith.addf %get3A_987, %get3A_993 : vector<16xf32>
        %add3A_995 = arith.constant 1 : i32
        %add3A_996 = arith.addi %mul3A_699, %add3A_995 : i32
        %get3A_997 = arith.index_cast %add3A_996 : i32 to index
        %get3A_998 = arith.constant 32 : index
        %get3A_999 = tpu.vector_load %arg11[%get3A_997, %get3A_998] {strides = array<i32>} : memref<320x128xf32, #tpu.memory_space<vmem>>, vector<1x16xf32>,
        %get3A_1000 = vector.shape_cast %get3A_999 : vector<1x16xf32> to vector<16xf32>
        %add3A_1001 = arith.addf %add3A_994, %get3A_1000 : vector<16xf32>
        %add3A_1002 = arith.constant 1 : i32
        %add3A_1003 = arith.addi %mul3A_699, %add3A_1002 : i32
        %get3A_1004 = arith.index_cast %add3A_1003 : i32 to index
        %get3A_1005 = arith.constant 96 : index
        %get3A_1006 = tpu.vector_load %arg11[%get3A_1004, %get3A_1005] {strides = array<i32>} : memref<320x128xf32, #tpu.memory_space<vmem>>, vector<1x16xf32>,
        %get3A_1007 = vector.shape_cast %get3A_1006 : vector<1x16xf32> to vector<16xf32>
        %add3A_1008 = arith.addf %add3A_1001, %get3A_1007 : vector<16xf32>
        %add3A_1009 = arith.constant 2 : i32
        %add3A_1010 = arith.addi %mul3A_699, %add3A_1009 : i32
        %get3A_1011 = arith.index_cast %add3A_1010 : i32 to index
        %get3A_1012 = arith.constant 32 : index
        %get3A_1013 = tpu.vector_load %arg11[%get3A_1011, %get3A_1012] {strides = array<i32>} : memref<320x128xf32, #tpu.memory_space<vmem>>, vector<1x16xf32>,
        %get3A_1014 = vector.shape_cast %get3A_1013 : vector<1x16xf32> to vector<16xf32>
        %add3A_1015 = arith.addf %add3A_1008, %get3A_1014 : vector<16xf32>
        %add3A_1016 = arith.constant 2 : i32
        %add3A_1017 = arith.addi %mul3A_699, %add3A_1016 : i32
        %get3A_1018 = arith.index_cast %add3A_1017 : i32 to index
        %get3A_1019 = arith.constant 96 : index
        %get3A_1020 = tpu.vector_load %arg11[%get3A_1018, %get3A_1019] {strides = array<i32>} : memref<320x128xf32, #tpu.memory_space<vmem>>, vector<1x16xf32>,
        %get3A_1021 = vector.shape_cast %get3A_1020 : vector<1x16xf32> to vector<16xf32>
        %add3A_1022 = arith.addf %add3A_1015, %get3A_1021 : vector<16xf32>
        %add3A_1023 = arith.constant 3 : i32
        %add3A_1024 = arith.addi %mul3A_699, %add3A_1023 : i32
        %get3A_1025 = arith.index_cast %add3A_1024 : i32 to index
        %get3A_1026 = arith.constant 32 : index
        %get3A_1027 = tpu.vector_load %arg11[%get3A_1025, %get3A_1026] {strides = array<i32>} : memref<320x128xf32, #tpu.memory_space<vmem>>, vector<1x16xf32>,
        %get3A_1028 = vector.shape_cast %get3A_1027 : vector<1x16xf32> to vector<16xf32>
        %add3A_1029 = arith.addf %add3A_1022, %get3A_1028 : vector<16xf32>
        %add3A_1030 = arith.constant 3 : i32
        %add3A_1031 = arith.addi %mul3A_699, %add3A_1030 : i32
        %get3A_1032 = arith.index_cast %add3A_1031 : i32 to index
        %get3A_1033 = arith.constant 96 : index
        %get3A_1034 = tpu.vector_load %arg11[%get3A_1032, %get3A_1033] {strides = array<i32>} : memref<320x128xf32, #tpu.memory_space<vmem>>, vector<1x16xf32>,
        %get3A_1035 = vector.shape_cast %get3A_1034 : vector<1x16xf32> to vector<16xf32>
        %add3A_1036 = arith.addf %add3A_1029, %get3A_1035 : vector<16xf32>
        %add3A_1037 = arith.constant 4 : i32
        %add3A_1038 = arith.addi %mul3A_699, %add3A_1037 : i32
        %get3A_1039 = arith.index_cast %add3A_1038 : i32 to index
        %get3A_1040 = arith.constant 32 : index
        %get3A_1041 = tpu.vector_load %arg11[%get3A_1039, %get3A_1040] {strides = array<i32>} : memref<320x128xf32, #tpu.memory_space<vmem>>, vector<1x16xf32>,
        %get3A_1042 = vector.shape_cast %get3A_1041 : vector<1x16xf32> to vector<16xf32>
        %add3A_1043 = arith.addf %add3A_1036, %get3A_1042 : vector<16xf32>
        %add3A_1044 = arith.constant 4 : i32
        %add3A_1045 = arith.addi %mul3A_699, %add3A_1044 : i32
        %get3A_1046 = arith.index_cast %add3A_1045 : i32 to index
        %get3A_1047 = arith.constant 96 : index
        %get3A_1048 = tpu.vector_load %arg11[%get3A_1046, %get3A_1047] {strides = array<i32>} : memref<320x128xf32, #tpu.memory_space<vmem>>, vector<1x16xf32>,
        %get3A_1049 = vector.shape_cast %get3A_1048 : vector<1x16xf32> to vector<16xf32>
        %add3A_1050 = arith.addf %add3A_1043, %get3A_1049 : vector<16xf32>
        %add3A_1051 = arith.constant 5 : i32
        %add3A_1052 = arith.addi %mul3A_699, %add3A_1051 : i32
        %get3A_1053 = arith.index_cast %add3A_1052 : i32 to index
        %get3A_1054 = arith.constant 32 : index
        %get3A_1055 = tpu.vector_load %arg11[%get3A_1053, %get3A_1054] {strides = array<i32>} : memref<320x128xf32, #tpu.memory_space<vmem>>, vector<1x16xf32>,
        %get3A_1056 = vector.shape_cast %get3A_1055 : vector<1x16xf32> to vector<16xf32>
        %add3A_1057 = arith.addf %add3A_1050, %get3A_1056 : vector<16xf32>
        %add3A_1058 = arith.constant 5 : i32
        %add3A_1059 = arith.addi %mul3A_699, %add3A_1058 : i32
        %get3A_1060 = arith.index_cast %add3A_1059 : i32 to index
        %get3A_1061 = arith.constant 96 : index
        %get3A_1062 = tpu.vector_load %arg11[%get3A_1060, %get3A_1061] {strides = array<i32>} : memref<320x128xf32, #tpu.memory_space<vmem>>, vector<1x16xf32>,
        %get3A_1063 = vector.shape_cast %get3A_1062 : vector<1x16xf32> to vector<16xf32>
        %add3A_1064 = arith.addf %add3A_1057, %get3A_1063 : vector<16xf32>
        %add3A_1065 = arith.constant 6 : i32
        %add3A_1066 = arith.addi %mul3A_699, %add3A_1065 : i32
        %get3A_1067 = arith.index_cast %add3A_1066 : i32 to index
        %get3A_1068 = arith.constant 32 : index
        %get3A_1069 = tpu.vector_load %arg11[%get3A_1067, %get3A_1068] {strides = array<i32>} : memref<320x128xf32, #tpu.memory_space<vmem>>, vector<1x16xf32>,
        %get3A_1070 = vector.shape_cast %get3A_1069 : vector<1x16xf32> to vector<16xf32>
        %add3A_1071 = arith.addf %add3A_1064, %get3A_1070 : vector<16xf32>
        %add3A_1072 = arith.constant 6 : i32
        %add3A_1073 = arith.addi %mul3A_699, %add3A_1072 : i32
        %get3A_1074 = arith.index_cast %add3A_1073 : i32 to index
        %get3A_1075 = arith.constant 96 : index
        %get3A_1076 = tpu.vector_load %arg11[%get3A_1074, %get3A_1075] {strides = array<i32>} : memref<320x128xf32, #tpu.memory_space<vmem>>, vector<1x16xf32>,
        %get3A_1077 = vector.shape_cast %get3A_1076 : vector<1x16xf32> to vector<16xf32>
        %add3A_1078 = arith.addf %add3A_1071, %get3A_1077 : vector<16xf32>
        %add3A_1079 = arith.constant 7 : i32
        %add3A_1080 = arith.addi %mul3A_699, %add3A_1079 : i32
        %get3A_1081 = arith.index_cast %add3A_1080 : i32 to index
        %get3A_1082 = arith.constant 32 : index
        %get3A_1083 = tpu.vector_load %arg11[%get3A_1081, %get3A_1082] {strides = array<i32>} : memref<320x128xf32, #tpu.memory_space<vmem>>, vector<1x16xf32>,
        %get3A_1084 = vector.shape_cast %get3A_1083 : vector<1x16xf32> to vector<16xf32>
        %add3A_1085 = arith.addf %add3A_1078, %get3A_1084 : vector<16xf32>
        %add3A_1086 = arith.constant 7 : i32
        %add3A_1087 = arith.addi %mul3A_699, %add3A_1086 : i32
        %get3A_1088 = arith.index_cast %add3A_1087 : i32 to index
        %get3A_1089 = arith.constant 96 : index
        %get3A_1090 = tpu.vector_load %arg11[%get3A_1088, %get3A_1089] {strides = array<i32>} : memref<320x128xf32, #tpu.memory_space<vmem>>, vector<1x16xf32>,
        %get3A_1091 = vector.shape_cast %get3A_1090 : vector<1x16xf32> to vector<16xf32>
        %add3A_1092 = arith.addf %add3A_1085, %get3A_1091 : vector<16xf32>
        %add3A_1093 = arith.constant 8 : i32
        %add3A_1094 = arith.addi %mul3A_699, %add3A_1093 : i32
        %get3A_1095 = arith.index_cast %add3A_1094 : i32 to index
        %get3A_1096 = arith.constant 32 : index
        %get3A_1097 = tpu.vector_load %arg11[%get3A_1095, %get3A_1096] {strides = array<i32>} : memref<320x128xf32, #tpu.memory_space<vmem>>, vector<1x16xf32>,
        %get3A_1098 = vector.shape_cast %get3A_1097 : vector<1x16xf32> to vector<16xf32>
        %add3A_1099 = arith.addf %add3A_1092, %get3A_1098 : vector<16xf32>
        %add3A_1100 = arith.constant 8 : i32
        %add3A_1101 = arith.addi %mul3A_699, %add3A_1100 : i32
        %get3A_1102 = arith.index_cast %add3A_1101 : i32 to index
        %get3A_1103 = arith.constant 96 : index
        %get3A_1104 = tpu.vector_load %arg11[%get3A_1102, %get3A_1103] {strides = array<i32>} : memref<320x128xf32, #tpu.memory_space<vmem>>, vector<1x16xf32>,
        %get3A_1105 = vector.shape_cast %get3A_1104 : vector<1x16xf32> to vector<16xf32>
        %add3A_1106 = arith.addf %add3A_1099, %get3A_1105 : vector<16xf32>
        %add3A_1107 = arith.constant 9 : i32
        %add3A_1108 = arith.addi %mul3A_699, %add3A_1107 : i32
        %get3A_1109 = arith.index_cast %add3A_1108 : i32 to index
        %get3A_1110 = arith.constant 32 : index
        %get3A_1111 = tpu.vector_load %arg11[%get3A_1109, %get3A_1110] {strides = array<i32>} : memref<320x128xf32, #tpu.memory_space<vmem>>, vector<1x16xf32>,
        %get3A_1112 = vector.shape_cast %get3A_1111 : vector<1x16xf32> to vector<16xf32>
        %add3A_1113 = arith.addf %add3A_1106, %get3A_1112 : vector<16xf32>
        %add3A_1114 = arith.constant 9 : i32
        %add3A_1115 = arith.addi %mul3A_699, %add3A_1114 : i32
        %get3A_1116 = arith.index_cast %add3A_1115 : i32 to index
        %get3A_1117 = arith.constant 96 : index
        %get3A_1118 = tpu.vector_load %arg11[%get3A_1116, %get3A_1117] {strides = array<i32>} : memref<320x128xf32, #tpu.memory_space<vmem>>, vector<1x16xf32>,
        %get3A_1119 = vector.shape_cast %get3A_1118 : vector<1x16xf32> to vector<16xf32>
        %add3A_1120 = arith.addf %add3A_1113, %get3A_1119 : vector<16xf32>
        %swap3A_1121 = arith.index_cast %add3A_697 : i32 to index
        %swap3A_1122 = arith.constant 32 : index
        %swap3A_1123 = tpu.vector_load %arg13[%swap3A_1121, %swap3A_1122] {strides = array<i32>} : memref<32x64xf32, #tpu.memory_space<vmem>>, vector<1x16xf32>,
        %swap3A_1124 = vector.shape_cast %swap3A_1123 : vector<1x16xf32> to vector<16xf32>
        %swap3A_1125 = vector.shape_cast %add3A_1120 : vector<16xf32> to vector<1x16xf32>
        tpu.vector_store %arg13[%swap3A_1121, %swap3A_1122], %swap3A_1125 {strides = array<i32>} : memref<32x64xf32, #tpu.memory_space<vmem>>, vector<1x16xf32>,
        %get3A_1126 = arith.index_cast %mul3A_699 : i32 to index
        %get3A_1127 = arith.constant 48 : index
        %get3A_1128 = tpu.vector_load %arg11[%get3A_1126, %get3A_1127] {strides = array<i32>} : memref<320x128xf32, #tpu.memory_space<vmem>>, vector<1x16xf32>,
        %get3A_1129 = vector.shape_cast %get3A_1128 : vector<1x16xf32> to vector<16xf32>
        %add3A_1130 = arith.constant 0 : i32
        %add3A_1131 = arith.addi %mul3A_699, %add3A_1130 : i32
        %get3A_1132 = arith.index_cast %add3A_1131 : i32 to index
        %get3A_1133 = arith.constant 112 : index
        %get3A_1134 = tpu.vector_load %arg11[%get3A_1132, %get3A_1133] {strides = array<i32>} : memref<320x128xf32, #tpu.memory_space<vmem>>, vector<1x16xf32>,
        %get3A_1135 = vector.shape_cast %get3A_1134 : vector<1x16xf32> to vector<16xf32>
        %add3A_1136 = arith.addf %get3A_1129, %get3A_1135 : vector<16xf32>
        %add3A_1137 = arith.constant 1 : i32
        %add3A_1138 = arith.addi %mul3A_699, %add3A_1137 : i32
        %get3A_1139 = arith.index_cast %add3A_1138 : i32 to index
        %get3A_1140 = arith.constant 48 : index
        %get3A_1141 = tpu.vector_load %arg11[%get3A_1139, %get3A_1140] {strides = array<i32>} : memref<320x128xf32, #tpu.memory_space<vmem>>, vector<1x16xf32>,
        %get3A_1142 = vector.shape_cast %get3A_1141 : vector<1x16xf32> to vector<16xf32>
        %add3A_1143 = arith.addf %add3A_1136, %get3A_1142 : vector<16xf32>
        %add3A_1144 = arith.constant 1 : i32
        %add3A_1145 = arith.addi %mul3A_699, %add3A_1144 : i32
        %get3A_1146 = arith.index_cast %add3A_1145 : i32 to index
        %get3A_1147 = arith.constant 112 : index
        %get3A_1148 = tpu.vector_load %arg11[%get3A_1146, %get3A_1147] {strides = array<i32>} : memref<320x128xf32, #tpu.memory_space<vmem>>, vector<1x16xf32>,
        %get3A_1149 = vector.shape_cast %get3A_1148 : vector<1x16xf32> to vector<16xf32>
        %add3A_1150 = arith.addf %add3A_1143, %get3A_1149 : vector<16xf32>
        %add3A_1151 = arith.constant 2 : i32
        %add3A_1152 = arith.addi %mul3A_699, %add3A_1151 : i32
        %get3A_1153 = arith.index_cast %add3A_1152 : i32 to index
        %get3A_1154 = arith.constant 48 : index
        %get3A_1155 = tpu.vector_load %arg11[%get3A_1153, %get3A_1154] {strides = array<i32>} : memref<320x128xf32, #tpu.memory_space<vmem>>, vector<1x16xf32>,
        %get3A_1156 = vector.shape_cast %get3A_1155 : vector<1x16xf32> to vector<16xf32>
        %add3A_1157 = arith.addf %add3A_1150, %get3A_1156 : vector<16xf32>
        %add3A_1158 = arith.constant 2 : i32
        %add3A_1159 = arith.addi %mul3A_699, %add3A_1158 : i32
        %get3A_1160 = arith.index_cast %add3A_1159 : i32 to index
        %get3A_1161 = arith.constant 112 : index
        %get3A_1162 = tpu.vector_load %arg11[%get3A_1160, %get3A_1161] {strides = array<i32>} : memref<320x128xf32, #tpu.memory_space<vmem>>, vector<1x16xf32>,
        %get3A_1163 = vector.shape_cast %get3A_1162 : vector<1x16xf32> to vector<16xf32>
        %add3A_1164 = arith.addf %add3A_1157, %get3A_1163 : vector<16xf32>
        %add3A_1165 = arith.constant 3 : i32
        %add3A_1166 = arith.addi %mul3A_699, %add3A_1165 : i32
        %get3A_1167 = arith.index_cast %add3A_1166 : i32 to index
        %get3A_1168 = arith.constant 48 : index
        %get3A_1169 = tpu.vector_load %arg11[%get3A_1167, %get3A_1168] {strides = array<i32>} : memref<320x128xf32, #tpu.memory_space<vmem>>, vector<1x16xf32>,
        %get3A_1170 = vector.shape_cast %get3A_1169 : vector<1x16xf32> to vector<16xf32>
        %add3A_1171 = arith.addf %add3A_1164, %get3A_1170 : vector<16xf32>
        %add3A_1172 = arith.constant 3 : i32
        %add3A_1173 = arith.addi %mul3A_699, %add3A_1172 : i32
        %get3A_1174 = arith.index_cast %add3A_1173 : i32 to index
        %get3A_1175 = arith.constant 112 : index
        %get3A_1176 = tpu.vector_load %arg11[%get3A_1174, %get3A_1175] {strides = array<i32>} : memref<320x128xf32, #tpu.memory_space<vmem>>, vector<1x16xf32>,
        %get3A_1177 = vector.shape_cast %get3A_1176 : vector<1x16xf32> to vector<16xf32>
        %add3A_1178 = arith.addf %add3A_1171, %get3A_1177 : vector<16xf32>
        %add3A_1179 = arith.constant 4 : i32
        %add3A_1180 = arith.addi %mul3A_699, %add3A_1179 : i32
        %get3A_1181 = arith.index_cast %add3A_1180 : i32 to index
        %get3A_1182 = arith.constant 48 : index
        %get3A_1183 = tpu.vector_load %arg11[%get3A_1181, %get3A_1182] {strides = array<i32>} : memref<320x128xf32, #tpu.memory_space<vmem>>, vector<1x16xf32>,
        %get3A_1184 = vector.shape_cast %get3A_1183 : vector<1x16xf32> to vector<16xf32>
        %add3A_1185 = arith.addf %add3A_1178, %get3A_1184 : vector<16xf32>
        %add3A_1186 = arith.constant 4 : i32
        %add3A_1187 = arith.addi %mul3A_699, %add3A_1186 : i32
        %get3A_1188 = arith.index_cast %add3A_1187 : i32 to index
        %get3A_1189 = arith.constant 112 : index
        %get3A_1190 = tpu.vector_load %arg11[%get3A_1188, %get3A_1189] {strides = array<i32>} : memref<320x128xf32, #tpu.memory_space<vmem>>, vector<1x16xf32>,
        %get3A_1191 = vector.shape_cast %get3A_1190 : vector<1x16xf32> to vector<16xf32>
        %add3A_1192 = arith.addf %add3A_1185, %get3A_1191 : vector<16xf32>
        %add3A_1193 = arith.constant 5 : i32
        %add3A_1194 = arith.addi %mul3A_699, %add3A_1193 : i32
        %get3A_1195 = arith.index_cast %add3A_1194 : i32 to index
        %get3A_1196 = arith.constant 48 : index
        %get3A_1197 = tpu.vector_load %arg11[%get3A_1195, %get3A_1196] {strides = array<i32>} : memref<320x128xf32, #tpu.memory_space<vmem>>, vector<1x16xf32>,
        %get3A_1198 = vector.shape_cast %get3A_1197 : vector<1x16xf32> to vector<16xf32>
        %add3A_1199 = arith.addf %add3A_1192, %get3A_1198 : vector<16xf32>
        %add3A_1200 = arith.constant 5 : i32
        %add3A_1201 = arith.addi %mul3A_699, %add3A_1200 : i32
        %get3A_1202 = arith.index_cast %add3A_1201 : i32 to index
        %get3A_1203 = arith.constant 112 : index
        %get3A_1204 = tpu.vector_load %arg11[%get3A_1202, %get3A_1203] {strides = array<i32>} : memref<320x128xf32, #tpu.memory_space<vmem>>, vector<1x16xf32>,
        %get3A_1205 = vector.shape_cast %get3A_1204 : vector<1x16xf32> to vector<16xf32>
        %add3A_1206 = arith.addf %add3A_1199, %get3A_1205 : vector<16xf32>
        %add3A_1207 = arith.constant 6 : i32
        %add3A_1208 = arith.addi %mul3A_699, %add3A_1207 : i32
        %get3A_1209 = arith.index_cast %add3A_1208 : i32 to index
        %get3A_1210 = arith.constant 48 : index
        %get3A_1211 = tpu.vector_load %arg11[%get3A_1209, %get3A_1210] {strides = array<i32>} : memref<320x128xf32, #tpu.memory_space<vmem>>, vector<1x16xf32>,
        %get3A_1212 = vector.shape_cast %get3A_1211 : vector<1x16xf32> to vector<16xf32>
        %add3A_1213 = arith.addf %add3A_1206, %get3A_1212 : vector<16xf32>
        %add3A_1214 = arith.constant 6 : i32
        %add3A_1215 = arith.addi %mul3A_699, %add3A_1214 : i32
        %get3A_1216 = arith.index_cast %add3A_1215 : i32 to index
        %get3A_1217 = arith.constant 112 : index
        %get3A_1218 = tpu.vector_load %arg11[%get3A_1216, %get3A_1217] {strides = array<i32>} : memref<320x128xf32, #tpu.memory_space<vmem>>, vector<1x16xf32>,
        %get3A_1219 = vector.shape_cast %get3A_1218 : vector<1x16xf32> to vector<16xf32>
        %add3A_1220 = arith.addf %add3A_1213, %get3A_1219 : vector<16xf32>
        %add3A_1221 = arith.constant 7 : i32
        %add3A_1222 = arith.addi %mul3A_699, %add3A_1221 : i32
        %get3A_1223 = arith.index_cast %add3A_1222 : i32 to index
        %get3A_1224 = arith.constant 48 : index
        %get3A_1225 = tpu.vector_load %arg11[%get3A_1223, %get3A_1224] {strides = array<i32>} : memref<320x128xf32, #tpu.memory_space<vmem>>, vector<1x16xf32>,
        %get3A_1226 = vector.shape_cast %get3A_1225 : vector<1x16xf32> to vector<16xf32>
        %add3A_1227 = arith.addf %add3A_1220, %get3A_1226 : vector<16xf32>
        %add3A_1228 = arith.constant 7 : i32
        %add3A_1229 = arith.addi %mul3A_699, %add3A_1228 : i32
        %get3A_1230 = arith.index_cast %add3A_1229 : i32 to index
        %get3A_1231 = arith.constant 112 : index
        %get3A_1232 = tpu.vector_load %arg11[%get3A_1230, %get3A_1231] {strides = array<i32>} : memref<320x128xf32, #tpu.memory_space<vmem>>, vector<1x16xf32>,
        %get3A_1233 = vector.shape_cast %get3A_1232 : vector<1x16xf32> to vector<16xf32>
        %add3A_1234 = arith.addf %add3A_1227, %get3A_1233 : vector<16xf32>
        %add3A_1235 = arith.constant 8 : i32
        %add3A_1236 = arith.addi %mul3A_699, %add3A_1235 : i32
        %get3A_1237 = arith.index_cast %add3A_1236 : i32 to index
        %get3A_1238 = arith.constant 48 : index
        %get3A_1239 = tpu.vector_load %arg11[%get3A_1237, %get3A_1238] {strides = array<i32>} : memref<320x128xf32, #tpu.memory_space<vmem>>, vector<1x16xf32>,
        %get3A_1240 = vector.shape_cast %get3A_1239 : vector<1x16xf32> to vector<16xf32>
        %add3A_1241 = arith.addf %add3A_1234, %get3A_1240 : vector<16xf32>
        %add3A_1242 = arith.constant 8 : i32
        %add3A_1243 = arith.addi %mul3A_699, %add3A_1242 : i32
        %get3A_1244 = arith.index_cast %add3A_1243 : i32 to index
        %get3A_1245 = arith.constant 112 : index
        %get3A_1246 = tpu.vector_load %arg11[%get3A_1244, %get3A_1245] {strides = array<i32>} : memref<320x128xf32, #tpu.memory_space<vmem>>, vector<1x16xf32>,
        %get3A_1247 = vector.shape_cast %get3A_1246 : vector<1x16xf32> to vector<16xf32>
        %add3A_1248 = arith.addf %add3A_1241, %get3A_1247 : vector<16xf32>
        %add3A_1249 = arith.constant 9 : i32
        %add3A_1250 = arith.addi %mul3A_699, %add3A_1249 : i32
        %get3A_1251 = arith.index_cast %add3A_1250 : i32 to index
        %get3A_1252 = arith.constant 48 : index
        %get3A_1253 = tpu.vector_load %arg11[%get3A_1251, %get3A_1252] {strides = array<i32>} : memref<320x128xf32, #tpu.memory_space<vmem>>, vector<1x16xf32>,
        %get3A_1254 = vector.shape_cast %get3A_1253 : vector<1x16xf32> to vector<16xf32>
        %add3A_1255 = arith.addf %add3A_1248, %get3A_1254 : vector<16xf32>
        %add3A_1256 = arith.constant 9 : i32
        %add3A_1257 = arith.addi %mul3A_699, %add3A_1256 : i32
        %get3A_1258 = arith.index_cast %add3A_1257 : i32 to index
        %get3A_1259 = arith.constant 112 : index
        %get3A_1260 = tpu.vector_load %arg11[%get3A_1258, %get3A_1259] {strides = array<i32>} : memref<320x128xf32, #tpu.memory_space<vmem>>, vector<1x16xf32>,
        %get3A_1261 = vector.shape_cast %get3A_1260 : vector<1x16xf32> to vector<16xf32>
        %add3A_1262 = arith.addf %add3A_1255, %get3A_1261 : vector<16xf32>
        %swap3A_1263 = arith.index_cast %add3A_697 : i32 to index
        %swap3A_1264 = arith.constant 48 : index
        %swap3A_1265 = tpu.vector_load %arg13[%swap3A_1263, %swap3A_1264] {strides = array<i32>} : memref<32x64xf32, #tpu.memory_space<vmem>>, vector<1x16xf32>,
        %swap3A_1266 = vector.shape_cast %swap3A_1265 : vector<1x16xf32> to vector<16xf32>
        %swap3A_1267 = vector.shape_cast %add3A_1262 : vector<16xf32> to vector<1x16xf32>
        tpu.vector_store %arg13[%swap3A_1263, %swap3A_1264], %swap3A_1267 {strides = array<i32>} : memref<32x64xf32, #tpu.memory_space<vmem>>, vector<1x16xf32>,
      }
      %scan3A_116 = arith.constant 16 : i32
      %dma_start3A_117 = arith.constant 0 : i32
      %dma_start3A_118 = tpu.memref_slice %arg5[%add3A_110, %dma_start3A_117] : memref<106496x64xf32, #tpu.memory_space<hbm>> -> memref<32x64xf32, #tpu.memory_space<hbm>>
      %dma_start3A_119 = arith.constant 0 : i32
      %dma_start3A_120 = tpu.memref_slice %arg5[%add3A_110, %dma_start3A_119] : memref<106496x64xf32, #tpu.memory_space<hbm>> -> memref<32x64xf32, #tpu.memory_space<hbm>>
      tpu.enqueue_dma source(%arg13 : memref<32x64xf32, #tpu.memory_space<vmem>>) target(%dma_start3A_120 : memref<32x64xf32, #tpu.memory_space<hbm>>) target_semaphore(%arg17 : memref<!tpu.dma_semaphore, #tpu.memory_space<semaphore_mem>>)
    }
    %scan3A_35 = arith.constant 52 : i32
    tpu.wait_dma2 semaphore(%arg14 : memref<!tpu.dma_semaphore, #tpu.memory_space<semaphore_mem>>) src(%arg4 : memref<320x128xf32, #tpu.memory_space<hbm>>) dst(%arg10 : memref<320x128xf32, #tpu.memory_space<vmem>>)
    %dma_wait3A_36 = arith.constant 0 : i32
    %dma_wait3A_37 = arith.constant 0 : i32
    %dma_wait3A_38 = tpu.memref_slice %arg5[%dma_wait3A_36, %dma_wait3A_37] : memref<106496x64xf32, #tpu.memory_space<hbm>> -> memref<32x64xf32, #tpu.memory_space<hbm>>
    %dma_wait3A_39 = arith.constant 0 : i32
    %dma_wait3A_40 = arith.constant 0 : i32
    %dma_wait3A_41 = tpu.memref_slice %arg5[%dma_wait3A_39, %dma_wait3A_40] : memref<106496x64xf32, #tpu.memory_space<hbm>> -> memref<32x64xf32, #tpu.memory_space<hbm>>
    tpu.wait_dma2 semaphore(%arg16 : memref<!tpu.dma_semaphore, #tpu.memory_space<semaphore_mem>>) src(%arg12 : memref<32x64xf32, #tpu.memory_space<vmem>>) dst(%dma_wait3A_41 : memref<32x64xf32, #tpu.memory_space<hbm>>)
    %dma_wait3A_42 = arith.constant 0 : i32
    %dma_wait3A_43 = arith.constant 0 : i32
    %dma_wait3A_44 = tpu.memref_slice %arg5[%dma_wait3A_42, %dma_wait3A_43] : memref<106496x64xf32, #tpu.memory_space<hbm>> -> memref<32x64xf32, #tpu.memory_space<hbm>>
    %dma_wait3A_45 = arith.constant 0 : i32
    %dma_wait3A_46 = arith.constant 0 : i32
    %dma_wait3A_47 = tpu.memref_slice %arg5[%dma_wait3A_45, %dma_wait3A_46] : memref<106496x64xf32, #tpu.memory_space<hbm>> -> memref<32x64xf32, #tpu.memory_space<hbm>>
    tpu.wait_dma2 semaphore(%arg17 : memref<!tpu.dma_semaphore, #tpu.memory_space<semaphore_mem>>) src(%arg13 : memref<32x64xf32, #tpu.memory_space<vmem>>) dst(%dma_wait3A_47 : memref<32x64xf32, #tpu.memory_space<hbm>>)
    return
  }
}

</mosaic_0001>

<sc_bundles>
// kernel: _emb.3.cloned.1.call-start
scs
__scs_entry_jumppad:
0x0: {  	(pc) =	sbr.rel $0x88, $3  }
0x1: {  	(tag) =	ssettag $0x0;
	lr =	simm.s32 $0x1  }
0x2: {  	[smem:$0x3F9E] =	sst lr;
	_ =	strace $0xD0000000  }
0x3: {  	_ = 	snop  }
0x4: {  	_ = 	snop  }
0x5: {  	_ = 	snop  }
0x6: {  	_ = 	snop  }
0x7: {  	_ = 	snop  }
__scs_overlays_trampoline_lowered:
0x8: {  	[smem:$0x3FAD] =	sst s0  }
0x9: {  	[smem:$0x3FAE] =	sst s1  }
0xa: {  	[smem:$0x3FAF] =	sst s2  }
0xb: {  	[smem:$0x3FB0] =	sst s3  }
0xc: {  	[smem:$0x3FB1] =	sst s4  }
0xd: {  	[smem:$0x3FB2] =	sst s5  }
0xe: {  	[smem:$0x3FB3] =	sst s6  }
0xf: {  	[smem:$0x3FB4] =	sst s7  }
0x10: {  	[smem:$0x3FB5] =	sst s8  }
0x11: {  	[smem:$0x3FB6] =	sst s9;
	s0 =	simm.s32 @!p0 $0x0  }
0x12: {  	s1 =	sld [smem:$0x3F9C];
	s0 =	simm.s32 @p0 $0x1  }
0x13: {  	[smem:$0x3FB7] =	sst s0;
	s0 =	simm.s32 @!p1 $0x0  }
0x14: {  	s2 =	sld [smem:$0x3F9B];
	s0 =	simm.s32 @p1 $0x1  }
0x15: {  	[smem:$0x3FB8] =	sst s0;
	s0 =	simm.s32 @!p2 $0x0  }
0x16: {  	s3 =	sld [smem:$0x3FDB];
	s0 =	simm.s32 @p2 $0x1  }
0x17: {  	s4 =	simm.s32 $0x1BF5;
	[smem:$0x3FBA] =	sst s0  }
0x18: {  	s0 =	sld [smem:$0x3F9D];
	_ =	swait.ge [sflag:s4], $0x0  }
0x19: {  	s7 =	sld [smem:$0x3F9E]  }
0x1a: {  	s8 =	sadd.s32 $0xFFFFE003, lr  }
0x1b: {  	s9 =	sadd.s32 $0xFFFFFEF7, lr;
	s5 =	simm.s32 $0xFFFFFFFF;
	p2 =	slt.u32 s8, $0xFFFFF086  }
0x1c: {  	p1 =	slt.u32 s9, $0xF7A;
	s5 =	simm.s32 @!p2 $0x0  }
0x1d: {  	s5 =	simm.s32 @p1 $0x1;
	p0 =	seq.s32 s7, s2  }
0x1e: {  	s7 =	smul.u32 @!p0 $0xF7A, s2;
	p2 =	seq.s32 @!p0 s5, $0x0  }
0x1f: {  	s9 =	smul.u32 $0xF7A, s1;
	s8 =	simm.s32 @!p0 $0x1BF5;
	p2 =	por !p2, p0  }
0x20: {  	[sflag:s8] =	ssyncset.s32 @!p0 $0xFFFFF086;
	s6 =	sadd.s32 @!p0 s3, s7;
	s7 =	simm.s32 @!p0 $0x108  }
0x21: {  	s3 =	sadd.s32 s3, s9;
	s6 =	sadd.s32 @!p0 $0x88, s6;
	s7 =	simm.s32 @p2 $0x1082  }
0x22: {  	[simem:s7], [sflag:s8] =	dma.local @!p0 [hbm:s6], $0xF7A  }
0x23: {  	s9 =	sor.u32 $0xD0000000, s2;
	s6 =	simm.s32 $0x108;
	_ =	swait.ge @!p0 [sflag:s8], $0x0  }
0x24: {  	s3 =	sadd.s32 $0x88, s3;
	s6 =	simm.s32 @!p1 $0x1082;
	[sflag:s4] =	ssyncset.s32 $0xFFFFF086  }
0x25: {  	[simem:s6], [sflag:s4] =	dma.local [hbm:s3], $0xF7A  }
0x26: {  	[smem:$0x3F9E] =	sst s1;
	(tag) =	ssettag s2;
	_ =	strace s9  }
0x27: {  	s1 =	sld [smem:$0x3FAE]  }
0x28: {  	s2 =	sld [smem:$0x3FAF]  }
0x29: {  	s4 =	sld [smem:$0x3FB1]  }
0x2a: {  	p0 =	seq.s32 s5, $0x0;
	s5 =	sld [smem:$0x3FB2]  }
0x2b: {  	s6 =	sld [smem:$0x3FB3]  }
0x2c: {  	s7 =	sld [smem:$0x3FB4]  }
0x2d: {  	s3 =	simm.s32 $0x108;
	s8 =	sld [smem:$0x3FB5]  }
0x2e: {  	s3 =	simm.s32 @!p0 $0x1082;
	s9 =	sld [smem:$0x3FB6]  }
0x2f: {  	lr =	sadd.s32 s0, s3;
	s0 =	sld [smem:$0x3FAD]  }
0x30: {  	s3 =	sld [smem:$0x3FB0]  }
0x31: {  	[smem:$0x3FB9] =	sst s10  }
0x32: {  	s10 =	sld [smem:$0x3FB7];
	_ =	sdelay $0x3  }
0x33: {  	p0 =	seq.s32 s10, $0x1;
	s10 =	sld [smem:$0x3FB9];
	_ =	sdelay $0x3  }
0x34: {  	[smem:$0x3FB9] =	sst s10  }
0x35: {  	s10 =	sld [smem:$0x3FB8];
	_ =	sdelay $0x3  }
0x36: {  	p1 =	seq.s32 s10, $0x1;
	s10 =	sld [smem:$0x3FB9];
	_ =	sdelay $0x3  }
0x37: {  	[smem:$0x3FB9] =	sst s10  }
0x38: {  	s10 =	sld [smem:$0x3FBA]  }
0x39: {  	_ = 	snop;
	(pc) =	sbr.ind lr, $3  }
0x3a: {  	_ = 	snop  }
0x3b: {  	_ = 	snop  }
0x3c: {  	p2 =	seq.s32 s10, $0x1;
	s10 =	sld [smem:$0x3FB9]  }
0x3d: {  	_ =	shalt  }
0x3e: {  	_ =	shalt  }
0x3f: {  	_ =	shalt  }
0x40: {  	_ =	shalt  }
0x41: {  	_ =	shalt  }
0x42: {  	_ =	shalt  }
0x43: {  	_ =	shalt  }
0x44: {  	_ =	shalt  }
0x45: {  	_ =	shalt  }
0x46: {  	_ =	shalt  }
0x47: {  	_ =	shalt  }
0x48: {  	_ =	shalt  }
0x49: {  	_ =	shalt  }
0x4a: {  	_ =	shalt  }
0x4b: {  	_ =	shalt  }
0x4c: {  	_ =	shalt  }
0x4d: {  	_ =	shalt  }
0x4e: {  	_ =	shalt  }
0x4f: {  	_ =	shalt  }
0x50: {  	_ =	shalt  }
0x51: {  	_ =	shalt  }
0x52: {  	_ =	shalt  }
0x53: {  	_ =	shalt  }
0x54: {  	_ =	shalt  }
0x55: {  	_ =	shalt  }
0x56: {  	_ =	shalt  }
0x57: {  	_ =	shalt  }
0x58: {  	_ =	shalt  }
0x59: {  	_ =	shalt  }
0x5a: {  	_ =	shalt  }
0x5b: {  	_ =	shalt  }
0x5c: {  	_ =	shalt  }
0x5d: {  	_ =	shalt  }
0x5e: {  	_ =	shalt  }
0x5f: {  	_ =	shalt  }
0x60: {  	_ =	shalt  }
0x61: {  	_ =	shalt  }
0x62: {  	_ =	shalt  }
0x63: {  	_ =	shalt  }
0x64: {  	_ =	shalt  }
0x65: {  	_ =	shalt  }
0x66: {  	_ =	shalt  }
0x67: {  	_ =	shalt  }
0x68: {  	_ =	shalt  }
0x69: {  	_ =	shalt  }
0x6a: {  	_ =	shalt  }
0x6b: {  	_ =	shalt  }
0x6c: {  	_ =	shalt  }
0x6d: {  	_ =	shalt  }
0x6e: {  	_ =	shalt  }
0x6f: {  	_ =	shalt  }
0x70: {  	_ =	shalt  }
0x71: {  	_ =	shalt  }
0x72: {  	_ =	shalt  }
0x73: {  	_ =	shalt  }
0x74: {  	_ =	shalt  }
0x75: {  	_ =	shalt  }
0x76: {  	_ =	shalt  }
0x77: {  	_ =	shalt  }
0x78: {  	_ =	shalt  }
0x79: {  	_ =	shalt  }
0x7a: {  	_ =	shalt  }
0x7b: {  	_ =	shalt  }
0x7c: {  	_ =	shalt  }
0x7d: {  	_ =	shalt  }
0x7e: {  	_ =	shalt  }
0x7f: {  	_ =	shalt  }
0x80: {  	_ =	shalt  }
0x81: {  	_ =	shalt  }
0x82: {  	_ =	shalt  }
0x83: {  	_ =	shalt  }
0x84: {  	_ =	shalt  }
0x85: {  	_ =	shalt  }
0x86: {  	_ =	shalt  }
0x87: {  	_ =	shalt  }
.Lfunc_end0:
.L_simem_size_0:
called_computation_lowered:
.L_overlay_start_0:
0x88: {  	s2 =	sld [smem:$0x3FD9]  }
0x89: {  	s3 =	sld [smem:$0x3FFE];
	_ =	sdelay $0x1  }
0x8a: {  	s1 =	srdreg.scid  }
0x8b: {  	s0 =	sand.u32 $0x1, s1  }
0x8c: {  	s17 =	sshll.u32 s0, $0xA;
	s2 =	sadd.s32 s3, s2  }
0x8d: {  	s2 =	sadd.s32 s2, s17  }
0x8e: {  	[smem:$0x3FC5] =	sst s2  }
0x8f: {  	_ = 	snop  }
0x90: {  	s2 =	sld [smem:$0x3FC8];
	(tm) =	ssettm $0x1  }
0x91: {  	s18 =	sld [smem:$0x3FFB];
	_ =	sdelay $0x3  }
0x92: {  	_ =	strace s18  }
0x93: {  	s3 =	sld [smem:$0x3FFC];
	_ =	sdelay $0x3  }
0x94: {  	_ =	strace s3  }
0x95: {  	s3 =	sld [smem:$0x3FFD];
	_ =	sdelay $0x3  }
0x96: {  	_ =	strace s3  }
0x97: {  	_ =	strace $0x8FFFFFFF  }
0x98: {  	s19 =	sld [smem:$0x3FDB];
	_ =	sdelay $0x1  }
0x99: {  	s4 =	simm.s32 $_scs_section_size  }
0x9a: {  	s5 =	simm.s32 $_size__tile_overlayer_lowered;
	s6 =	simm.s32 $_tile_overlayer_lowered  }
0x9b: {  	s22 =	simm.s32 $0x1BFF;
	s21 =	sshll.u32 s6, $0x1;
	s3 =	sadd.s32 s4, s19  }
0x9c: {  	s7 =	simm.s32 $0x0;
	s20 =	sshll.u32 s5, $0x1;
	s5 =	sadd.s32 s21, s3  }
0x9d: {  	[timem:s7], [sflag:s22] =	dma.local [hbm:s5], s20  }
0x9e: {  	_ =	swait.ge [sflag:s22], s20  }
0x9f: {  	s4 =	ssub.s32 $0x0, s20;
	[sflag:s22] =	ssyncset.done $0x0  }
0xa0: {  	[sflag:s22] =	ssyncadd.s32 s4;
	_ =	sdelay $0x1  }
0xa1: {  	s23 =	simm.s32 $0x1B8B  }
0xa2: {  	_ =	swait.ge [sflag:s23], $0x1  }
0xa3: {  	[sflag:s23] =	ssyncset.done $0x0  }
0xa4: {  	s25 =	simm.s32 $0x1B8E;
	s24 =	sld [smem:$0x3FFE];
	[sflag:s23] =	ssyncadd.s32 $0xFFFFFFFF  }
0xa5: {  	s26 =	simm.s32 $execute0_lowered;
	[smem:$0x3FD2] =	sst s25  }
0xa6: {  	s5 =	sshll.u32 s26, $0x1;
	_ =	strace $0x80000046;
	[dreg:$0x1] =	wrdreg $0xFFFFFFFF  }
0xa7: {  	s28 =	simm.s32 $_size_execute0_lowered;
	s3 =	sadd.s32 s3, s5;
	[dreg:$0x0] =	wrdreg $0x0  }
0xa8: {  	s5 =	sshll.u32 s28, $0x1;
	[dreg:$0x2] =	wrdreg s3  }
0xa9: {  	[dreg:$0x3] =	wrdreg s5  }
0xaa: {  	[dreg:$0x4] =	wrdreg $0xC0  }
0xab: {  	_ =	task [dreg:s7], $0x5FFFF  }
0xac: {  	[dreg:$0x1] =	wrdreg $0xFFFFFFFF  }
0xad: {  	[dreg:$0x0] =	wrdreg $0x60  }
0xae: {  	[dreg:$0x2] =	wrdreg s24  }
0xaf: {  	[dreg:$0x3] =	wrdreg s2  }
0xb0: {  	[dreg:$0x4] =	wrdreg $0x9  }
0xb1: {  	_ =	task.clear_ibuf [dreg:s7], $0x5FFFF;
	_ =	strace $0x90000046  }
0xb2: {  	s29 =	simm.s32 $0x9;
	_ =	strace $0x80000048  }
0xb3: {  	_ =	swait.ge [sflag:s29], $0x1  }
0xb4: {  	[sflag:s29] =	ssyncadd.s32 $0xFFFFFFFF  }
0xb5: {  	_ =	strace $0x90000048  }
0xb6: {  	_ =	sfence  }
0xb7: {  	s30 =	sld [smem:$0x0];
	_ =	sdelay $0x2  }
0xb8: {  	s31 =	sshll.u32 s1, $0xD;
	s1 =	sshrl.u32 s1, $0x2  }
0xb9: {  	s3 =	sand.u32 $0x4000, s31;
	s1 =	sadd.s32 s1, s30  }
0xba: {  	s0 =	sor.u32 s3, s0;
	s1 =	sshll.u32 s1, $0x11  }
0xbb: {  	s0 =	sor.u32 s1, s0  }
0xbc: {  	s0 =	sadd.s32 $0x8F2B, s0  }
0xbd: {  	[sflag:s0] =	ssyncadd.remote.s32 $0x1  }
0xbe: {  	_ =	sfence.sel $0xFFFF  }
0xbf: {  	[dreg:$0x0] =	wrdreg $0xFFFFFFFF;
	(pc) =	sbr.abs _section_cstart, $3  }
0xc0: {  	[dreg:$0x1] =	wrdreg $0xFFFFFFFF  }
0xc1: {  	_ =	task.clear_ibuf [dreg:s7], $0x2FFFF;
	_ =	strace $0x9FFFFFFF  }
0xc2: {  	(tm) =	ssettm $0x7FFFFFFF  }
0xc3: {  	_ =	shalt  }
tec
execute0_lowered:
.L_overlay_start_1:
0x0: {  	(tag) =	ssettag $0x1  }
0x1: {  	s0 =	rddreg [dreg:$0x0]  }
0x2: {  	s2 =	rddreg [dreg:$0x1]  }
0x3: {  	s1 =	srdreg.scid;
	s4 =	stileid.u32;
	s3 =	simm.s32 $0x0  }
0x4: {  	s12 =	simm.s32 $0x5;
	s14 =	simm.s32 $0x80;
	s15 =	simm.s32 $0x400  }
0x5: {  	s16 =	simm.s32 $0x6;
	s1 =	sand.u32 $0x1, s1;
	s4 =	sshll.u32 s4, $0x1  }
0x6: {  	s17 =	simm.s32 $0x1;
	s19 =	simm.s32 $0x2;
	s9 =	sor.u32 s1, s4  }
0x7: {  	[smem:$0x7FF] =	sst s3;
	s5 =	sadd.s32 $0x27AC800, s0;
	s6 =	smul.u32 $0x2080, s9  }
0x8: {  	_ =	strace $0x80000047;
	s1 =	ssub.s32 $0x2, s1;
	s10 =	smul.u32 $0xD00, s9  }
0x9: {  	s4 =	sadd.s32 $0x400, s0;
	s29 =	sshrl.u32 s1, $0x1;
	s6 =	sadd.s32 s2, s6  }
0xa: {  	s0 =	ssub.s32 s1, s29;
	s31 =	sor.u32 $0x60, s10;
	[dreg:$0x3] =	wrdreg s6  }
0xb: {  	s20 =	simm.s32 $0x4;
	s0 =	smax.u32 s0, $0x1;
	[dreg:$0x5] =	wrdreg s31  }
0xc: {  	s9 =	smul.u32 $0x68000, s9;
	s30 =	sadd.s32 $0x50, s6;
	[dreg:$0x6] =	wrdreg s0  }
0xd: {  	v0 =	vlaneseq.u32;
	s1 =	simm.s32 $0x0;
	s8 =	sor.u32 $0x40, s10;
	[dreg:$0x4] =	wrdreg s30  }
.LBB2_1:
0xe: {  	[dreg:$0x7] =	wrdreg s1;
	v1 =	vor.u32 s3, v0  }
0xf: {  	s0 =	rddreg [dreg:$0x3];
	v1 =	vmulhi.u32 $0xCCCCCCCD, v1  }
0x10: {  	[tilespmem:s3], [sflag:$0x5] =	stream.linear.gather [hbm4b:s0+s3], $0x280, $0x38;
	[tilespmem:$0x16A00] =	vst v63  }
0x11: {  	_ =	swait.ge [sflag:s12], $0x280;
	v1 =	vshrl.u32 v1, $0x4  }
0x12: {  	[sflag:s12] =	ssyncset.done $0x0;
	v2 =	vmulhi.u32 $0x9D89D8A, v1  }
0x13: {  	[sflag:s12] =	ssyncadd.s32 $0xFFFFFD80  }
0x14: {  	s0 =	simm.s32 $0x10;
	v3 =	vld [tilespmem:s3+$0x0];
	v2 =	vmul.u32 $0x1A, v2  }
0x15: {  	v4 =	vor.u32 s0, v0  }
0x16: {  	v4 =	vmulhi.u32 $0xCCCCCCCD, v4;
	v1 =	vsub.s32 v1, v2  }
0x17: {  	v2 =	vmul.u32 $0x186A0, v1  }
0x18: {  	v1 =	vshrl.u32 v4, $0x4  }
0x19: {  	s24 =	simm.s32 $0x500;
	v4 =	vmulhi.u32 $0x9D89D8A, v1;
	v2 =	vadd.s32 v2, v3  }
0x1a: {  	[tilespmem:s24+$0x0] =	vst v2  }
0x1b: {  	s31 =	simm.s32 $0x20;
	v3 =	vmul.u32 $0x1A, v4;
	v2 =	vld [tilespmem:s0+$0x0]  }
0x1c: {  	s25 =	simm.s32 $0x30;
	v4 =	vor.u32 s31, v0  }
.LBB2_2:
0x1d: {  	p0 =	sne.s32 s25, $0x270;
	v4 =	vmulhi.u32 $0xCCCCCCCD, v4;
	v1 =	vsub.s32 v1, v3  }
0x1e: {  	v3 =	vmul.u32 $0x186A0, v1  }
.Ltmp0:
0x1f: {  	v1 =	vshrl.u32 v4, $0x4;
	(pc) =	sbr.rel @p0 .LBB2_2-.Ltmp0, $4  }
0x20: {  	s24 =	sadd.s32 $0x10, s24;
	v4 =	vmulhi.u32 $0x9D89D8A, v1;
	v2 =	vadd.s32 v3, v2  }
0x21: {  	s0 =	sadd.s32 $0x10, s0;
	[tilespmem:s24+$0x0] =	vst v2  }
0x22: {  	v3 =	vmul.u32 $0x1A, v4;
	v2 =	vld [tilespmem:s0+$0x0]  }
0x23: {  	v4 =	vor.u32 s25, v0;
	s25 =	sadd.s32 $0x10, s25  }
0x24: {  	v4 =	vmulhi.u32 $0xCCCCCCCD, v4;
	v1 =	vsub.s32 v1, v3  }
0x25: {  	v1 =	vmul.u32 $0x186A0, v1  }
0x26: {  	v3 =	vshrl.u32 v4, $0x4  }
0x27: {  	s1 =	sadd.s32 $0x10, s24;
	v4 =	vmulhi.u32 $0x9D89D8A, v3;
	v1 =	vadd.s32 v1, v2  }
0x28: {  	s0 =	sadd.s32 $0x10, s0;
	[tilespmem:s1+$0x0] =	vst v1  }
0x29: {  	v1 =	vmul.u32 $0x1A, v4;
	v2 =	vld [tilespmem:s0+$0x0];
	_ =	sdelay $0x1  }
0x2a: {  	v1 =	vsub.s32 v3, v1  }
0x2b: {  	v1 =	vmul.u32 $0x186A0, v1;
	_ =	sdelay $0x1  }
0x2c: {  	s24 =	simm.s32 $0x0;
	s25 =	sadd.s32 $0x10, s1;
	v1 =	vadd.s32 v1, v2  }
0x2d: {  	s26 =	rddreg [dreg:$0x4];
	s28 =	simm.s32 $0x280;
	[tilespmem:s25+$0x0] =	vst v1;
	s25 =	simm.s32 $0x500  }
0x2e: {  	[tilespmem:s28], [sflag:$0x6] =	stream.linear.gather [hbm4b:s26+s24], $0x280, $0x38;
	[tilespmem:$0x16A00] =	vst v63  }
0x2f: {  	v1 =	vld [tilespmem:s25+$0x0];
	_ =	sdelay $0x4  }
0x30: {  	v1 =	vshll.u32 v1, $0x4  }
0x31: {  	(v2sf) =	vpush v1, $0x0;
	_ =	sdelay $0x1  }
0x32: {  	(v2sf) =	vpush v1, $0x1;
	_ =	sdelay $0x3  }
0x33: {  	(v2sf) =	vpush v1, $0x2;
	_ =	sdelay $0x3  }
0x34: {  	(v2sf) =	vpush v1, $0x3;
	_ =	sdelay $0x3  }
0x35: {  	(v2sf) =	vpush v1, $0x4  }
0x36: {  	s29 =	spop (v2sf)  }
0x37: {  	s0 =	sand.u32 $0x1FFFFFF0, s29  }
0x38: {  	s26 =	simm.s32 $0xA00;
	s30 =	spop (v2sf);
	s0 =	sadd.s32 s4, s0  }
0x39: {  	(v2sf) =	vpush v1, $0x5;
	[tilespmem:s26], [sflag:$0x1] =	stream.strided.gather [hbm4b:s0+s14], $0x0, s15, s14, $0x38;
	[tilespmem:$0x16A00] =	vst v63  }
0x3a: {  	s1 =	sand.u32 $0x1FFFFFF0, s30  }
0x3b: {  	[tilespmem:s26], [sflag:$0x1] =	stream.linear.gather [hbm4b:s0+s24], $0x40, $0x38;
	[tilespmem:$0x16A00] =	vst v63  }
0x3c: {  	s31 =	simm.s32 $0xA40;
	s6 =	spop (v2sf);
	s1 =	sadd.s32 s4, s1  }
0x3d: {  	(v2sf) =	vpush v1, $0x6;
	[tilespmem:s31], [sflag:$0x1] =	stream.strided.gather [hbm4b:s1+s14], $0x0, s15, s14, $0x38;
	[tilespmem:$0x16A00] =	vst v63  }
0x3e: {  	s26 =	sand.u32 $0x1FFFFFF0, s6  }
0x3f: {  	[tilespmem:s31], [sflag:$0x1] =	stream.linear.gather [hbm4b:s1+s24], $0x40, $0x38;
	[tilespmem:$0x16A00] =	vst v63  }
0x40: {  	s10 =	simm.s32 $0xA80;
	s7 =	spop (v2sf);
	s26 =	sadd.s32 s4, s26  }
0x41: {  	(v2sf) =	vpush v1, $0x7;
	[tilespmem:s10], [sflag:$0x1] =	stream.strided.gather [hbm4b:s26+s14], $0x0, s15, s14, $0x38;
	[tilespmem:$0x16A00] =	vst v63  }
0x42: {  	s0 =	sand.u32 $0x1FFFFFF0, s7  }
0x43: {  	[tilespmem:s10], [sflag:$0x1] =	stream.linear.gather [hbm4b:s26+s24], $0x40, $0x38;
	[tilespmem:$0x16A00] =	vst v63  }
0x44: {  	s13 =	simm.s32 $0xAC0;
	s11 =	spop (v2sf);
	s0 =	sadd.s32 s4, s0  }
0x45: {  	(v2sf) =	vpush v1, $0x8;
	[tilespmem:s13], [sflag:$0x1] =	stream.strided.gather [hbm4b:s0+s14], $0x0, s15, s14, $0x38;
	[tilespmem:$0x16A00] =	vst v63  }
0x46: {  	s1 =	sand.u32 $0x1FFFFFF0, s11  }
0x47: {  	[tilespmem:s13], [sflag:$0x1] =	stream.linear.gather [hbm4b:s0+s24], $0x40, $0x38;
	[tilespmem:$0x16A00] =	vst v63  }
0x48: {  	s21 =	simm.s32 $0xB00;
	s1 =	sadd.s32 s4, s1;
	s18 =	spop (v2sf)  }
0x49: {  	(v2sf) =	vpush v1, $0x9;
	[tilespmem:s21], [sflag:$0x1] =	stream.strided.gather [hbm4b:s1+s14], $0x0, s15, s14, $0x38;
	[tilespmem:$0x16A00] =	vst v63  }
0x4a: {  	s0 =	sand.u32 $0x1FFFFFF0, s18  }
0x4b: {  	[tilespmem:s21], [sflag:$0x1] =	stream.linear.gather [hbm4b:s1+s24], $0x40, $0x38;
	[tilespmem:$0x16A00] =	vst v63  }
0x4c: {  	s23 =	simm.s32 $0xB40;
	s22 =	spop (v2sf);
	s0 =	sadd.s32 s4, s0  }
0x4d: {  	(v2sf) =	vpush v1, $0xA;
	[tilespmem:s23], [sflag:$0x1] =	stream.strided.gather [hbm4b:s0+s14], $0x0, s15, s14, $0x38;
	[tilespmem:$0x16A00] =	vst v63  }
0x4e: {  	s1 =	sand.u32 $0x1FFFFFF0, s22  }
0x4f: {  	[tilespmem:s23], [sflag:$0x1] =	stream.linear.gather [hbm4b:s0+s24], $0x40, $0x38;
	[tilespmem:$0x16A00] =	vst v63  }
0x50: {  	s28 =	simm.s32 $0xB80;
	s26 =	spop (v2sf);
	s1 =	sadd.s32 s4, s1  }
0x51: {  	(v2sf) =	vpush v1, $0xB;
	[tilespmem:s28], [sflag:$0x1] =	stream.strided.gather [hbm4b:s1+s14], $0x0, s15, s14, $0x38;
	[tilespmem:$0x16A00] =	vst v63  }
0x52: {  	s0 =	sand.u32 $0x1FFFFFF0, s26  }
0x53: {  	[tilespmem:s28], [sflag:$0x1] =	stream.linear.gather [hbm4b:s1+s24], $0x40, $0x38;
	[tilespmem:$0x16A00] =	vst v63  }
0x54: {  	s30 =	simm.s32 $0xBC0;
	s29 =	spop (v2sf);
	s0 =	sadd.s32 s4, s0  }
0x55: {  	(v2sf) =	vpush v1, $0xC;
	[tilespmem:s30], [sflag:$0x1] =	stream.strided.gather [hbm4b:s0+s14], $0x0, s15, s14, $0x38;
	[tilespmem:$0x16A00] =	vst v63  }
0x56: {  	s1 =	sand.u32 $0x1FFFFFF0, s29  }
0x57: {  	[tilespmem:s30], [sflag:$0x1] =	stream.linear.gather [hbm4b:s0+s24], $0x40, $0x38;
	[tilespmem:$0x16A00] =	vst v63  }
0x58: {  	s6 =	simm.s32 $0xC00;
	s31 =	spop (v2sf);
	s1 =	sadd.s32 s4, s1  }
0x59: {  	(v2sf) =	vpush v1, $0xD;
	[tilespmem:s6], [sflag:$0x1] =	stream.strided.gather [hbm4b:s1+s14], $0x0, s15, s14, $0x38;
	[tilespmem:$0x16A00] =	vst v63  }
0x5a: {  	s0 =	sand.u32 $0x1FFFFFF0, s31  }
0x5b: {  	[tilespmem:s6], [sflag:$0x1] =	stream.linear.gather [hbm4b:s1+s24], $0x40, $0x38;
	[tilespmem:$0x16A00] =	vst v63  }
0x5c: {  	s10 =	simm.s32 $0xC40;
	s7 =	spop (v2sf);
	s0 =	sadd.s32 s4, s0  }
0x5d: {  	(v2sf) =	vpush v1, $0xE;
	[tilespmem:s10], [sflag:$0x1] =	stream.strided.gather [hbm4b:s0+s14], $0x0, s15, s14, $0x38;
	[tilespmem:$0x16A00] =	vst v63  }
0x5e: {  	s1 =	sand.u32 $0x1FFFFFF0, s7  }
0x5f: {  	[tilespmem:s10], [sflag:$0x1] =	stream.linear.gather [hbm4b:s0+s24], $0x40, $0x38;
	[tilespmem:$0x16A00] =	vst v63  }
0x60: {  	s13 =	simm.s32 $0xC80;
	s11 =	spop (v2sf);
	s1 =	sadd.s32 s4, s1  }
0x61: {  	(v2sf) =	vpush v1, $0xF;
	[tilespmem:s13], [sflag:$0x1] =	stream.strided.gather [hbm4b:s1+s14], $0x0, s15, s14, $0x38;
	[tilespmem:$0x16A00] =	vst v63  }
0x62: {  	s0 =	sand.u32 $0x1FFFFFF0, s11  }
0x63: {  	[tilespmem:s13], [sflag:$0x1] =	stream.linear.gather [hbm4b:s1+s24], $0x40, $0x38;
	[tilespmem:$0x16A00] =	vst v63  }
0x64: {  	s21 =	simm.s32 $0xCC0;
	s18 =	spop (v2sf);
	s0 =	sadd.s32 s4, s0  }
0x65: {  	[tilespmem:s21], [sflag:$0x1] =	stream.strided.gather [hbm4b:s0+s14], $0x0, s15, s14, $0x38;
	[tilespmem:$0x16A00] =	vst v63  }
0x66: {  	s1 =	sand.u32 $0x1FFFFFF0, s18  }
0x67: {  	[tilespmem:s21], [sflag:$0x1] =	stream.linear.gather [hbm4b:s0+s24], $0x40, $0x38;
	[tilespmem:$0x16A00] =	vst v63  }
0x68: {  	s23 =	simm.s32 $0xD00;
	s22 =	spop (v2sf);
	s1 =	sadd.s32 s4, s1  }
0x69: {  	[tilespmem:s23], [sflag:$0x1] =	stream.strided.gather [hbm4b:s1+s14], $0x0, s15, s14, $0x38;
	[tilespmem:$0x16A00] =	vst v63  }
0x6a: {  	s0 =	sand.u32 $0x1FFFFFF0, s22  }
0x6b: {  	[tilespmem:s23], [sflag:$0x1] =	stream.linear.gather [hbm4b:s1+s24], $0x40, $0x38;
	[tilespmem:$0x16A00] =	vst v63  }
0x6c: {  	s29 =	simm.s32 $0xD40;
	s28 =	spop (v2sf);
	s0 =	sadd.s32 s4, s0  }
0x6d: {  	[tilespmem:s29], [sflag:$0x1] =	stream.strided.gather [hbm4b:s0+s14], $0x0, s15, s14, $0x38;
	[tilespmem:$0x16A00] =	vst v63  }
0x6e: {  	s1 =	sand.u32 $0x1FFFFFF0, s28  }
0x6f: {  	[tilespmem:s29], [sflag:$0x1] =	stream.linear.gather [hbm4b:s0+s24], $0x40, $0x38;
	[tilespmem:$0x16A00] =	vst v63  }
0x70: {  	s31 =	simm.s32 $0xD80;
	s30 =	spop (v2sf);
	s1 =	sadd.s32 s4, s1  }
0x71: {  	[tilespmem:s31], [sflag:$0x1] =	stream.strided.gather [hbm4b:s1+s14], $0x0, s15, s14, $0x38;
	[tilespmem:$0x16A00] =	vst v63  }
0x72: {  	s28 =	sand.u32 $0x1FFFFFF0, s30  }
0x73: {  	[tilespmem:s31], [sflag:$0x1] =	stream.linear.gather [hbm4b:s1+s24], $0x40, $0x38;
	[tilespmem:$0x16A00] =	vst v63  }
0x74: {  	s26 =	simm.s32 $0x1000;
	s0 =	simm.s32 $0xDC0;
	s1 =	sadd.s32 s4, s28  }
0x75: {  	[tilespmem:s0], [sflag:$0x1] =	stream.strided.gather [hbm4b:s1+s14], $0x0, s15, s14, $0x38;
	[tilespmem:$0x16A00] =	vst v63  }
.LBB2_4:
0x76: {  	p0 =	sne.s32 s26, $0x27000  }
0x77: {  	s25 =	sadd.s32 $0x10, s25;
	s28 =	smov.u32 s26;
	s26 =	sadd.s32 $0x1000, s26  }
0x78: {  	[tilespmem:s0], [sflag:$0x1] =	stream.linear.gather [hbm4b:s1+s24], $0x40, $0x38;
	[tilespmem:$0x16A00] =	vst v63  }
0x79: {  	v1 =	vld [tilespmem:s25+$0x0];
	_ =	sdelay $0x4  }
0x7a: {  	v1 =	vshll.u32 v1, $0x4  }
0x7b: {  	(v2sf) =	vpush v1, $0x0  }
0x7c: {  	(v2sf) =	vpush v1, $0x1  }
0x7d: {  	(v2sf) =	vpush v1, $0x2;
	_ =	sdelay $0x2  }
0x7e: {  	(v2sf) =	vpush v1, $0x3;
	_ =	sdelay $0x1  }
0x7f: {  	(v2sf) =	vpush v1, $0x4;
	_ =	sdelay $0x1  }
0x80: {  	(v2sf) =	vpush v1, $0x5;
	_ =	sdelay $0x1  }
0x81: {  	(v2sf) =	vpush v1, $0x6;
	_ =	sdelay $0x1  }
0x82: {  	(v2sf) =	vpush v1, $0x7;
	_ =	sdelay $0x1  }
0x83: {  	s0 =	spop (v2sf);
	(v2sf) =	vpush v1, $0x8  }
0x84: {  	s28 =	sshra.s32 s28, $0x2;
	s0 =	sand.u32 $0x1FFFFFF0, s0;
	s1 =	spop (v2sf)  }
0x85: {  	s29 =	sadd.s32 $0xA40, s28;
	s0 =	sadd.s32 s4, s0;
	s30 =	spop (v2sf);
	(v2sf) =	vpush v1, $0x9  }
0x86: {  	s31 =	sadd.s32 $0xA00, s28;
	s1 =	sand.u32 $0x1FFFFFF0, s1;
	s30 =	sand.u32 $0x1FFFFFF0, s30  }
0x87: {  	[tilespmem:s31], [sflag:$0x1] =	stream.strided.gather [hbm4b:s0+s14], $0x0, s15, s14, $0x38;
	(v2sf) =	vpush v1, $0xA;
	[tilespmem:$0x16A00] =	vst v63  }
0x88: {  	s7 =	spop (v2sf)  }
0x89: {  	[tilespmem:s31], [sflag:$0x1] =	stream.linear.gather [hbm4b:s0+s24], $0x40, $0x38;
	(v2sf) =	vpush v1, $0xB;
	[tilespmem:$0x16A00] =	vst v63  }
0x8a: {  	s0 =	sadd.s32 s4, s1;
	s1 =	sand.u32 $0x1FFFFFF0, s7;
	s7 =	spop (v2sf)  }
0x8b: {  	[tilespmem:s29], [sflag:$0x1] =	stream.strided.gather [hbm4b:s0+s14], $0x0, s15, s14, $0x38;
	(v2sf) =	vpush v1, $0xC;
	[tilespmem:$0x16A00] =	vst v63  }
0x8c: {  	s31 =	sadd.s32 $0xA80, s28;
	s7 =	sand.u32 $0x1FFFFFF0, s7;
	s11 =	spop (v2sf)  }
0x8d: {  	[tilespmem:s29], [sflag:$0x1] =	stream.linear.gather [hbm4b:s0+s24], $0x40, $0x38;
	[tilespmem:$0x16A00] =	vst v63  }
0x8e: {  	s0 =	sadd.s32 s4, s30;
	s11 =	sand.u32 $0x1FFFFFF0, s11;
	s29 =	spop (v2sf)  }
0x8f: {  	[tilespmem:s31], [sflag:$0x1] =	stream.strided.gather [hbm4b:s0+s14], $0x0, s15, s14, $0x38;
	(v2sf) =	vpush v1, $0xD;
	[tilespmem:$0x16A00] =	vst v63  }
0x90: {  	s30 =	sadd.s32 $0xAC0, s28;
	s29 =	sand.u32 $0x1FFFFFF0, s29;
	s6 =	spop (v2sf)  }
0x91: {  	[tilespmem:s31], [sflag:$0x1] =	stream.linear.gather [hbm4b:s0+s24], $0x40, $0x38;
	[tilespmem:$0x16A00] =	vst v63  }
0x92: {  	s0 =	sadd.s32 s4, s1;
	s1 =	sand.u32 $0x1FFFFFF0, s6;
	s6 =	spop (v2sf)  }
0x93: {  	[tilespmem:s30], [sflag:$0x1] =	stream.strided.gather [hbm4b:s0+s14], $0x0, s15, s14, $0x38;
	(v2sf) =	vpush v1, $0xE;
	[tilespmem:$0x16A00] =	vst v63  }
0x94: {  	s31 =	sadd.s32 $0xB00, s28;
	s6 =	sand.u32 $0x1FFFFFF0, s6;
	s22 =	spop (v2sf)  }
0x95: {  	[tilespmem:s30], [sflag:$0x1] =	stream.linear.gather [hbm4b:s0+s24], $0x40, $0x38;
	[tilespmem:$0x16A00] =	vst v63  }
0x96: {  	s0 =	sadd.s32 s4, s7;
	s7 =	sand.u32 $0x1FFFFFF0, s22;
	s22 =	spop (v2sf)  }
0x97: {  	[tilespmem:s31], [sflag:$0x1] =	stream.strided.gather [hbm4b:s0+s14], $0x0, s15, s14, $0x38;
	(v2sf) =	vpush v1, $0xF;
	[tilespmem:$0x16A00] =	vst v63  }
0x98: {  	s30 =	sadd.s32 $0xB40, s28;
	s22 =	sand.u32 $0x1FFFFFF0, s22;
	s23 =	spop (v2sf)  }
0x99: {  	[tilespmem:s31], [sflag:$0x1] =	stream.linear.gather [hbm4b:s0+s24], $0x40, $0x38;
	[tilespmem:$0x16A00] =	vst v63  }
0x9a: {  	s0 =	sadd.s32 s4, s11;
	s11 =	sand.u32 $0x1FFFFFF0, s23;
	s23 =	spop (v2sf)  }
0x9b: {  	[tilespmem:s30], [sflag:$0x1] =	stream.strided.gather [hbm4b:s0+s14], $0x0, s15, s14, $0x38;
	[tilespmem:$0x16A00] =	vst v63  }
0x9c: {  	s29 =	sadd.s32 s4, s29;
	s31 =	sadd.s32 $0xB80, s28;
	s23 =	sand.u32 $0x1FFFFFF0, s23  }
0x9d: {  	[tilespmem:s30], [sflag:$0x1] =	stream.linear.gather [hbm4b:s0+s24], $0x40, $0x38;
	[tilespmem:$0x16A00] =	vst v63  }
0x9e: {  	s0 =	spop (v2sf)  }
0x9f: {  	[tilespmem:s31], [sflag:$0x1] =	stream.strided.gather [hbm4b:s29+s14], $0x0, s15, s14, $0x38;
	[tilespmem:$0x16A00] =	vst v63  }
0xa0: {  	s1 =	sadd.s32 s4, s1;
	s30 =	sadd.s32 $0xBC0, s28;
	s0 =	sand.u32 $0x1FFFFFF0, s0  }
0xa1: {  	[tilespmem:s31], [sflag:$0x1] =	stream.linear.gather [hbm4b:s29+s24], $0x40, $0x38;
	[tilespmem:$0x16A00] =	vst v63  }
0xa2: {  	s29 =	spop (v2sf)  }
0xa3: {  	[tilespmem:s30], [sflag:$0x1] =	stream.strided.gather [hbm4b:s1+s14], $0x0, s15, s14, $0x38;
	[tilespmem:$0x16A00] =	vst v63  }
0xa4: {  	s6 =	sadd.s32 s4, s6;
	s31 =	sadd.s32 $0xC00, s28;
	s29 =	sand.u32 $0x1FFFFFF0, s29  }
0xa5: {  	[tilespmem:s30], [sflag:$0x1] =	stream.linear.gather [hbm4b:s1+s24], $0x40, $0x38;
	[tilespmem:$0x16A00] =	vst v63  }
0xa6: {  	s1 =	spop (v2sf)  }
0xa7: {  	[tilespmem:s31], [sflag:$0x1] =	stream.strided.gather [hbm4b:s6+s14], $0x0, s15, s14, $0x38;
	[tilespmem:$0x16A00] =	vst v63  }
0xa8: {  	s7 =	sadd.s32 s4, s7;
	s30 =	sadd.s32 $0xC40, s28;
	s1 =	sand.u32 $0x1FFFFFF0, s1  }
0xa9: {  	[tilespmem:s31], [sflag:$0x1] =	stream.linear.gather [hbm4b:s6+s24], $0x40, $0x38;
	[tilespmem:$0x16A00] =	vst v63  }
0xaa: {  	_ = 	snop  }
0xab: {  	[tilespmem:s30], [sflag:$0x1] =	stream.strided.gather [hbm4b:s7+s14], $0x0, s15, s14, $0x38;
	[tilespmem:$0x16A00] =	vst v63  }
0xac: {  	s22 =	sadd.s32 s4, s22;
	s6 =	sadd.s32 $0xC80, s28  }
0xad: {  	[tilespmem:s30], [sflag:$0x1] =	stream.linear.gather [hbm4b:s7+s24], $0x40, $0x38;
	[tilespmem:$0x16A00] =	vst v63  }
0xae: {  	_ = 	snop  }
0xaf: {  	[tilespmem:s6], [sflag:$0x1] =	stream.strided.gather [hbm4b:s22+s14], $0x0, s15, s14, $0x38;
	[tilespmem:$0x16A00] =	vst v63  }
0xb0: {  	s11 =	sadd.s32 s4, s11;
	s7 =	sadd.s32 $0xCC0, s28  }
0xb1: {  	[tilespmem:s6], [sflag:$0x1] =	stream.linear.gather [hbm4b:s22+s24], $0x40, $0x38;
	[tilespmem:$0x16A00] =	vst v63  }
0xb2: {  	_ = 	snop  }
0xb3: {  	[tilespmem:s7], [sflag:$0x1] =	stream.strided.gather [hbm4b:s11+s14], $0x0, s15, s14, $0x38;
	[tilespmem:$0x16A00] =	vst v63  }
0xb4: {  	s6 =	sadd.s32 $0xD00, s28;
	s22 =	sadd.s32 s4, s23  }
0xb5: {  	[tilespmem:s7], [sflag:$0x1] =	stream.linear.gather [hbm4b:s11+s24], $0x40, $0x38;
	[tilespmem:$0x16A00] =	vst v63  }
0xb6: {  	_ = 	snop  }
0xb7: {  	[tilespmem:s6], [sflag:$0x1] =	stream.strided.gather [hbm4b:s22+s14], $0x0, s15, s14, $0x38;
	[tilespmem:$0x16A00] =	vst v63  }
0xb8: {  	s0 =	sadd.s32 s4, s0;
	s7 =	sadd.s32 $0xD40, s28  }
0xb9: {  	[tilespmem:s6], [sflag:$0x1] =	stream.linear.gather [hbm4b:s22+s24], $0x40, $0x38;
	[tilespmem:$0x16A00] =	vst v63  }
0xba: {  	_ = 	snop  }
0xbb: {  	[tilespmem:s7], [sflag:$0x1] =	stream.strided.gather [hbm4b:s0+s14], $0x0, s15, s14, $0x38;
	[tilespmem:$0x16A00] =	vst v63  }
0xbc: {  	s11 =	sadd.s32 s4, s29;
	s6 =	sadd.s32 $0xD80, s28  }
0xbd: {  	[tilespmem:s7], [sflag:$0x1] =	stream.linear.gather [hbm4b:s0+s24], $0x40, $0x38;
	[tilespmem:$0x16A00] =	vst v63  }
0xbe: {  	_ = 	snop  }
0xbf: {  	[tilespmem:s6], [sflag:$0x1] =	stream.strided.gather [hbm4b:s11+s14], $0x0, s15, s14, $0x38;
	[tilespmem:$0x16A00] =	vst v63  }
.Ltmp1:
0xc0: {  	_ = 	snop;
	(pc) =	sbr.rel @p0 .LBB2_4-.Ltmp1, $4  }
0xc1: {  	s1 =	sadd.s32 s4, s1;
	s0 =	sadd.s32 $0xDC0, s28  }
0xc2: {  	[tilespmem:s6], [sflag:$0x1] =	stream.linear.gather [hbm4b:s11+s24], $0x40, $0x38;
	[tilespmem:$0x16A00] =	vst v63  }
0xc3: {  	_ = 	snop  }
0xc4: {  	[tilespmem:s0], [sflag:$0x1] =	stream.strided.gather [hbm4b:s1+s14], $0x0, s15, s14, $0x38;
	[tilespmem:$0x16A00] =	vst v63  }
0xc5: {  	[tilespmem:s0], [sflag:$0x1] =	stream.linear.gather [hbm4b:s1+s24], $0x40, $0x38;
	[tilespmem:$0x16A00] =	vst v63  }
.LBB2_6:
0xc6: {  	s25 =	sshll.u32 s24, $0x6  }
0xc7: {  	s0 =	sor.u32 $0x20, s25  }
0xc8: {  	s1 =	sand.u32 $0xFFE0, s0  }
0xc9: {  	s1 =	smul.u32 $0x4EC5, s1;
	_ =	sdelay $0x1  }
0xca: {  	s1 =	sshrl.u32 s1, $0x13  }
0xcb: {  	s6 =	simm.s32 $0x0;
	s1 =	smul.u32 $0x1A, s1  }
0xcc: {  	v1 =	vor.u32 s6, v0  }
0xcd: {  	v2 =	vmulhi.u32 $0xCCCCCCCD, v1;
	s0 =	ssub.s32 s0, s1  }
0xce: {  	s0 =	sand.u32 $0xFFFE, s0  }
0xcf: {  	v2 =	vshrl.u32 v2, $0x4;
	v1 =	vmov s0  }
0xd0: {  	_ =	swait.ge [sflag:s16], $0x280;
	v2 =	vadd.s32 v1, v2  }
0xd1: {  	[sflag:s16] =	ssyncset.done $0x0;
	v3 =	vmulhi.u32 $0x9D89D8A, v2  }
0xd2: {  	s29 =	simm.s32 $0x280;
	s30 =	simm.s32 $0x10;
	[sflag:s16] =	ssyncadd.s32 $0xFFFFFD80  }
0xd3: {  	v4 =	vor.u32 s30, v0;
	v5 =	vld [tilespmem:s29+$0x0];
	v3 =	vmul.u32 $0x1A, v3  }
0xd4: {  	v4 =	vmulhi.u32 $0xCCCCCCCD, v4  }
0xd5: {  	v2 =	vsub.s32 v2, v3  }
0xd6: {  	v3 =	vshrl.u32 v4, $0x4;
	v4 =	vmul.u32 $0x186A0, v2  }
0xd7: {  	v2 =	vadd.s32 v1, v3  }
0xd8: {  	s0 =	simm.s32 $0x780;
	v3 =	vmulhi.u32 $0x9D89D8A, v2;
	v4 =	vadd.s32 v4, v5  }
0xd9: {  	s31 =	simm.s32 $0x20;
	s26 =	simm.s32 $0x290;
	[tilespmem:s0+$0x0] =	vst v4  }
0xda: {  	s28 =	simm.s32 $0x30;
	v4 =	vor.u32 s31, v0;
	v5 =	vmul.u32 $0x1A, v3;
	v3 =	vld [tilespmem:s26+$0x0]  }
.LBB2_7:
0xdb: {  	p0 =	sne.s32 s28, $0x270;
	v4 =	vmulhi.u32 $0xCCCCCCCD, v4  }
0xdc: {  	v2 =	vsub.s32 v2, v5  }
.Ltmp2:
0xdd: {  	v4 =	vshrl.u32 v4, $0x4;
	v5 =	vmul.u32 $0x186A0, v2;
	(pc) =	sbr.rel @p0 .LBB2_7-.Ltmp2, $4  }
0xde: {  	v2 =	vadd.s32 v1, v4  }
0xdf: {  	s0 =	sadd.s32 $0x10, s0;
	v6 =	vmulhi.u32 $0x9D89D8A, v2;
	v3 =	vadd.s32 v5, v3  }
0xe0: {  	s26 =	sadd.s32 $0x10, s26;
	[tilespmem:s0+$0x0] =	vst v3  }
0xe1: {  	v4 =	vor.u32 s28, v0;
	s28 =	sadd.s32 $0x10, s28;
	v5 =	vmul.u32 $0x1A, v6;
	v3 =	vld [tilespmem:s26+$0x0]  }
0xe2: {  	v4 =	vmulhi.u32 $0xCCCCCCCD, v4  }
0xe3: {  	v2 =	vsub.s32 v2, v5  }
0xe4: {  	v4 =	vshrl.u32 v4, $0x4;
	v2 =	vmul.u32 $0x186A0, v2  }
0xe5: {  	v1 =	vadd.s32 v1, v4  }
0xe6: {  	s0 =	sadd.s32 $0x10, s0;
	v4 =	vmulhi.u32 $0x9D89D8A, v1;
	v2 =	vadd.s32 v2, v3  }
0xe7: {  	s1 =	sadd.s32 $0x10, s26;
	[tilespmem:s0+$0x0] =	vst v2  }
0xe8: {  	v2 =	vmul.u32 $0x1A, v4;
	v3 =	vld [tilespmem:s1+$0x0]  }
0xe9: {  	p0 =	seq.s32 s24, $0x33  }
0xea: {  	s1 =	sadd.s32 @!p0 s25, s8;
	v1 =	vsub.s32 v1, v2  }
0xeb: {  	s1 =	smul.u32 @!p0 $0x14, s1;
	v1 =	vmul.u32 $0x186A0, v1;
	_ =	sdelay $0x1  }
0xec: {  	s0 =	sadd.s32 $0x10, s0;
	s1 =	sshrl.u32 @!p0 s1, $0x3;
	v1 =	vadd.s32 v1, v3  }
0xed: {  	[tilespmem:s0+$0x0] =	vst v1;
	s0 =	sadd.s32 @!p0 s2, s1;
	s1 =	simm.s32 @!p0 $0x0  }
0xee: {  	[tilespmem:s1], [sflag:$0x5] =	stream.linear.gather @!p0 [hbm4b:s0+s1], $0x280, $0x38;
	[tilespmem:$0x16A00] =	vst v63  }
0xef: {  	_ =	swait.ge [sflag:s17], $0xA000  }
0xf0: {  	p0 =	seq.s32 s24, $0x0;
	[sflag:s17] =	ssyncset.done $0x0  }
0xf1: {  	s0 =	simm.s32 @!p0 $0x3;
	[sflag:s17] =	ssyncadd.s32 $0xFFFF6000  }
0xf2: {  	_ =	swait.ge @!p0 [sflag:s0], $0x1000  }
0xf3: {  	[sflag:s0] =	ssyncset.done @!p0 $0x0  }
0xf4: {  	s29 =	simm.s32 $0x780;
	[sflag:s0] =	ssyncadd.s32 @!p0 $0xFFFFF000  }
0xf5: {  	v1 =	vld [tilespmem:s29+$0x0];
	_ =	sdelay $0x4  }
0xf6: {  	v1 =	vshll.u32 v1, $0x4  }
0xf7: {  	(v2sf) =	vpush v1, $0x0;
	_ =	sdelay $0x1  }
0xf8: {  	(v2sf) =	vpush v1, $0x1;
	_ =	sdelay $0x3  }
0xf9: {  	(v2sf) =	vpush v1, $0x2;
	_ =	sdelay $0x3  }
0xfa: {  	(v2sf) =	vpush v1, $0x3;
	_ =	sdelay $0x3  }
0xfb: {  	(v2sf) =	vpush v1, $0x4  }
0xfc: {  	s6 =	spop (v2sf)  }
0xfd: {  	s0 =	sand.u32 $0x1FFFFFF0, s6  }
0xfe: {  	s7 =	spop (v2sf);
	s6 =	simm.s32 $0xAA00;
	s0 =	sadd.s32 s4, s0  }
0xff: {  	(v2sf) =	vpush v1, $0x5;
	[tilespmem:s6], [sflag:$0x2] =	stream.strided.gather [hbm4b:s0+s14], $0x0, s15, s14, $0x38;
	[tilespmem:$0x16A00] =	vst v63  }
0x100: {  	s30 =	simm.s32 $0x0;
	s1 =	sand.u32 $0x1FFFFFF0, s7  }
0x101: {  	[tilespmem:s6], [sflag:$0x2] =	stream.linear.gather [hbm4b:s0+s30], $0x40, $0x38;
	[tilespmem:$0x16A00] =	vst v63  }
0x102: {  	s10 =	simm.s32 $0xAA40;
	s11 =	spop (v2sf);
	s1 =	sadd.s32 s4, s1  }
0x103: {  	(v2sf) =	vpush v1, $0x6;
	[tilespmem:s10], [sflag:$0x2] =	stream.strided.gather [hbm4b:s1+s14], $0x0, s15, s14, $0x38;
	[tilespmem:$0x16A00] =	vst v63  }
0x104: {  	s6 =	sand.u32 $0x1FFFFFF0, s11  }
0x105: {  	[tilespmem:s10], [sflag:$0x2] =	stream.linear.gather [hbm4b:s1+s30], $0x40, $0x38;
	[tilespmem:$0x16A00] =	vst v63  }
0x106: {  	s18 =	simm.s32 $0xAA80;
	s13 =	spop (v2sf);
	s6 =	sadd.s32 s4, s6  }
0x107: {  	(v2sf) =	vpush v1, $0x7;
	[tilespmem:s18], [sflag:$0x2] =	stream.strided.gather [hbm4b:s6+s14], $0x0, s15, s14, $0x38;
	[tilespmem:$0x16A00] =	vst v63  }
0x108: {  	s0 =	sand.u32 $0x1FFFFFF0, s13  }
0x109: {  	[tilespmem:s18], [sflag:$0x2] =	stream.linear.gather [hbm4b:s6+s30], $0x40, $0x38;
	[tilespmem:$0x16A00] =	vst v63  }
0x10a: {  	s22 =	simm.s32 $0xAAC0;
	s21 =	spop (v2sf);
	s0 =	sadd.s32 s4, s0  }
0x10b: {  	(v2sf) =	vpush v1, $0x8;
	[tilespmem:s22], [sflag:$0x2] =	stream.strided.gather [hbm4b:s0+s14], $0x0, s15, s14, $0x38;
	[tilespmem:$0x16A00] =	vst v63  }
0x10c: {  	s1 =	sand.u32 $0x1FFFFFF0, s21  }
0x10d: {  	[tilespmem:s22], [sflag:$0x2] =	stream.linear.gather [hbm4b:s0+s30], $0x40, $0x38;
	[tilespmem:$0x16A00] =	vst v63  }
0x10e: {  	s26 =	simm.s32 $0xAB00;
	s1 =	sadd.s32 s4, s1;
	s23 =	spop (v2sf)  }
0x10f: {  	(v2sf) =	vpush v1, $0x9;
	[tilespmem:s26], [sflag:$0x2] =	stream.strided.gather [hbm4b:s1+s14], $0x0, s15, s14, $0x38;
	[tilespmem:$0x16A00] =	vst v63  }
0x110: {  	s0 =	sand.u32 $0x1FFFFFF0, s23  }
0x111: {  	[tilespmem:s26], [sflag:$0x2] =	stream.linear.gather [hbm4b:s1+s30], $0x40, $0x38;
	[tilespmem:$0x16A00] =	vst v63  }
0x112: {  	s7 =	simm.s32 $0xAB40;
	s6 =	spop (v2sf);
	s0 =	sadd.s32 s4, s0  }
0x113: {  	(v2sf) =	vpush v1, $0xA;
	[tilespmem:s7], [sflag:$0x2] =	stream.strided.gather [hbm4b:s0+s14], $0x0, s15, s14, $0x38;
	[tilespmem:$0x16A00] =	vst v63  }
0x114: {  	s1 =	sand.u32 $0x1FFFFFF0, s6  }
0x115: {  	[tilespmem:s7], [sflag:$0x2] =	stream.linear.gather [hbm4b:s0+s30], $0x40, $0x38;
	[tilespmem:$0x16A00] =	vst v63  }
0x116: {  	s11 =	simm.s32 $0xAB80;
	s10 =	spop (v2sf);
	s1 =	sadd.s32 s4, s1  }
0x117: {  	(v2sf) =	vpush v1, $0xB;
	[tilespmem:s11], [sflag:$0x2] =	stream.strided.gather [hbm4b:s1+s14], $0x0, s15, s14, $0x38;
	[tilespmem:$0x16A00] =	vst v63  }
0x118: {  	s0 =	sand.u32 $0x1FFFFFF0, s10  }
0x119: {  	[tilespmem:s11], [sflag:$0x2] =	stream.linear.gather [hbm4b:s1+s30], $0x40, $0x38;
	[tilespmem:$0x16A00] =	vst v63  }
0x11a: {  	s18 =	simm.s32 $0xABC0;
	s13 =	spop (v2sf);
	s0 =	sadd.s32 s4, s0  }
0x11b: {  	(v2sf) =	vpush v1, $0xC;
	[tilespmem:s18], [sflag:$0x2] =	stream.strided.gather [hbm4b:s0+s14], $0x0, s15, s14, $0x38;
	[tilespmem:$0x16A00] =	vst v63  }
0x11c: {  	s1 =	sand.u32 $0x1FFFFFF0, s13  }
0x11d: {  	[tilespmem:s18], [sflag:$0x2] =	stream.linear.gather [hbm4b:s0+s30], $0x40, $0x38;
	[tilespmem:$0x16A00] =	vst v63  }
0x11e: {  	s22 =	simm.s32 $0xAC00;
	s21 =	spop (v2sf);
	s1 =	sadd.s32 s4, s1  }
0x11f: {  	(v2sf) =	vpush v1, $0xD;
	[tilespmem:s22], [sflag:$0x2] =	stream.strided.gather [hbm4b:s1+s14], $0x0, s15, s14, $0x38;
	[tilespmem:$0x16A00] =	vst v63  }
0x120: {  	s0 =	sand.u32 $0x1FFFFFF0, s21  }
0x121: {  	[tilespmem:s22], [sflag:$0x2] =	stream.linear.gather [hbm4b:s1+s30], $0x40, $0x38;
	[tilespmem:$0x16A00] =	vst v63  }
0x122: {  	s26 =	simm.s32 $0xAC40;
	s23 =	spop (v2sf);
	s0 =	sadd.s32 s4, s0  }
0x123: {  	(v2sf) =	vpush v1, $0xE;
	[tilespmem:s26], [sflag:$0x2] =	stream.strided.gather [hbm4b:s0+s14], $0x0, s15, s14, $0x38;
	[tilespmem:$0x16A00] =	vst v63  }
0x124: {  	s1 =	sand.u32 $0x1FFFFFF0, s23  }
0x125: {  	[tilespmem:s26], [sflag:$0x2] =	stream.linear.gather [hbm4b:s0+s30], $0x40, $0x38;
	[tilespmem:$0x16A00] =	vst v63  }
0x126: {  	s7 =	simm.s32 $0xAC80;
	s6 =	spop (v2sf);
	s1 =	sadd.s32 s4, s1  }
0x127: {  	(v2sf) =	vpush v1, $0xF;
	[tilespmem:s7], [sflag:$0x2] =	stream.strided.gather [hbm4b:s1+s14], $0x0, s15, s14, $0x38;
	[tilespmem:$0x16A00] =	vst v63  }
0x128: {  	s0 =	sand.u32 $0x1FFFFFF0, s6  }
0x129: {  	[tilespmem:s7], [sflag:$0x2] =	stream.linear.gather [hbm4b:s1+s30], $0x40, $0x38;
	[tilespmem:$0x16A00] =	vst v63  }
0x12a: {  	s11 =	simm.s32 $0xACC0;
	s10 =	spop (v2sf);
	s0 =	sadd.s32 s4, s0  }
0x12b: {  	[tilespmem:s11], [sflag:$0x2] =	stream.strided.gather [hbm4b:s0+s14], $0x0, s15, s14, $0x38;
	[tilespmem:$0x16A00] =	vst v63  }
0x12c: {  	s1 =	sand.u32 $0x1FFFFFF0, s10  }
0x12d: {  	[tilespmem:s11], [sflag:$0x2] =	stream.linear.gather [hbm4b:s0+s30], $0x40, $0x38;
	[tilespmem:$0x16A00] =	vst v63  }
0x12e: {  	s18 =	simm.s32 $0xAD00;
	s13 =	spop (v2sf);
	s1 =	sadd.s32 s4, s1  }
0x12f: {  	[tilespmem:s18], [sflag:$0x2] =	stream.strided.gather [hbm4b:s1+s14], $0x0, s15, s14, $0x38;
	[tilespmem:$0x16A00] =	vst v63  }
0x130: {  	s0 =	sand.u32 $0x1FFFFFF0, s13  }
0x131: {  	[tilespmem:s18], [sflag:$0x2] =	stream.linear.gather [hbm4b:s1+s30], $0x40, $0x38;
	[tilespmem:$0x16A00] =	vst v63  }
0x132: {  	s22 =	simm.s32 $0xAD40;
	s21 =	spop (v2sf);
	s0 =	sadd.s32 s4, s0  }
0x133: {  	[tilespmem:s22], [sflag:$0x2] =	stream.strided.gather [hbm4b:s0+s14], $0x0, s15, s14, $0x38;
	[tilespmem:$0x16A00] =	vst v63  }
0x134: {  	s1 =	sand.u32 $0x1FFFFFF0, s21  }
0x135: {  	[tilespmem:s22], [sflag:$0x2] =	stream.linear.gather [hbm4b:s0+s30], $0x40, $0x38;
	[tilespmem:$0x16A00] =	vst v63  }
0x136: {  	s26 =	simm.s32 $0xAD80;
	s23 =	spop (v2sf);
	s1 =	sadd.s32 s4, s1  }
0x137: {  	[tilespmem:s26], [sflag:$0x2] =	stream.strided.gather [hbm4b:s1+s14], $0x0, s15, s14, $0x38;
	[tilespmem:$0x16A00] =	vst v63  }
0x138: {  	s31 =	simm.s32 $0x1000;
	s28 =	simm.s32 $0x0;
	s7 =	sand.u32 $0x1FFFFFF0, s23  }
0x139: {  	[tilespmem:s26], [sflag:$0x2] =	stream.linear.gather [hbm4b:s1+s30], $0x40, $0x38;
	[tilespmem:$0x16A00] =	vst v63  }
0x13a: {  	s0 =	simm.s32 $0xADC0;
	s1 =	sadd.s32 s4, s7;
	s26 =	sshll.u32 s24, $0x1  }
0x13b: {  	[tilespmem:s0], [sflag:$0x2] =	stream.strided.gather [hbm4b:s1+s14], $0x0, s15, s14, $0x38;
	[tilespmem:$0x16A00] =	vst v63  }
.LBB2_9:
0x13c: {  	p1 =	sne.s32 s31, $0x27000  }
0x13d: {  	s29 =	sadd.s32 $0x10, s29;
	s6 =	smov.u32 s31;
	s31 =	sadd.s32 $0x1000, s31  }
0x13e: {  	[tilespmem:s0], [sflag:$0x2] =	stream.linear.gather [hbm4b:s1+s30], $0x40, $0x38;
	[tilespmem:$0x16A00] =	vst v63  }
0x13f: {  	v1 =	vld [tilespmem:s29+$0x0];
	_ =	sdelay $0x4  }
0x140: {  	v1 =	vshll.u32 v1, $0x4  }
0x141: {  	(v2sf) =	vpush v1, $0x0  }
0x142: {  	(v2sf) =	vpush v1, $0x1  }
0x143: {  	(v2sf) =	vpush v1, $0x2;
	_ =	sdelay $0x2  }
0x144: {  	(v2sf) =	vpush v1, $0x3;
	_ =	sdelay $0x1  }
0x145: {  	(v2sf) =	vpush v1, $0x4;
	_ =	sdelay $0x1  }
0x146: {  	(v2sf) =	vpush v1, $0x5;
	_ =	sdelay $0x1  }
0x147: {  	(v2sf) =	vpush v1, $0x6;
	_ =	sdelay $0x1  }
0x148: {  	(v2sf) =	vpush v1, $0x7;
	_ =	sdelay $0x1  }
0x149: {  	s1 =	spop (v2sf);
	(v2sf) =	vpush v1, $0x8  }
0x14a: {  	s0 =	sshra.s32 s6, $0x2;
	s1 =	sand.u32 $0x1FFFFFF0, s1;
	s6 =	spop (v2sf)  }
0x14b: {  	s7 =	sadd.s32 $0xAA40, s0;
	s1 =	sadd.s32 s4, s1;
	s11 =	spop (v2sf);
	(v2sf) =	vpush v1, $0x9  }
0x14c: {  	s22 =	sadd.s32 $0xAA00, s0;
	s6 =	sand.u32 $0x1FFFFFF0, s6;
	s11 =	sand.u32 $0x1FFFFFF0, s11  }
0x14d: {  	[tilespmem:s22], [sflag:$0x2] =	stream.strided.gather [hbm4b:s1+s14], $0x0, s15, s14, $0x38;
	(v2sf) =	vpush v1, $0xA;
	[tilespmem:$0x16A00] =	vst v63  }
0x14e: {  	s23 =	spop (v2sf)  }
0x14f: {  	[tilespmem:s22], [sflag:$0x2] =	stream.linear.gather [hbm4b:s1+s30], $0x40, $0x38;
	(v2sf) =	vpush v1, $0xB;
	[tilespmem:$0x16A00] =	vst v63  }
0x150: {  	s1 =	sadd.s32 s4, s6;
	s6 =	sand.u32 $0x1FFFFFF0, s23;
	s22 =	spop (v2sf)  }
0x151: {  	[tilespmem:s7], [sflag:$0x2] =	stream.strided.gather [hbm4b:s1+s14], $0x0, s15, s14, $0x38;
	(v2sf) =	vpush v1, $0xC;
	[tilespmem:$0x16A00] =	vst v63  }
0x152: {  	s23 =	sadd.s32 $0xAA80, s0;
	s22 =	sand.u32 $0x1FFFFFF0, s22;
	s13 =	spop (v2sf)  }
0x153: {  	[tilespmem:s7], [sflag:$0x2] =	stream.linear.gather [hbm4b:s1+s30], $0x40, $0x38;
	[tilespmem:$0x16A00] =	vst v63  }
0x154: {  	s1 =	sadd.s32 s4, s11;
	s7 =	sand.u32 $0x1FFFFFF0, s13;
	s11 =	spop (v2sf)  }
0x155: {  	[tilespmem:s23], [sflag:$0x2] =	stream.strided.gather [hbm4b:s1+s14], $0x0, s15, s14, $0x38;
	(v2sf) =	vpush v1, $0xD;
	[tilespmem:$0x16A00] =	vst v63  }
0x156: {  	s13 =	sadd.s32 $0xAAC0, s0;
	s11 =	sand.u32 $0x1FFFFFF0, s11;
	s10 =	spop (v2sf)  }
0x157: {  	[tilespmem:s23], [sflag:$0x2] =	stream.linear.gather [hbm4b:s1+s30], $0x40, $0x38;
	[tilespmem:$0x16A00] =	vst v63  }
0x158: {  	s1 =	sadd.s32 s4, s6;
	s6 =	sand.u32 $0x1FFFFFF0, s10;
	s10 =	spop (v2sf)  }
0x159: {  	[tilespmem:s13], [sflag:$0x2] =	stream.strided.gather [hbm4b:s1+s14], $0x0, s15, s14, $0x38;
	(v2sf) =	vpush v1, $0xE;
	[tilespmem:$0x16A00] =	vst v63  }
0x15a: {  	s23 =	sadd.s32 $0xAB00, s0;
	s10 =	sand.u32 $0x1FFFFFF0, s10;
	s18 =	spop (v2sf)  }
0x15b: {  	[tilespmem:s13], [sflag:$0x2] =	stream.linear.gather [hbm4b:s1+s30], $0x40, $0x38;
	[tilespmem:$0x16A00] =	vst v63  }
0x15c: {  	s1 =	sadd.s32 s4, s22;
	s13 =	sand.u32 $0x1FFFFFF0, s18;
	s18 =	spop (v2sf)  }
0x15d: {  	[tilespmem:s23], [sflag:$0x2] =	stream.strided.gather [hbm4b:s1+s14], $0x0, s15, s14, $0x38;
	(v2sf) =	vpush v1, $0xF;
	[tilespmem:$0x16A00] =	vst v63  }
0x15e: {  	s22 =	sadd.s32 $0xAB40, s0;
	s18 =	sand.u32 $0x1FFFFFF0, s18;
	s21 =	spop (v2sf)  }
0x15f: {  	[tilespmem:s23], [sflag:$0x2] =	stream.linear.gather [hbm4b:s1+s30], $0x40, $0x38;
	[tilespmem:$0x16A00] =	vst v63  }
0x160: {  	s1 =	sadd.s32 s4, s7;
	s7 =	sand.u32 $0x1FFFFFF0, s21;
	s21 =	spop (v2sf)  }
0x161: {  	[tilespmem:s22], [sflag:$0x2] =	stream.strided.gather [hbm4b:s1+s14], $0x0, s15, s14, $0x38;
	[tilespmem:$0x16A00] =	vst v63  }
0x162: {  	s11 =	sadd.s32 s4, s11;
	s23 =	sadd.s32 $0xAB80, s0;
	s21 =	sand.u32 $0x1FFFFFF0, s21  }
0x163: {  	[tilespmem:s22], [sflag:$0x2] =	stream.linear.gather [hbm4b:s1+s30], $0x40, $0x38;
	[tilespmem:$0x16A00] =	vst v63  }
0x164: {  	s1 =	spop (v2sf)  }
0x165: {  	[tilespmem:s23], [sflag:$0x2] =	stream.strided.gather [hbm4b:s11+s14], $0x0, s15, s14, $0x38;
	[tilespmem:$0x16A00] =	vst v63  }
0x166: {  	s6 =	sadd.s32 s4, s6;
	s22 =	sadd.s32 $0xABC0, s0;
	s1 =	sand.u32 $0x1FFFFFF0, s1  }
0x167: {  	[tilespmem:s23], [sflag:$0x2] =	stream.linear.gather [hbm4b:s11+s30], $0x40, $0x38;
	[tilespmem:$0x16A00] =	vst v63  }
0x168: {  	s11 =	spop (v2sf)  }
0x169: {  	[tilespmem:s22], [sflag:$0x2] =	stream.strided.gather [hbm4b:s6+s14], $0x0, s15, s14, $0x38;
	[tilespmem:$0x16A00] =	vst v63  }
0x16a: {  	s10 =	sadd.s32 s4, s10;
	s23 =	sadd.s32 $0xAC00, s0;
	s11 =	sand.u32 $0x1FFFFFF0, s11  }
0x16b: {  	[tilespmem:s22], [sflag:$0x2] =	stream.linear.gather [hbm4b:s6+s30], $0x40, $0x38;
	[tilespmem:$0x16A00] =	vst v63  }
0x16c: {  	s6 =	spop (v2sf)  }
0x16d: {  	[tilespmem:s23], [sflag:$0x2] =	stream.strided.gather [hbm4b:s10+s14], $0x0, s15, s14, $0x38;
	[tilespmem:$0x16A00] =	vst v63  }
0x16e: {  	s13 =	sadd.s32 s4, s13;
	s22 =	sadd.s32 $0xAC40, s0;
	s6 =	sand.u32 $0x1FFFFFF0, s6  }
0x16f: {  	[tilespmem:s23], [sflag:$0x2] =	stream.linear.gather [hbm4b:s10+s30], $0x40, $0x38;
	[tilespmem:$0x16A00] =	vst v63  }
0x170: {  	_ = 	snop  }
0x171: {  	[tilespmem:s22], [sflag:$0x2] =	stream.strided.gather [hbm4b:s13+s14], $0x0, s15, s14, $0x38;
	[tilespmem:$0x16A00] =	vst v63  }
0x172: {  	s18 =	sadd.s32 s4, s18;
	s10 =	sadd.s32 $0xAC80, s0  }
0x173: {  	[tilespmem:s22], [sflag:$0x2] =	stream.linear.gather [hbm4b:s13+s30], $0x40, $0x38;
	[tilespmem:$0x16A00] =	vst v63  }
0x174: {  	_ = 	snop  }
0x175: {  	[tilespmem:s10], [sflag:$0x2] =	stream.strided.gather [hbm4b:s18+s14], $0x0, s15, s14, $0x38;
	[tilespmem:$0x16A00] =	vst v63  }
0x176: {  	s7 =	sadd.s32 s4, s7;
	s13 =	sadd.s32 $0xACC0, s0  }
0x177: {  	[tilespmem:s10], [sflag:$0x2] =	stream.linear.gather [hbm4b:s18+s30], $0x40, $0x38;
	[tilespmem:$0x16A00] =	vst v63  }
0x178: {  	_ = 	snop  }
0x179: {  	[tilespmem:s13], [sflag:$0x2] =	stream.strided.gather [hbm4b:s7+s14], $0x0, s15, s14, $0x38;
	[tilespmem:$0x16A00] =	vst v63  }
0x17a: {  	s10 =	sadd.s32 $0xAD00, s0;
	s18 =	sadd.s32 s4, s21  }
0x17b: {  	[tilespmem:s13], [sflag:$0x2] =	stream.linear.gather [hbm4b:s7+s30], $0x40, $0x38;
	[tilespmem:$0x16A00] =	vst v63  }
0x17c: {  	_ = 	snop  }
0x17d: {  	[tilespmem:s10], [sflag:$0x2] =	stream.strided.gather [hbm4b:s18+s14], $0x0, s15, s14, $0x38;
	[tilespmem:$0x16A00] =	vst v63  }
0x17e: {  	s1 =	sadd.s32 s4, s1;
	s7 =	sadd.s32 $0xAD40, s0  }
0x17f: {  	[tilespmem:s10], [sflag:$0x2] =	stream.linear.gather [hbm4b:s18+s30], $0x40, $0x38;
	[tilespmem:$0x16A00] =	vst v63  }
0x180: {  	_ = 	snop  }
0x181: {  	[tilespmem:s7], [sflag:$0x2] =	stream.strided.gather [hbm4b:s1+s14], $0x0, s15, s14, $0x38;
	[tilespmem:$0x16A00] =	vst v63  }
0x182: {  	s11 =	sadd.s32 s4, s11;
	s10 =	sadd.s32 $0xAD80, s0  }
0x183: {  	[tilespmem:s7], [sflag:$0x2] =	stream.linear.gather [hbm4b:s1+s30], $0x40, $0x38;
	[tilespmem:$0x16A00] =	vst v63  }
0x184: {  	_ = 	snop  }
0x185: {  	[tilespmem:s10], [sflag:$0x2] =	stream.strided.gather [hbm4b:s11+s14], $0x0, s15, s14, $0x38;
	[tilespmem:$0x16A00] =	vst v63  }
.Ltmp3:
0x186: {  	_ = 	snop;
	(pc) =	sbr.rel @p1 .LBB2_9-.Ltmp3, $4  }
0x187: {  	s0 =	sadd.s32 $0xADC0, s0;
	s1 =	sadd.s32 s4, s6  }
0x188: {  	[tilespmem:s10], [sflag:$0x2] =	stream.linear.gather [hbm4b:s11+s30], $0x40, $0x38;
	[tilespmem:$0x16A00] =	vst v63  }
0x189: {  	_ = 	snop  }
0x18a: {  	[tilespmem:s0], [sflag:$0x2] =	stream.strided.gather [hbm4b:s1+s14], $0x0, s15, s14, $0x38;
	[tilespmem:$0x16A00] =	vst v63  }
0x18b: {  	[tilespmem:s0], [sflag:$0x2] =	stream.linear.gather [hbm4b:s1+s30], $0x40, $0x38;
	[tilespmem:$0x16A00] =	vst v63  }
0x18c: {  	s29 =	simm.s32 $0xF00  }
0x18d: {  	v1 =	vld [tilespmem:s29+$0xFFFFFB40]  }
0x18e: {  	v2 =	vld [tilespmem:s29+$0xFFFFFB00];
	_ =	sdelay $0x1  }
0x18f: {  	v3 =	vld [tilespmem:s29+$0xFFFFFB80];
	_ =	sdelay $0x1  }
0x190: {  	v4 =	vld [tilespmem:s29+$0xFFFFFBC0]  }
0x191: {  	v1 =	vadd.f32 v1, v2  }
0x192: {  	v2 =	vld [tilespmem:s29+$0xFFFFFC00]  }
0x193: {  	v1 =	vadd.f32 v3, v1  }
0x194: {  	v3 =	vld [tilespmem:s29+$0xFFFFFC40]  }
0x195: {  	v1 =	vadd.f32 v4, v1  }
0x196: {  	v4 =	vld [tilespmem:s29+$0xFFFFFC80]  }
0x197: {  	v1 =	vadd.f32 v2, v1  }
0x198: {  	v2 =	vld [tilespmem:s29+$0xFFFFFCC0]  }
0x199: {  	v1 =	vadd.f32 v3, v1  }
0x19a: {  	v3 =	vld [tilespmem:s29+$0xFFFFFD00]  }
0x19b: {  	v1 =	vadd.f32 v4, v1  }
0x19c: {  	v4 =	vld [tilespmem:s29+$0xFFFFFD40]  }
0x19d: {  	v1 =	vadd.f32 v2, v1  }
0x19e: {  	v2 =	vld [tilespmem:s29+$0xFFFFFD80]  }
0x19f: {  	v1 =	vadd.f32 v3, v1  }
0x1a0: {  	v3 =	vld [tilespmem:s29+$0xFFFFFDC0]  }
0x1a1: {  	v1 =	vadd.f32 v4, v1  }
0x1a2: {  	v4 =	vld [tilespmem:s29+$0xFFFFFE00]  }
0x1a3: {  	v1 =	vadd.f32 v2, v1  }
0x1a4: {  	v2 =	vld [tilespmem:s29+$0xFFFFFE40]  }
0x1a5: {  	v1 =	vadd.f32 v3, v1  }
0x1a6: {  	v3 =	vld [tilespmem:s29+$0xFFFFFE80]  }
0x1a7: {  	v1 =	vadd.f32 v4, v1  }
0x1a8: {  	v4 =	vld [tilespmem:s29+$0xFFFFFEC0]  }
0x1a9: {  	v1 =	vadd.f32 v2, v1  }
0x1aa: {  	v2 =	vld [tilespmem:s29+$0xFFFFFF00]  }
0x1ab: {  	v1 =	vadd.f32 v3, v1  }
0x1ac: {  	v3 =	vld [tilespmem:s29+$0xFFFFFF40]  }
0x1ad: {  	v1 =	vadd.f32 v4, v1  }
0x1ae: {  	v4 =	vld [tilespmem:s29+$0xFFFFFF80]  }
0x1af: {  	v1 =	vadd.f32 v2, v1  }
0x1b0: {  	v2 =	vld [tilespmem:s29+$0xFFFFFFC0]  }
0x1b1: {  	v1 =	vadd.f32 v3, v1;
	_ =	sdelay $0x1  }
0x1b2: {  	v1 =	vadd.f32 v4, v1;
	_ =	sdelay $0x1  }
0x1b3: {  	v1 =	vadd.f32 v2, v1;
	_ =	sdelay $0x1  }
0x1b4: {  	[tilespmem:s28+$0x14A00] =	vst v1  }
0x1b5: {  	v1 =	vld [tilespmem:s29+$0xFFFFFB10]  }
0x1b6: {  	v2 =	vld [tilespmem:s29+$0xFFFFFB50];
	_ =	sdelay $0x1  }
0x1b7: {  	v3 =	vld [tilespmem:s29+$0xFFFFFB90];
	_ =	sdelay $0x1  }
0x1b8: {  	v4 =	vld [tilespmem:s29+$0xFFFFFBD0]  }
0x1b9: {  	v1 =	vadd.f32 v2, v1  }
0x1ba: {  	v2 =	vld [tilespmem:s29+$0xFFFFFC10]  }
0x1bb: {  	v1 =	vadd.f32 v3, v1  }
0x1bc: {  	v3 =	vld [tilespmem:s29+$0xFFFFFC50]  }
0x1bd: {  	v1 =	vadd.f32 v4, v1  }
0x1be: {  	v4 =	vld [tilespmem:s29+$0xFFFFFC90]  }
0x1bf: {  	v1 =	vadd.f32 v2, v1  }
0x1c0: {  	v2 =	vld [tilespmem:s29+$0xFFFFFCD0]  }
0x1c1: {  	v1 =	vadd.f32 v3, v1  }
0x1c2: {  	v3 =	vld [tilespmem:s29+$0xFFFFFD10]  }
0x1c3: {  	v1 =	vadd.f32 v4, v1  }
0x1c4: {  	v4 =	vld [tilespmem:s29+$0xFFFFFD50]  }
0x1c5: {  	v1 =	vadd.f32 v2, v1  }
0x1c6: {  	v2 =	vld [tilespmem:s29+$0xFFFFFD90]  }
0x1c7: {  	v1 =	vadd.f32 v3, v1  }
0x1c8: {  	v3 =	vld [tilespmem:s29+$0xFFFFFDD0]  }
0x1c9: {  	v1 =	vadd.f32 v4, v1  }
0x1ca: {  	v4 =	vld [tilespmem:s29+$0xFFFFFE10]  }
0x1cb: {  	v1 =	vadd.f32 v2, v1  }
0x1cc: {  	v2 =	vld [tilespmem:s29+$0xFFFFFE50]  }
0x1cd: {  	v1 =	vadd.f32 v3, v1  }
0x1ce: {  	v3 =	vld [tilespmem:s29+$0xFFFFFE90]  }
0x1cf: {  	v1 =	vadd.f32 v4, v1  }
0x1d0: {  	v4 =	vld [tilespmem:s29+$0xFFFFFED0]  }
0x1d1: {  	v1 =	vadd.f32 v2, v1  }
0x1d2: {  	v2 =	vld [tilespmem:s29+$0xFFFFFF10]  }
0x1d3: {  	v1 =	vadd.f32 v3, v1  }
0x1d4: {  	v3 =	vld [tilespmem:s29+$0xFFFFFF50]  }
0x1d5: {  	v1 =	vadd.f32 v4, v1  }
0x1d6: {  	v4 =	vld [tilespmem:s29+$0xFFFFFF90]  }
0x1d7: {  	v1 =	vadd.f32 v2, v1  }
0x1d8: {  	v2 =	vld [tilespmem:s29+$0xFFFFFFD0]  }
0x1d9: {  	v1 =	vadd.f32 v3, v1;
	_ =	sdelay $0x1  }
0x1da: {  	v1 =	vadd.f32 v4, v1;
	_ =	sdelay $0x1  }
0x1db: {  	v1 =	vadd.f32 v2, v1;
	_ =	sdelay $0x1  }
0x1dc: {  	[tilespmem:s28+$0x14A10] =	vst v1  }
0x1dd: {  	v1 =	vld [tilespmem:s29+$0xFFFFFB20]  }
0x1de: {  	v2 =	vld [tilespmem:s29+$0xFFFFFB60];
	_ =	sdelay $0x1  }
0x1df: {  	v3 =	vld [tilespmem:s29+$0xFFFFFBA0];
	_ =	sdelay $0x1  }
0x1e0: {  	v4 =	vld [tilespmem:s29+$0xFFFFFBE0]  }
0x1e1: {  	v1 =	vadd.f32 v2, v1  }
0x1e2: {  	v2 =	vld [tilespmem:s29+$0xFFFFFC20]  }
0x1e3: {  	v1 =	vadd.f32 v3, v1  }
0x1e4: {  	v3 =	vld [tilespmem:s29+$0xFFFFFC60]  }
0x1e5: {  	v1 =	vadd.f32 v4, v1  }
0x1e6: {  	v4 =	vld [tilespmem:s29+$0xFFFFFCA0]  }
0x1e7: {  	v1 =	vadd.f32 v2, v1  }
0x1e8: {  	v2 =	vld [tilespmem:s29+$0xFFFFFCE0]  }
0x1e9: {  	v1 =	vadd.f32 v3, v1  }
0x1ea: {  	v3 =	vld [tilespmem:s29+$0xFFFFFD20]  }
0x1eb: {  	v1 =	vadd.f32 v4, v1  }
0x1ec: {  	v4 =	vld [tilespmem:s29+$0xFFFFFD60]  }
0x1ed: {  	v1 =	vadd.f32 v2, v1  }
0x1ee: {  	v2 =	vld [tilespmem:s29+$0xFFFFFDA0]  }
0x1ef: {  	v1 =	vadd.f32 v3, v1  }
0x1f0: {  	v3 =	vld [tilespmem:s29+$0xFFFFFDE0]  }
0x1f1: {  	v1 =	vadd.f32 v4, v1  }
0x1f2: {  	v4 =	vld [tilespmem:s29+$0xFFFFFE20]  }
0x1f3: {  	v1 =	vadd.f32 v2, v1  }
0x1f4: {  	v2 =	vld [tilespmem:s29+$0xFFFFFE60]  }
0x1f5: {  	v1 =	vadd.f32 v3, v1  }
0x1f6: {  	v3 =	vld [tilespmem:s29+$0xFFFFFEA0]  }
0x1f7: {  	v1 =	vadd.f32 v4, v1  }
0x1f8: {  	v4 =	vld [tilespmem:s29+$0xFFFFFEE0]  }
0x1f9: {  	v1 =	vadd.f32 v2, v1  }
0x1fa: {  	v2 =	vld [tilespmem:s29+$0xFFFFFF20]  }
0x1fb: {  	v1 =	vadd.f32 v3, v1  }
0x1fc: {  	v3 =	vld [tilespmem:s29+$0xFFFFFF60]  }
0x1fd: {  	v1 =	vadd.f32 v4, v1  }
0x1fe: {  	v4 =	vld [tilespmem:s29+$0xFFFFFFA0]  }
0x1ff: {  	v1 =	vadd.f32 v2, v1  }
0x200: {  	v2 =	vld [tilespmem:s29+$0xFFFFFFE0]  }
0x201: {  	v1 =	vadd.f32 v3, v1;
	_ =	sdelay $0x1  }
0x202: {  	v1 =	vadd.f32 v4, v1;
	_ =	sdelay $0x1  }
0x203: {  	v1 =	vadd.f32 v2, v1;
	_ =	sdelay $0x1  }
0x204: {  	[tilespmem:s28+$0x14A20] =	vst v1  }
0x205: {  	v1 =	vld [tilespmem:s29+$0xFFFFFB30]  }
0x206: {  	v2 =	vld [tilespmem:s29+$0xFFFFFB70];
	_ =	sdelay $0x1  }
0x207: {  	v3 =	vld [tilespmem:s29+$0xFFFFFBB0];
	_ =	sdelay $0x1  }
0x208: {  	v4 =	vld [tilespmem:s29+$0xFFFFFBF0]  }
0x209: {  	v1 =	vadd.f32 v2, v1  }
0x20a: {  	v2 =	vld [tilespmem:s29+$0xFFFFFC30]  }
0x20b: {  	v1 =	vadd.f32 v3, v1  }
0x20c: {  	v3 =	vld [tilespmem:s29+$0xFFFFFC70]  }
0x20d: {  	v1 =	vadd.f32 v4, v1  }
0x20e: {  	v4 =	vld [tilespmem:s29+$0xFFFFFCB0]  }
0x20f: {  	v1 =	vadd.f32 v2, v1  }
0x210: {  	v2 =	vld [tilespmem:s29+$0xFFFFFCF0]  }
0x211: {  	v1 =	vadd.f32 v3, v1  }
0x212: {  	v3 =	vld [tilespmem:s29+$0xFFFFFD30]  }
0x213: {  	v1 =	vadd.f32 v4, v1  }
0x214: {  	v4 =	vld [tilespmem:s29+$0xFFFFFD70]  }
0x215: {  	v1 =	vadd.f32 v2, v1  }
0x216: {  	v2 =	vld [tilespmem:s29+$0xFFFFFDB0]  }
0x217: {  	v1 =	vadd.f32 v3, v1  }
0x218: {  	v3 =	vld [tilespmem:s29+$0xFFFFFDF0]  }
0x219: {  	v1 =	vadd.f32 v4, v1  }
0x21a: {  	v4 =	vld [tilespmem:s29+$0xFFFFFE30]  }
0x21b: {  	v1 =	vadd.f32 v2, v1  }
0x21c: {  	v2 =	vld [tilespmem:s29+$0xFFFFFE70]  }
0x21d: {  	v1 =	vadd.f32 v3, v1  }
0x21e: {  	v3 =	vld [tilespmem:s29+$0xFFFFFEB0]  }
0x21f: {  	v1 =	vadd.f32 v4, v1  }
0x220: {  	v4 =	vld [tilespmem:s29+$0xFFFFFEF0]  }
0x221: {  	v1 =	vadd.f32 v2, v1  }
0x222: {  	v2 =	vld [tilespmem:s29+$0xFFFFFF30]  }
0x223: {  	v1 =	vadd.f32 v3, v1  }
0x224: {  	v3 =	vld [tilespmem:s29+$0xFFFFFF70]  }
0x225: {  	v1 =	vadd.f32 v4, v1  }
0x226: {  	v4 =	vld [tilespmem:s29+$0xFFFFFFB0]  }
0x227: {  	v1 =	vadd.f32 v2, v1  }
0x228: {  	v2 =	vld [tilespmem:s29+$0xFFFFFFF0]  }
0x229: {  	v1 =	vadd.f32 v3, v1;
	_ =	sdelay $0x1  }
0x22a: {  	v1 =	vadd.f32 v4, v1;
	_ =	sdelay $0x1  }
0x22b: {  	v1 =	vadd.f32 v2, v1;
	_ =	sdelay $0x1  }
0x22c: {  	[tilespmem:s28+$0x14A30] =	vst v1  }
0x22d: {  	v1 =	vld [tilespmem:s29+$0x0]  }
0x22e: {  	v2 =	vld [tilespmem:s29+$0x40];
	_ =	sdelay $0x1  }
0x22f: {  	v3 =	vld [tilespmem:s29+$0x80];
	_ =	sdelay $0x1  }
0x230: {  	v4 =	vld [tilespmem:s29+$0xC0]  }
0x231: {  	v1 =	vadd.f32 v2, v1  }
0x232: {  	v2 =	vld [tilespmem:s29+$0x100]  }
0x233: {  	v1 =	vadd.f32 v3, v1  }
0x234: {  	v3 =	vld [tilespmem:s29+$0x140]  }
0x235: {  	v1 =	vadd.f32 v4, v1  }
0x236: {  	v4 =	vld [tilespmem:s29+$0x180]  }
0x237: {  	v1 =	vadd.f32 v2, v1  }
0x238: {  	v2 =	vld [tilespmem:s29+$0x1C0]  }
0x239: {  	v1 =	vadd.f32 v3, v1  }
0x23a: {  	v3 =	vld [tilespmem:s29+$0x200]  }
0x23b: {  	v1 =	vadd.f32 v4, v1  }
0x23c: {  	v4 =	vld [tilespmem:s29+$0x240]  }
0x23d: {  	v1 =	vadd.f32 v2, v1  }
0x23e: {  	v2 =	vld [tilespmem:s29+$0x280]  }
0x23f: {  	v1 =	vadd.f32 v3, v1  }
0x240: {  	v3 =	vld [tilespmem:s29+$0x2C0]  }
0x241: {  	v1 =	vadd.f32 v4, v1  }
0x242: {  	v4 =	vld [tilespmem:s29+$0x300]  }
0x243: {  	v1 =	vadd.f32 v2, v1  }
0x244: {  	v2 =	vld [tilespmem:s29+$0x340]  }
0x245: {  	v1 =	vadd.f32 v3, v1  }
0x246: {  	v3 =	vld [tilespmem:s29+$0x380]  }
0x247: {  	v1 =	vadd.f32 v4, v1  }
0x248: {  	v4 =	vld [tilespmem:s29+$0x3C0]  }
0x249: {  	v1 =	vadd.f32 v2, v1  }
0x24a: {  	v2 =	vld [tilespmem:s29+$0x400]  }
0x24b: {  	v1 =	vadd.f32 v3, v1  }
0x24c: {  	v3 =	vld [tilespmem:s29+$0x440]  }
0x24d: {  	v1 =	vadd.f32 v4, v1  }
0x24e: {  	v4 =	vld [tilespmem:s29+$0x480]  }
0x24f: {  	v1 =	vadd.f32 v2, v1  }
0x250: {  	v2 =	vld [tilespmem:s29+$0x4C0]  }
0x251: {  	v1 =	vadd.f32 v3, v1;
	_ =	sdelay $0x1  }
0x252: {  	v1 =	vadd.f32 v4, v1;
	_ =	sdelay $0x1  }
0x253: {  	v1 =	vadd.f32 v2, v1;
	_ =	sdelay $0x1  }
0x254: {  	[tilespmem:s28+$0x14A80] =	vst v1  }
0x255: {  	v1 =	vld [tilespmem:s29+$0x10]  }
0x256: {  	v2 =	vld [tilespmem:s29+$0x50];
	_ =	sdelay $0x1  }
0x257: {  	v3 =	vld [tilespmem:s29+$0x90];
	_ =	sdelay $0x1  }
0x258: {  	v4 =	vld [tilespmem:s29+$0xD0]  }
0x259: {  	v1 =	vadd.f32 v2, v1  }
0x25a: {  	v2 =	vld [tilespmem:s29+$0x110]  }
0x25b: {  	v1 =	vadd.f32 v3, v1  }
0x25c: {  	v3 =	vld [tilespmem:s29+$0x150]  }
0x25d: {  	v1 =	vadd.f32 v4, v1  }
0x25e: {  	v4 =	vld [tilespmem:s29+$0x190]  }
0x25f: {  	v1 =	vadd.f32 v2, v1  }
0x260: {  	v2 =	vld [tilespmem:s29+$0x1D0]  }
0x261: {  	v1 =	vadd.f32 v3, v1  }
0x262: {  	v3 =	vld [tilespmem:s29+$0x210]  }
0x263: {  	v1 =	vadd.f32 v4, v1  }
0x264: {  	v4 =	vld [tilespmem:s29+$0x250]  }
0x265: {  	v1 =	vadd.f32 v2, v1  }
0x266: {  	v2 =	vld [tilespmem:s29+$0x290]  }
0x267: {  	v1 =	vadd.f32 v3, v1  }
0x268: {  	v3 =	vld [tilespmem:s29+$0x2D0]  }
0x269: {  	v1 =	vadd.f32 v4, v1  }
0x26a: {  	v4 =	vld [tilespmem:s29+$0x310]  }
0x26b: {  	v1 =	vadd.f32 v2, v1  }
0x26c: {  	v2 =	vld [tilespmem:s29+$0x350]  }
0x26d: {  	v1 =	vadd.f32 v3, v1  }
0x26e: {  	v3 =	vld [tilespmem:s29+$0x390]  }
0x26f: {  	v1 =	vadd.f32 v4, v1  }
0x270: {  	v4 =	vld [tilespmem:s29+$0x3D0]  }
0x271: {  	v1 =	vadd.f32 v2, v1  }
0x272: {  	v2 =	vld [tilespmem:s29+$0x410]  }
0x273: {  	v1 =	vadd.f32 v3, v1  }
0x274: {  	v3 =	vld [tilespmem:s29+$0x450]  }
0x275: {  	v1 =	vadd.f32 v4, v1  }
0x276: {  	v4 =	vld [tilespmem:s29+$0x490]  }
0x277: {  	v1 =	vadd.f32 v2, v1  }
0x278: {  	v2 =	vld [tilespmem:s29+$0x4D0]  }
0x279: {  	v1 =	vadd.f32 v3, v1;
	_ =	sdelay $0x1  }
0x27a: {  	v1 =	vadd.f32 v4, v1;
	_ =	sdelay $0x1  }
0x27b: {  	v1 =	vadd.f32 v2, v1;
	_ =	sdelay $0x1  }
0x27c: {  	[tilespmem:s28+$0x14A90] =	vst v1  }
0x27d: {  	v1 =	vld [tilespmem:s29+$0x20]  }
0x27e: {  	v2 =	vld [tilespmem:s29+$0x60];
	_ =	sdelay $0x1  }
0x27f: {  	v3 =	vld [tilespmem:s29+$0xA0];
	_ =	sdelay $0x1  }
0x280: {  	v4 =	vld [tilespmem:s29+$0xE0]  }
0x281: {  	v1 =	vadd.f32 v2, v1  }
0x282: {  	v2 =	vld [tilespmem:s29+$0x120]  }
0x283: {  	v1 =	vadd.f32 v3, v1  }
0x284: {  	v3 =	vld [tilespmem:s29+$0x160]  }
0x285: {  	v1 =	vadd.f32 v4, v1  }
0x286: {  	v4 =	vld [tilespmem:s29+$0x1A0]  }
0x287: {  	v1 =	vadd.f32 v2, v1  }
0x288: {  	v2 =	vld [tilespmem:s29+$0x1E0]  }
0x289: {  	v1 =	vadd.f32 v3, v1  }
0x28a: {  	v3 =	vld [tilespmem:s29+$0x220]  }
0x28b: {  	v1 =	vadd.f32 v4, v1  }
0x28c: {  	v4 =	vld [tilespmem:s29+$0x260]  }
0x28d: {  	v1 =	vadd.f32 v2, v1  }
0x28e: {  	v2 =	vld [tilespmem:s29+$0x2A0]  }
0x28f: {  	v1 =	vadd.f32 v3, v1  }
0x290: {  	v3 =	vld [tilespmem:s29+$0x2E0]  }
0x291: {  	v1 =	vadd.f32 v4, v1  }
0x292: {  	v4 =	vld [tilespmem:s29+$0x320]  }
0x293: {  	v1 =	vadd.f32 v2, v1  }
0x294: {  	v2 =	vld [tilespmem:s29+$0x360]  }
0x295: {  	v1 =	vadd.f32 v3, v1  }
0x296: {  	v3 =	vld [tilespmem:s29+$0x3A0]  }
0x297: {  	v1 =	vadd.f32 v4, v1  }
0x298: {  	v4 =	vld [tilespmem:s29+$0x3E0]  }
0x299: {  	v1 =	vadd.f32 v2, v1  }
0x29a: {  	v2 =	vld [tilespmem:s29+$0x420]  }
0x29b: {  	v1 =	vadd.f32 v3, v1  }
0x29c: {  	v3 =	vld [tilespmem:s29+$0x460]  }
0x29d: {  	v1 =	vadd.f32 v4, v1  }
0x29e: {  	v4 =	vld [tilespmem:s29+$0x4A0]  }
0x29f: {  	v1 =	vadd.f32 v2, v1  }
0x2a0: {  	v2 =	vld [tilespmem:s29+$0x4E0]  }
0x2a1: {  	v1 =	vadd.f32 v3, v1;
	_ =	sdelay $0x1  }
0x2a2: {  	v1 =	vadd.f32 v4, v1;
	_ =	sdelay $0x1  }
0x2a3: {  	v1 =	vadd.f32 v2, v1;
	_ =	sdelay $0x1  }
0x2a4: {  	[tilespmem:s28+$0x14AA0] =	vst v1  }
0x2a5: {  	v1 =	vld [tilespmem:s29+$0x30]  }
0x2a6: {  	v2 =	vld [tilespmem:s29+$0x70];
	_ =	sdelay $0x1  }
0x2a7: {  	v3 =	vld [tilespmem:s29+$0xB0];
	_ =	sdelay $0x1  }
0x2a8: {  	v4 =	vld [tilespmem:s29+$0xF0]  }
0x2a9: {  	v1 =	vadd.f32 v2, v1  }
0x2aa: {  	v2 =	vld [tilespmem:s29+$0x130]  }
0x2ab: {  	v1 =	vadd.f32 v3, v1  }
0x2ac: {  	v3 =	vld [tilespmem:s29+$0x170]  }
0x2ad: {  	v1 =	vadd.f32 v4, v1  }
0x2ae: {  	v4 =	vld [tilespmem:s29+$0x1B0]  }
0x2af: {  	v1 =	vadd.f32 v2, v1  }
0x2b0: {  	v2 =	vld [tilespmem:s29+$0x1F0]  }
0x2b1: {  	v1 =	vadd.f32 v3, v1  }
0x2b2: {  	v3 =	vld [tilespmem:s29+$0x230]  }
0x2b3: {  	v1 =	vadd.f32 v4, v1  }
0x2b4: {  	v4 =	vld [tilespmem:s29+$0x270]  }
0x2b5: {  	v1 =	vadd.f32 v2, v1  }
0x2b6: {  	v2 =	vld [tilespmem:s29+$0x2B0]  }
0x2b7: {  	v1 =	vadd.f32 v3, v1  }
0x2b8: {  	v3 =	vld [tilespmem:s29+$0x2F0]  }
0x2b9: {  	v1 =	vadd.f32 v4, v1  }
0x2ba: {  	v4 =	vld [tilespmem:s29+$0x330]  }
0x2bb: {  	v1 =	vadd.f32 v2, v1  }
0x2bc: {  	v2 =	vld [tilespmem:s29+$0x370]  }
0x2bd: {  	v1 =	vadd.f32 v3, v1  }
0x2be: {  	v3 =	vld [tilespmem:s29+$0x3B0]  }
0x2bf: {  	v1 =	vadd.f32 v4, v1  }
0x2c0: {  	v5 =	vld [tilespmem:s29+$0x3F0]  }
0x2c1: {  	v2 =	vadd.f32 v2, v1  }
0x2c2: {  	v4 =	vld [tilespmem:s29+$0x430]  }
0x2c3: {  	v1 =	vld [tilespmem:s29+$0x470];
	v6 =	vadd.f32 v3, v2  }
0x2c4: {  	v3 =	vld [tilespmem:s29+$0x4B0]  }
0x2c5: {  	s30 =	simm.s32 $0x400;
	v2 =	vld [tilespmem:s29+$0x4F0];
	v5 =	vadd.f32 v5, v6  }
.LBB2_11:
0x2c6: {  	p1 =	sne.s32 s30, $0x3C00  }
0x2c7: {  	s29 =	sadd.s32 $0xA00, s29;
	s0 =	smov.u32 s30;
	s30 =	sadd.s32 $0x400, s30;
	v4 =	vadd.f32 v4, v5  }
0x2c8: {  	_ = 	snop  }
0x2c9: {  	v1 =	vadd.f32 v1, v4;
	_ =	sdelay $0x1  }
0x2ca: {  	v1 =	vadd.f32 v3, v1;
	_ =	sdelay $0x1  }
0x2cb: {  	v1 =	vadd.f32 v2, v1;
	_ =	sdelay $0x1  }
0x2cc: {  	[tilespmem:s28+$0x14AB0] =	vst v1  }
0x2cd: {  	v1 =	vld [tilespmem:s29+$0xFFFFFB40]  }
0x2ce: {  	v2 =	vld [tilespmem:s29+$0xFFFFFB00]  }
0x2cf: {  	v3 =	vld [tilespmem:s29+$0xFFFFFB80];
	_ =	sdelay $0x2  }
0x2d0: {  	v4 =	vld [tilespmem:s29+$0xFFFFFBC0]  }
0x2d1: {  	v1 =	vadd.f32 v1, v2  }
0x2d2: {  	v2 =	vld [tilespmem:s29+$0xFFFFFC00]  }
0x2d3: {  	v1 =	vadd.f32 v3, v1  }
0x2d4: {  	v3 =	vld [tilespmem:s29+$0xFFFFFC40]  }
0x2d5: {  	v1 =	vadd.f32 v4, v1  }
0x2d6: {  	v4 =	vld [tilespmem:s29+$0xFFFFFC80]  }
0x2d7: {  	v1 =	vadd.f32 v2, v1  }
0x2d8: {  	v2 =	vld [tilespmem:s29+$0xFFFFFCC0]  }
0x2d9: {  	v1 =	vadd.f32 v3, v1  }
0x2da: {  	v3 =	vld [tilespmem:s29+$0xFFFFFD00]  }
0x2db: {  	v1 =	vadd.f32 v4, v1  }
0x2dc: {  	v4 =	vld [tilespmem:s29+$0xFFFFFD40]  }
0x2dd: {  	v1 =	vadd.f32 v2, v1  }
0x2de: {  	v2 =	vld [tilespmem:s29+$0xFFFFFD80]  }
0x2df: {  	v1 =	vadd.f32 v3, v1  }
0x2e0: {  	v3 =	vld [tilespmem:s29+$0xFFFFFDC0]  }
0x2e1: {  	v1 =	vadd.f32 v4, v1  }
0x2e2: {  	v4 =	vld [tilespmem:s29+$0xFFFFFE00]  }
0x2e3: {  	v1 =	vadd.f32 v2, v1  }
0x2e4: {  	v2 =	vld [tilespmem:s29+$0xFFFFFE40]  }
0x2e5: {  	v1 =	vadd.f32 v3, v1  }
0x2e6: {  	v3 =	vld [tilespmem:s29+$0xFFFFFE80]  }
0x2e7: {  	v1 =	vadd.f32 v4, v1  }
0x2e8: {  	v4 =	vld [tilespmem:s29+$0xFFFFFEC0]  }
0x2e9: {  	v1 =	vadd.f32 v2, v1  }
0x2ea: {  	v2 =	vld [tilespmem:s29+$0xFFFFFF00]  }
0x2eb: {  	v1 =	vadd.f32 v3, v1  }
0x2ec: {  	v3 =	vld [tilespmem:s29+$0xFFFFFF40]  }
0x2ed: {  	v1 =	vadd.f32 v4, v1  }
0x2ee: {  	v4 =	vld [tilespmem:s29+$0xFFFFFF80]  }
0x2ef: {  	v1 =	vadd.f32 v2, v1  }
0x2f0: {  	v2 =	vld [tilespmem:s29+$0xFFFFFFC0]  }
0x2f1: {  	v1 =	vadd.f32 v3, v1;
	_ =	sdelay $0x1  }
0x2f2: {  	v1 =	vadd.f32 v4, v1;
	_ =	sdelay $0x1  }
0x2f3: {  	v1 =	vadd.f32 v2, v1  }
0x2f4: {  	s28 =	sshra.s32 s0, $0x2  }
0x2f5: {  	[tilespmem:s28+$0x14A00] =	vst v1  }
0x2f6: {  	v1 =	vld [tilespmem:s29+$0xFFFFFB10]  }
0x2f7: {  	v2 =	vld [tilespmem:s29+$0xFFFFFB50];
	_ =	sdelay $0x1  }
0x2f8: {  	v3 =	vld [tilespmem:s29+$0xFFFFFB90];
	_ =	sdelay $0x1  }
0x2f9: {  	v4 =	vld [tilespmem:s29+$0xFFFFFBD0]  }
0x2fa: {  	v1 =	vadd.f32 v2, v1  }
0x2fb: {  	v2 =	vld [tilespmem:s29+$0xFFFFFC10]  }
0x2fc: {  	v1 =	vadd.f32 v3, v1  }
0x2fd: {  	v3 =	vld [tilespmem:s29+$0xFFFFFC50]  }
0x2fe: {  	v1 =	vadd.f32 v4, v1  }
0x2ff: {  	v4 =	vld [tilespmem:s29+$0xFFFFFC90]  }
0x300: {  	v1 =	vadd.f32 v2, v1  }
0x301: {  	v2 =	vld [tilespmem:s29+$0xFFFFFCD0]  }
0x302: {  	v1 =	vadd.f32 v3, v1  }
0x303: {  	v3 =	vld [tilespmem:s29+$0xFFFFFD10]  }
0x304: {  	v1 =	vadd.f32 v4, v1  }
0x305: {  	v4 =	vld [tilespmem:s29+$0xFFFFFD50]  }
0x306: {  	v1 =	vadd.f32 v2, v1  }
0x307: {  	v2 =	vld [tilespmem:s29+$0xFFFFFD90]  }
0x308: {  	v1 =	vadd.f32 v3, v1  }
0x309: {  	v3 =	vld [tilespmem:s29+$0xFFFFFDD0]  }
0x30a: {  	v1 =	vadd.f32 v4, v1  }
0x30b: {  	v4 =	vld [tilespmem:s29+$0xFFFFFE10]  }
0x30c: {  	v1 =	vadd.f32 v2, v1  }
0x30d: {  	v2 =	vld [tilespmem:s29+$0xFFFFFE50]  }
0x30e: {  	v1 =	vadd.f32 v3, v1  }
0x30f: {  	v3 =	vld [tilespmem:s29+$0xFFFFFE90]  }
0x310: {  	v1 =	vadd.f32 v4, v1  }
0x311: {  	v4 =	vld [tilespmem:s29+$0xFFFFFED0]  }
0x312: {  	v1 =	vadd.f32 v2, v1  }
0x313: {  	v2 =	vld [tilespmem:s29+$0xFFFFFF10]  }
0x314: {  	v1 =	vadd.f32 v3, v1  }
0x315: {  	v3 =	vld [tilespmem:s29+$0xFFFFFF50]  }
0x316: {  	v1 =	vadd.f32 v4, v1  }
0x317: {  	v4 =	vld [tilespmem:s29+$0xFFFFFF90]  }
0x318: {  	v1 =	vadd.f32 v2, v1  }
0x319: {  	v2 =	vld [tilespmem:s29+$0xFFFFFFD0]  }
0x31a: {  	v1 =	vadd.f32 v3, v1;
	_ =	sdelay $0x1  }
0x31b: {  	v1 =	vadd.f32 v4, v1;
	_ =	sdelay $0x1  }
0x31c: {  	v1 =	vadd.f32 v2, v1;
	_ =	sdelay $0x1  }
0x31d: {  	[tilespmem:s28+$0x14A10] =	vst v1  }
0x31e: {  	v1 =	vld [tilespmem:s29+$0xFFFFFB20]  }
0x31f: {  	v2 =	vld [tilespmem:s29+$0xFFFFFB60];
	_ =	sdelay $0x1  }
0x320: {  	v3 =	vld [tilespmem:s29+$0xFFFFFBA0];
	_ =	sdelay $0x1  }
0x321: {  	v4 =	vld [tilespmem:s29+$0xFFFFFBE0]  }
0x322: {  	v1 =	vadd.f32 v2, v1  }
0x323: {  	v2 =	vld [tilespmem:s29+$0xFFFFFC20]  }
0x324: {  	v1 =	vadd.f32 v3, v1  }
0x325: {  	v3 =	vld [tilespmem:s29+$0xFFFFFC60]  }
0x326: {  	v1 =	vadd.f32 v4, v1  }
0x327: {  	v4 =	vld [tilespmem:s29+$0xFFFFFCA0]  }
0x328: {  	v1 =	vadd.f32 v2, v1  }
0x329: {  	v2 =	vld [tilespmem:s29+$0xFFFFFCE0]  }
0x32a: {  	v1 =	vadd.f32 v3, v1  }
0x32b: {  	v3 =	vld [tilespmem:s29+$0xFFFFFD20]  }
0x32c: {  	v1 =	vadd.f32 v4, v1  }
0x32d: {  	v4 =	vld [tilespmem:s29+$0xFFFFFD60]  }
0x32e: {  	v1 =	vadd.f32 v2, v1  }
0x32f: {  	v2 =	vld [tilespmem:s29+$0xFFFFFDA0]  }
0x330: {  	v1 =	vadd.f32 v3, v1  }
0x331: {  	v3 =	vld [tilespmem:s29+$0xFFFFFDE0]  }
0x332: {  	v1 =	vadd.f32 v4, v1  }
0x333: {  	v4 =	vld [tilespmem:s29+$0xFFFFFE20]  }
0x334: {  	v1 =	vadd.f32 v2, v1  }
0x335: {  	v2 =	vld [tilespmem:s29+$0xFFFFFE60]  }
0x336: {  	v1 =	vadd.f32 v3, v1  }
0x337: {  	v3 =	vld [tilespmem:s29+$0xFFFFFEA0]  }
0x338: {  	v1 =	vadd.f32 v4, v1  }
0x339: {  	v4 =	vld [tilespmem:s29+$0xFFFFFEE0]  }
0x33a: {  	v1 =	vadd.f32 v2, v1  }
0x33b: {  	v2 =	vld [tilespmem:s29+$0xFFFFFF20]  }
0x33c: {  	v1 =	vadd.f32 v3, v1  }
0x33d: {  	v3 =	vld [tilespmem:s29+$0xFFFFFF60]  }
0x33e: {  	v1 =	vadd.f32 v4, v1  }
0x33f: {  	v4 =	vld [tilespmem:s29+$0xFFFFFFA0]  }
0x340: {  	v1 =	vadd.f32 v2, v1  }
0x341: {  	v2 =	vld [tilespmem:s29+$0xFFFFFFE0]  }
0x342: {  	v1 =	vadd.f32 v3, v1;
	_ =	sdelay $0x1  }
0x343: {  	v1 =	vadd.f32 v4, v1;
	_ =	sdelay $0x1  }
0x344: {  	v1 =	vadd.f32 v2, v1;
	_ =	sdelay $0x1  }
0x345: {  	[tilespmem:s28+$0x14A20] =	vst v1  }
0x346: {  	v1 =	vld [tilespmem:s29+$0xFFFFFB30]  }
0x347: {  	v2 =	vld [tilespmem:s29+$0xFFFFFB70]  }
0x348: {  	v3 =	vld [tilespmem:s29+$0xFFFFFBB0];
	_ =	sdelay $0x2  }
0x349: {  	v4 =	vld [tilespmem:s29+$0xFFFFFBF0]  }
0x34a: {  	v1 =	vadd.f32 v2, v1  }
0x34b: {  	v2 =	vld [tilespmem:s29+$0xFFFFFC30]  }
0x34c: {  	v1 =	vadd.f32 v3, v1  }
0x34d: {  	v3 =	vld [tilespmem:s29+$0xFFFFFC70]  }
0x34e: {  	v1 =	vadd.f32 v4, v1  }
0x34f: {  	v4 =	vld [tilespmem:s29+$0xFFFFFCB0]  }
0x350: {  	v1 =	vadd.f32 v2, v1  }
0x351: {  	v2 =	vld [tilespmem:s29+$0xFFFFFCF0]  }
0x352: {  	v1 =	vadd.f32 v3, v1  }
0x353: {  	v3 =	vld [tilespmem:s29+$0xFFFFFD30]  }
0x354: {  	v1 =	vadd.f32 v4, v1  }
0x355: {  	v4 =	vld [tilespmem:s29+$0xFFFFFD70]  }
0x356: {  	v1 =	vadd.f32 v2, v1  }
0x357: {  	v2 =	vld [tilespmem:s29+$0xFFFFFDB0]  }
0x358: {  	v1 =	vadd.f32 v3, v1  }
0x359: {  	v3 =	vld [tilespmem:s29+$0xFFFFFDF0]  }
0x35a: {  	v1 =	vadd.f32 v4, v1  }
0x35b: {  	v4 =	vld [tilespmem:s29+$0xFFFFFE30]  }
0x35c: {  	v1 =	vadd.f32 v2, v1  }
0x35d: {  	v2 =	vld [tilespmem:s29+$0xFFFFFE70]  }
0x35e: {  	v1 =	vadd.f32 v3, v1  }
0x35f: {  	v3 =	vld [tilespmem:s29+$0xFFFFFEB0]  }
0x360: {  	v1 =	vadd.f32 v4, v1  }
0x361: {  	v4 =	vld [tilespmem:s29+$0xFFFFFEF0]  }
0x362: {  	v1 =	vadd.f32 v2, v1  }
0x363: {  	v2 =	vld [tilespmem:s29+$0xFFFFFF30]  }
0x364: {  	v1 =	vadd.f32 v3, v1  }
0x365: {  	v3 =	vld [tilespmem:s29+$0xFFFFFF70]  }
0x366: {  	v1 =	vadd.f32 v4, v1  }
0x367: {  	v4 =	vld [tilespmem:s29+$0xFFFFFFB0]  }
0x368: {  	v1 =	vadd.f32 v2, v1  }
0x369: {  	v2 =	vld [tilespmem:s29+$0xFFFFFFF0]  }
0x36a: {  	v1 =	vadd.f32 v3, v1;
	_ =	sdelay $0x1  }
0x36b: {  	v1 =	vadd.f32 v4, v1;
	_ =	sdelay $0x1  }
0x36c: {  	v1 =	vadd.f32 v2, v1;
	_ =	sdelay $0x1  }
0x36d: {  	[tilespmem:s28+$0x14A30] =	vst v1  }
0x36e: {  	v1 =	vld [tilespmem:s29+$0x0]  }
0x36f: {  	v2 =	vld [tilespmem:s29+$0x40];
	_ =	sdelay $0x1  }
0x370: {  	v3 =	vld [tilespmem:s29+$0x80];
	_ =	sdelay $0x1  }
0x371: {  	v4 =	vld [tilespmem:s29+$0xC0]  }
0x372: {  	v1 =	vadd.f32 v2, v1  }
0x373: {  	v2 =	vld [tilespmem:s29+$0x100]  }
0x374: {  	v1 =	vadd.f32 v3, v1  }
0x375: {  	v3 =	vld [tilespmem:s29+$0x140]  }
0x376: {  	v1 =	vadd.f32 v4, v1  }
0x377: {  	v4 =	vld [tilespmem:s29+$0x180]  }
0x378: {  	v1 =	vadd.f32 v2, v1  }
0x379: {  	v2 =	vld [tilespmem:s29+$0x1C0]  }
0x37a: {  	v1 =	vadd.f32 v3, v1  }
0x37b: {  	v3 =	vld [tilespmem:s29+$0x200]  }
0x37c: {  	v1 =	vadd.f32 v4, v1  }
0x37d: {  	v4 =	vld [tilespmem:s29+$0x240]  }
0x37e: {  	v1 =	vadd.f32 v2, v1  }
0x37f: {  	v2 =	vld [tilespmem:s29+$0x280]  }
0x380: {  	v1 =	vadd.f32 v3, v1  }
0x381: {  	v3 =	vld [tilespmem:s29+$0x2C0]  }
0x382: {  	v1 =	vadd.f32 v4, v1  }
0x383: {  	v4 =	vld [tilespmem:s29+$0x300]  }
0x384: {  	v1 =	vadd.f32 v2, v1  }
0x385: {  	v2 =	vld [tilespmem:s29+$0x340]  }
0x386: {  	v1 =	vadd.f32 v3, v1  }
0x387: {  	v3 =	vld [tilespmem:s29+$0x380]  }
0x388: {  	v1 =	vadd.f32 v4, v1  }
0x389: {  	v4 =	vld [tilespmem:s29+$0x3C0]  }
0x38a: {  	v1 =	vadd.f32 v2, v1  }
0x38b: {  	v2 =	vld [tilespmem:s29+$0x400]  }
0x38c: {  	v1 =	vadd.f32 v3, v1  }
0x38d: {  	v3 =	vld [tilespmem:s29+$0x440]  }
0x38e: {  	v1 =	vadd.f32 v4, v1  }
0x38f: {  	v4 =	vld [tilespmem:s29+$0x480]  }
0x390: {  	v1 =	vadd.f32 v2, v1  }
0x391: {  	v2 =	vld [tilespmem:s29+$0x4C0]  }
0x392: {  	v1 =	vadd.f32 v3, v1;
	_ =	sdelay $0x1  }
0x393: {  	v1 =	vadd.f32 v4, v1;
	_ =	sdelay $0x1  }
0x394: {  	v1 =	vadd.f32 v2, v1;
	_ =	sdelay $0x1  }
0x395: {  	[tilespmem:s28+$0x14A80] =	vst v1  }
0x396: {  	v1 =	vld [tilespmem:s29+$0x10]  }
0x397: {  	v2 =	vld [tilespmem:s29+$0x50]  }
0x398: {  	v3 =	vld [tilespmem:s29+$0x90]  }
0x399: {  	v4 =	vld [tilespmem:s29+$0xD0]  }
0x39a: {  	v5 =	vld [tilespmem:s29+$0x110]  }
0x39b: {  	v6 =	vld [tilespmem:s29+$0x150]  }
0x39c: {  	v1 =	vadd.f32 v2, v1;
	v2 =	vld [tilespmem:s29+$0x190]  }
0x39d: {  	v7 =	vld [tilespmem:s29+$0x1D0]  }
0x39e: {  	v1 =	vadd.f32 v3, v1;
	v3 =	vld [tilespmem:s29+$0x210]  }
0x39f: {  	v8 =	vld [tilespmem:s29+$0x250]  }
0x3a0: {  	v1 =	vadd.f32 v4, v1;
	v4 =	vld [tilespmem:s29+$0x290]  }
0x3a1: {  	v9 =	vld [tilespmem:s29+$0x2D0]  }
0x3a2: {  	v1 =	vadd.f32 v5, v1;
	v5 =	vld [tilespmem:s29+$0x310]  }
0x3a3: {  	v10 =	vld [tilespmem:s29+$0x350]  }
0x3a4: {  	v1 =	vadd.f32 v6, v1;
	v6 =	vld [tilespmem:s29+$0x390]  }
0x3a5: {  	v11 =	vld [tilespmem:s29+$0x3D0]  }
0x3a6: {  	v1 =	vadd.f32 v2, v1;
	v2 =	vld [tilespmem:s29+$0x410]  }
0x3a7: {  	v12 =	vld [tilespmem:s29+$0x450]  }
0x3a8: {  	v1 =	vadd.f32 v7, v1;
	v7 =	vld [tilespmem:s29+$0x490]  }
0x3a9: {  	v13 =	vld [tilespmem:s29+$0x4D0]  }
0x3aa: {  	v1 =	vadd.f32 v3, v1;
	_ =	sdelay $0x1  }
0x3ab: {  	v1 =	vadd.f32 v8, v1;
	_ =	sdelay $0x1  }
0x3ac: {  	v1 =	vadd.f32 v4, v1;
	_ =	sdelay $0x1  }
0x3ad: {  	v1 =	vadd.f32 v9, v1;
	_ =	sdelay $0x1  }
0x3ae: {  	v1 =	vadd.f32 v5, v1;
	_ =	sdelay $0x1  }
0x3af: {  	v1 =	vadd.f32 v10, v1;
	_ =	sdelay $0x1  }
0x3b0: {  	v1 =	vadd.f32 v6, v1;
	_ =	sdelay $0x1  }
0x3b1: {  	v1 =	vadd.f32 v11, v1;
	_ =	sdelay $0x1  }
0x3b2: {  	v1 =	vadd.f32 v2, v1;
	_ =	sdelay $0x1  }
0x3b3: {  	v1 =	vadd.f32 v12, v1;
	_ =	sdelay $0x1  }
0x3b4: {  	v1 =	vadd.f32 v7, v1;
	_ =	sdelay $0x1  }
0x3b5: {  	v1 =	vadd.f32 v13, v1;
	_ =	sdelay $0x1  }
0x3b6: {  	[tilespmem:s28+$0x14A90] =	vst v1  }
0x3b7: {  	v1 =	vld [tilespmem:s29+$0x20]  }
0x3b8: {  	v2 =	vld [tilespmem:s29+$0x60]  }
0x3b9: {  	v3 =	vld [tilespmem:s29+$0xA0]  }
0x3ba: {  	v4 =	vld [tilespmem:s29+$0xE0]  }
0x3bb: {  	v5 =	vld [tilespmem:s29+$0x120]  }
0x3bc: {  	v6 =	vld [tilespmem:s29+$0x160]  }
0x3bd: {  	v1 =	vadd.f32 v2, v1;
	v2 =	vld [tilespmem:s29+$0x1A0]  }
0x3be: {  	v7 =	vld [tilespmem:s29+$0x1E0]  }
0x3bf: {  	v1 =	vadd.f32 v3, v1;
	v3 =	vld [tilespmem:s29+$0x220]  }
0x3c0: {  	v8 =	vld [tilespmem:s29+$0x260]  }
0x3c1: {  	v1 =	vadd.f32 v4, v1;
	v4 =	vld [tilespmem:s29+$0x2A0]  }
0x3c2: {  	v9 =	vld [tilespmem:s29+$0x2E0]  }
0x3c3: {  	v1 =	vadd.f32 v5, v1;
	v5 =	vld [tilespmem:s29+$0x320]  }
0x3c4: {  	v10 =	vld [tilespmem:s29+$0x360]  }
0x3c5: {  	v1 =	vadd.f32 v6, v1;
	v6 =	vld [tilespmem:s29+$0x3A0]  }
0x3c6: {  	v11 =	vld [tilespmem:s29+$0x3E0]  }
0x3c7: {  	v1 =	vadd.f32 v2, v1;
	v2 =	vld [tilespmem:s29+$0x420]  }
0x3c8: {  	v12 =	vld [tilespmem:s29+$0x460]  }
0x3c9: {  	v1 =	vadd.f32 v7, v1;
	v7 =	vld [tilespmem:s29+$0x4A0]  }
0x3ca: {  	v13 =	vld [tilespmem:s29+$0x4E0]  }
0x3cb: {  	v1 =	vadd.f32 v3, v1;
	_ =	sdelay $0x1  }
0x3cc: {  	v1 =	vadd.f32 v8, v1;
	_ =	sdelay $0x1  }
0x3cd: {  	v1 =	vadd.f32 v4, v1;
	_ =	sdelay $0x1  }
0x3ce: {  	v1 =	vadd.f32 v9, v1;
	_ =	sdelay $0x1  }
0x3cf: {  	v1 =	vadd.f32 v5, v1;
	_ =	sdelay $0x1  }
0x3d0: {  	v1 =	vadd.f32 v10, v1;
	_ =	sdelay $0x1  }
0x3d1: {  	v1 =	vadd.f32 v6, v1;
	_ =	sdelay $0x1  }
0x3d2: {  	v1 =	vadd.f32 v11, v1;
	_ =	sdelay $0x1  }
0x3d3: {  	v1 =	vadd.f32 v2, v1;
	_ =	sdelay $0x1  }
0x3d4: {  	v1 =	vadd.f32 v12, v1;
	_ =	sdelay $0x1  }
0x3d5: {  	v1 =	vadd.f32 v7, v1;
	_ =	sdelay $0x1  }
0x3d6: {  	v1 =	vadd.f32 v13, v1;
	_ =	sdelay $0x1  }
0x3d7: {  	[tilespmem:s28+$0x14AA0] =	vst v1  }
0x3d8: {  	v1 =	vld [tilespmem:s29+$0x30]  }
0x3d9: {  	v2 =	vld [tilespmem:s29+$0x70]  }
0x3da: {  	v3 =	vld [tilespmem:s29+$0xB0]  }
0x3db: {  	v4 =	vld [tilespmem:s29+$0xF0]  }
0x3dc: {  	v5 =	vld [tilespmem:s29+$0x130]  }
0x3dd: {  	v6 =	vld [tilespmem:s29+$0x170]  }
0x3de: {  	v1 =	vadd.f32 v2, v1;
	v2 =	vld [tilespmem:s29+$0x1B0]  }
0x3df: {  	v7 =	vld [tilespmem:s29+$0x1F0]  }
0x3e0: {  	v1 =	vadd.f32 v3, v1;
	v8 =	vld [tilespmem:s29+$0x230]  }
0x3e1: {  	v9 =	vld [tilespmem:s29+$0x270]  }
0x3e2: {  	v1 =	vadd.f32 v4, v1;
	v10 =	vld [tilespmem:s29+$0x2B0]  }
0x3e3: {  	v11 =	vld [tilespmem:s29+$0x2F0]  }
0x3e4: {  	v1 =	vadd.f32 v5, v1;
	v5 =	vld [tilespmem:s29+$0x330]  }
0x3e5: {  	v12 =	vld [tilespmem:s29+$0x370]  }
0x3e6: {  	v1 =	vadd.f32 v6, v1;
	v6 =	vld [tilespmem:s29+$0x3B0]  }
0x3e7: {  	v13 =	vld [tilespmem:s29+$0x3F0]  }
0x3e8: {  	v2 =	vadd.f32 v2, v1;
	v4 =	vld [tilespmem:s29+$0x430]  }
0x3e9: {  	v1 =	vld [tilespmem:s29+$0x470]  }
0x3ea: {  	v7 =	vadd.f32 v7, v2;
	v3 =	vld [tilespmem:s29+$0x4B0]  }
0x3eb: {  	v2 =	vld [tilespmem:s29+$0x4F0]  }
0x3ec: {  	v7 =	vadd.f32 v8, v7;
	_ =	sdelay $0x1  }
0x3ed: {  	v7 =	vadd.f32 v9, v7;
	_ =	sdelay $0x1  }
0x3ee: {  	v7 =	vadd.f32 v10, v7;
	_ =	sdelay $0x1  }
0x3ef: {  	v7 =	vadd.f32 v11, v7;
	_ =	sdelay $0x1  }
0x3f0: {  	v5 =	vadd.f32 v5, v7;
	_ =	sdelay $0x1  }
.Ltmp4:
0x3f1: {  	v5 =	vadd.f32 v12, v5;
	(pc) =	sbr.rel @p1 .LBB2_11-.Ltmp4, $3  }
0x3f2: {  	_ = 	snop  }
0x3f3: {  	v5 =	vadd.f32 v6, v5;
	_ =	sdelay $0x1  }
0x3f4: {  	v5 =	vadd.f32 v13, v5  }
0x3f5: {  	_ = 	snop  }
0x3f6: {  	v4 =	vadd.f32 v4, v5;
	_ =	sdelay $0x1  }
0x3f7: {  	v1 =	vadd.f32 v1, v4  }
0x3f8: {  	s26 =	sor.u32 $0x1, s26  }
0x3f9: {  	p1 =	sgt.u32 s26, $0x66;
	v1 =	vadd.f32 v3, v1  }
.Ltmp5:
0x3fa: {  	s0 =	sshll.u32 s24, $0xD;
	(pc) =	sbr.rel @p1 .LBB2_16-.Ltmp5, $4  }
0x3fb: {  	s0 =	sadd.s32 s9, s0;
	v1 =	vadd.f32 v2, v1  }
0x3fc: {  	s0 =	sshrl.u32 s0, $0x3  }
0x3fd: {  	s1 =	simm.s32 $0x14A00;
	s0 =	sadd.s32 s5, s0;
	[tilespmem:s28+$0x14AB0] =	vst v1  }
0x3fe: {  	[hbm4b:s0+s3] =	stream.linear.scatter [tilespmem:s1], [sflag:$0x3], $0x1000, $0x38;
	[tilespmem:$0x16A00] =	vst v63  }
0x3ff: {  	s0 =	sadd.s32 $0x40, s25  }
0x400: {  	s1 =	smulhi.u32 $0x4EC4EC4F, s0;
	_ =	sdelay $0x1  }
0x401: {  	s6 =	simm.s32 $0x0;
	s1 =	sshrl.u32 s1, $0x3  }
0x402: {  	v1 =	vor.u32 s6, v0;
	s1 =	smul.u32 $0x1A, s1  }
0x403: {  	v2 =	vmulhi.u32 $0xCCCCCCCD, v1  }
0x404: {  	s0 =	ssub.s32 s0, s1  }
0x405: {  	v2 =	vshrl.u32 v2, $0x4;
	v1 =	vmov s0  }
0x406: {  	v2 =	vadd.s32 v1, v2  }
0x407: {  	_ =	swait.ge [sflag:s12], $0x280;
	v3 =	vmulhi.u32 $0x4EC4EC4F, v2  }
0x408: {  	[sflag:s12] =	ssyncset.done $0x0;
	s0 =	simm.s32 $0x10  }
0x409: {  	[sflag:s12] =	ssyncadd.s32 $0xFFFFFD80;
	v4 =	vor.u32 s0, v0;
	v3 =	vshrl.u32 v3, $0x3  }
0x40a: {  	v5 =	vld [tilespmem:s6+$0x0];
	v4 =	vmulhi.u32 $0xCCCCCCCD, v4;
	v3 =	vmul.u32 $0x1A, v3;
	_ =	sdelay $0x1  }
0x40b: {  	v4 =	vshrl.u32 v4, $0x4;
	v3 =	vsub.s32 v2, v3  }
0x40c: {  	v2 =	vadd.s32 v1, v4;
	v3 =	vmul.u32 $0x186A0, v3  }
0x40d: {  	v4 =	vmulhi.u32 $0x4EC4EC4F, v2  }
0x40e: {  	s28 =	simm.s32 $0x500;
	s31 =	simm.s32 $0x20;
	v5 =	vadd.s32 v3, v5  }
0x40f: {  	s29 =	simm.s32 $0x30;
	v3 =	vor.u32 s31, v0;
	v4 =	vshrl.u32 v4, $0x3;
	[tilespmem:s28+$0x0] =	vst v5  }
.LBB2_14:
0x410: {  	p1 =	sne.s32 s29, $0x270;
	v3 =	vmulhi.u32 $0xCCCCCCCD, v3;
	v4 =	vmul.u32 $0x1A, v4;
	v5 =	vld [tilespmem:s0+$0x0];
	_ =	sdelay $0x1  }
.Ltmp6:
0x411: {  	v3 =	vshrl.u32 v3, $0x4;
	v4 =	vsub.s32 v2, v4;
	(pc) =	sbr.rel @p1 .LBB2_14-.Ltmp6, $4  }
0x412: {  	v2 =	vadd.s32 v1, v3;
	v3 =	vmul.u32 $0x186A0, v4  }
0x413: {  	v4 =	vmulhi.u32 $0x4EC4EC4F, v2  }
0x414: {  	s28 =	sadd.s32 $0x10, s28;
	v5 =	vadd.s32 v3, v5  }
0x415: {  	s0 =	sadd.s32 $0x10, s0;
	v3 =	vor.u32 s29, v0;
	s29 =	sadd.s32 $0x10, s29;
	v4 =	vshrl.u32 v4, $0x3;
	[tilespmem:s28+$0x0] =	vst v5  }
0x416: {  	v3 =	vmulhi.u32 $0xCCCCCCCD, v3;
	v4 =	vmul.u32 $0x1A, v4;
	v5 =	vld [tilespmem:s0+$0x0];
	_ =	sdelay $0x1  }
0x417: {  	v3 =	vshrl.u32 v3, $0x4;
	v2 =	vsub.s32 v2, v4  }
0x418: {  	v1 =	vadd.s32 v1, v3;
	v2 =	vmul.u32 $0x186A0, v2  }
0x419: {  	v3 =	vmulhi.u32 $0x4EC4EC4F, v1  }
0x41a: {  	s1 =	sadd.s32 $0x10, s28;
	v2 =	vadd.s32 v2, v5  }
0x41b: {  	s30 =	sadd.s32 $0x10, s0;
	v3 =	vshrl.u32 v3, $0x3;
	[tilespmem:s1+$0x0] =	vst v2  }
0x41c: {  	v2 =	vmul.u32 $0x1A, v3;
	v3 =	vld [tilespmem:s30+$0x0];
	_ =	sdelay $0x1  }
0x41d: {  	v1 =	vsub.s32 v1, v2  }
0x41e: {  	v1 =	vmul.u32 $0x186A0, v1;
	_ =	sdelay $0x1  }
0x41f: {  	s31 =	sadd.s32 $0x10, s1;
	v1 =	vadd.s32 v1, v3  }
0x420: {  	[tilespmem:s31+$0x0] =	vst v1  }
.LBB2_16:
0x421: {  	p1 =	sne.s32 s24, $0x33  }
.Ltmp7:
0x422: {  	_ = 	snop;
	(pc) =	sbr.rel @p1 .LBB2_18-.Ltmp7, $1  }
0x423: {  	_ =	sdelay $0x3  }
.Ltmp8:
0x424: {  	(pc) =	sbr.rel .LBB2_19-.Ltmp8, $4  }
0x425: {  	_ = 	snop  }
0x426: {  	_ =	swait.ge [sflag:s19], $0xA000  }
0x427: {  	[sflag:s19] =	ssyncset.done $0x0  }
0x428: {  	[sflag:s19] =	ssyncadd.s32 $0xFFFF6000  }
.LBB2_18:
0x429: {  	s0 =	rddreg [dreg:$0x5]  }
0x42a: {  	s0 =	sadd.s32 s25, s0  }
0x42b: {  	s0 =	smul.u32 $0x14, s0;
	_ =	sdelay $0x1  }
0x42c: {  	s0 =	sshrl.u32 s0, $0x3  }
.Ltmp9:
0x42d: {  	s1 =	simm.s32 $0x280;
	s0 =	sadd.s32 s2, s0;
	(pc) =	sbr.rel @p0 .LBB2_20-.Ltmp9, $4  }
0x42e: {  	[tilespmem:s1], [sflag:$0x6] =	stream.linear.gather [hbm4b:s0+s3], $0x280, $0x38;
	[tilespmem:$0x16A00] =	vst v63  }
0x42f: {  	_ =	swait.ge [sflag:s19], $0xA000  }
0x430: {  	[sflag:s19] =	ssyncset.done $0x0  }
0x431: {  	[sflag:s19] =	ssyncadd.s32 $0xFFFF6000  }
.LBB2_19:
0x432: {  	_ =	swait.ge [sflag:s20], $0x1000  }
0x433: {  	[sflag:s20] =	ssyncset.done $0x0  }
0x434: {  	[sflag:s20] =	ssyncadd.s32 $0xFFFFF000  }
.LBB2_20:
0x435: {  	s28 =	simm.s32 $0x500  }
0x436: {  	v1 =	vld [tilespmem:s28+$0x0];
	_ =	sdelay $0x4  }
0x437: {  	v1 =	vshll.u32 v1, $0x4  }
0x438: {  	(v2sf) =	vpush v1, $0x0;
	_ =	sdelay $0x1  }
0x439: {  	(v2sf) =	vpush v1, $0x1;
	_ =	sdelay $0x3  }
0x43a: {  	(v2sf) =	vpush v1, $0x2;
	_ =	sdelay $0x3  }
0x43b: {  	(v2sf) =	vpush v1, $0x3;
	_ =	sdelay $0x3  }
0x43c: {  	(v2sf) =	vpush v1, $0x4  }
0x43d: {  	s0 =	spop (v2sf)  }
0x43e: {  	s0 =	sand.u32 $0x1FFFFFF0, s0  }
0x43f: {  	s6 =	simm.s32 $0xA00;
	s1 =	spop (v2sf);
	s0 =	sadd.s32 s4, s0  }
0x440: {  	(v2sf) =	vpush v1, $0x5;
	[tilespmem:s6], [sflag:$0x1] =	stream.strided.gather [hbm4b:s0+s14], $0x0, s15, s14, $0x38;
	[tilespmem:$0x16A00] =	vst v63  }
0x441: {  	s29 =	simm.s32 $0x0;
	s1 =	sand.u32 $0x1FFFFFF0, s1  }
0x442: {  	[tilespmem:s6], [sflag:$0x1] =	stream.linear.gather [hbm4b:s0+s29], $0x40, $0x38;
	[tilespmem:$0x16A00] =	vst v63  }
0x443: {  	s11 =	simm.s32 $0xA40;
	s13 =	spop (v2sf);
	s1 =	sadd.s32 s4, s1  }
0x444: {  	(v2sf) =	vpush v1, $0x6;
	[tilespmem:s11], [sflag:$0x1] =	stream.strided.gather [hbm4b:s1+s14], $0x0, s15, s14, $0x38;
	[tilespmem:$0x16A00] =	vst v63  }
0x445: {  	s6 =	sand.u32 $0x1FFFFFF0, s13  }
0x446: {  	[tilespmem:s11], [sflag:$0x1] =	stream.linear.gather [hbm4b:s1+s29], $0x40, $0x38;
	[tilespmem:$0x16A00] =	vst v63  }
0x447: {  	s21 =	simm.s32 $0xA80;
	s18 =	spop (v2sf);
	s6 =	sadd.s32 s4, s6  }
0x448: {  	(v2sf) =	vpush v1, $0x7;
	[tilespmem:s21], [sflag:$0x1] =	stream.strided.gather [hbm4b:s6+s14], $0x0, s15, s14, $0x38;
	[tilespmem:$0x16A00] =	vst v63  }
0x449: {  	s0 =	sand.u32 $0x1FFFFFF0, s18  }
0x44a: {  	[tilespmem:s21], [sflag:$0x1] =	stream.linear.gather [hbm4b:s6+s29], $0x40, $0x38;
	[tilespmem:$0x16A00] =	vst v63  }
0x44b: {  	s23 =	simm.s32 $0xAC0;
	s22 =	spop (v2sf);
	s0 =	sadd.s32 s4, s0  }
0x44c: {  	(v2sf) =	vpush v1, $0x8;
	[tilespmem:s23], [sflag:$0x1] =	stream.strided.gather [hbm4b:s0+s14], $0x0, s15, s14, $0x38;
	[tilespmem:$0x16A00] =	vst v63  }
0x44d: {  	s1 =	sand.u32 $0x1FFFFFF0, s22  }
0x44e: {  	[tilespmem:s23], [sflag:$0x1] =	stream.linear.gather [hbm4b:s0+s29], $0x40, $0x38;
	[tilespmem:$0x16A00] =	vst v63  }
0x44f: {  	s31 =	simm.s32 $0xB00;
	s1 =	sadd.s32 s4, s1;
	s25 =	spop (v2sf)  }
0x450: {  	(v2sf) =	vpush v1, $0x9;
	[tilespmem:s31], [sflag:$0x1] =	stream.strided.gather [hbm4b:s1+s14], $0x0, s15, s14, $0x38;
	[tilespmem:$0x16A00] =	vst v63  }
0x451: {  	s0 =	sand.u32 $0x1FFFFFF0, s25  }
0x452: {  	[tilespmem:s31], [sflag:$0x1] =	stream.linear.gather [hbm4b:s1+s29], $0x40, $0x38;
	[tilespmem:$0x16A00] =	vst v63  }
0x453: {  	s10 =	simm.s32 $0xB40;
	s7 =	spop (v2sf);
	s0 =	sadd.s32 s4, s0  }
0x454: {  	(v2sf) =	vpush v1, $0xA;
	[tilespmem:s10], [sflag:$0x1] =	stream.strided.gather [hbm4b:s0+s14], $0x0, s15, s14, $0x38;
	[tilespmem:$0x16A00] =	vst v63  }
0x455: {  	s1 =	sand.u32 $0x1FFFFFF0, s7  }
0x456: {  	[tilespmem:s10], [sflag:$0x1] =	stream.linear.gather [hbm4b:s0+s29], $0x40, $0x38;
	[tilespmem:$0x16A00] =	vst v63  }
0x457: {  	s13 =	simm.s32 $0xB80;
	s11 =	spop (v2sf);
	s1 =	sadd.s32 s4, s1  }
0x458: {  	(v2sf) =	vpush v1, $0xB;
	[tilespmem:s13], [sflag:$0x1] =	stream.strided.gather [hbm4b:s1+s14], $0x0, s15, s14, $0x38;
	[tilespmem:$0x16A00] =	vst v63  }
0x459: {  	s0 =	sand.u32 $0x1FFFFFF0, s11  }
0x45a: {  	[tilespmem:s13], [sflag:$0x1] =	stream.linear.gather [hbm4b:s1+s29], $0x40, $0x38;
	[tilespmem:$0x16A00] =	vst v63  }
0x45b: {  	s21 =	simm.s32 $0xBC0;
	s18 =	spop (v2sf);
	s0 =	sadd.s32 s4, s0  }
0x45c: {  	(v2sf) =	vpush v1, $0xC;
	[tilespmem:s21], [sflag:$0x1] =	stream.strided.gather [hbm4b:s0+s14], $0x0, s15, s14, $0x38;
	[tilespmem:$0x16A00] =	vst v63  }
0x45d: {  	s1 =	sand.u32 $0x1FFFFFF0, s18  }
0x45e: {  	[tilespmem:s21], [sflag:$0x1] =	stream.linear.gather [hbm4b:s0+s29], $0x40, $0x38;
	[tilespmem:$0x16A00] =	vst v63  }
0x45f: {  	s23 =	simm.s32 $0xC00;
	s22 =	spop (v2sf);
	s1 =	sadd.s32 s4, s1  }
0x460: {  	(v2sf) =	vpush v1, $0xD;
	[tilespmem:s23], [sflag:$0x1] =	stream.strided.gather [hbm4b:s1+s14], $0x0, s15, s14, $0x38;
	[tilespmem:$0x16A00] =	vst v63  }
0x461: {  	s0 =	sand.u32 $0x1FFFFFF0, s22  }
0x462: {  	[tilespmem:s23], [sflag:$0x1] =	stream.linear.gather [hbm4b:s1+s29], $0x40, $0x38;
	[tilespmem:$0x16A00] =	vst v63  }
0x463: {  	s31 =	simm.s32 $0xC40;
	s25 =	spop (v2sf);
	s0 =	sadd.s32 s4, s0  }
0x464: {  	(v2sf) =	vpush v1, $0xE;
	[tilespmem:s31], [sflag:$0x1] =	stream.strided.gather [hbm4b:s0+s14], $0x0, s15, s14, $0x38;
	[tilespmem:$0x16A00] =	vst v63  }
0x465: {  	s1 =	sand.u32 $0x1FFFFFF0, s25  }
0x466: {  	[tilespmem:s31], [sflag:$0x1] =	stream.linear.gather [hbm4b:s0+s29], $0x40, $0x38;
	[tilespmem:$0x16A00] =	vst v63  }
0x467: {  	s10 =	simm.s32 $0xC80;
	s7 =	spop (v2sf);
	s1 =	sadd.s32 s4, s1  }
0x468: {  	(v2sf) =	vpush v1, $0xF;
	[tilespmem:s10], [sflag:$0x1] =	stream.strided.gather [hbm4b:s1+s14], $0x0, s15, s14, $0x38;
	[tilespmem:$0x16A00] =	vst v63  }
0x469: {  	s0 =	sand.u32 $0x1FFFFFF0, s7  }
0x46a: {  	[tilespmem:s10], [sflag:$0x1] =	stream.linear.gather [hbm4b:s1+s29], $0x40, $0x38;
	[tilespmem:$0x16A00] =	vst v63  }
0x46b: {  	s13 =	simm.s32 $0xCC0;
	s11 =	spop (v2sf);
	s0 =	sadd.s32 s4, s0  }
0x46c: {  	[tilespmem:s13], [sflag:$0x1] =	stream.strided.gather [hbm4b:s0+s14], $0x0, s15, s14, $0x38;
	[tilespmem:$0x16A00] =	vst v63  }
0x46d: {  	s1 =	sand.u32 $0x1FFFFFF0, s11  }
0x46e: {  	[tilespmem:s13], [sflag:$0x1] =	stream.linear.gather [hbm4b:s0+s29], $0x40, $0x38;
	[tilespmem:$0x16A00] =	vst v63  }
0x46f: {  	s21 =	simm.s32 $0xD00;
	s18 =	spop (v2sf);
	s1 =	sadd.s32 s4, s1  }
0x470: {  	[tilespmem:s21], [sflag:$0x1] =	stream.strided.gather [hbm4b:s1+s14], $0x0, s15, s14, $0x38;
	[tilespmem:$0x16A00] =	vst v63  }
0x471: {  	s0 =	sand.u32 $0x1FFFFFF0, s18  }
0x472: {  	[tilespmem:s21], [sflag:$0x1] =	stream.linear.gather [hbm4b:s1+s29], $0x40, $0x38;
	[tilespmem:$0x16A00] =	vst v63  }
0x473: {  	s23 =	simm.s32 $0xD40;
	s22 =	spop (v2sf);
	s0 =	sadd.s32 s4, s0  }
0x474: {  	[tilespmem:s23], [sflag:$0x1] =	stream.strided.gather [hbm4b:s0+s14], $0x0, s15, s14, $0x38;
	[tilespmem:$0x16A00] =	vst v63  }
0x475: {  	s1 =	sand.u32 $0x1FFFFFF0, s22  }
0x476: {  	[tilespmem:s23], [sflag:$0x1] =	stream.linear.gather [hbm4b:s0+s29], $0x40, $0x38;
	[tilespmem:$0x16A00] =	vst v63  }
0x477: {  	s31 =	simm.s32 $0xD80;
	s25 =	spop (v2sf);
	s1 =	sadd.s32 s4, s1  }
0x478: {  	[tilespmem:s31], [sflag:$0x1] =	stream.strided.gather [hbm4b:s1+s14], $0x0, s15, s14, $0x38;
	[tilespmem:$0x16A00] =	vst v63  }
0x479: {  	s30 =	simm.s32 $0x1000;
	s7 =	sand.u32 $0x1FFFFFF0, s25  }
0x47a: {  	[tilespmem:s31], [sflag:$0x1] =	stream.linear.gather [hbm4b:s1+s29], $0x40, $0x38;
	[tilespmem:$0x16A00] =	vst v63  }
0x47b: {  	s25 =	simm.s32 $0x0;
	s0 =	simm.s32 $0xDC0;
	s1 =	sadd.s32 s4, s7  }
0x47c: {  	[tilespmem:s0], [sflag:$0x1] =	stream.strided.gather [hbm4b:s1+s14], $0x0, s15, s14, $0x38;
	[tilespmem:$0x16A00] =	vst v63  }
.LBB2_21:
0x47d: {  	p0 =	sne.s32 s30, $0x27000  }
0x47e: {  	s28 =	sadd.s32 $0x10, s28;
	s6 =	smov.u32 s30;
	s30 =	sadd.s32 $0x1000, s30  }
0x47f: {  	[tilespmem:s0], [sflag:$0x1] =	stream.linear.gather [hbm4b:s1+s29], $0x40, $0x38;
	[tilespmem:$0x16A00] =	vst v63  }
0x480: {  	v1 =	vld [tilespmem:s28+$0x0];
	_ =	sdelay $0x4  }
0x481: {  	v1 =	vshll.u32 v1, $0x4  }
0x482: {  	(v2sf) =	vpush v1, $0x0  }
0x483: {  	(v2sf) =	vpush v1, $0x1  }
0x484: {  	(v2sf) =	vpush v1, $0x2;
	_ =	sdelay $0x2  }
0x485: {  	(v2sf) =	vpush v1, $0x3;
	_ =	sdelay $0x1  }
0x486: {  	(v2sf) =	vpush v1, $0x4;
	_ =	sdelay $0x1  }
0x487: {  	(v2sf) =	vpush v1, $0x5;
	_ =	sdelay $0x1  }
0x488: {  	(v2sf) =	vpush v1, $0x6;
	_ =	sdelay $0x1  }
0x489: {  	(v2sf) =	vpush v1, $0x7;
	_ =	sdelay $0x1  }
0x48a: {  	s1 =	spop (v2sf);
	(v2sf) =	vpush v1, $0x8  }
0x48b: {  	s0 =	sshra.s32 s6, $0x2;
	s1 =	sand.u32 $0x1FFFFFF0, s1;
	s6 =	spop (v2sf)  }
0x48c: {  	s7 =	sadd.s32 $0xA40, s0;
	s1 =	sadd.s32 s4, s1;
	s10 =	spop (v2sf);
	(v2sf) =	vpush v1, $0x9  }
0x48d: {  	s11 =	sadd.s32 $0xA00, s0;
	s6 =	sand.u32 $0x1FFFFFF0, s6;
	s10 =	sand.u32 $0x1FFFFFF0, s10  }
0x48e: {  	[tilespmem:s11], [sflag:$0x1] =	stream.strided.gather [hbm4b:s1+s14], $0x0, s15, s14, $0x38;
	(v2sf) =	vpush v1, $0xA;
	[tilespmem:$0x16A00] =	vst v63  }
0x48f: {  	s13 =	spop (v2sf)  }
0x490: {  	[tilespmem:s11], [sflag:$0x1] =	stream.linear.gather [hbm4b:s1+s29], $0x40, $0x38;
	(v2sf) =	vpush v1, $0xB;
	[tilespmem:$0x16A00] =	vst v63  }
0x491: {  	s1 =	sadd.s32 s4, s6;
	s6 =	sand.u32 $0x1FFFFFF0, s13;
	s11 =	spop (v2sf)  }
0x492: {  	[tilespmem:s7], [sflag:$0x1] =	stream.strided.gather [hbm4b:s1+s14], $0x0, s15, s14, $0x38;
	(v2sf) =	vpush v1, $0xC;
	[tilespmem:$0x16A00] =	vst v63  }
0x493: {  	s13 =	sadd.s32 $0xA80, s0;
	s11 =	sand.u32 $0x1FFFFFF0, s11;
	s18 =	spop (v2sf)  }
0x494: {  	[tilespmem:s7], [sflag:$0x1] =	stream.linear.gather [hbm4b:s1+s29], $0x40, $0x38;
	[tilespmem:$0x16A00] =	vst v63  }
0x495: {  	s1 =	sadd.s32 s4, s10;
	s7 =	sand.u32 $0x1FFFFFF0, s18;
	s10 =	spop (v2sf)  }
0x496: {  	[tilespmem:s13], [sflag:$0x1] =	stream.strided.gather [hbm4b:s1+s14], $0x0, s15, s14, $0x38;
	(v2sf) =	vpush v1, $0xD;
	[tilespmem:$0x16A00] =	vst v63  }
0x497: {  	s18 =	sadd.s32 $0xAC0, s0;
	s10 =	sand.u32 $0x1FFFFFF0, s10;
	s21 =	spop (v2sf)  }
0x498: {  	[tilespmem:s13], [sflag:$0x1] =	stream.linear.gather [hbm4b:s1+s29], $0x40, $0x38;
	[tilespmem:$0x16A00] =	vst v63  }
0x499: {  	s1 =	sadd.s32 s4, s6;
	s6 =	sand.u32 $0x1FFFFFF0, s21;
	s13 =	spop (v2sf)  }
0x49a: {  	[tilespmem:s18], [sflag:$0x1] =	stream.strided.gather [hbm4b:s1+s14], $0x0, s15, s14, $0x38;
	(v2sf) =	vpush v1, $0xE;
	[tilespmem:$0x16A00] =	vst v63  }
0x49b: {  	s21 =	sadd.s32 $0xB00, s0;
	s13 =	sand.u32 $0x1FFFFFF0, s13;
	s22 =	spop (v2sf)  }
0x49c: {  	[tilespmem:s18], [sflag:$0x1] =	stream.linear.gather [hbm4b:s1+s29], $0x40, $0x38;
	[tilespmem:$0x16A00] =	vst v63  }
0x49d: {  	s1 =	sadd.s32 s4, s11;
	s11 =	sand.u32 $0x1FFFFFF0, s22;
	s18 =	spop (v2sf)  }
0x49e: {  	[tilespmem:s21], [sflag:$0x1] =	stream.strided.gather [hbm4b:s1+s14], $0x0, s15, s14, $0x38;
	(v2sf) =	vpush v1, $0xF;
	[tilespmem:$0x16A00] =	vst v63  }
0x49f: {  	s22 =	sadd.s32 $0xB40, s0;
	s18 =	sand.u32 $0x1FFFFFF0, s18;
	s23 =	spop (v2sf)  }
0x4a0: {  	[tilespmem:s21], [sflag:$0x1] =	stream.linear.gather [hbm4b:s1+s29], $0x40, $0x38;
	[tilespmem:$0x16A00] =	vst v63  }
0x4a1: {  	s1 =	sadd.s32 s4, s7;
	s7 =	sand.u32 $0x1FFFFFF0, s23;
	s21 =	spop (v2sf)  }
0x4a2: {  	[tilespmem:s22], [sflag:$0x1] =	stream.strided.gather [hbm4b:s1+s14], $0x0, s15, s14, $0x38;
	[tilespmem:$0x16A00] =	vst v63  }
0x4a3: {  	s10 =	sadd.s32 s4, s10;
	s23 =	sadd.s32 $0xB80, s0;
	s21 =	sand.u32 $0x1FFFFFF0, s21  }
0x4a4: {  	[tilespmem:s22], [sflag:$0x1] =	stream.linear.gather [hbm4b:s1+s29], $0x40, $0x38;
	[tilespmem:$0x16A00] =	vst v63  }
0x4a5: {  	s1 =	spop (v2sf)  }
0x4a6: {  	[tilespmem:s23], [sflag:$0x1] =	stream.strided.gather [hbm4b:s10+s14], $0x0, s15, s14, $0x38;
	[tilespmem:$0x16A00] =	vst v63  }
0x4a7: {  	s6 =	sadd.s32 s4, s6;
	s22 =	sadd.s32 $0xBC0, s0;
	s1 =	sand.u32 $0x1FFFFFF0, s1  }
0x4a8: {  	[tilespmem:s23], [sflag:$0x1] =	stream.linear.gather [hbm4b:s10+s29], $0x40, $0x38;
	[tilespmem:$0x16A00] =	vst v63  }
0x4a9: {  	s10 =	spop (v2sf)  }
0x4aa: {  	[tilespmem:s22], [sflag:$0x1] =	stream.strided.gather [hbm4b:s6+s14], $0x0, s15, s14, $0x38;
	[tilespmem:$0x16A00] =	vst v63  }
0x4ab: {  	s13 =	sadd.s32 s4, s13;
	s23 =	sadd.s32 $0xC00, s0;
	s10 =	sand.u32 $0x1FFFFFF0, s10  }
0x4ac: {  	[tilespmem:s22], [sflag:$0x1] =	stream.linear.gather [hbm4b:s6+s29], $0x40, $0x38;
	[tilespmem:$0x16A00] =	vst v63  }
0x4ad: {  	s6 =	spop (v2sf)  }
0x4ae: {  	[tilespmem:s23], [sflag:$0x1] =	stream.strided.gather [hbm4b:s13+s14], $0x0, s15, s14, $0x38;
	[tilespmem:$0x16A00] =	vst v63  }
0x4af: {  	s11 =	sadd.s32 s4, s11;
	s22 =	sadd.s32 $0xC40, s0;
	s6 =	sand.u32 $0x1FFFFFF0, s6  }
0x4b0: {  	[tilespmem:s23], [sflag:$0x1] =	stream.linear.gather [hbm4b:s13+s29], $0x40, $0x38;
	[tilespmem:$0x16A00] =	vst v63  }
0x4b1: {  	_ = 	snop  }
0x4b2: {  	[tilespmem:s22], [sflag:$0x1] =	stream.strided.gather [hbm4b:s11+s14], $0x0, s15, s14, $0x38;
	[tilespmem:$0x16A00] =	vst v63  }
0x4b3: {  	s18 =	sadd.s32 s4, s18;
	s13 =	sadd.s32 $0xC80, s0  }
0x4b4: {  	[tilespmem:s22], [sflag:$0x1] =	stream.linear.gather [hbm4b:s11+s29], $0x40, $0x38;
	[tilespmem:$0x16A00] =	vst v63  }
0x4b5: {  	_ = 	snop  }
0x4b6: {  	[tilespmem:s13], [sflag:$0x1] =	stream.strided.gather [hbm4b:s18+s14], $0x0, s15, s14, $0x38;
	[tilespmem:$0x16A00] =	vst v63  }
0x4b7: {  	s7 =	sadd.s32 s4, s7;
	s11 =	sadd.s32 $0xCC0, s0  }
0x4b8: {  	[tilespmem:s13], [sflag:$0x1] =	stream.linear.gather [hbm4b:s18+s29], $0x40, $0x38;
	[tilespmem:$0x16A00] =	vst v63  }
0x4b9: {  	_ = 	snop  }
0x4ba: {  	[tilespmem:s11], [sflag:$0x1] =	stream.strided.gather [hbm4b:s7+s14], $0x0, s15, s14, $0x38;
	[tilespmem:$0x16A00] =	vst v63  }
0x4bb: {  	s13 =	sadd.s32 $0xD00, s0;
	s18 =	sadd.s32 s4, s21  }
0x4bc: {  	[tilespmem:s11], [sflag:$0x1] =	stream.linear.gather [hbm4b:s7+s29], $0x40, $0x38;
	[tilespmem:$0x16A00] =	vst v63  }
0x4bd: {  	_ = 	snop  }
0x4be: {  	[tilespmem:s13], [sflag:$0x1] =	stream.strided.gather [hbm4b:s18+s14], $0x0, s15, s14, $0x38;
	[tilespmem:$0x16A00] =	vst v63  }
0x4bf: {  	s1 =	sadd.s32 s4, s1;
	s7 =	sadd.s32 $0xD40, s0  }
0x4c0: {  	[tilespmem:s13], [sflag:$0x1] =	stream.linear.gather [hbm4b:s18+s29], $0x40, $0x38;
	[tilespmem:$0x16A00] =	vst v63  }
0x4c1: {  	_ = 	snop  }
0x4c2: {  	[tilespmem:s7], [sflag:$0x1] =	stream.strided.gather [hbm4b:s1+s14], $0x0, s15, s14, $0x38;
	[tilespmem:$0x16A00] =	vst v63  }
0x4c3: {  	s10 =	sadd.s32 s4, s10;
	s11 =	sadd.s32 $0xD80, s0  }
0x4c4: {  	[tilespmem:s7], [sflag:$0x1] =	stream.linear.gather [hbm4b:s1+s29], $0x40, $0x38;
	[tilespmem:$0x16A00] =	vst v63  }
0x4c5: {  	_ = 	snop  }
0x4c6: {  	[tilespmem:s11], [sflag:$0x1] =	stream.strided.gather [hbm4b:s10+s14], $0x0, s15, s14, $0x38;
	[tilespmem:$0x16A00] =	vst v63  }
.Ltmp10:
0x4c7: {  	_ = 	snop;
	(pc) =	sbr.rel @p0 .LBB2_21-.Ltmp10, $4  }
0x4c8: {  	s0 =	sadd.s32 $0xDC0, s0;
	s1 =	sadd.s32 s4, s6  }
0x4c9: {  	[tilespmem:s11], [sflag:$0x1] =	stream.linear.gather [hbm4b:s10+s29], $0x40, $0x38;
	[tilespmem:$0x16A00] =	vst v63  }
0x4ca: {  	_ = 	snop  }
0x4cb: {  	[tilespmem:s0], [sflag:$0x1] =	stream.strided.gather [hbm4b:s1+s14], $0x0, s15, s14, $0x38;
	[tilespmem:$0x16A00] =	vst v63  }
0x4cc: {  	[tilespmem:s0], [sflag:$0x1] =	stream.linear.gather [hbm4b:s1+s29], $0x40, $0x38;
	[tilespmem:$0x16A00] =	vst v63  }
0x4cd: {  	s28 =	simm.s32 $0xAF00  }
0x4ce: {  	v1 =	vld [tilespmem:s28+$0xFFFFFB40]  }
0x4cf: {  	v2 =	vld [tilespmem:s28+$0xFFFFFB00];
	_ =	sdelay $0x1  }
0x4d0: {  	v3 =	vld [tilespmem:s28+$0xFFFFFB80];
	_ =	sdelay $0x1  }
0x4d1: {  	v4 =	vld [tilespmem:s28+$0xFFFFFBC0]  }
0x4d2: {  	v1 =	vadd.f32 v1, v2  }
0x4d3: {  	v2 =	vld [tilespmem:s28+$0xFFFFFC00]  }
0x4d4: {  	v1 =	vadd.f32 v3, v1  }
0x4d5: {  	v3 =	vld [tilespmem:s28+$0xFFFFFC40]  }
0x4d6: {  	v1 =	vadd.f32 v4, v1  }
0x4d7: {  	v4 =	vld [tilespmem:s28+$0xFFFFFC80]  }
0x4d8: {  	v1 =	vadd.f32 v2, v1  }
0x4d9: {  	v2 =	vld [tilespmem:s28+$0xFFFFFCC0]  }
0x4da: {  	v1 =	vadd.f32 v3, v1  }
0x4db: {  	v3 =	vld [tilespmem:s28+$0xFFFFFD00]  }
0x4dc: {  	v1 =	vadd.f32 v4, v1  }
0x4dd: {  	v4 =	vld [tilespmem:s28+$0xFFFFFD40]  }
0x4de: {  	v1 =	vadd.f32 v2, v1  }
0x4df: {  	v2 =	vld [tilespmem:s28+$0xFFFFFD80]  }
0x4e0: {  	v1 =	vadd.f32 v3, v1  }
0x4e1: {  	v3 =	vld [tilespmem:s28+$0xFFFFFDC0]  }
0x4e2: {  	v1 =	vadd.f32 v4, v1  }
0x4e3: {  	v4 =	vld [tilespmem:s28+$0xFFFFFE00]  }
0x4e4: {  	v1 =	vadd.f32 v2, v1  }
0x4e5: {  	v2 =	vld [tilespmem:s28+$0xFFFFFE40]  }
0x4e6: {  	v1 =	vadd.f32 v3, v1  }
0x4e7: {  	v3 =	vld [tilespmem:s28+$0xFFFFFE80]  }
0x4e8: {  	v1 =	vadd.f32 v4, v1  }
0x4e9: {  	v4 =	vld [tilespmem:s28+$0xFFFFFEC0]  }
0x4ea: {  	v1 =	vadd.f32 v2, v1  }
0x4eb: {  	v2 =	vld [tilespmem:s28+$0xFFFFFF00]  }
0x4ec: {  	v1 =	vadd.f32 v3, v1  }
0x4ed: {  	v3 =	vld [tilespmem:s28+$0xFFFFFF40]  }
0x4ee: {  	v1 =	vadd.f32 v4, v1  }
0x4ef: {  	v4 =	vld [tilespmem:s28+$0xFFFFFF80]  }
0x4f0: {  	v1 =	vadd.f32 v2, v1  }
0x4f1: {  	v2 =	vld [tilespmem:s28+$0xFFFFFFC0]  }
0x4f2: {  	v1 =	vadd.f32 v3, v1;
	_ =	sdelay $0x1  }
0x4f3: {  	v1 =	vadd.f32 v4, v1;
	_ =	sdelay $0x1  }
0x4f4: {  	v1 =	vadd.f32 v2, v1;
	_ =	sdelay $0x1  }
0x4f5: {  	[tilespmem:s25+$0x15A00] =	vst v1  }
0x4f6: {  	v1 =	vld [tilespmem:s28+$0xFFFFFB10]  }
0x4f7: {  	v2 =	vld [tilespmem:s28+$0xFFFFFB50];
	_ =	sdelay $0x1  }
0x4f8: {  	v3 =	vld [tilespmem:s28+$0xFFFFFB90];
	_ =	sdelay $0x1  }
0x4f9: {  	v4 =	vld [tilespmem:s28+$0xFFFFFBD0]  }
0x4fa: {  	v1 =	vadd.f32 v2, v1  }
0x4fb: {  	v2 =	vld [tilespmem:s28+$0xFFFFFC10]  }
0x4fc: {  	v1 =	vadd.f32 v3, v1  }
0x4fd: {  	v3 =	vld [tilespmem:s28+$0xFFFFFC50]  }
0x4fe: {  	v1 =	vadd.f32 v4, v1  }
0x4ff: {  	v4 =	vld [tilespmem:s28+$0xFFFFFC90]  }
0x500: {  	v1 =	vadd.f32 v2, v1  }
0x501: {  	v2 =	vld [tilespmem:s28+$0xFFFFFCD0]  }
0x502: {  	v1 =	vadd.f32 v3, v1  }
0x503: {  	v3 =	vld [tilespmem:s28+$0xFFFFFD10]  }
0x504: {  	v1 =	vadd.f32 v4, v1  }
0x505: {  	v4 =	vld [tilespmem:s28+$0xFFFFFD50]  }
0x506: {  	v1 =	vadd.f32 v2, v1  }
0x507: {  	v2 =	vld [tilespmem:s28+$0xFFFFFD90]  }
0x508: {  	v1 =	vadd.f32 v3, v1  }
0x509: {  	v3 =	vld [tilespmem:s28+$0xFFFFFDD0]  }
0x50a: {  	v1 =	vadd.f32 v4, v1  }
0x50b: {  	v4 =	vld [tilespmem:s28+$0xFFFFFE10]  }
0x50c: {  	v1 =	vadd.f32 v2, v1  }
0x50d: {  	v2 =	vld [tilespmem:s28+$0xFFFFFE50]  }
0x50e: {  	v1 =	vadd.f32 v3, v1  }
0x50f: {  	v3 =	vld [tilespmem:s28+$0xFFFFFE90]  }
0x510: {  	v1 =	vadd.f32 v4, v1  }
0x511: {  	v4 =	vld [tilespmem:s28+$0xFFFFFED0]  }
0x512: {  	v1 =	vadd.f32 v2, v1  }
0x513: {  	v2 =	vld [tilespmem:s28+$0xFFFFFF10]  }
0x514: {  	v1 =	vadd.f32 v3, v1  }
0x515: {  	v3 =	vld [tilespmem:s28+$0xFFFFFF50]  }
0x516: {  	v1 =	vadd.f32 v4, v1  }
0x517: {  	v4 =	vld [tilespmem:s28+$0xFFFFFF90]  }
0x518: {  	v1 =	vadd.f32 v2, v1  }
0x519: {  	v2 =	vld [tilespmem:s28+$0xFFFFFFD0]  }
0x51a: {  	v1 =	vadd.f32 v3, v1;
	_ =	sdelay $0x1  }
0x51b: {  	v1 =	vadd.f32 v4, v1;
	_ =	sdelay $0x1  }
0x51c: {  	v1 =	vadd.f32 v2, v1;
	_ =	sdelay $0x1  }
0x51d: {  	[tilespmem:s25+$0x15A10] =	vst v1  }
0x51e: {  	v1 =	vld [tilespmem:s28+$0xFFFFFB20]  }
0x51f: {  	v2 =	vld [tilespmem:s28+$0xFFFFFB60];
	_ =	sdelay $0x1  }
0x520: {  	v3 =	vld [tilespmem:s28+$0xFFFFFBA0];
	_ =	sdelay $0x1  }
0x521: {  	v4 =	vld [tilespmem:s28+$0xFFFFFBE0]  }
0x522: {  	v1 =	vadd.f32 v2, v1  }
0x523: {  	v2 =	vld [tilespmem:s28+$0xFFFFFC20]  }
0x524: {  	v1 =	vadd.f32 v3, v1  }
0x525: {  	v3 =	vld [tilespmem:s28+$0xFFFFFC60]  }
0x526: {  	v1 =	vadd.f32 v4, v1  }
0x527: {  	v4 =	vld [tilespmem:s28+$0xFFFFFCA0]  }
0x528: {  	v1 =	vadd.f32 v2, v1  }
0x529: {  	v2 =	vld [tilespmem:s28+$0xFFFFFCE0]  }
0x52a: {  	v1 =	vadd.f32 v3, v1  }
0x52b: {  	v3 =	vld [tilespmem:s28+$0xFFFFFD20]  }
0x52c: {  	v1 =	vadd.f32 v4, v1  }
0x52d: {  	v4 =	vld [tilespmem:s28+$0xFFFFFD60]  }
0x52e: {  	v1 =	vadd.f32 v2, v1  }
0x52f: {  	v2 =	vld [tilespmem:s28+$0xFFFFFDA0]  }
0x530: {  	v1 =	vadd.f32 v3, v1  }
0x531: {  	v3 =	vld [tilespmem:s28+$0xFFFFFDE0]  }
0x532: {  	v1 =	vadd.f32 v4, v1  }
0x533: {  	v4 =	vld [tilespmem:s28+$0xFFFFFE20]  }
0x534: {  	v1 =	vadd.f32 v2, v1  }
0x535: {  	v2 =	vld [tilespmem:s28+$0xFFFFFE60]  }
0x536: {  	v1 =	vadd.f32 v3, v1  }
0x537: {  	v3 =	vld [tilespmem:s28+$0xFFFFFEA0]  }
0x538: {  	v1 =	vadd.f32 v4, v1  }
0x539: {  	v4 =	vld [tilespmem:s28+$0xFFFFFEE0]  }
0x53a: {  	v1 =	vadd.f32 v2, v1  }
0x53b: {  	v2 =	vld [tilespmem:s28+$0xFFFFFF20]  }
0x53c: {  	v1 =	vadd.f32 v3, v1  }
0x53d: {  	v3 =	vld [tilespmem:s28+$0xFFFFFF60]  }
0x53e: {  	v1 =	vadd.f32 v4, v1  }
0x53f: {  	v4 =	vld [tilespmem:s28+$0xFFFFFFA0]  }
0x540: {  	v1 =	vadd.f32 v2, v1  }
0x541: {  	v2 =	vld [tilespmem:s28+$0xFFFFFFE0]  }
0x542: {  	v1 =	vadd.f32 v3, v1;
	_ =	sdelay $0x1  }
0x543: {  	v1 =	vadd.f32 v4, v1;
	_ =	sdelay $0x1  }
0x544: {  	v1 =	vadd.f32 v2, v1;
	_ =	sdelay $0x1  }
0x545: {  	[tilespmem:s25+$0x15A20] =	vst v1  }
0x546: {  	v1 =	vld [tilespmem:s28+$0xFFFFFB30]  }
0x547: {  	v2 =	vld [tilespmem:s28+$0xFFFFFB70];
	_ =	sdelay $0x1  }
0x548: {  	v3 =	vld [tilespmem:s28+$0xFFFFFBB0];
	_ =	sdelay $0x1  }
0x549: {  	v4 =	vld [tilespmem:s28+$0xFFFFFBF0]  }
0x54a: {  	v1 =	vadd.f32 v2, v1  }
0x54b: {  	v2 =	vld [tilespmem:s28+$0xFFFFFC30]  }
0x54c: {  	v1 =	vadd.f32 v3, v1  }
0x54d: {  	v3 =	vld [tilespmem:s28+$0xFFFFFC70]  }
0x54e: {  	v1 =	vadd.f32 v4, v1  }
0x54f: {  	v4 =	vld [tilespmem:s28+$0xFFFFFCB0]  }
0x550: {  	v1 =	vadd.f32 v2, v1  }
0x551: {  	v2 =	vld [tilespmem:s28+$0xFFFFFCF0]  }
0x552: {  	v1 =	vadd.f32 v3, v1  }
0x553: {  	v3 =	vld [tilespmem:s28+$0xFFFFFD30]  }
0x554: {  	v1 =	vadd.f32 v4, v1  }
0x555: {  	v4 =	vld [tilespmem:s28+$0xFFFFFD70]  }
0x556: {  	v1 =	vadd.f32 v2, v1  }
0x557: {  	v2 =	vld [tilespmem:s28+$0xFFFFFDB0]  }
0x558: {  	v1 =	vadd.f32 v3, v1  }
0x559: {  	v3 =	vld [tilespmem:s28+$0xFFFFFDF0]  }
0x55a: {  	v1 =	vadd.f32 v4, v1  }
0x55b: {  	v4 =	vld [tilespmem:s28+$0xFFFFFE30]  }
0x55c: {  	v1 =	vadd.f32 v2, v1  }
0x55d: {  	v2 =	vld [tilespmem:s28+$0xFFFFFE70]  }
0x55e: {  	v1 =	vadd.f32 v3, v1  }
0x55f: {  	v3 =	vld [tilespmem:s28+$0xFFFFFEB0]  }
0x560: {  	v1 =	vadd.f32 v4, v1  }
0x561: {  	v4 =	vld [tilespmem:s28+$0xFFFFFEF0]  }
0x562: {  	v1 =	vadd.f32 v2, v1  }
0x563: {  	v2 =	vld [tilespmem:s28+$0xFFFFFF30]  }
0x564: {  	v1 =	vadd.f32 v3, v1  }
0x565: {  	v3 =	vld [tilespmem:s28+$0xFFFFFF70]  }
0x566: {  	v1 =	vadd.f32 v4, v1  }
0x567: {  	v4 =	vld [tilespmem:s28+$0xFFFFFFB0]  }
0x568: {  	v1 =	vadd.f32 v2, v1  }
0x569: {  	v2 =	vld [tilespmem:s28+$0xFFFFFFF0]  }
0x56a: {  	v1 =	vadd.f32 v3, v1;
	_ =	sdelay $0x1  }
0x56b: {  	v1 =	vadd.f32 v4, v1;
	_ =	sdelay $0x1  }
0x56c: {  	v1 =	vadd.f32 v2, v1;
	_ =	sdelay $0x1  }
0x56d: {  	[tilespmem:s25+$0x15A30] =	vst v1  }
0x56e: {  	v1 =	vld [tilespmem:s28+$0x0]  }
0x56f: {  	v2 =	vld [tilespmem:s28+$0x40];
	_ =	sdelay $0x1  }
0x570: {  	v3 =	vld [tilespmem:s28+$0x80];
	_ =	sdelay $0x1  }
0x571: {  	v4 =	vld [tilespmem:s28+$0xC0]  }
0x572: {  	v1 =	vadd.f32 v2, v1  }
0x573: {  	v2 =	vld [tilespmem:s28+$0x100]  }
0x574: {  	v1 =	vadd.f32 v3, v1  }
0x575: {  	v3 =	vld [tilespmem:s28+$0x140]  }
0x576: {  	v1 =	vadd.f32 v4, v1  }
0x577: {  	v4 =	vld [tilespmem:s28+$0x180]  }
0x578: {  	v1 =	vadd.f32 v2, v1  }
0x579: {  	v2 =	vld [tilespmem:s28+$0x1C0]  }
0x57a: {  	v1 =	vadd.f32 v3, v1  }
0x57b: {  	v3 =	vld [tilespmem:s28+$0x200]  }
0x57c: {  	v1 =	vadd.f32 v4, v1  }
0x57d: {  	v4 =	vld [tilespmem:s28+$0x240]  }
0x57e: {  	v1 =	vadd.f32 v2, v1  }
0x57f: {  	v2 =	vld [tilespmem:s28+$0x280]  }
0x580: {  	v1 =	vadd.f32 v3, v1  }
0x581: {  	v3 =	vld [tilespmem:s28+$0x2C0]  }
0x582: {  	v1 =	vadd.f32 v4, v1  }
0x583: {  	v4 =	vld [tilespmem:s28+$0x300]  }
0x584: {  	v1 =	vadd.f32 v2, v1  }
0x585: {  	v2 =	vld [tilespmem:s28+$0x340]  }
0x586: {  	v1 =	vadd.f32 v3, v1  }
0x587: {  	v3 =	vld [tilespmem:s28+$0x380]  }
0x588: {  	v1 =	vadd.f32 v4, v1  }
0x589: {  	v4 =	vld [tilespmem:s28+$0x3C0]  }
0x58a: {  	v1 =	vadd.f32 v2, v1  }
0x58b: {  	v2 =	vld [tilespmem:s28+$0x400]  }
0x58c: {  	v1 =	vadd.f32 v3, v1  }
0x58d: {  	v3 =	vld [tilespmem:s28+$0x440]  }
0x58e: {  	v1 =	vadd.f32 v4, v1  }
0x58f: {  	v4 =	vld [tilespmem:s28+$0x480]  }
0x590: {  	v1 =	vadd.f32 v2, v1  }
0x591: {  	v2 =	vld [tilespmem:s28+$0x4C0]  }
0x592: {  	v1 =	vadd.f32 v3, v1;
	_ =	sdelay $0x1  }
0x593: {  	v1 =	vadd.f32 v4, v1;
	_ =	sdelay $0x1  }
0x594: {  	v1 =	vadd.f32 v2, v1;
	_ =	sdelay $0x1  }
0x595: {  	[tilespmem:s25+$0x15A80] =	vst v1  }
0x596: {  	v1 =	vld [tilespmem:s28+$0x10]  }
0x597: {  	v2 =	vld [tilespmem:s28+$0x50];
	_ =	sdelay $0x1  }
0x598: {  	v3 =	vld [tilespmem:s28+$0x90];
	_ =	sdelay $0x1  }
0x599: {  	v4 =	vld [tilespmem:s28+$0xD0]  }
0x59a: {  	v1 =	vadd.f32 v2, v1  }
0x59b: {  	v2 =	vld [tilespmem:s28+$0x110]  }
0x59c: {  	v1 =	vadd.f32 v3, v1  }
0x59d: {  	v3 =	vld [tilespmem:s28+$0x150]  }
0x59e: {  	v1 =	vadd.f32 v4, v1  }
0x59f: {  	v4 =	vld [tilespmem:s28+$0x190]  }
0x5a0: {  	v1 =	vadd.f32 v2, v1  }
0x5a1: {  	v2 =	vld [tilespmem:s28+$0x1D0]  }
0x5a2: {  	v1 =	vadd.f32 v3, v1  }
0x5a3: {  	v3 =	vld [tilespmem:s28+$0x210]  }
0x5a4: {  	v1 =	vadd.f32 v4, v1  }
0x5a5: {  	v4 =	vld [tilespmem:s28+$0x250]  }
0x5a6: {  	v1 =	vadd.f32 v2, v1  }
0x5a7: {  	v2 =	vld [tilespmem:s28+$0x290]  }
0x5a8: {  	v1 =	vadd.f32 v3, v1  }
0x5a9: {  	v3 =	vld [tilespmem:s28+$0x2D0]  }
0x5aa: {  	v1 =	vadd.f32 v4, v1  }
0x5ab: {  	v4 =	vld [tilespmem:s28+$0x310]  }
0x5ac: {  	v1 =	vadd.f32 v2, v1  }
0x5ad: {  	v2 =	vld [tilespmem:s28+$0x350]  }
0x5ae: {  	v1 =	vadd.f32 v3, v1  }
0x5af: {  	v3 =	vld [tilespmem:s28+$0x390]  }
0x5b0: {  	v1 =	vadd.f32 v4, v1  }
0x5b1: {  	v4 =	vld [tilespmem:s28+$0x3D0]  }
0x5b2: {  	v1 =	vadd.f32 v2, v1  }
0x5b3: {  	v2 =	vld [tilespmem:s28+$0x410]  }
0x5b4: {  	v1 =	vadd.f32 v3, v1  }
0x5b5: {  	v3 =	vld [tilespmem:s28+$0x450]  }
0x5b6: {  	v1 =	vadd.f32 v4, v1  }
0x5b7: {  	v4 =	vld [tilespmem:s28+$0x490]  }
0x5b8: {  	v1 =	vadd.f32 v2, v1  }
0x5b9: {  	v2 =	vld [tilespmem:s28+$0x4D0]  }
0x5ba: {  	v1 =	vadd.f32 v3, v1;
	_ =	sdelay $0x1  }
0x5bb: {  	v1 =	vadd.f32 v4, v1;
	_ =	sdelay $0x1  }
0x5bc: {  	v1 =	vadd.f32 v2, v1;
	_ =	sdelay $0x1  }
0x5bd: {  	[tilespmem:s25+$0x15A90] =	vst v1  }
0x5be: {  	v1 =	vld [tilespmem:s28+$0x20]  }
0x5bf: {  	v2 =	vld [tilespmem:s28+$0x60];
	_ =	sdelay $0x1  }
0x5c0: {  	v3 =	vld [tilespmem:s28+$0xA0];
	_ =	sdelay $0x1  }
0x5c1: {  	v4 =	vld [tilespmem:s28+$0xE0]  }
0x5c2: {  	v1 =	vadd.f32 v2, v1  }
0x5c3: {  	v2 =	vld [tilespmem:s28+$0x120]  }
0x5c4: {  	v1 =	vadd.f32 v3, v1  }
0x5c5: {  	v3 =	vld [tilespmem:s28+$0x160]  }
0x5c6: {  	v1 =	vadd.f32 v4, v1  }
0x5c7: {  	v4 =	vld [tilespmem:s28+$0x1A0]  }
0x5c8: {  	v1 =	vadd.f32 v2, v1  }
0x5c9: {  	v2 =	vld [tilespmem:s28+$0x1E0]  }
0x5ca: {  	v1 =	vadd.f32 v3, v1  }
0x5cb: {  	v3 =	vld [tilespmem:s28+$0x220]  }
0x5cc: {  	v1 =	vadd.f32 v4, v1  }
0x5cd: {  	v4 =	vld [tilespmem:s28+$0x260]  }
0x5ce: {  	v1 =	vadd.f32 v2, v1  }
0x5cf: {  	v2 =	vld [tilespmem:s28+$0x2A0]  }
0x5d0: {  	v1 =	vadd.f32 v3, v1  }
0x5d1: {  	v3 =	vld [tilespmem:s28+$0x2E0]  }
0x5d2: {  	v1 =	vadd.f32 v4, v1  }
0x5d3: {  	v4 =	vld [tilespmem:s28+$0x320]  }
0x5d4: {  	v1 =	vadd.f32 v2, v1  }
0x5d5: {  	v2 =	vld [tilespmem:s28+$0x360]  }
0x5d6: {  	v1 =	vadd.f32 v3, v1  }
0x5d7: {  	v3 =	vld [tilespmem:s28+$0x3A0]  }
0x5d8: {  	v1 =	vadd.f32 v4, v1  }
0x5d9: {  	v4 =	vld [tilespmem:s28+$0x3E0]  }
0x5da: {  	v1 =	vadd.f32 v2, v1  }
0x5db: {  	v2 =	vld [tilespmem:s28+$0x420]  }
0x5dc: {  	v1 =	vadd.f32 v3, v1  }
0x5dd: {  	v3 =	vld [tilespmem:s28+$0x460]  }
0x5de: {  	v1 =	vadd.f32 v4, v1  }
0x5df: {  	v4 =	vld [tilespmem:s28+$0x4A0]  }
0x5e0: {  	v1 =	vadd.f32 v2, v1  }
0x5e1: {  	v2 =	vld [tilespmem:s28+$0x4E0]  }
0x5e2: {  	v1 =	vadd.f32 v3, v1;
	_ =	sdelay $0x1  }
0x5e3: {  	v1 =	vadd.f32 v4, v1;
	_ =	sdelay $0x1  }
0x5e4: {  	v1 =	vadd.f32 v2, v1;
	_ =	sdelay $0x1  }
0x5e5: {  	[tilespmem:s25+$0x15AA0] =	vst v1  }
0x5e6: {  	v1 =	vld [tilespmem:s28+$0x30]  }
0x5e7: {  	v2 =	vld [tilespmem:s28+$0x70];
	_ =	sdelay $0x1  }
0x5e8: {  	v3 =	vld [tilespmem:s28+$0xB0];
	_ =	sdelay $0x1  }
0x5e9: {  	v4 =	vld [tilespmem:s28+$0xF0]  }
0x5ea: {  	v1 =	vadd.f32 v2, v1  }
0x5eb: {  	v2 =	vld [tilespmem:s28+$0x130]  }
0x5ec: {  	v1 =	vadd.f32 v3, v1  }
0x5ed: {  	v3 =	vld [tilespmem:s28+$0x170]  }
0x5ee: {  	v1 =	vadd.f32 v4, v1  }
0x5ef: {  	v4 =	vld [tilespmem:s28+$0x1B0]  }
0x5f0: {  	v1 =	vadd.f32 v2, v1  }
0x5f1: {  	v2 =	vld [tilespmem:s28+$0x1F0]  }
0x5f2: {  	v1 =	vadd.f32 v3, v1  }
0x5f3: {  	v3 =	vld [tilespmem:s28+$0x230]  }
0x5f4: {  	v1 =	vadd.f32 v4, v1  }
0x5f5: {  	v4 =	vld [tilespmem:s28+$0x270]  }
0x5f6: {  	v1 =	vadd.f32 v2, v1  }
0x5f7: {  	v2 =	vld [tilespmem:s28+$0x2B0]  }
0x5f8: {  	v1 =	vadd.f32 v3, v1  }
0x5f9: {  	v3 =	vld [tilespmem:s28+$0x2F0]  }
0x5fa: {  	v1 =	vadd.f32 v4, v1  }
0x5fb: {  	v4 =	vld [tilespmem:s28+$0x330]  }
0x5fc: {  	v1 =	vadd.f32 v2, v1  }
0x5fd: {  	v2 =	vld [tilespmem:s28+$0x370]  }
0x5fe: {  	v1 =	vadd.f32 v3, v1  }
0x5ff: {  	v3 =	vld [tilespmem:s28+$0x3B0]  }
0x600: {  	v1 =	vadd.f32 v4, v1  }
0x601: {  	v5 =	vld [tilespmem:s28+$0x3F0]  }
0x602: {  	v2 =	vadd.f32 v2, v1  }
0x603: {  	v4 =	vld [tilespmem:s28+$0x430]  }
0x604: {  	v1 =	vld [tilespmem:s28+$0x470];
	v6 =	vadd.f32 v3, v2  }
0x605: {  	v3 =	vld [tilespmem:s28+$0x4B0]  }
0x606: {  	s29 =	simm.s32 $0x400;
	v2 =	vld [tilespmem:s28+$0x4F0];
	v5 =	vadd.f32 v5, v6  }
.LBB2_23:
0x607: {  	p0 =	sne.s32 s29, $0x3C00  }
0x608: {  	s28 =	sadd.s32 $0xA00, s28;
	s0 =	smov.u32 s29;
	s29 =	sadd.s32 $0x400, s29;
	v4 =	vadd.f32 v4, v5  }
0x609: {  	_ = 	snop  }
0x60a: {  	v1 =	vadd.f32 v1, v4;
	_ =	sdelay $0x1  }
0x60b: {  	v1 =	vadd.f32 v3, v1;
	_ =	sdelay $0x1  }
0x60c: {  	v1 =	vadd.f32 v2, v1;
	_ =	sdelay $0x1  }
0x60d: {  	[tilespmem:s25+$0x15AB0] =	vst v1  }
0x60e: {  	v1 =	vld [tilespmem:s28+$0xFFFFFB40]  }
0x60f: {  	v2 =	vld [tilespmem:s28+$0xFFFFFB00]  }
0x610: {  	v3 =	vld [tilespmem:s28+$0xFFFFFB80];
	_ =	sdelay $0x2  }
0x611: {  	v4 =	vld [tilespmem:s28+$0xFFFFFBC0]  }
0x612: {  	v1 =	vadd.f32 v1, v2  }
0x613: {  	v2 =	vld [tilespmem:s28+$0xFFFFFC00]  }
0x614: {  	v1 =	vadd.f32 v3, v1  }
0x615: {  	v3 =	vld [tilespmem:s28+$0xFFFFFC40]  }
0x616: {  	v1 =	vadd.f32 v4, v1  }
0x617: {  	v4 =	vld [tilespmem:s28+$0xFFFFFC80]  }
0x618: {  	v1 =	vadd.f32 v2, v1  }
0x619: {  	v2 =	vld [tilespmem:s28+$0xFFFFFCC0]  }
0x61a: {  	v1 =	vadd.f32 v3, v1  }
0x61b: {  	v3 =	vld [tilespmem:s28+$0xFFFFFD00]  }
0x61c: {  	v1 =	vadd.f32 v4, v1  }
0x61d: {  	v4 =	vld [tilespmem:s28+$0xFFFFFD40]  }
0x61e: {  	v1 =	vadd.f32 v2, v1  }
0x61f: {  	v2 =	vld [tilespmem:s28+$0xFFFFFD80]  }
0x620: {  	v1 =	vadd.f32 v3, v1  }
0x621: {  	v3 =	vld [tilespmem:s28+$0xFFFFFDC0]  }
0x622: {  	v1 =	vadd.f32 v4, v1  }
0x623: {  	v4 =	vld [tilespmem:s28+$0xFFFFFE00]  }
0x624: {  	v1 =	vadd.f32 v2, v1  }
0x625: {  	v2 =	vld [tilespmem:s28+$0xFFFFFE40]  }
0x626: {  	v1 =	vadd.f32 v3, v1  }
0x627: {  	v3 =	vld [tilespmem:s28+$0xFFFFFE80]  }
0x628: {  	v1 =	vadd.f32 v4, v1  }
0x629: {  	v4 =	vld [tilespmem:s28+$0xFFFFFEC0]  }
0x62a: {  	v1 =	vadd.f32 v2, v1  }
0x62b: {  	v2 =	vld [tilespmem:s28+$0xFFFFFF00]  }
0x62c: {  	v1 =	vadd.f32 v3, v1  }
0x62d: {  	v3 =	vld [tilespmem:s28+$0xFFFFFF40]  }
0x62e: {  	v1 =	vadd.f32 v4, v1  }
0x62f: {  	v4 =	vld [tilespmem:s28+$0xFFFFFF80]  }
0x630: {  	v1 =	vadd.f32 v2, v1  }
0x631: {  	v2 =	vld [tilespmem:s28+$0xFFFFFFC0]  }
0x632: {  	v1 =	vadd.f32 v3, v1;
	_ =	sdelay $0x1  }
0x633: {  	v1 =	vadd.f32 v4, v1;
	_ =	sdelay $0x1  }
0x634: {  	v1 =	vadd.f32 v2, v1  }
0x635: {  	s25 =	sshra.s32 s0, $0x2  }
0x636: {  	[tilespmem:s25+$0x15A00] =	vst v1  }
0x637: {  	v1 =	vld [tilespmem:s28+$0xFFFFFB10]  }
0x638: {  	v2 =	vld [tilespmem:s28+$0xFFFFFB50];
	_ =	sdelay $0x1  }
0x639: {  	v3 =	vld [tilespmem:s28+$0xFFFFFB90];
	_ =	sdelay $0x1  }
0x63a: {  	v4 =	vld [tilespmem:s28+$0xFFFFFBD0]  }
0x63b: {  	v1 =	vadd.f32 v2, v1  }
0x63c: {  	v2 =	vld [tilespmem:s28+$0xFFFFFC10]  }
0x63d: {  	v1 =	vadd.f32 v3, v1  }
0x63e: {  	v3 =	vld [tilespmem:s28+$0xFFFFFC50]  }
0x63f: {  	v1 =	vadd.f32 v4, v1  }
0x640: {  	v4 =	vld [tilespmem:s28+$0xFFFFFC90]  }
0x641: {  	v1 =	vadd.f32 v2, v1  }
0x642: {  	v2 =	vld [tilespmem:s28+$0xFFFFFCD0]  }
0x643: {  	v1 =	vadd.f32 v3, v1  }
0x644: {  	v3 =	vld [tilespmem:s28+$0xFFFFFD10]  }
0x645: {  	v1 =	vadd.f32 v4, v1  }
0x646: {  	v4 =	vld [tilespmem:s28+$0xFFFFFD50]  }
0x647: {  	v1 =	vadd.f32 v2, v1  }
0x648: {  	v2 =	vld [tilespmem:s28+$0xFFFFFD90]  }
0x649: {  	v1 =	vadd.f32 v3, v1  }
0x64a: {  	v3 =	vld [tilespmem:s28+$0xFFFFFDD0]  }
0x64b: {  	v1 =	vadd.f32 v4, v1  }
0x64c: {  	v4 =	vld [tilespmem:s28+$0xFFFFFE10]  }
0x64d: {  	v1 =	vadd.f32 v2, v1  }
0x64e: {  	v2 =	vld [tilespmem:s28+$0xFFFFFE50]  }
0x64f: {  	v1 =	vadd.f32 v3, v1  }
0x650: {  	v3 =	vld [tilespmem:s28+$0xFFFFFE90]  }
0x651: {  	v1 =	vadd.f32 v4, v1  }
0x652: {  	v4 =	vld [tilespmem:s28+$0xFFFFFED0]  }
0x653: {  	v1 =	vadd.f32 v2, v1  }
0x654: {  	v2 =	vld [tilespmem:s28+$0xFFFFFF10]  }
0x655: {  	v1 =	vadd.f32 v3, v1  }
0x656: {  	v3 =	vld [tilespmem:s28+$0xFFFFFF50]  }
0x657: {  	v1 =	vadd.f32 v4, v1  }
0x658: {  	v4 =	vld [tilespmem:s28+$0xFFFFFF90]  }
0x659: {  	v1 =	vadd.f32 v2, v1  }
0x65a: {  	v2 =	vld [tilespmem:s28+$0xFFFFFFD0]  }
0x65b: {  	v1 =	vadd.f32 v3, v1;
	_ =	sdelay $0x1  }
0x65c: {  	v1 =	vadd.f32 v4, v1;
	_ =	sdelay $0x1  }
0x65d: {  	v1 =	vadd.f32 v2, v1;
	_ =	sdelay $0x1  }
0x65e: {  	[tilespmem:s25+$0x15A10] =	vst v1  }
0x65f: {  	v1 =	vld [tilespmem:s28+$0xFFFFFB20]  }
0x660: {  	v2 =	vld [tilespmem:s28+$0xFFFFFB60];
	_ =	sdelay $0x1  }
0x661: {  	v3 =	vld [tilespmem:s28+$0xFFFFFBA0];
	_ =	sdelay $0x1  }
0x662: {  	v4 =	vld [tilespmem:s28+$0xFFFFFBE0]  }
0x663: {  	v1 =	vadd.f32 v2, v1  }
0x664: {  	v2 =	vld [tilespmem:s28+$0xFFFFFC20]  }
0x665: {  	v1 =	vadd.f32 v3, v1  }
0x666: {  	v3 =	vld [tilespmem:s28+$0xFFFFFC60]  }
0x667: {  	v1 =	vadd.f32 v4, v1  }
0x668: {  	v4 =	vld [tilespmem:s28+$0xFFFFFCA0]  }
0x669: {  	v1 =	vadd.f32 v2, v1  }
0x66a: {  	v2 =	vld [tilespmem:s28+$0xFFFFFCE0]  }
0x66b: {  	v1 =	vadd.f32 v3, v1  }
0x66c: {  	v3 =	vld [tilespmem:s28+$0xFFFFFD20]  }
0x66d: {  	v1 =	vadd.f32 v4, v1  }
0x66e: {  	v4 =	vld [tilespmem:s28+$0xFFFFFD60]  }
0x66f: {  	v1 =	vadd.f32 v2, v1  }
0x670: {  	v2 =	vld [tilespmem:s28+$0xFFFFFDA0]  }
0x671: {  	v1 =	vadd.f32 v3, v1  }
0x672: {  	v3 =	vld [tilespmem:s28+$0xFFFFFDE0]  }
0x673: {  	v1 =	vadd.f32 v4, v1  }
0x674: {  	v4 =	vld [tilespmem:s28+$0xFFFFFE20]  }
0x675: {  	v1 =	vadd.f32 v2, v1  }
0x676: {  	v2 =	vld [tilespmem:s28+$0xFFFFFE60]  }
0x677: {  	v1 =	vadd.f32 v3, v1  }
0x678: {  	v3 =	vld [tilespmem:s28+$0xFFFFFEA0]  }
0x679: {  	v1 =	vadd.f32 v4, v1  }
0x67a: {  	v4 =	vld [tilespmem:s28+$0xFFFFFEE0]  }
0x67b: {  	v1 =	vadd.f32 v2, v1  }
0x67c: {  	v2 =	vld [tilespmem:s28+$0xFFFFFF20]  }
0x67d: {  	v1 =	vadd.f32 v3, v1  }
0x67e: {  	v3 =	vld [tilespmem:s28+$0xFFFFFF60]  }
0x67f: {  	v1 =	vadd.f32 v4, v1  }
0x680: {  	v4 =	vld [tilespmem:s28+$0xFFFFFFA0]  }
0x681: {  	v1 =	vadd.f32 v2, v1  }
0x682: {  	v2 =	vld [tilespmem:s28+$0xFFFFFFE0]  }
0x683: {  	v1 =	vadd.f32 v3, v1;
	_ =	sdelay $0x1  }
0x684: {  	v1 =	vadd.f32 v4, v1;
	_ =	sdelay $0x1  }
0x685: {  	v1 =	vadd.f32 v2, v1;
	_ =	sdelay $0x1  }
0x686: {  	[tilespmem:s25+$0x15A20] =	vst v1  }
0x687: {  	v1 =	vld [tilespmem:s28+$0xFFFFFB30]  }
0x688: {  	v2 =	vld [tilespmem:s28+$0xFFFFFB70]  }
0x689: {  	v3 =	vld [tilespmem:s28+$0xFFFFFBB0];
	_ =	sdelay $0x2  }
0x68a: {  	v4 =	vld [tilespmem:s28+$0xFFFFFBF0]  }
0x68b: {  	v1 =	vadd.f32 v2, v1  }
0x68c: {  	v2 =	vld [tilespmem:s28+$0xFFFFFC30]  }
0x68d: {  	v1 =	vadd.f32 v3, v1  }
0x68e: {  	v3 =	vld [tilespmem:s28+$0xFFFFFC70]  }
0x68f: {  	v1 =	vadd.f32 v4, v1  }
0x690: {  	v4 =	vld [tilespmem:s28+$0xFFFFFCB0]  }
0x691: {  	v1 =	vadd.f32 v2, v1  }
0x692: {  	v2 =	vld [tilespmem:s28+$0xFFFFFCF0]  }
0x693: {  	v1 =	vadd.f32 v3, v1  }
0x694: {  	v3 =	vld [tilespmem:s28+$0xFFFFFD30]  }
0x695: {  	v1 =	vadd.f32 v4, v1  }
0x696: {  	v4 =	vld [tilespmem:s28+$0xFFFFFD70]  }
0x697: {  	v1 =	vadd.f32 v2, v1  }
0x698: {  	v2 =	vld [tilespmem:s28+$0xFFFFFDB0]  }
0x699: {  	v1 =	vadd.f32 v3, v1  }
0x69a: {  	v3 =	vld [tilespmem:s28+$0xFFFFFDF0]  }
0x69b: {  	v1 =	vadd.f32 v4, v1  }
0x69c: {  	v4 =	vld [tilespmem:s28+$0xFFFFFE30]  }
0x69d: {  	v1 =	vadd.f32 v2, v1  }
0x69e: {  	v2 =	vld [tilespmem:s28+$0xFFFFFE70]  }
0x69f: {  	v1 =	vadd.f32 v3, v1  }
0x6a0: {  	v3 =	vld [tilespmem:s28+$0xFFFFFEB0]  }
0x6a1: {  	v1 =	vadd.f32 v4, v1  }
0x6a2: {  	v4 =	vld [tilespmem:s28+$0xFFFFFEF0]  }
0x6a3: {  	v1 =	vadd.f32 v2, v1  }
0x6a4: {  	v2 =	vld [tilespmem:s28+$0xFFFFFF30]  }
0x6a5: {  	v1 =	vadd.f32 v3, v1  }
0x6a6: {  	v3 =	vld [tilespmem:s28+$0xFFFFFF70]  }
0x6a7: {  	v1 =	vadd.f32 v4, v1  }
0x6a8: {  	v4 =	vld [tilespmem:s28+$0xFFFFFFB0]  }
0x6a9: {  	v1 =	vadd.f32 v2, v1  }
0x6aa: {  	v2 =	vld [tilespmem:s28+$0xFFFFFFF0]  }
0x6ab: {  	v1 =	vadd.f32 v3, v1;
	_ =	sdelay $0x1  }
0x6ac: {  	v1 =	vadd.f32 v4, v1;
	_ =	sdelay $0x1  }
0x6ad: {  	v1 =	vadd.f32 v2, v1;
	_ =	sdelay $0x1  }
0x6ae: {  	[tilespmem:s25+$0x15A30] =	vst v1  }
0x6af: {  	v1 =	vld [tilespmem:s28+$0x0]  }
0x6b0: {  	v2 =	vld [tilespmem:s28+$0x40];
	_ =	sdelay $0x1  }
0x6b1: {  	v3 =	vld [tilespmem:s28+$0x80];
	_ =	sdelay $0x1  }
0x6b2: {  	v4 =	vld [tilespmem:s28+$0xC0]  }
0x6b3: {  	v1 =	vadd.f32 v2, v1  }
0x6b4: {  	v2 =	vld [tilespmem:s28+$0x100]  }
0x6b5: {  	v1 =	vadd.f32 v3, v1  }
0x6b6: {  	v3 =	vld [tilespmem:s28+$0x140]  }
0x6b7: {  	v1 =	vadd.f32 v4, v1  }
0x6b8: {  	v4 =	vld [tilespmem:s28+$0x180]  }
0x6b9: {  	v1 =	vadd.f32 v2, v1  }
0x6ba: {  	v2 =	vld [tilespmem:s28+$0x1C0]  }
0x6bb: {  	v1 =	vadd.f32 v3, v1  }
0x6bc: {  	v3 =	vld [tilespmem:s28+$0x200]  }
0x6bd: {  	v1 =	vadd.f32 v4, v1  }
0x6be: {  	v4 =	vld [tilespmem:s28+$0x240]  }
0x6bf: {  	v1 =	vadd.f32 v2, v1  }
0x6c0: {  	v2 =	vld [tilespmem:s28+$0x280]  }
0x6c1: {  	v1 =	vadd.f32 v3, v1  }
0x6c2: {  	v3 =	vld [tilespmem:s28+$0x2C0]  }
0x6c3: {  	v1 =	vadd.f32 v4, v1  }
0x6c4: {  	v4 =	vld [tilespmem:s28+$0x300]  }
0x6c5: {  	v1 =	vadd.f32 v2, v1  }
0x6c6: {  	v2 =	vld [tilespmem:s28+$0x340]  }
0x6c7: {  	v1 =	vadd.f32 v3, v1  }
0x6c8: {  	v3 =	vld [tilespmem:s28+$0x380]  }
0x6c9: {  	v1 =	vadd.f32 v4, v1  }
0x6ca: {  	v4 =	vld [tilespmem:s28+$0x3C0]  }
0x6cb: {  	v1 =	vadd.f32 v2, v1  }
0x6cc: {  	v2 =	vld [tilespmem:s28+$0x400]  }
0x6cd: {  	v1 =	vadd.f32 v3, v1  }
0x6ce: {  	v3 =	vld [tilespmem:s28+$0x440]  }
0x6cf: {  	v1 =	vadd.f32 v4, v1  }
0x6d0: {  	v4 =	vld [tilespmem:s28+$0x480]  }
0x6d1: {  	v1 =	vadd.f32 v2, v1  }
0x6d2: {  	v2 =	vld [tilespmem:s28+$0x4C0]  }
0x6d3: {  	v1 =	vadd.f32 v3, v1;
	_ =	sdelay $0x1  }
0x6d4: {  	v1 =	vadd.f32 v4, v1;
	_ =	sdelay $0x1  }
0x6d5: {  	v1 =	vadd.f32 v2, v1;
	_ =	sdelay $0x1  }
0x6d6: {  	[tilespmem:s25+$0x15A80] =	vst v1  }
0x6d7: {  	v1 =	vld [tilespmem:s28+$0x10]  }
0x6d8: {  	v2 =	vld [tilespmem:s28+$0x50]  }
0x6d9: {  	v3 =	vld [tilespmem:s28+$0x90]  }
0x6da: {  	v4 =	vld [tilespmem:s28+$0xD0]  }
0x6db: {  	v5 =	vld [tilespmem:s28+$0x110]  }
0x6dc: {  	v6 =	vld [tilespmem:s28+$0x150]  }
0x6dd: {  	v1 =	vadd.f32 v2, v1;
	v2 =	vld [tilespmem:s28+$0x190]  }
0x6de: {  	v7 =	vld [tilespmem:s28+$0x1D0]  }
0x6df: {  	v1 =	vadd.f32 v3, v1;
	v3 =	vld [tilespmem:s28+$0x210]  }
0x6e0: {  	v8 =	vld [tilespmem:s28+$0x250]  }
0x6e1: {  	v1 =	vadd.f32 v4, v1;
	v4 =	vld [tilespmem:s28+$0x290]  }
0x6e2: {  	v9 =	vld [tilespmem:s28+$0x2D0]  }
0x6e3: {  	v1 =	vadd.f32 v5, v1;
	v5 =	vld [tilespmem:s28+$0x310]  }
0x6e4: {  	v10 =	vld [tilespmem:s28+$0x350]  }
0x6e5: {  	v1 =	vadd.f32 v6, v1;
	v6 =	vld [tilespmem:s28+$0x390]  }
0x6e6: {  	v11 =	vld [tilespmem:s28+$0x3D0]  }
0x6e7: {  	v1 =	vadd.f32 v2, v1;
	v2 =	vld [tilespmem:s28+$0x410]  }
0x6e8: {  	v12 =	vld [tilespmem:s28+$0x450]  }
0x6e9: {  	v1 =	vadd.f32 v7, v1;
	v7 =	vld [tilespmem:s28+$0x490]  }
0x6ea: {  	v13 =	vld [tilespmem:s28+$0x4D0]  }
0x6eb: {  	v1 =	vadd.f32 v3, v1;
	_ =	sdelay $0x1  }
0x6ec: {  	v1 =	vadd.f32 v8, v1;
	_ =	sdelay $0x1  }
0x6ed: {  	v1 =	vadd.f32 v4, v1;
	_ =	sdelay $0x1  }
0x6ee: {  	v1 =	vadd.f32 v9, v1;
	_ =	sdelay $0x1  }
0x6ef: {  	v1 =	vadd.f32 v5, v1;
	_ =	sdelay $0x1  }
0x6f0: {  	v1 =	vadd.f32 v10, v1;
	_ =	sdelay $0x1  }
0x6f1: {  	v1 =	vadd.f32 v6, v1;
	_ =	sdelay $0x1  }
0x6f2: {  	v1 =	vadd.f32 v11, v1;
	_ =	sdelay $0x1  }
0x6f3: {  	v1 =	vadd.f32 v2, v1;
	_ =	sdelay $0x1  }
0x6f4: {  	v1 =	vadd.f32 v12, v1;
	_ =	sdelay $0x1  }
0x6f5: {  	v1 =	vadd.f32 v7, v1;
	_ =	sdelay $0x1  }
0x6f6: {  	v1 =	vadd.f32 v13, v1;
	_ =	sdelay $0x1  }
0x6f7: {  	[tilespmem:s25+$0x15A90] =	vst v1  }
0x6f8: {  	v1 =	vld [tilespmem:s28+$0x20]  }
0x6f9: {  	v2 =	vld [tilespmem:s28+$0x60]  }
0x6fa: {  	v3 =	vld [tilespmem:s28+$0xA0]  }
0x6fb: {  	v4 =	vld [tilespmem:s28+$0xE0]  }
0x6fc: {  	v5 =	vld [tilespmem:s28+$0x120]  }
0x6fd: {  	v6 =	vld [tilespmem:s28+$0x160]  }
0x6fe: {  	v1 =	vadd.f32 v2, v1;
	v2 =	vld [tilespmem:s28+$0x1A0]  }
0x6ff: {  	v7 =	vld [tilespmem:s28+$0x1E0]  }
0x700: {  	v1 =	vadd.f32 v3, v1;
	v3 =	vld [tilespmem:s28+$0x220]  }
0x701: {  	v8 =	vld [tilespmem:s28+$0x260]  }
0x702: {  	v1 =	vadd.f32 v4, v1;
	v4 =	vld [tilespmem:s28+$0x2A0]  }
0x703: {  	v9 =	vld [tilespmem:s28+$0x2E0]  }
0x704: {  	v1 =	vadd.f32 v5, v1;
	v5 =	vld [tilespmem:s28+$0x320]  }
0x705: {  	v10 =	vld [tilespmem:s28+$0x360]  }
0x706: {  	v1 =	vadd.f32 v6, v1;
	v6 =	vld [tilespmem:s28+$0x3A0]  }
0x707: {  	v11 =	vld [tilespmem:s28+$0x3E0]  }
0x708: {  	v1 =	vadd.f32 v2, v1;
	v2 =	vld [tilespmem:s28+$0x420]  }
0x709: {  	v12 =	vld [tilespmem:s28+$0x460]  }
0x70a: {  	v1 =	vadd.f32 v7, v1;
	v7 =	vld [tilespmem:s28+$0x4A0]  }
0x70b: {  	v13 =	vld [tilespmem:s28+$0x4E0]  }
0x70c: {  	v1 =	vadd.f32 v3, v1;
	_ =	sdelay $0x1  }
0x70d: {  	v1 =	vadd.f32 v8, v1;
	_ =	sdelay $0x1  }
0x70e: {  	v1 =	vadd.f32 v4, v1;
	_ =	sdelay $0x1  }
0x70f: {  	v1 =	vadd.f32 v9, v1;
	_ =	sdelay $0x1  }
0x710: {  	v1 =	vadd.f32 v5, v1;
	_ =	sdelay $0x1  }
0x711: {  	v1 =	vadd.f32 v10, v1;
	_ =	sdelay $0x1  }
0x712: {  	v1 =	vadd.f32 v6, v1;
	_ =	sdelay $0x1  }
0x713: {  	v1 =	vadd.f32 v11, v1;
	_ =	sdelay $0x1  }
0x714: {  	v1 =	vadd.f32 v2, v1;
	_ =	sdelay $0x1  }
0x715: {  	v1 =	vadd.f32 v12, v1;
	_ =	sdelay $0x1  }
0x716: {  	v1 =	vadd.f32 v7, v1;
	_ =	sdelay $0x1  }
0x717: {  	v1 =	vadd.f32 v13, v1;
	_ =	sdelay $0x1  }
0x718: {  	[tilespmem:s25+$0x15AA0] =	vst v1  }
0x719: {  	v1 =	vld [tilespmem:s28+$0x30]  }
0x71a: {  	v2 =	vld [tilespmem:s28+$0x70]  }
0x71b: {  	v3 =	vld [tilespmem:s28+$0xB0]  }
0x71c: {  	v4 =	vld [tilespmem:s28+$0xF0]  }
0x71d: {  	v5 =	vld [tilespmem:s28+$0x130]  }
0x71e: {  	v6 =	vld [tilespmem:s28+$0x170]  }
0x71f: {  	v1 =	vadd.f32 v2, v1;
	v2 =	vld [tilespmem:s28+$0x1B0]  }
0x720: {  	v7 =	vld [tilespmem:s28+$0x1F0]  }
0x721: {  	v1 =	vadd.f32 v3, v1;
	v8 =	vld [tilespmem:s28+$0x230]  }
0x722: {  	v9 =	vld [tilespmem:s28+$0x270]  }
0x723: {  	v1 =	vadd.f32 v4, v1;
	v10 =	vld [tilespmem:s28+$0x2B0]  }
0x724: {  	v11 =	vld [tilespmem:s28+$0x2F0]  }
0x725: {  	v1 =	vadd.f32 v5, v1;
	v5 =	vld [tilespmem:s28+$0x330]  }
0x726: {  	v12 =	vld [tilespmem:s28+$0x370]  }
0x727: {  	v1 =	vadd.f32 v6, v1;
	v6 =	vld [tilespmem:s28+$0x3B0]  }
0x728: {  	v13 =	vld [tilespmem:s28+$0x3F0]  }
0x729: {  	v2 =	vadd.f32 v2, v1;
	v4 =	vld [tilespmem:s28+$0x430]  }
0x72a: {  	v1 =	vld [tilespmem:s28+$0x470]  }
0x72b: {  	v7 =	vadd.f32 v7, v2;
	v3 =	vld [tilespmem:s28+$0x4B0]  }
0x72c: {  	v2 =	vld [tilespmem:s28+$0x4F0]  }
0x72d: {  	v7 =	vadd.f32 v8, v7;
	_ =	sdelay $0x1  }
0x72e: {  	v7 =	vadd.f32 v9, v7;
	_ =	sdelay $0x1  }
0x72f: {  	v7 =	vadd.f32 v10, v7;
	_ =	sdelay $0x1  }
0x730: {  	v7 =	vadd.f32 v11, v7;
	_ =	sdelay $0x1  }
0x731: {  	v5 =	vadd.f32 v5, v7;
	_ =	sdelay $0x1  }
.Ltmp11:
0x732: {  	v5 =	vadd.f32 v12, v5;
	(pc) =	sbr.rel @p0 .LBB2_23-.Ltmp11, $3  }
0x733: {  	_ = 	snop  }
0x734: {  	v5 =	vadd.f32 v6, v5;
	_ =	sdelay $0x1  }
0x735: {  	v5 =	vadd.f32 v13, v5  }
0x736: {  	_ = 	snop  }
0x737: {  	v4 =	vadd.f32 v4, v5;
	_ =	sdelay $0x1  }
0x738: {  	v1 =	vadd.f32 v1, v4  }
0x739: {  	s24 =	sadd.s32 $0x1, s24  }
0x73a: {  	p0 =	sne.s32 s24, $0x34;
	v1 =	vadd.f32 v3, v1  }
.Ltmp12:
0x73b: {  	s0 =	sshll.u32 s26, $0xC;
	(pc) =	sbr.rel @p0 .LBB2_6-.Ltmp12, $4  }
0x73c: {  	s0 =	sadd.s32 s9, s0;
	v1 =	vadd.f32 v2, v1  }
0x73d: {  	s0 =	sshrl.u32 s0, $0x3  }
0x73e: {  	s1 =	simm.s32 $0x15A00;
	s0 =	sadd.s32 s5, s0;
	[tilespmem:s25+$0x15AB0] =	vst v1  }
0x73f: {  	[hbm4b:s0+s3] =	stream.linear.scatter [tilespmem:s1], [sflag:$0x4], $0x1000, $0x38;
	[tilespmem:$0x16A00] =	vst v63  }
0x740: {  	_ =	swait.ge [sflag:s17], $0xA000  }
0x741: {  	[sflag:s17] =	ssyncset.done $0x0  }
0x742: {  	s0 =	simm.s32 $0x3;
	[sflag:s17] =	ssyncadd.s32 $0xFFFF6000  }
0x743: {  	_ =	swait.ge [sflag:s0], $0x1000  }
0x744: {  	[sflag:s0] =	ssyncset.done $0x0  }
0x745: {  	[sflag:s0] =	ssyncadd.s32 $0xFFFFF000  }
0x746: {  	_ =	swait.ge [sflag:s20], $0x1000  }
0x747: {  	s1 =	rddreg [dreg:$0x7]  }
0x748: {  	s31 =	rddreg [dreg:$0x6];
	s1 =	sadd.s32 $0x1, s1  }
0x749: {  	p0 =	sne.s32 s1, s31  }
.Ltmp13:
0x74a: {  	_ = 	snop;
	(pc) =	sbr.rel @p0 .LBB2_1-.Ltmp13, $3  }
0x74b: {  	_ =	sdelay $0x1  }
0x74c: {  	[sflag:s20] =	ssyncset.done $0x0  }
0x74d: {  	[sflag:s20] =	ssyncadd.s32 $0xFFFFF000  }
0x74e: {  	_ =	sfence.sel $0x180000  }
0x74f: {  	[bflag:$0x0] =	sbarrier.arrive $0xFFFF  }
0x750: {  	_ =	strace $0x90000047  }
0x751: {  	s0 =	stileid.u32;
	[bflag:$0x2] =	sbarrier.arrive $0xFFFF  }
0x752: {  	p0 =	sne.s32 s0, $0x0;
	s0 =	rddreg [dreg:$0x2]  }
0x753: {  	s0 =	sadd.s32 @!p0 $0x100000, s0  }
0x754: {  	[sflag:s0] =	ssyncadd.tile.s32 @!p0 $0x1;
	_ =	shalt  }
.Lfunc_end2:
_tile_overlayer_lowered:
.L_overlay_start_2:
0x755: {  	(tag) =	ssettag $0x2  }
0x756: {  	s0 =	rddreg [dreg:$0x0];
	s2 =	stileid.u32  }
0x757: {  	s1 =	rddreg [dreg:$0x1];
	p0 =	sne.s32 s2, $0x0  }
0x758: {  	s3 =	rddreg [dreg:$0x2];
	[bflag:$0x3] =	sbarrier.arrive $0xFFFF;
	s2 =	simm.s32 @!p0 $0x1C07  }
0x759: {  	[timem:s3], [sflag:s2] =	dma.local @!p0 [hbm:s0], s1  }
0x75a: {  	s0 =	simm.s32 @!p0 $0x7  }
0x75b: {  	_ =	swait.ge @!p0 [sflag:s0], s1  }
0x75c: {  	s1 =	ssub.s32 @!p0 $0x0, s1;
	[sflag:s0] =	ssyncset.done @!p0 $0x0  }
0x75d: {  	[sflag:s0] =	ssyncadd.s32 @!p0 s1  }
0x75e: {  	[bflag:$0x3] =	sbarrier.arrive $0xFFFF  }
0x75f: {  	_ =	shalt  }

</sc_bundles>
